<compile_context>
chip_gen: v7x
topology: tpu7x:2x2x1
jax: 0.10.2.dev20260603
libtpu: 0.0.44.dev20260713+nightly
codegen_flags: <defaults>
</compile_context>

<pallas_src>
import jax
import jax.numpy as jnp
from jax import lax
from jax.experimental import pallas as pl
from jax.experimental.pallas import tpu as pltpu
from jax.experimental.pallas import tpu_sc as plsc

TOTAL = 8192
D = 1024
NB = 8
NC = 1
NS = 16
NW = NC * NS
TC_ROWS = 7168
TCR = 1024
SC_ROWS = TOTAL - TC_ROWS
RPW = SC_ROWS // NW
CH = RPW
NCHUNK = RPW // CH
L = 16
G = 2
GW = D // G
GS = GW // L
STRIP = NB * D // NS


def _lane_extract(vec, lane, i):
    return jnp.sum(jnp.where(lane == i, vec, 0))


def _sc_body(mes_hbm, yv_hbm, cu_hbm,
             pacc_out, yvcas_out,
             buf0, buf1, acc, cuv, yvbuf,
             sem0, sem1, semyv):
    c = lax.axis_index("c")
    s = lax.axis_index("s")
    wid = s * NC + c
    base = TC_ROWS + wid * RPW

    bufs = (buf0, buf1)
    sems = (sem0, sem1)
    copies = [None, None]
    copies[0] = pltpu.async_copy(
        mes_hbm.at[pl.ds(base, CH)], buf0, sem0)
    if NCHUNK > 1:
        copies[1] = pltpu.async_copy(
            mes_hbm.at[pl.ds(base + CH, CH)], buf1, sem1)

    pltpu.sync_copy(cu_hbm, cuv.at[pl.ds(0, NB + 1)])

    yv_worker = jnp.logical_and(c == 0, s == 1)
    yv_copy = [None]

    @pl.when(yv_worker)
    def _():
        yv_copy[0] = pltpu.async_copy(
            yv_hbm.at[cuv.at[pl.ds(0, NB)]], yvbuf, semyv)

    def z_body(i, _):
        for k in range(8):
            acc[pl.ds(i * 128 + k * L, L)] = jnp.zeros((L,), jnp.float32)
        return 0
    lax.fori_loop(0, NB * D // 128, z_body, 0)

    cu_val = cuv[...]
    lane = lax.iota(jnp.int32, L)
    cub = [_lane_extract(cu_val, lane, b) for b in range(1, NB + 1)]

    def seg_of(pos):
        seg = jnp.int32(0)
        for b in range(NB - 1):
            seg = seg + (cub[b] <= pos).astype(jnp.int32)
        return seg

    for j in range(NCHUNK):
        p = j % 2
        copies[p].wait()
        buf = bufs[p]
        cstart = base + j * CH

        sfirst = seg_of(cstart)
        slast = seg_of(cstart + (CH - 1))

        def b_body(b, _, buf=buf, cstart=cstart):
            cu_lo = _lane_extract(cu_val, lane, b)
            cu_hi = _lane_extract(cu_val, lane, b + 1)
            lo = jnp.clip(cu_lo - cstart, 0, CH)
            hi = jnp.clip(cu_hi - cstart, 0, CH)
            for g in range(G):
                def r_body(r, carry, buf=buf, g=g):
                    return tuple(
                        carry[k] + buf[r, pl.ds(g * GW + k * L, L)]
                        for k in range(GS)
                    )
                carry = lax.fori_loop(
                    lo, hi, r_body,
                    tuple(jnp.zeros((L,), jnp.float32) for _ in range(GS)))
                for k in range(GS):
                    sl = pl.ds(b * D + g * GW + k * L, L)
                    acc[sl] = acc[sl] + carry[k]
            return 0

        lax.fori_loop(sfirst, slast + 1, b_body, 0)

    def w_body(b, _):
        pltpu.async_copy(acc.at[pl.ds(b * D, D)], pacc_out.at[wid, b], sem0)
        return 0
    lax.fori_loop(0, NB, w_body, 0)

    def wdrain_body(b, _):
        pltpu.make_async_copy(acc.at[pl.ds(0, D)], pacc_out.at[0, 0],
                              sem0).wait()
        return 0
    lax.fori_loop(0, NB, wdrain_body, 0)

    @pl.when(yv_worker)
    def _():
        yv_copy[0].wait()
        pltpu.sync_copy(yvbuf, yvcas_out)


def _tc_sum_body(cu_ref, mes_ref, out_ref):
    j = pl.program_id(0)

    @pl.when(j == 0)
    def _():
        out_ref[...] = jnp.zeros_like(out_ref)

    rows = lax.broadcasted_iota(jnp.int32, (NB, TCR), 1) + j * TCR
    lo = jnp.stack([cu_ref[b] for b in range(NB)])[:, None]
    hi = jnp.stack([cu_ref[b + 1] for b in range(NB)])[:, None]
    m = jnp.logical_and(lo <= rows, rows < hi).astype(jnp.float32)
    out_ref[...] += lax.dot(m, mes_ref[...],
                            preferred_element_type=jnp.float32)


def _tc_combine_body(cu_ref, pacc_ref, ptc_ref, out_ref):
    cnt = jnp.stack([cu_ref[b + 1] - cu_ref[b] for b in range(NB)])
    cntf = cnt[:, None].astype(jnp.float32)
    total = jnp.sum(pacc_ref[...], axis=0) + ptc_ref[...]
    out_ref[...] = total / cntf


@jax.jit
def _run(mes_update, yv, cu_seqlens):
    mesh = plsc.VectorSubcoreMesh(core_axis_name="c", subcore_axis_name="s", num_cores=NC)

    params = pltpu.CompilerParams(needs_layout_passes=False)
    sc_kernel = pl.kernel(
        _sc_body,
        mesh=mesh,
        compiler_params=params,
        out_type=[
            jax.ShapeDtypeStruct((NW, NB, D), jnp.float32),
            jax.ShapeDtypeStruct((NB, D), jnp.float32),
        ],
        scratch_types=[
            pltpu.VMEM((CH, D), jnp.float32),
            pltpu.VMEM((CH, D), jnp.float32),
            pltpu.VMEM((NB * D,), jnp.float32),
            pltpu.VMEM((L,), jnp.int32),
            pltpu.VMEM((NB, D), jnp.float32),
            pltpu.SemaphoreType.DMA,
            pltpu.SemaphoreType.DMA,
            pltpu.SemaphoreType.DMA,
        ],
    )
    ptc = pl.pallas_call(
        _tc_sum_body,
        grid=(TC_ROWS // TCR,),
        in_specs=[
            pl.BlockSpec(memory_space=pltpu.SMEM),
            pl.BlockSpec((TCR, D), lambda j: (j, 0)),
        ],
        out_specs=pl.BlockSpec((NB, D), lambda j: (0, 0)),
        out_shape=jax.ShapeDtypeStruct((NB, D), jnp.float32),
    )(cu_seqlens, mes_update)

    pacc, yv_cas = sc_kernel(mes_update, yv, cu_seqlens)

    cas_mean = pl.pallas_call(
        _tc_combine_body,
        in_specs=[
            pl.BlockSpec(memory_space=pltpu.SMEM),
            pl.BlockSpec((NW, NB, D)),
            pl.BlockSpec((NB, D)),
        ],
        out_specs=pl.BlockSpec((NB, D)),
        out_shape=jax.ShapeDtypeStruct((NB, D), jnp.float32),
    )(cu_seqlens, pacc, ptc)

    return cas_mean, yv_cas


def kernel(mes_update, yv, cu_seqlens):
    return _run(mes_update, yv, cu_seqlens.astype(jnp.int32))

# --- scband reference (transcript-rebuilt; emitter-appended) ---
"""Pipeline reference for scband-integrate-61538291417837 (READ-ONLY COPY).

The authoritative reference and input builder live on the scoring server;
editing this copy changes nothing except your own understanding.
"""

import jax, jax.numpy as jnp
import numpy as np

B = 8
TOTAL = 8192
D = 1024

def setup_inputs(seed: int = 0) -> dict:
    key = jax.random.key(seed)
    k1, k2, k3 = jax.random.split(key, 3)
    mes_update = jax.random.normal(k1, (TOTAL, D), dtype=jnp.float32)
    yv = jax.random.normal(k2, (TOTAL, D), dtype=jnp.float32)
    # distinct interior boundaries -> no empty cascades (matches original, which
    # assumes every cascade has at least one source message)
    inner = jnp.sort(jax.random.permutation(k3, jnp.arange(1, TOTAL, dtype=jnp.int32))[:B - 1])
    cu_seqlens = jnp.concatenate([jnp.array([0], jnp.int32), inner, jnp.array([TOTAL], jnp.int32)])
    return {"mes_update": mes_update, "yv": yv, "cu_seqlens": cu_seqlens}

def reference(mes_update, yv, cu_seqlens):
    # The torch module scans pids for 'None' markers, which delimit cascades;
    # cu_seqlens encodes exactly those cascade boundaries (starts = cu_seqlens[:-1]).
    nb = cu_seqlens.shape[0] - 1
    total = mes_update.shape[0]
    pos = jnp.arange(total)
    # segment id of each message = number of boundaries (cu_seqlens[1:]) <= pos
    seg_ids = jnp.searchsorted(cu_seqlens[1:], pos, side='right')
    # padded-stack + masked-sum in the original == segment_sum here
    sums = jax.ops.segment_sum(mes_update, seg_ids, num_segments=nb)
    counts = (cu_seqlens[1:] - cu_seqlens[:-1]).astype(mes_update.dtype)
    cas_mean = sums / counts[:, None]
    yv_cas = yv[cu_seqlens[:-1]]
    return (cas_mean, yv_cas)

if __name__ == "__main__":
    import jax
    _d = setup_inputs()
    print(jax.jit(kernel)(*tuple(_d.values())))

</pallas_src>

<mosaic_0001>
#map = affine_map<(d0, d1) -> (0, 0)>
#map1 = affine_map<(d0, d1) -> (0)>
#map2 = affine_map<(d0, d1) -> (0, 0, 0)>
module attributes {stable_mosaic.version = 14 : i64} {
  func.func @_sc_body(%arg0: i32, %arg1: i32, %arg2: memref<8192x1024xf32, #tpu.memory_space<hbm>>, %arg3: memref<8192x1024xf32, #tpu.memory_space<hbm>>, %arg4: memref<9xi32, #tpu.memory_space<hbm>>, %arg5: memref<16x8x1024xf32, #tpu.memory_space<hbm>>, %arg6: memref<8x1024xf32, #tpu.memory_space<hbm>>, %arg7: memref<64x1024xf32, #tpu.memory_space<vmem>>, %arg8: memref<64x1024xf32, #tpu.memory_space<vmem>>, %arg9: memref<8192xf32, #tpu.memory_space<vmem>>, %arg10: memref<16xi32, #tpu.memory_space<vmem>>, %arg11: memref<8x1024xf32, #tpu.memory_space<vmem>>, %arg12: memref<!tpu.dma_semaphore, #tpu.memory_space<semaphore_mem>>, %arg13: memref<!tpu.dma_semaphore, #tpu.memory_space<semaphore_mem>>, %arg14: memref<!tpu.dma_semaphore, #tpu.memory_space<semaphore_mem>>) attributes {dimension_semantics = [#tpu.dimension_semantics<core_parallel>, #tpu.dimension_semantics<subcore_parallel>], iteration_bounds = array<i64: 1, 16>, scalar_prefetch = 0 : i64, scratch_operands = 8 : i64, tpu.core_type = #tpu.core_type<sc_vector_subcore>, window_params = [{transform_indices = #map}, {transform_indices = #map}, {transform_indices = #map1}, {transform_indices = #map2}, {transform_indices = #map}]} {
    %mul3A = arith.constant 1 : i32
    %mul3A_0 = arith.muli %arg1, %mul3A : i32
    %add3A = arith.addi %mul3A_0, %arg0 : i32
    %mul3A_1 = arith.constant 64 : i32
    %mul3A_2 = arith.muli %add3A, %mul3A_1 : i32
    %add3A_3 = arith.constant 7168 : i32
    %add3A_4 = arith.addi %add3A_3, %mul3A_2 : i32
    %dma_start3A = arith.constant 0 : i32
    %dma_start3A_5 = tpu.memref_slice %arg2[%add3A_4, %dma_start3A] : memref<8192x1024xf32, #tpu.memory_space<hbm>> -> memref<64x1024xf32, #tpu.memory_space<hbm>>
    %dma_start3A_6 = arith.constant 0 : i32
    %dma_start3A_7 = tpu.memref_slice %arg2[%add3A_4, %dma_start3A_6] : memref<8192x1024xf32, #tpu.memory_space<hbm>> -> memref<64x1024xf32, #tpu.memory_space<hbm>>
    tpu.enqueue_dma source(%dma_start3A_7 : memref<64x1024xf32, #tpu.memory_space<hbm>>) target(%arg7 : memref<64x1024xf32, #tpu.memory_space<vmem>>) target_semaphore(%arg12 : memref<!tpu.dma_semaphore, #tpu.memory_space<semaphore_mem>>)
    "tpu.region"() ({
      %run_scoped3A = tpu.sem_alloc : memref<!tpu.dma_semaphore, #tpu.memory_space<semaphore_mem>>
      %dma_start3A_174 = arith.constant 0 : i32
      %dma_start3A_175 = tpu.memref_slice %arg10[%dma_start3A_174] : memref<16xi32, #tpu.memory_space<vmem>> -> memref<9xi32, #tpu.memory_space<vmem>>
      %dma_start3A_176 = arith.constant 0 : i32
      %dma_start3A_177 = tpu.memref_slice %arg10[%dma_start3A_176] : memref<16xi32, #tpu.memory_space<vmem>> -> memref<9xi32, #tpu.memory_space<vmem>>
      tpu.enqueue_dma source(%arg4 : memref<9xi32, #tpu.memory_space<hbm>>) target(%dma_start3A_177 : memref<9xi32, #tpu.memory_space<vmem>>) target_semaphore(%run_scoped3A : memref<!tpu.dma_semaphore, #tpu.memory_space<semaphore_mem>>)
      %dma_wait3A_178 = arith.constant 0 : i32
      %dma_wait3A_179 = tpu.memref_slice %arg10[%dma_wait3A_178] : memref<16xi32, #tpu.memory_space<vmem>> -> memref<9xi32, #tpu.memory_space<vmem>>
      %dma_wait3A_180 = arith.constant 0 : i32
      %dma_wait3A_181 = tpu.memref_slice %arg10[%dma_wait3A_180] : memref<16xi32, #tpu.memory_space<vmem>> -> memref<9xi32, #tpu.memory_space<vmem>>
      tpu.wait_dma2 semaphore(%run_scoped3A : memref<!tpu.dma_semaphore, #tpu.memory_space<semaphore_mem>>) src(%arg4 : memref<9xi32, #tpu.memory_space<hbm>>) dst(%dma_wait3A_181 : memref<9xi32, #tpu.memory_space<vmem>>)
      tpu.yield
    }) : () -> ()
    %eq3A = arith.constant 0 : i32
    %eq3A_8 = arith.cmpi eq, %arg0, %eq3A : i32
    %eq3A_9 = arith.constant 1 : i32
    %eq3A_10 = arith.cmpi eq, %arg1, %eq3A_9 : i32
    %and3A = arith.andi %eq3A_8, %eq3A_10 : i1
    %convert_element_type3A = arith.extui %and3A : i1 to i32
    %cond3A = arith.constant 0 : i32
    %cond3A_11 = arith.cmpi ne, %convert_element_type3A, %cond3A : i32
    scf.if %cond3A_11 {
      %dma_start3A_174 = arith.constant 0 : i32
      %dma_start3A_175 = tpu.memref_slice %arg10[%dma_start3A_174] : memref<16xi32, #tpu.memory_space<vmem>> -> memref<8xi32, #tpu.memory_space<vmem>>
      %dma_start3A_176 = arith.constant 0 : i32
      %dma_start3A_177 = arith.constant 0 : i32
      %dma_start3A_178 = tpu.memref_slice %arg3[%dma_start3A_176, %dma_start3A_177] : memref<8192x1024xf32, #tpu.memory_space<hbm>> -> memref<8192x1024xf32, #tpu.memory_space<hbm>>
      tpu.enqueue_indirect_dma source(%dma_start3A_178 : memref<8192x1024xf32, #tpu.memory_space<hbm>>) target(%arg11 : memref<8x1024xf32, #tpu.memory_space<vmem>>) offsets(%dma_start3A_175 : memref<8xi32, #tpu.memory_space<vmem>>) semaphore(%arg14 : memref<!tpu.dma_semaphore, #tpu.memory_space<semaphore_mem>>)
    } else {
    }
    %scan3A = arith.constant 0 : i32
    %scan3A_12 = arith.constant 0 : i32
    %scan3A_13 = arith.constant 64 : i32
    %scan3A_14 = arith.addi %scan3A_12, %scan3A_13 : i32
    %scan3A_15 = arith.constant 1 : i32
    %scan3A_16 = scf.for %scan3A_174 = %scan3A_12 to %scan3A_14 step %scan3A_15 iter_args(%scan3A_175 = %scan3A) -> (i32)  : i32 {
      %broadcast_in_dim3A_176 = arith.constant 0.000000e+00 : f32
      %broadcast_in_dim3A_177 = vector.broadcast %broadcast_in_dim3A_176 : f32 to vector<16xf32>
      %mul3A_178 = arith.constant 128 : i32
      %mul3A_179 = arith.muli %scan3A_174, %mul3A_178 : i32
      %add3A_180 = arith.constant 0 : i32
      %add3A_181 = arith.addi %mul3A_179, %add3A_180 : i32
      %swap3A = arith.index_cast %add3A_181 : i32 to index
      %swap3A_182 = tpu.vector_load %arg9[%swap3A] {strides = array<i32>} : memref<8192xf32, #tpu.memory_space<vmem>>, vector<16xf32>,
      tpu.vector_store %arg9[%swap3A], %broadcast_in_dim3A_177 {strides = array<i32>} : memref<8192xf32, #tpu.memory_space<vmem>>, vector<16xf32>,
      %broadcast_in_dim3A_183 = arith.constant 0.000000e+00 : f32
      %broadcast_in_dim3A_184 = vector.broadcast %broadcast_in_dim3A_183 : f32 to vector<16xf32>
      %mul3A_185 = arith.constant 128 : i32
      %mul3A_186 = arith.muli %scan3A_174, %mul3A_185 : i32
      %add3A_187 = arith.constant 16 : i32
      %add3A_188 = arith.addi %mul3A_186, %add3A_187 : i32
      %swap3A_189 = arith.index_cast %add3A_188 : i32 to index
      %swap3A_190 = tpu.vector_load %arg9[%swap3A_189] {strides = array<i32>} : memref<8192xf32, #tpu.memory_space<vmem>>, vector<16xf32>,
      tpu.vector_store %arg9[%swap3A_189], %broadcast_in_dim3A_184 {strides = array<i32>} : memref<8192xf32, #tpu.memory_space<vmem>>, vector<16xf32>,
      %broadcast_in_dim3A_191 = arith.constant 0.000000e+00 : f32
      %broadcast_in_dim3A_192 = vector.broadcast %broadcast_in_dim3A_191 : f32 to vector<16xf32>
      %mul3A_193 = arith.constant 128 : i32
      %mul3A_194 = arith.muli %scan3A_174, %mul3A_193 : i32
      %add3A_195 = arith.constant 32 : i32
      %add3A_196 = arith.addi %mul3A_194, %add3A_195 : i32
      %swap3A_197 = arith.index_cast %add3A_196 : i32 to index
      %swap3A_198 = tpu.vector_load %arg9[%swap3A_197] {strides = array<i32>} : memref<8192xf32, #tpu.memory_space<vmem>>, vector<16xf32>,
      tpu.vector_store %arg9[%swap3A_197], %broadcast_in_dim3A_192 {strides = array<i32>} : memref<8192xf32, #tpu.memory_space<vmem>>, vector<16xf32>,
      %broadcast_in_dim3A_199 = arith.constant 0.000000e+00 : f32
      %broadcast_in_dim3A_200 = vector.broadcast %broadcast_in_dim3A_199 : f32 to vector<16xf32>
      %mul3A_201 = arith.constant 128 : i32
      %mul3A_202 = arith.muli %scan3A_174, %mul3A_201 : i32
      %add3A_203 = arith.constant 48 : i32
      %add3A_204 = arith.addi %mul3A_202, %add3A_203 : i32
      %swap3A_205 = arith.index_cast %add3A_204 : i32 to index
      %swap3A_206 = tpu.vector_load %arg9[%swap3A_205] {strides = array<i32>} : memref<8192xf32, #tpu.memory_space<vmem>>, vector<16xf32>,
      tpu.vector_store %arg9[%swap3A_205], %broadcast_in_dim3A_200 {strides = array<i32>} : memref<8192xf32, #tpu.memory_space<vmem>>, vector<16xf32>,
      %broadcast_in_dim3A_207 = arith.constant 0.000000e+00 : f32
      %broadcast_in_dim3A_208 = vector.broadcast %broadcast_in_dim3A_207 : f32 to vector<16xf32>
      %mul3A_209 = arith.constant 128 : i32
      %mul3A_210 = arith.muli %scan3A_174, %mul3A_209 : i32
      %add3A_211 = arith.constant 64 : i32
      %add3A_212 = arith.addi %mul3A_210, %add3A_211 : i32
      %swap3A_213 = arith.index_cast %add3A_212 : i32 to index
      %swap3A_214 = tpu.vector_load %arg9[%swap3A_213] {strides = array<i32>} : memref<8192xf32, #tpu.memory_space<vmem>>, vector<16xf32>,
      tpu.vector_store %arg9[%swap3A_213], %broadcast_in_dim3A_208 {strides = array<i32>} : memref<8192xf32, #tpu.memory_space<vmem>>, vector<16xf32>,
      %broadcast_in_dim3A_215 = arith.constant 0.000000e+00 : f32
      %broadcast_in_dim3A_216 = vector.broadcast %broadcast_in_dim3A_215 : f32 to vector<16xf32>
      %mul3A_217 = arith.constant 128 : i32
      %mul3A_218 = arith.muli %scan3A_174, %mul3A_217 : i32
      %add3A_219 = arith.constant 80 : i32
      %add3A_220 = arith.addi %mul3A_218, %add3A_219 : i32
      %swap3A_221 = arith.index_cast %add3A_220 : i32 to index
      %swap3A_222 = tpu.vector_load %arg9[%swap3A_221] {strides = array<i32>} : memref<8192xf32, #tpu.memory_space<vmem>>, vector<16xf32>,
      tpu.vector_store %arg9[%swap3A_221], %broadcast_in_dim3A_216 {strides = array<i32>} : memref<8192xf32, #tpu.memory_space<vmem>>, vector<16xf32>,
      %broadcast_in_dim3A_223 = arith.constant 0.000000e+00 : f32
      %broadcast_in_dim3A_224 = vector.broadcast %broadcast_in_dim3A_223 : f32 to vector<16xf32>
      %mul3A_225 = arith.constant 128 : i32
      %mul3A_226 = arith.muli %scan3A_174, %mul3A_225 : i32
      %add3A_227 = arith.constant 96 : i32
      %add3A_228 = arith.addi %mul3A_226, %add3A_227 : i32
      %swap3A_229 = arith.index_cast %add3A_228 : i32 to index
      %swap3A_230 = tpu.vector_load %arg9[%swap3A_229] {strides = array<i32>} : memref<8192xf32, #tpu.memory_space<vmem>>, vector<16xf32>,
      tpu.vector_store %arg9[%swap3A_229], %broadcast_in_dim3A_224 {strides = array<i32>} : memref<8192xf32, #tpu.memory_space<vmem>>, vector<16xf32>,
      %broadcast_in_dim3A_231 = arith.constant 0.000000e+00 : f32
      %broadcast_in_dim3A_232 = vector.broadcast %broadcast_in_dim3A_231 : f32 to vector<16xf32>
      %mul3A_233 = arith.constant 128 : i32
      %mul3A_234 = arith.muli %scan3A_174, %mul3A_233 : i32
      %add3A_235 = arith.constant 112 : i32
      %add3A_236 = arith.addi %mul3A_234, %add3A_235 : i32
      %swap3A_237 = arith.index_cast %add3A_236 : i32 to index
      %swap3A_238 = tpu.vector_load %arg9[%swap3A_237] {strides = array<i32>} : memref<8192xf32, #tpu.memory_space<vmem>>, vector<16xf32>,
      tpu.vector_store %arg9[%swap3A_237], %broadcast_in_dim3A_232 {strides = array<i32>} : memref<8192xf32, #tpu.memory_space<vmem>>, vector<16xf32>,
      %scan3A_239 = arith.constant 0 : i32
      scf.yield %scan3A_239 : i32
    }
    %scan3A_17 = arith.constant 64 : i32
    %get3A = arith.constant 0 : index
    %get3A_18 = tpu.vector_load %arg10[%get3A] {strides = array<i32>} : memref<16xi32, #tpu.memory_space<vmem>>, vector<16xi32>,
    %iota3A = tpu.iota {dimensions = array<i32: 0>} : vector<16xi32>
    %eq3A_19 = arith.constant 1 : i32
    %eq3A_20 = vector.broadcast %eq3A_19 : i32 to vector<16xi32>
    %eq3A_21 = arith.cmpi eq, %iota3A, %eq3A_20 : vector<16xi32>
    %jit3A = arith.constant 0 : i32
    %broadcast_in_dim3A = vector.broadcast %jit3A : i32 to vector<16xi32>
    %select_n3A = arith.select %eq3A_21, %get3A_18, %broadcast_in_dim3A : vector<16xi1>, vector<16xi32>
    %reduce_sum3A = arith.constant true
    %reduce_sum3A_22 = vector.broadcast %reduce_sum3A : i1 to vector<16xi1>
    %reduce_sum3A_23 = tpu.scan <sum>, %select_n3A masked %reduce_sum3A_22 : vector<16xi32>, vector<16xi1> -> vector<16xi32>
    %reduce_sum3A_24 = vector.extract %reduce_sum3A_23[15] : i32 from vector<16xi32>
    %eq3A_25 = arith.constant 2 : i32
    %eq3A_26 = vector.broadcast %eq3A_25 : i32 to vector<16xi32>
    %eq3A_27 = arith.cmpi eq, %iota3A, %eq3A_26 : vector<16xi32>
    %jit3A_28 = arith.constant 0 : i32
    %broadcast_in_dim3A_29 = vector.broadcast %jit3A_28 : i32 to vector<16xi32>
    %select_n3A_30 = arith.select %eq3A_27, %get3A_18, %broadcast_in_dim3A_29 : vector<16xi1>, vector<16xi32>
    %reduce_sum3A_31 = arith.constant true
    %reduce_sum3A_32 = vector.broadcast %reduce_sum3A_31 : i1 to vector<16xi1>
    %reduce_sum3A_33 = tpu.scan <sum>, %select_n3A_30 masked %reduce_sum3A_32 : vector<16xi32>, vector<16xi1> -> vector<16xi32>
    %reduce_sum3A_34 = vector.extract %reduce_sum3A_33[15] : i32 from vector<16xi32>
    %eq3A_35 = arith.constant 3 : i32
    %eq3A_36 = vector.broadcast %eq3A_35 : i32 to vector<16xi32>
    %eq3A_37 = arith.cmpi eq, %iota3A, %eq3A_36 : vector<16xi32>
    %jit3A_38 = arith.constant 0 : i32
    %broadcast_in_dim3A_39 = vector.broadcast %jit3A_38 : i32 to vector<16xi32>
    %select_n3A_40 = arith.select %eq3A_37, %get3A_18, %broadcast_in_dim3A_39 : vector<16xi1>, vector<16xi32>
    %reduce_sum3A_41 = arith.constant true
    %reduce_sum3A_42 = vector.broadcast %reduce_sum3A_41 : i1 to vector<16xi1>
    %reduce_sum3A_43 = tpu.scan <sum>, %select_n3A_40 masked %reduce_sum3A_42 : vector<16xi32>, vector<16xi1> -> vector<16xi32>
    %reduce_sum3A_44 = vector.extract %reduce_sum3A_43[15] : i32 from vector<16xi32>
    %eq3A_45 = arith.constant 4 : i32
    %eq3A_46 = vector.broadcast %eq3A_45 : i32 to vector<16xi32>
    %eq3A_47 = arith.cmpi eq, %iota3A, %eq3A_46 : vector<16xi32>
    %jit3A_48 = arith.constant 0 : i32
    %broadcast_in_dim3A_49 = vector.broadcast %jit3A_48 : i32 to vector<16xi32>
    %select_n3A_50 = arith.select %eq3A_47, %get3A_18, %broadcast_in_dim3A_49 : vector<16xi1>, vector<16xi32>
    %reduce_sum3A_51 = arith.constant true
    %reduce_sum3A_52 = vector.broadcast %reduce_sum3A_51 : i1 to vector<16xi1>
    %reduce_sum3A_53 = tpu.scan <sum>, %select_n3A_50 masked %reduce_sum3A_52 : vector<16xi32>, vector<16xi1> -> vector<16xi32>
    %reduce_sum3A_54 = vector.extract %reduce_sum3A_53[15] : i32 from vector<16xi32>
    %eq3A_55 = arith.constant 5 : i32
    %eq3A_56 = vector.broadcast %eq3A_55 : i32 to vector<16xi32>
    %eq3A_57 = arith.cmpi eq, %iota3A, %eq3A_56 : vector<16xi32>
    %jit3A_58 = arith.constant 0 : i32
    %broadcast_in_dim3A_59 = vector.broadcast %jit3A_58 : i32 to vector<16xi32>
    %select_n3A_60 = arith.select %eq3A_57, %get3A_18, %broadcast_in_dim3A_59 : vector<16xi1>, vector<16xi32>
    %reduce_sum3A_61 = arith.constant true
    %reduce_sum3A_62 = vector.broadcast %reduce_sum3A_61 : i1 to vector<16xi1>
    %reduce_sum3A_63 = tpu.scan <sum>, %select_n3A_60 masked %reduce_sum3A_62 : vector<16xi32>, vector<16xi1> -> vector<16xi32>
    %reduce_sum3A_64 = vector.extract %reduce_sum3A_63[15] : i32 from vector<16xi32>
    %eq3A_65 = arith.constant 6 : i32
    %eq3A_66 = vector.broadcast %eq3A_65 : i32 to vector<16xi32>
    %eq3A_67 = arith.cmpi eq, %iota3A, %eq3A_66 : vector<16xi32>
    %jit3A_68 = arith.constant 0 : i32
    %broadcast_in_dim3A_69 = vector.broadcast %jit3A_68 : i32 to vector<16xi32>
    %select_n3A_70 = arith.select %eq3A_67, %get3A_18, %broadcast_in_dim3A_69 : vector<16xi1>, vector<16xi32>
    %reduce_sum3A_71 = arith.constant true
    %reduce_sum3A_72 = vector.broadcast %reduce_sum3A_71 : i1 to vector<16xi1>
    %reduce_sum3A_73 = tpu.scan <sum>, %select_n3A_70 masked %reduce_sum3A_72 : vector<16xi32>, vector<16xi1> -> vector<16xi32>
    %reduce_sum3A_74 = vector.extract %reduce_sum3A_73[15] : i32 from vector<16xi32>
    %eq3A_75 = arith.constant 7 : i32
    %eq3A_76 = vector.broadcast %eq3A_75 : i32 to vector<16xi32>
    %eq3A_77 = arith.cmpi eq, %iota3A, %eq3A_76 : vector<16xi32>
    %jit3A_78 = arith.constant 0 : i32
    %broadcast_in_dim3A_79 = vector.broadcast %jit3A_78 : i32 to vector<16xi32>
    %select_n3A_80 = arith.select %eq3A_77, %get3A_18, %broadcast_in_dim3A_79 : vector<16xi1>, vector<16xi32>
    %reduce_sum3A_81 = arith.constant true
    %reduce_sum3A_82 = vector.broadcast %reduce_sum3A_81 : i1 to vector<16xi1>
    %reduce_sum3A_83 = tpu.scan <sum>, %select_n3A_80 masked %reduce_sum3A_82 : vector<16xi32>, vector<16xi1> -> vector<16xi32>
    %reduce_sum3A_84 = vector.extract %reduce_sum3A_83[15] : i32 from vector<16xi32>
    %eq3A_85 = arith.constant 8 : i32
    %eq3A_86 = vector.broadcast %eq3A_85 : i32 to vector<16xi32>
    %eq3A_87 = arith.cmpi eq, %iota3A, %eq3A_86 : vector<16xi32>
    %jit3A_88 = arith.constant 0 : i32
    %broadcast_in_dim3A_89 = vector.broadcast %jit3A_88 : i32 to vector<16xi32>
    %select_n3A_90 = arith.select %eq3A_87, %get3A_18, %broadcast_in_dim3A_89 : vector<16xi1>, vector<16xi32>
    %reduce_sum3A_91 = arith.constant true
    %reduce_sum3A_92 = vector.broadcast %reduce_sum3A_91 : i1 to vector<16xi1>
    %reduce_sum3A_93 = tpu.scan <sum>, %select_n3A_90 masked %reduce_sum3A_92 : vector<16xi32>, vector<16xi1> -> vector<16xi32>
    %reduce_sum3A_94 = vector.extract %reduce_sum3A_93[15] : i32 from vector<16xi32>
    %dma_wait3A = arith.constant 0 : i32
    %dma_wait3A_95 = tpu.memref_slice %arg2[%add3A_4, %dma_wait3A] : memref<8192x1024xf32, #tpu.memory_space<hbm>> -> memref<64x1024xf32, #tpu.memory_space<hbm>>
    %dma_wait3A_96 = arith.constant 0 : i32
    %dma_wait3A_97 = tpu.memref_slice %arg2[%add3A_4, %dma_wait3A_96] : memref<8192x1024xf32, #tpu.memory_space<hbm>> -> memref<64x1024xf32, #tpu.memory_space<hbm>>
    tpu.wait_dma2 semaphore(%arg12 : memref<!tpu.dma_semaphore, #tpu.memory_space<semaphore_mem>>) src(%dma_wait3A_97 : memref<64x1024xf32, #tpu.memory_space<hbm>>) dst(%arg7 : memref<64x1024xf32, #tpu.memory_space<vmem>>)
    %add3A_98 = arith.constant 0 : i32
    %add3A_99 = arith.addi %add3A_4, %add3A_98 : i32
    %le3A = arith.cmpi sle, %reduce_sum3A_24, %add3A_99 : i32
    %convert_element_type3A_100 = arith.extui %le3A : i1 to i32
    %add3A_101 = arith.constant 0 : i32
    %add3A_102 = arith.addi %add3A_101, %convert_element_type3A_100 : i32
    %le3A_103 = arith.cmpi sle, %reduce_sum3A_34, %add3A_99 : i32
    %convert_element_type3A_104 = arith.extui %le3A_103 : i1 to i32
    %add3A_105 = arith.addi %add3A_102, %convert_element_type3A_104 : i32
    %le3A_106 = arith.cmpi sle, %reduce_sum3A_44, %add3A_99 : i32
    %convert_element_type3A_107 = arith.extui %le3A_106 : i1 to i32
    %add3A_108 = arith.addi %add3A_105, %convert_element_type3A_107 : i32
    %le3A_109 = arith.cmpi sle, %reduce_sum3A_54, %add3A_99 : i32
    %convert_element_type3A_110 = arith.extui %le3A_109 : i1 to i32
    %add3A_111 = arith.addi %add3A_108, %convert_element_type3A_110 : i32
    %le3A_112 = arith.cmpi sle, %reduce_sum3A_64, %add3A_99 : i32
    %convert_element_type3A_113 = arith.extui %le3A_112 : i1 to i32
    %add3A_114 = arith.addi %add3A_111, %convert_element_type3A_113 : i32
    %le3A_115 = arith.cmpi sle, %reduce_sum3A_74, %add3A_99 : i32
    %convert_element_type3A_116 = arith.extui %le3A_115 : i1 to i32
    %add3A_117 = arith.addi %add3A_114, %convert_element_type3A_116 : i32
    %le3A_118 = arith.cmpi sle, %reduce_sum3A_84, %add3A_99 : i32
    %convert_element_type3A_119 = arith.extui %le3A_118 : i1 to i32
    %add3A_120 = arith.addi %add3A_117, %convert_element_type3A_119 : i32
    %add3A_121 = arith.constant 63 : i32
    %add3A_122 = arith.addi %add3A_99, %add3A_121 : i32
    %le3A_123 = arith.cmpi sle, %reduce_sum3A_24, %add3A_122 : i32
    %convert_element_type3A_124 = arith.extui %le3A_123 : i1 to i32
    %add3A_125 = arith.constant 0 : i32
    %add3A_126 = arith.addi %add3A_125, %convert_element_type3A_124 : i32
    %le3A_127 = arith.cmpi sle, %reduce_sum3A_34, %add3A_122 : i32
    %convert_element_type3A_128 = arith.extui %le3A_127 : i1 to i32
    %add3A_129 = arith.addi %add3A_126, %convert_element_type3A_128 : i32
    %le3A_130 = arith.cmpi sle, %reduce_sum3A_44, %add3A_122 : i32
    %convert_element_type3A_131 = arith.extui %le3A_130 : i1 to i32
    %add3A_132 = arith.addi %add3A_129, %convert_element_type3A_131 : i32
    %le3A_133 = arith.cmpi sle, %reduce_sum3A_54, %add3A_122 : i32
    %convert_element_type3A_134 = arith.extui %le3A_133 : i1 to i32
    %add3A_135 = arith.addi %add3A_132, %convert_element_type3A_134 : i32
    %le3A_136 = arith.cmpi sle, %reduce_sum3A_64, %add3A_122 : i32
    %convert_element_type3A_137 = arith.extui %le3A_136 : i1 to i32
    %add3A_138 = arith.addi %add3A_135, %convert_element_type3A_137 : i32
    %le3A_139 = arith.cmpi sle, %reduce_sum3A_74, %add3A_122 : i32
    %convert_element_type3A_140 = arith.extui %le3A_139 : i1 to i32
    %add3A_141 = arith.addi %add3A_138, %convert_element_type3A_140 : i32
    %le3A_142 = arith.cmpi sle, %reduce_sum3A_84, %add3A_122 : i32
    %convert_element_type3A_143 = arith.extui %le3A_142 : i1 to i32
    %add3A_144 = arith.addi %add3A_141, %convert_element_type3A_143 : i32
    %add3A_145 = arith.constant 1 : i32
    %add3A_146 = arith.addi %add3A_144, %add3A_145 : i32
    %while3A = arith.constant 0 : i32
    %while3A_147 = arith.subi %add3A_146, %add3A_120 : i32
    %while3A_148 = arith.addi %add3A_120, %while3A_147 : i32
    %while3A_149 = arith.constant 1 : i32
    %while3A_150 = arith.divsi %while3A_147, %while3A_149 : i32
    %while3A_151 = arith.muli %while3A_150, %while3A_149 : i32
    %while3A_152 = arith.addi %add3A_120, %while3A_151 : i32
    %while3A_153 = arith.constant 1 : i32
    %while3A_154 = scf.for %while3A_174 = %add3A_120 to %while3A_152 step %while3A_153 iter_args(%while3A_175 = %while3A) -> (i32)  : i32 {
      %eq3A_176 = vector.broadcast %while3A_174 : i32 to vector<16xi32>
      %eq3A_177 = arith.cmpi eq, %iota3A, %eq3A_176 : vector<16xi32>
      %jit3A_178 = arith.constant 0 : i32
      %broadcast_in_dim3A_179 = vector.broadcast %jit3A_178 : i32 to vector<16xi32>
      %select_n3A_180 = arith.select %eq3A_177, %get3A_18, %broadcast_in_dim3A_179 : vector<16xi1>, vector<16xi32>
      %reduce_sum3A_181 = arith.constant true
      %reduce_sum3A_182 = vector.broadcast %reduce_sum3A_181 : i1 to vector<16xi1>
      %reduce_sum3A_183 = tpu.scan <sum>, %select_n3A_180 masked %reduce_sum3A_182 : vector<16xi32>, vector<16xi1> -> vector<16xi32>
      %reduce_sum3A_184 = vector.extract %reduce_sum3A_183[15] : i32 from vector<16xi32>
      %add3A_185 = arith.constant 1 : i32
      %add3A_186 = arith.addi %while3A_174, %add3A_185 : i32
      %eq3A_187 = vector.broadcast %add3A_186 : i32 to vector<16xi32>
      %eq3A_188 = arith.cmpi eq, %iota3A, %eq3A_187 : vector<16xi32>
      %jit3A_189 = arith.constant 0 : i32
      %broadcast_in_dim3A_190 = vector.broadcast %jit3A_189 : i32 to vector<16xi32>
      %select_n3A_191 = arith.select %eq3A_188, %get3A_18, %broadcast_in_dim3A_190 : vector<16xi1>, vector<16xi32>
      %reduce_sum3A_192 = arith.constant true
      %reduce_sum3A_193 = vector.broadcast %reduce_sum3A_192 : i1 to vector<16xi1>
      %reduce_sum3A_194 = tpu.scan <sum>, %select_n3A_191 masked %reduce_sum3A_193 : vector<16xi32>, vector<16xi1> -> vector<16xi32>
      %reduce_sum3A_195 = vector.extract %reduce_sum3A_194[15] : i32 from vector<16xi32>
      %sub3A = arith.subi %reduce_sum3A_184, %add3A_99 : i32
      %jit3A_196 = arith.constant 0 : i32
      %jit3A_197 = arith.constant 64 : i32
      %max3A = arith.maxsi %jit3A_196, %sub3A : i32
      %min3A = arith.minsi %jit3A_197, %max3A : i32
      %sub3A_198 = arith.subi %reduce_sum3A_195, %add3A_99 : i32
      %jit3A_199 = arith.constant 0 : i32
      %jit3A_200 = arith.constant 64 : i32
      %max3A_201 = arith.maxsi %jit3A_199, %sub3A_198 : i32
      %min3A_202 = arith.minsi %jit3A_200, %max3A_201 : i32
      %broadcast_in_dim3A_203 = arith.constant 0.000000e+00 : f32
      %broadcast_in_dim3A_204 = vector.broadcast %broadcast_in_dim3A_203 : f32 to vector<16xf32>
      %broadcast_in_dim3A_205 = arith.constant 0.000000e+00 : f32
      %broadcast_in_dim3A_206 = vector.broadcast %broadcast_in_dim3A_205 : f32 to vector<16xf32>
      %broadcast_in_dim3A_207 = arith.constant 0.000000e+00 : f32
      %broadcast_in_dim3A_208 = vector.broadcast %broadcast_in_dim3A_207 : f32 to vector<16xf32>
      %broadcast_in_dim3A_209 = arith.constant 0.000000e+00 : f32
      %broadcast_in_dim3A_210 = vector.broadcast %broadcast_in_dim3A_209 : f32 to vector<16xf32>
      %broadcast_in_dim3A_211 = arith.constant 0.000000e+00 : f32
      %broadcast_in_dim3A_212 = vector.broadcast %broadcast_in_dim3A_211 : f32 to vector<16xf32>
      %broadcast_in_dim3A_213 = arith.constant 0.000000e+00 : f32
      %broadcast_in_dim3A_214 = vector.broadcast %broadcast_in_dim3A_213 : f32 to vector<16xf32>
      %broadcast_in_dim3A_215 = arith.constant 0.000000e+00 : f32
      %broadcast_in_dim3A_216 = vector.broadcast %broadcast_in_dim3A_215 : f32 to vector<16xf32>
      %broadcast_in_dim3A_217 = arith.constant 0.000000e+00 : f32
      %broadcast_in_dim3A_218 = vector.broadcast %broadcast_in_dim3A_217 : f32 to vector<16xf32>
      %broadcast_in_dim3A_219 = arith.constant 0.000000e+00 : f32
      %broadcast_in_dim3A_220 = vector.broadcast %broadcast_in_dim3A_219 : f32 to vector<16xf32>
      %broadcast_in_dim3A_221 = arith.constant 0.000000e+00 : f32
      %broadcast_in_dim3A_222 = vector.broadcast %broadcast_in_dim3A_221 : f32 to vector<16xf32>
      %broadcast_in_dim3A_223 = arith.constant 0.000000e+00 : f32
      %broadcast_in_dim3A_224 = vector.broadcast %broadcast_in_dim3A_223 : f32 to vector<16xf32>
      %broadcast_in_dim3A_225 = arith.constant 0.000000e+00 : f32
      %broadcast_in_dim3A_226 = vector.broadcast %broadcast_in_dim3A_225 : f32 to vector<16xf32>
      %broadcast_in_dim3A_227 = arith.constant 0.000000e+00 : f32
      %broadcast_in_dim3A_228 = vector.broadcast %broadcast_in_dim3A_227 : f32 to vector<16xf32>
      %broadcast_in_dim3A_229 = arith.constant 0.000000e+00 : f32
      %broadcast_in_dim3A_230 = vector.broadcast %broadcast_in_dim3A_229 : f32 to vector<16xf32>
      %broadcast_in_dim3A_231 = arith.constant 0.000000e+00 : f32
      %broadcast_in_dim3A_232 = vector.broadcast %broadcast_in_dim3A_231 : f32 to vector<16xf32>
      %broadcast_in_dim3A_233 = arith.constant 0.000000e+00 : f32
      %broadcast_in_dim3A_234 = vector.broadcast %broadcast_in_dim3A_233 : f32 to vector<16xf32>
      %broadcast_in_dim3A_235 = arith.constant 0.000000e+00 : f32
      %broadcast_in_dim3A_236 = vector.broadcast %broadcast_in_dim3A_235 : f32 to vector<16xf32>
      %broadcast_in_dim3A_237 = arith.constant 0.000000e+00 : f32
      %broadcast_in_dim3A_238 = vector.broadcast %broadcast_in_dim3A_237 : f32 to vector<16xf32>
      %broadcast_in_dim3A_239 = arith.constant 0.000000e+00 : f32
      %broadcast_in_dim3A_240 = vector.broadcast %broadcast_in_dim3A_239 : f32 to vector<16xf32>
      %broadcast_in_dim3A_241 = arith.constant 0.000000e+00 : f32
      %broadcast_in_dim3A_242 = vector.broadcast %broadcast_in_dim3A_241 : f32 to vector<16xf32>
      %broadcast_in_dim3A_243 = arith.constant 0.000000e+00 : f32
      %broadcast_in_dim3A_244 = vector.broadcast %broadcast_in_dim3A_243 : f32 to vector<16xf32>
      %broadcast_in_dim3A_245 = arith.constant 0.000000e+00 : f32
      %broadcast_in_dim3A_246 = vector.broadcast %broadcast_in_dim3A_245 : f32 to vector<16xf32>
      %broadcast_in_dim3A_247 = arith.constant 0.000000e+00 : f32
      %broadcast_in_dim3A_248 = vector.broadcast %broadcast_in_dim3A_247 : f32 to vector<16xf32>
      %broadcast_in_dim3A_249 = arith.constant 0.000000e+00 : f32
      %broadcast_in_dim3A_250 = vector.broadcast %broadcast_in_dim3A_249 : f32 to vector<16xf32>
      %broadcast_in_dim3A_251 = arith.constant 0.000000e+00 : f32
      %broadcast_in_dim3A_252 = vector.broadcast %broadcast_in_dim3A_251 : f32 to vector<16xf32>
      %broadcast_in_dim3A_253 = arith.constant 0.000000e+00 : f32
      %broadcast_in_dim3A_254 = vector.broadcast %broadcast_in_dim3A_253 : f32 to vector<16xf32>
      %broadcast_in_dim3A_255 = arith.constant 0.000000e+00 : f32
      %broadcast_in_dim3A_256 = vector.broadcast %broadcast_in_dim3A_255 : f32 to vector<16xf32>
      %broadcast_in_dim3A_257 = arith.constant 0.000000e+00 : f32
      %broadcast_in_dim3A_258 = vector.broadcast %broadcast_in_dim3A_257 : f32 to vector<16xf32>
      %broadcast_in_dim3A_259 = arith.constant 0.000000e+00 : f32
      %broadcast_in_dim3A_260 = vector.broadcast %broadcast_in_dim3A_259 : f32 to vector<16xf32>
      %broadcast_in_dim3A_261 = arith.constant 0.000000e+00 : f32
      %broadcast_in_dim3A_262 = vector.broadcast %broadcast_in_dim3A_261 : f32 to vector<16xf32>
      %broadcast_in_dim3A_263 = arith.constant 0.000000e+00 : f32
      %broadcast_in_dim3A_264 = vector.broadcast %broadcast_in_dim3A_263 : f32 to vector<16xf32>
      %broadcast_in_dim3A_265 = arith.constant 0.000000e+00 : f32
      %broadcast_in_dim3A_266 = vector.broadcast %broadcast_in_dim3A_265 : f32 to vector<16xf32>
      %while3A_267 = arith.subi %min3A_202, %min3A : i32
      %while3A_268 = arith.addi %min3A, %while3A_267 : i32
      %while3A_269 = arith.constant 1 : i32
      %while3A_270 = arith.divsi %while3A_267, %while3A_269 : i32
      %while3A_271 = arith.muli %while3A_270, %while3A_269 : i32
      %while3A_272 = arith.addi %min3A, %while3A_271 : i32
      %while3A_273 = arith.constant 1 : i32
      %while3A_274:32 = scf.for %while3A_1055 = %min3A to %while3A_272 step %while3A_273 iter_args(%while3A_1056 = %broadcast_in_dim3A_204, %while3A_1057 = %broadcast_in_dim3A_206, %while3A_1058 = %broadcast_in_dim3A_208, %while3A_1059 = %broadcast_in_dim3A_210, %while3A_1060 = %broadcast_in_dim3A_212, %while3A_1061 = %broadcast_in_dim3A_214, %while3A_1062 = %broadcast_in_dim3A_216, %while3A_1063 = %broadcast_in_dim3A_218, %while3A_1064 = %broadcast_in_dim3A_220, %while3A_1065 = %broadcast_in_dim3A_222, %while3A_1066 = %broadcast_in_dim3A_224, %while3A_1067 = %broadcast_in_dim3A_226, %while3A_1068 = %broadcast_in_dim3A_228, %while3A_1069 = %broadcast_in_dim3A_230, %while3A_1070 = %broadcast_in_dim3A_232, %while3A_1071 = %broadcast_in_dim3A_234, %while3A_1072 = %broadcast_in_dim3A_236, %while3A_1073 = %broadcast_in_dim3A_238, %while3A_1074 = %broadcast_in_dim3A_240, %while3A_1075 = %broadcast_in_dim3A_242, %while3A_1076 = %broadcast_in_dim3A_244, %while3A_1077 = %broadcast_in_dim3A_246, %while3A_1078 = %broadcast_in_dim3A_248, %while3A_1079 = %broadcast_in_dim3A_250, %while3A_1080 = %broadcast_in_dim3A_252, %while3A_1081 = %broadcast_in_dim3A_254, %while3A_1082 = %broadcast_in_dim3A_256, %while3A_1083 = %broadcast_in_dim3A_258, %while3A_1084 = %broadcast_in_dim3A_260, %while3A_1085 = %broadcast_in_dim3A_262, %while3A_1086 = %broadcast_in_dim3A_264, %while3A_1087 = %broadcast_in_dim3A_266) -> (vector<16xf32>, vector<16xf32>, vector<16xf32>, vector<16xf32>, vector<16xf32>, vector<16xf32>, vector<16xf32>, vector<16xf32>, vector<16xf32>, vector<16xf32>, vector<16xf32>, vector<16xf32>, vector<16xf32>, vector<16xf32>, vector<16xf32>, vector<16xf32>, vector<16xf32>, vector<16xf32>, vector<16xf32>, vector<16xf32>, vector<16xf32>, vector<16xf32>, vector<16xf32>, vector<16xf32>, vector<16xf32>, vector<16xf32>, vector<16xf32>, vector<16xf32>, vector<16xf32>, vector<16xf32>, vector<16xf32>, vector<16xf32>)  : i32 {
        %get3A_1088 = arith.index_cast %while3A_1055 : i32 to index
        %get3A_1089 = arith.constant 0 : index
        %get3A_1090 = tpu.vector_load %arg7[%get3A_1088, %get3A_1089] {strides = array<i32>} : memref<64x1024xf32, #tpu.memory_space<vmem>>, vector<16xf32>,
        %add3A_1091 = arith.addf %while3A_1056, %get3A_1090 : vector<16xf32>
        %get3A_1092 = arith.index_cast %while3A_1055 : i32 to index
        %get3A_1093 = arith.constant 16 : index
        %get3A_1094 = tpu.vector_load %arg7[%get3A_1092, %get3A_1093] {strides = array<i32>} : memref<64x1024xf32, #tpu.memory_space<vmem>>, vector<16xf32>,
        %add3A_1095 = arith.addf %while3A_1057, %get3A_1094 : vector<16xf32>
        %get3A_1096 = arith.index_cast %while3A_1055 : i32 to index
        %get3A_1097 = arith.constant 32 : index
        %get3A_1098 = tpu.vector_load %arg7[%get3A_1096, %get3A_1097] {strides = array<i32>} : memref<64x1024xf32, #tpu.memory_space<vmem>>, vector<16xf32>,
        %add3A_1099 = arith.addf %while3A_1058, %get3A_1098 : vector<16xf32>
        %get3A_1100 = arith.index_cast %while3A_1055 : i32 to index
        %get3A_1101 = arith.constant 48 : index
        %get3A_1102 = tpu.vector_load %arg7[%get3A_1100, %get3A_1101] {strides = array<i32>} : memref<64x1024xf32, #tpu.memory_space<vmem>>, vector<16xf32>,
        %add3A_1103 = arith.addf %while3A_1059, %get3A_1102 : vector<16xf32>
        %get3A_1104 = arith.index_cast %while3A_1055 : i32 to index
        %get3A_1105 = arith.constant 64 : index
        %get3A_1106 = tpu.vector_load %arg7[%get3A_1104, %get3A_1105] {strides = array<i32>} : memref<64x1024xf32, #tpu.memory_space<vmem>>, vector<16xf32>,
        %add3A_1107 = arith.addf %while3A_1060, %get3A_1106 : vector<16xf32>
        %get3A_1108 = arith.index_cast %while3A_1055 : i32 to index
        %get3A_1109 = arith.constant 80 : index
        %get3A_1110 = tpu.vector_load %arg7[%get3A_1108, %get3A_1109] {strides = array<i32>} : memref<64x1024xf32, #tpu.memory_space<vmem>>, vector<16xf32>,
        %add3A_1111 = arith.addf %while3A_1061, %get3A_1110 : vector<16xf32>
        %get3A_1112 = arith.index_cast %while3A_1055 : i32 to index
        %get3A_1113 = arith.constant 96 : index
        %get3A_1114 = tpu.vector_load %arg7[%get3A_1112, %get3A_1113] {strides = array<i32>} : memref<64x1024xf32, #tpu.memory_space<vmem>>, vector<16xf32>,
        %add3A_1115 = arith.addf %while3A_1062, %get3A_1114 : vector<16xf32>
        %get3A_1116 = arith.index_cast %while3A_1055 : i32 to index
        %get3A_1117 = arith.constant 112 : index
        %get3A_1118 = tpu.vector_load %arg7[%get3A_1116, %get3A_1117] {strides = array<i32>} : memref<64x1024xf32, #tpu.memory_space<vmem>>, vector<16xf32>,
        %add3A_1119 = arith.addf %while3A_1063, %get3A_1118 : vector<16xf32>
        %get3A_1120 = arith.index_cast %while3A_1055 : i32 to index
        %get3A_1121 = arith.constant 128 : index
        %get3A_1122 = tpu.vector_load %arg7[%get3A_1120, %get3A_1121] {strides = array<i32>} : memref<64x1024xf32, #tpu.memory_space<vmem>>, vector<16xf32>,
        %add3A_1123 = arith.addf %while3A_1064, %get3A_1122 : vector<16xf32>
        %get3A_1124 = arith.index_cast %while3A_1055 : i32 to index
        %get3A_1125 = arith.constant 144 : index
        %get3A_1126 = tpu.vector_load %arg7[%get3A_1124, %get3A_1125] {strides = array<i32>} : memref<64x1024xf32, #tpu.memory_space<vmem>>, vector<16xf32>,
        %add3A_1127 = arith.addf %while3A_1065, %get3A_1126 : vector<16xf32>
        %get3A_1128 = arith.index_cast %while3A_1055 : i32 to index
        %get3A_1129 = arith.constant 160 : index
        %get3A_1130 = tpu.vector_load %arg7[%get3A_1128, %get3A_1129] {strides = array<i32>} : memref<64x1024xf32, #tpu.memory_space<vmem>>, vector<16xf32>,
        %add3A_1131 = arith.addf %while3A_1066, %get3A_1130 : vector<16xf32>
        %get3A_1132 = arith.index_cast %while3A_1055 : i32 to index
        %get3A_1133 = arith.constant 176 : index
        %get3A_1134 = tpu.vector_load %arg7[%get3A_1132, %get3A_1133] {strides = array<i32>} : memref<64x1024xf32, #tpu.memory_space<vmem>>, vector<16xf32>,
        %add3A_1135 = arith.addf %while3A_1067, %get3A_1134 : vector<16xf32>
        %get3A_1136 = arith.index_cast %while3A_1055 : i32 to index
        %get3A_1137 = arith.constant 192 : index
        %get3A_1138 = tpu.vector_load %arg7[%get3A_1136, %get3A_1137] {strides = array<i32>} : memref<64x1024xf32, #tpu.memory_space<vmem>>, vector<16xf32>,
        %add3A_1139 = arith.addf %while3A_1068, %get3A_1138 : vector<16xf32>
        %get3A_1140 = arith.index_cast %while3A_1055 : i32 to index
        %get3A_1141 = arith.constant 208 : index
        %get3A_1142 = tpu.vector_load %arg7[%get3A_1140, %get3A_1141] {strides = array<i32>} : memref<64x1024xf32, #tpu.memory_space<vmem>>, vector<16xf32>,
        %add3A_1143 = arith.addf %while3A_1069, %get3A_1142 : vector<16xf32>
        %get3A_1144 = arith.index_cast %while3A_1055 : i32 to index
        %get3A_1145 = arith.constant 224 : index
        %get3A_1146 = tpu.vector_load %arg7[%get3A_1144, %get3A_1145] {strides = array<i32>} : memref<64x1024xf32, #tpu.memory_space<vmem>>, vector<16xf32>,
        %add3A_1147 = arith.addf %while3A_1070, %get3A_1146 : vector<16xf32>
        %get3A_1148 = arith.index_cast %while3A_1055 : i32 to index
        %get3A_1149 = arith.constant 240 : index
        %get3A_1150 = tpu.vector_load %arg7[%get3A_1148, %get3A_1149] {strides = array<i32>} : memref<64x1024xf32, #tpu.memory_space<vmem>>, vector<16xf32>,
        %add3A_1151 = arith.addf %while3A_1071, %get3A_1150 : vector<16xf32>
        %get3A_1152 = arith.index_cast %while3A_1055 : i32 to index
        %get3A_1153 = arith.constant 256 : index
        %get3A_1154 = tpu.vector_load %arg7[%get3A_1152, %get3A_1153] {strides = array<i32>} : memref<64x1024xf32, #tpu.memory_space<vmem>>, vector<16xf32>,
        %add3A_1155 = arith.addf %while3A_1072, %get3A_1154 : vector<16xf32>
        %get3A_1156 = arith.index_cast %while3A_1055 : i32 to index
        %get3A_1157 = arith.constant 272 : index
        %get3A_1158 = tpu.vector_load %arg7[%get3A_1156, %get3A_1157] {strides = array<i32>} : memref<64x1024xf32, #tpu.memory_space<vmem>>, vector<16xf32>,
        %add3A_1159 = arith.addf %while3A_1073, %get3A_1158 : vector<16xf32>
        %get3A_1160 = arith.index_cast %while3A_1055 : i32 to index
        %get3A_1161 = arith.constant 288 : index
        %get3A_1162 = tpu.vector_load %arg7[%get3A_1160, %get3A_1161] {strides = array<i32>} : memref<64x1024xf32, #tpu.memory_space<vmem>>, vector<16xf32>,
        %add3A_1163 = arith.addf %while3A_1074, %get3A_1162 : vector<16xf32>
        %get3A_1164 = arith.index_cast %while3A_1055 : i32 to index
        %get3A_1165 = arith.constant 304 : index
        %get3A_1166 = tpu.vector_load %arg7[%get3A_1164, %get3A_1165] {strides = array<i32>} : memref<64x1024xf32, #tpu.memory_space<vmem>>, vector<16xf32>,
        %add3A_1167 = arith.addf %while3A_1075, %get3A_1166 : vector<16xf32>
        %get3A_1168 = arith.index_cast %while3A_1055 : i32 to index
        %get3A_1169 = arith.constant 320 : index
        %get3A_1170 = tpu.vector_load %arg7[%get3A_1168, %get3A_1169] {strides = array<i32>} : memref<64x1024xf32, #tpu.memory_space<vmem>>, vector<16xf32>,
        %add3A_1171 = arith.addf %while3A_1076, %get3A_1170 : vector<16xf32>
        %get3A_1172 = arith.index_cast %while3A_1055 : i32 to index
        %get3A_1173 = arith.constant 336 : index
        %get3A_1174 = tpu.vector_load %arg7[%get3A_1172, %get3A_1173] {strides = array<i32>} : memref<64x1024xf32, #tpu.memory_space<vmem>>, vector<16xf32>,
        %add3A_1175 = arith.addf %while3A_1077, %get3A_1174 : vector<16xf32>
        %get3A_1176 = arith.index_cast %while3A_1055 : i32 to index
        %get3A_1177 = arith.constant 352 : index
        %get3A_1178 = tpu.vector_load %arg7[%get3A_1176, %get3A_1177] {strides = array<i32>} : memref<64x1024xf32, #tpu.memory_space<vmem>>, vector<16xf32>,
        %add3A_1179 = arith.addf %while3A_1078, %get3A_1178 : vector<16xf32>
        %get3A_1180 = arith.index_cast %while3A_1055 : i32 to index
        %get3A_1181 = arith.constant 368 : index
        %get3A_1182 = tpu.vector_load %arg7[%get3A_1180, %get3A_1181] {strides = array<i32>} : memref<64x1024xf32, #tpu.memory_space<vmem>>, vector<16xf32>,
        %add3A_1183 = arith.addf %while3A_1079, %get3A_1182 : vector<16xf32>
        %get3A_1184 = arith.index_cast %while3A_1055 : i32 to index
        %get3A_1185 = arith.constant 384 : index
        %get3A_1186 = tpu.vector_load %arg7[%get3A_1184, %get3A_1185] {strides = array<i32>} : memref<64x1024xf32, #tpu.memory_space<vmem>>, vector<16xf32>,
        %add3A_1187 = arith.addf %while3A_1080, %get3A_1186 : vector<16xf32>
        %get3A_1188 = arith.index_cast %while3A_1055 : i32 to index
        %get3A_1189 = arith.constant 400 : index
        %get3A_1190 = tpu.vector_load %arg7[%get3A_1188, %get3A_1189] {strides = array<i32>} : memref<64x1024xf32, #tpu.memory_space<vmem>>, vector<16xf32>,
        %add3A_1191 = arith.addf %while3A_1081, %get3A_1190 : vector<16xf32>
        %get3A_1192 = arith.index_cast %while3A_1055 : i32 to index
        %get3A_1193 = arith.constant 416 : index
        %get3A_1194 = tpu.vector_load %arg7[%get3A_1192, %get3A_1193] {strides = array<i32>} : memref<64x1024xf32, #tpu.memory_space<vmem>>, vector<16xf32>,
        %add3A_1195 = arith.addf %while3A_1082, %get3A_1194 : vector<16xf32>
        %get3A_1196 = arith.index_cast %while3A_1055 : i32 to index
        %get3A_1197 = arith.constant 432 : index
        %get3A_1198 = tpu.vector_load %arg7[%get3A_1196, %get3A_1197] {strides = array<i32>} : memref<64x1024xf32, #tpu.memory_space<vmem>>, vector<16xf32>,
        %add3A_1199 = arith.addf %while3A_1083, %get3A_1198 : vector<16xf32>
        %get3A_1200 = arith.index_cast %while3A_1055 : i32 to index
        %get3A_1201 = arith.constant 448 : index
        %get3A_1202 = tpu.vector_load %arg7[%get3A_1200, %get3A_1201] {strides = array<i32>} : memref<64x1024xf32, #tpu.memory_space<vmem>>, vector<16xf32>,
        %add3A_1203 = arith.addf %while3A_1084, %get3A_1202 : vector<16xf32>
        %get3A_1204 = arith.index_cast %while3A_1055 : i32 to index
        %get3A_1205 = arith.constant 464 : index
        %get3A_1206 = tpu.vector_load %arg7[%get3A_1204, %get3A_1205] {strides = array<i32>} : memref<64x1024xf32, #tpu.memory_space<vmem>>, vector<16xf32>,
        %add3A_1207 = arith.addf %while3A_1085, %get3A_1206 : vector<16xf32>
        %get3A_1208 = arith.index_cast %while3A_1055 : i32 to index
        %get3A_1209 = arith.constant 480 : index
        %get3A_1210 = tpu.vector_load %arg7[%get3A_1208, %get3A_1209] {strides = array<i32>} : memref<64x1024xf32, #tpu.memory_space<vmem>>, vector<16xf32>,
        %add3A_1211 = arith.addf %while3A_1086, %get3A_1210 : vector<16xf32>
        %get3A_1212 = arith.index_cast %while3A_1055 : i32 to index
        %get3A_1213 = arith.constant 496 : index
        %get3A_1214 = tpu.vector_load %arg7[%get3A_1212, %get3A_1213] {strides = array<i32>} : memref<64x1024xf32, #tpu.memory_space<vmem>>, vector<16xf32>,
        %add3A_1215 = arith.addf %while3A_1087, %get3A_1214 : vector<16xf32>
        scf.yield %add3A_1091, %add3A_1095, %add3A_1099, %add3A_1103, %add3A_1107, %add3A_1111, %add3A_1115, %add3A_1119, %add3A_1123, %add3A_1127, %add3A_1131, %add3A_1135, %add3A_1139, %add3A_1143, %add3A_1147, %add3A_1151, %add3A_1155, %add3A_1159, %add3A_1163, %add3A_1167, %add3A_1171, %add3A_1175, %add3A_1179, %add3A_1183, %add3A_1187, %add3A_1191, %add3A_1195, %add3A_1199, %add3A_1203, %add3A_1207, %add3A_1211, %add3A_1215 : vector<16xf32>, vector<16xf32>, vector<16xf32>, vector<16xf32>, vector<16xf32>, vector<16xf32>, vector<16xf32>, vector<16xf32>, vector<16xf32>, vector<16xf32>, vector<16xf32>, vector<16xf32>, vector<16xf32>, vector<16xf32>, vector<16xf32>, vector<16xf32>, vector<16xf32>, vector<16xf32>, vector<16xf32>, vector<16xf32>, vector<16xf32>, vector<16xf32>, vector<16xf32>, vector<16xf32>, vector<16xf32>, vector<16xf32>, vector<16xf32>, vector<16xf32>, vector<16xf32>, vector<16xf32>, vector<16xf32>, vector<16xf32>
      }
      %while3A_275 = arith.constant 1 : i32
      %while3A_276:32 = scf.for %while3A_1055 = %while3A_272 to %while3A_268 step %while3A_275 iter_args(%while3A_1056 = %while3A_274#0, %while3A_1057 = %while3A_274#1, %while3A_1058 = %while3A_274#2, %while3A_1059 = %while3A_274#3, %while3A_1060 = %while3A_274#4, %while3A_1061 = %while3A_274#5, %while3A_1062 = %while3A_274#6, %while3A_1063 = %while3A_274#7, %while3A_1064 = %while3A_274#8, %while3A_1065 = %while3A_274#9, %while3A_1066 = %while3A_274#10, %while3A_1067 = %while3A_274#11, %while3A_1068 = %while3A_274#12, %while3A_1069 = %while3A_274#13, %while3A_1070 = %while3A_274#14, %while3A_1071 = %while3A_274#15, %while3A_1072 = %while3A_274#16, %while3A_1073 = %while3A_274#17, %while3A_1074 = %while3A_274#18, %while3A_1075 = %while3A_274#19, %while3A_1076 = %while3A_274#20, %while3A_1077 = %while3A_274#21, %while3A_1078 = %while3A_274#22, %while3A_1079 = %while3A_274#23, %while3A_1080 = %while3A_274#24, %while3A_1081 = %while3A_274#25, %while3A_1082 = %while3A_274#26, %while3A_1083 = %while3A_274#27, %while3A_1084 = %while3A_274#28, %while3A_1085 = %while3A_274#29, %while3A_1086 = %while3A_274#30, %while3A_1087 = %while3A_274#31) -> (vector<16xf32>, vector<16xf32>, vector<16xf32>, vector<16xf32>, vector<16xf32>, vector<16xf32>, vector<16xf32>, vector<16xf32>, vector<16xf32>, vector<16xf32>, vector<16xf32>, vector<16xf32>, vector<16xf32>, vector<16xf32>, vector<16xf32>, vector<16xf32>, vector<16xf32>, vector<16xf32>, vector<16xf32>, vector<16xf32>, vector<16xf32>, vector<16xf32>, vector<16xf32>, vector<16xf32>, vector<16xf32>, vector<16xf32>, vector<16xf32>, vector<16xf32>, vector<16xf32>, vector<16xf32>, vector<16xf32>, vector<16xf32>)  : i32 {
        %get3A_1088 = arith.index_cast %while3A_1055 : i32 to index
        %get3A_1089 = arith.constant 0 : index
        %get3A_1090 = tpu.vector_load %arg7[%get3A_1088, %get3A_1089] {strides = array<i32>} : memref<64x1024xf32, #tpu.memory_space<vmem>>, vector<16xf32>,
        %add3A_1091 = arith.addf %while3A_1056, %get3A_1090 : vector<16xf32>
        %get3A_1092 = arith.index_cast %while3A_1055 : i32 to index
        %get3A_1093 = arith.constant 16 : index
        %get3A_1094 = tpu.vector_load %arg7[%get3A_1092, %get3A_1093] {strides = array<i32>} : memref<64x1024xf32, #tpu.memory_space<vmem>>, vector<16xf32>,
        %add3A_1095 = arith.addf %while3A_1057, %get3A_1094 : vector<16xf32>
        %get3A_1096 = arith.index_cast %while3A_1055 : i32 to index
        %get3A_1097 = arith.constant 32 : index
        %get3A_1098 = tpu.vector_load %arg7[%get3A_1096, %get3A_1097] {strides = array<i32>} : memref<64x1024xf32, #tpu.memory_space<vmem>>, vector<16xf32>,
        %add3A_1099 = arith.addf %while3A_1058, %get3A_1098 : vector<16xf32>
        %get3A_1100 = arith.index_cast %while3A_1055 : i32 to index
        %get3A_1101 = arith.constant 48 : index
        %get3A_1102 = tpu.vector_load %arg7[%get3A_1100, %get3A_1101] {strides = array<i32>} : memref<64x1024xf32, #tpu.memory_space<vmem>>, vector<16xf32>,
        %add3A_1103 = arith.addf %while3A_1059, %get3A_1102 : vector<16xf32>
        %get3A_1104 = arith.index_cast %while3A_1055 : i32 to index
        %get3A_1105 = arith.constant 64 : index
        %get3A_1106 = tpu.vector_load %arg7[%get3A_1104, %get3A_1105] {strides = array<i32>} : memref<64x1024xf32, #tpu.memory_space<vmem>>, vector<16xf32>,
        %add3A_1107 = arith.addf %while3A_1060, %get3A_1106 : vector<16xf32>
        %get3A_1108 = arith.index_cast %while3A_1055 : i32 to index
        %get3A_1109 = arith.constant 80 : index
        %get3A_1110 = tpu.vector_load %arg7[%get3A_1108, %get3A_1109] {strides = array<i32>} : memref<64x1024xf32, #tpu.memory_space<vmem>>, vector<16xf32>,
        %add3A_1111 = arith.addf %while3A_1061, %get3A_1110 : vector<16xf32>
        %get3A_1112 = arith.index_cast %while3A_1055 : i32 to index
        %get3A_1113 = arith.constant 96 : index
        %get3A_1114 = tpu.vector_load %arg7[%get3A_1112, %get3A_1113] {strides = array<i32>} : memref<64x1024xf32, #tpu.memory_space<vmem>>, vector<16xf32>,
        %add3A_1115 = arith.addf %while3A_1062, %get3A_1114 : vector<16xf32>
        %get3A_1116 = arith.index_cast %while3A_1055 : i32 to index
        %get3A_1117 = arith.constant 112 : index
        %get3A_1118 = tpu.vector_load %arg7[%get3A_1116, %get3A_1117] {strides = array<i32>} : memref<64x1024xf32, #tpu.memory_space<vmem>>, vector<16xf32>,
        %add3A_1119 = arith.addf %while3A_1063, %get3A_1118 : vector<16xf32>
        %get3A_1120 = arith.index_cast %while3A_1055 : i32 to index
        %get3A_1121 = arith.constant 128 : index
        %get3A_1122 = tpu.vector_load %arg7[%get3A_1120, %get3A_1121] {strides = array<i32>} : memref<64x1024xf32, #tpu.memory_space<vmem>>, vector<16xf32>,
        %add3A_1123 = arith.addf %while3A_1064, %get3A_1122 : vector<16xf32>
        %get3A_1124 = arith.index_cast %while3A_1055 : i32 to index
        %get3A_1125 = arith.constant 144 : index
        %get3A_1126 = tpu.vector_load %arg7[%get3A_1124, %get3A_1125] {strides = array<i32>} : memref<64x1024xf32, #tpu.memory_space<vmem>>, vector<16xf32>,
        %add3A_1127 = arith.addf %while3A_1065, %get3A_1126 : vector<16xf32>
        %get3A_1128 = arith.index_cast %while3A_1055 : i32 to index
        %get3A_1129 = arith.constant 160 : index
        %get3A_1130 = tpu.vector_load %arg7[%get3A_1128, %get3A_1129] {strides = array<i32>} : memref<64x1024xf32, #tpu.memory_space<vmem>>, vector<16xf32>,
        %add3A_1131 = arith.addf %while3A_1066, %get3A_1130 : vector<16xf32>
        %get3A_1132 = arith.index_cast %while3A_1055 : i32 to index
        %get3A_1133 = arith.constant 176 : index
        %get3A_1134 = tpu.vector_load %arg7[%get3A_1132, %get3A_1133] {strides = array<i32>} : memref<64x1024xf32, #tpu.memory_space<vmem>>, vector<16xf32>,
        %add3A_1135 = arith.addf %while3A_1067, %get3A_1134 : vector<16xf32>
        %get3A_1136 = arith.index_cast %while3A_1055 : i32 to index
        %get3A_1137 = arith.constant 192 : index
        %get3A_1138 = tpu.vector_load %arg7[%get3A_1136, %get3A_1137] {strides = array<i32>} : memref<64x1024xf32, #tpu.memory_space<vmem>>, vector<16xf32>,
        %add3A_1139 = arith.addf %while3A_1068, %get3A_1138 : vector<16xf32>
        %get3A_1140 = arith.index_cast %while3A_1055 : i32 to index
        %get3A_1141 = arith.constant 208 : index
        %get3A_1142 = tpu.vector_load %arg7[%get3A_1140, %get3A_1141] {strides = array<i32>} : memref<64x1024xf32, #tpu.memory_space<vmem>>, vector<16xf32>,
        %add3A_1143 = arith.addf %while3A_1069, %get3A_1142 : vector<16xf32>
        %get3A_1144 = arith.index_cast %while3A_1055 : i32 to index
        %get3A_1145 = arith.constant 224 : index
        %get3A_1146 = tpu.vector_load %arg7[%get3A_1144, %get3A_1145] {strides = array<i32>} : memref<64x1024xf32, #tpu.memory_space<vmem>>, vector<16xf32>,
        %add3A_1147 = arith.addf %while3A_1070, %get3A_1146 : vector<16xf32>
        %get3A_1148 = arith.index_cast %while3A_1055 : i32 to index
        %get3A_1149 = arith.constant 240 : index
        %get3A_1150 = tpu.vector_load %arg7[%get3A_1148, %get3A_1149] {strides = array<i32>} : memref<64x1024xf32, #tpu.memory_space<vmem>>, vector<16xf32>,
        %add3A_1151 = arith.addf %while3A_1071, %get3A_1150 : vector<16xf32>
        %get3A_1152 = arith.index_cast %while3A_1055 : i32 to index
        %get3A_1153 = arith.constant 256 : index
        %get3A_1154 = tpu.vector_load %arg7[%get3A_1152, %get3A_1153] {strides = array<i32>} : memref<64x1024xf32, #tpu.memory_space<vmem>>, vector<16xf32>,
        %add3A_1155 = arith.addf %while3A_1072, %get3A_1154 : vector<16xf32>
        %get3A_1156 = arith.index_cast %while3A_1055 : i32 to index
        %get3A_1157 = arith.constant 272 : index
        %get3A_1158 = tpu.vector_load %arg7[%get3A_1156, %get3A_1157] {strides = array<i32>} : memref<64x1024xf32, #tpu.memory_space<vmem>>, vector<16xf32>,
        %add3A_1159 = arith.addf %while3A_1073, %get3A_1158 : vector<16xf32>
        %get3A_1160 = arith.index_cast %while3A_1055 : i32 to index
        %get3A_1161 = arith.constant 288 : index
        %get3A_1162 = tpu.vector_load %arg7[%get3A_1160, %get3A_1161] {strides = array<i32>} : memref<64x1024xf32, #tpu.memory_space<vmem>>, vector<16xf32>,
        %add3A_1163 = arith.addf %while3A_1074, %get3A_1162 : vector<16xf32>
        %get3A_1164 = arith.index_cast %while3A_1055 : i32 to index
        %get3A_1165 = arith.constant 304 : index
        %get3A_1166 = tpu.vector_load %arg7[%get3A_1164, %get3A_1165] {strides = array<i32>} : memref<64x1024xf32, #tpu.memory_space<vmem>>, vector<16xf32>,
        %add3A_1167 = arith.addf %while3A_1075, %get3A_1166 : vector<16xf32>
        %get3A_1168 = arith.index_cast %while3A_1055 : i32 to index
        %get3A_1169 = arith.constant 320 : index
        %get3A_1170 = tpu.vector_load %arg7[%get3A_1168, %get3A_1169] {strides = array<i32>} : memref<64x1024xf32, #tpu.memory_space<vmem>>, vector<16xf32>,
        %add3A_1171 = arith.addf %while3A_1076, %get3A_1170 : vector<16xf32>
        %get3A_1172 = arith.index_cast %while3A_1055 : i32 to index
        %get3A_1173 = arith.constant 336 : index
        %get3A_1174 = tpu.vector_load %arg7[%get3A_1172, %get3A_1173] {strides = array<i32>} : memref<64x1024xf32, #tpu.memory_space<vmem>>, vector<16xf32>,
        %add3A_1175 = arith.addf %while3A_1077, %get3A_1174 : vector<16xf32>
        %get3A_1176 = arith.index_cast %while3A_1055 : i32 to index
        %get3A_1177 = arith.constant 352 : index
        %get3A_1178 = tpu.vector_load %arg7[%get3A_1176, %get3A_1177] {strides = array<i32>} : memref<64x1024xf32, #tpu.memory_space<vmem>>, vector<16xf32>,
        %add3A_1179 = arith.addf %while3A_1078, %get3A_1178 : vector<16xf32>
        %get3A_1180 = arith.index_cast %while3A_1055 : i32 to index
        %get3A_1181 = arith.constant 368 : index
        %get3A_1182 = tpu.vector_load %arg7[%get3A_1180, %get3A_1181] {strides = array<i32>} : memref<64x1024xf32, #tpu.memory_space<vmem>>, vector<16xf32>,
        %add3A_1183 = arith.addf %while3A_1079, %get3A_1182 : vector<16xf32>
        %get3A_1184 = arith.index_cast %while3A_1055 : i32 to index
        %get3A_1185 = arith.constant 384 : index
        %get3A_1186 = tpu.vector_load %arg7[%get3A_1184, %get3A_1185] {strides = array<i32>} : memref<64x1024xf32, #tpu.memory_space<vmem>>, vector<16xf32>,
        %add3A_1187 = arith.addf %while3A_1080, %get3A_1186 : vector<16xf32>
        %get3A_1188 = arith.index_cast %while3A_1055 : i32 to index
        %get3A_1189 = arith.constant 400 : index
        %get3A_1190 = tpu.vector_load %arg7[%get3A_1188, %get3A_1189] {strides = array<i32>} : memref<64x1024xf32, #tpu.memory_space<vmem>>, vector<16xf32>,
        %add3A_1191 = arith.addf %while3A_1081, %get3A_1190 : vector<16xf32>
        %get3A_1192 = arith.index_cast %while3A_1055 : i32 to index
        %get3A_1193 = arith.constant 416 : index
        %get3A_1194 = tpu.vector_load %arg7[%get3A_1192, %get3A_1193] {strides = array<i32>} : memref<64x1024xf32, #tpu.memory_space<vmem>>, vector<16xf32>,
        %add3A_1195 = arith.addf %while3A_1082, %get3A_1194 : vector<16xf32>
        %get3A_1196 = arith.index_cast %while3A_1055 : i32 to index
        %get3A_1197 = arith.constant 432 : index
        %get3A_1198 = tpu.vector_load %arg7[%get3A_1196, %get3A_1197] {strides = array<i32>} : memref<64x1024xf32, #tpu.memory_space<vmem>>, vector<16xf32>,
        %add3A_1199 = arith.addf %while3A_1083, %get3A_1198 : vector<16xf32>
        %get3A_1200 = arith.index_cast %while3A_1055 : i32 to index
        %get3A_1201 = arith.constant 448 : index
        %get3A_1202 = tpu.vector_load %arg7[%get3A_1200, %get3A_1201] {strides = array<i32>} : memref<64x1024xf32, #tpu.memory_space<vmem>>, vector<16xf32>,
        %add3A_1203 = arith.addf %while3A_1084, %get3A_1202 : vector<16xf32>
        %get3A_1204 = arith.index_cast %while3A_1055 : i32 to index
        %get3A_1205 = arith.constant 464 : index
        %get3A_1206 = tpu.vector_load %arg7[%get3A_1204, %get3A_1205] {strides = array<i32>} : memref<64x1024xf32, #tpu.memory_space<vmem>>, vector<16xf32>,
        %add3A_1207 = arith.addf %while3A_1085, %get3A_1206 : vector<16xf32>
        %get3A_1208 = arith.index_cast %while3A_1055 : i32 to index
        %get3A_1209 = arith.constant 480 : index
        %get3A_1210 = tpu.vector_load %arg7[%get3A_1208, %get3A_1209] {strides = array<i32>} : memref<64x1024xf32, #tpu.memory_space<vmem>>, vector<16xf32>,
        %add3A_1211 = arith.addf %while3A_1086, %get3A_1210 : vector<16xf32>
        %get3A_1212 = arith.index_cast %while3A_1055 : i32 to index
        %get3A_1213 = arith.constant 496 : index
        %get3A_1214 = tpu.vector_load %arg7[%get3A_1212, %get3A_1213] {strides = array<i32>} : memref<64x1024xf32, #tpu.memory_space<vmem>>, vector<16xf32>,
        %add3A_1215 = arith.addf %while3A_1087, %get3A_1214 : vector<16xf32>
        scf.yield %add3A_1091, %add3A_1095, %add3A_1099, %add3A_1103, %add3A_1107, %add3A_1111, %add3A_1115, %add3A_1119, %add3A_1123, %add3A_1127, %add3A_1131, %add3A_1135, %add3A_1139, %add3A_1143, %add3A_1147, %add3A_1151, %add3A_1155, %add3A_1159, %add3A_1163, %add3A_1167, %add3A_1171, %add3A_1175, %add3A_1179, %add3A_1183, %add3A_1187, %add3A_1191, %add3A_1195, %add3A_1199, %add3A_1203, %add3A_1207, %add3A_1211, %add3A_1215 : vector<16xf32>, vector<16xf32>, vector<16xf32>, vector<16xf32>, vector<16xf32>, vector<16xf32>, vector<16xf32>, vector<16xf32>, vector<16xf32>, vector<16xf32>, vector<16xf32>, vector<16xf32>, vector<16xf32>, vector<16xf32>, vector<16xf32>, vector<16xf32>, vector<16xf32>, vector<16xf32>, vector<16xf32>, vector<16xf32>, vector<16xf32>, vector<16xf32>, vector<16xf32>, vector<16xf32>, vector<16xf32>, vector<16xf32>, vector<16xf32>, vector<16xf32>, vector<16xf32>, vector<16xf32>, vector<16xf32>, vector<16xf32>
      }
      %mul3A_277 = arith.constant 1024 : i32
      %mul3A_278 = arith.muli %while3A_174, %mul3A_277 : i32
      %add3A_279 = arith.constant 0 : i32
      %add3A_280 = arith.addi %mul3A_278, %add3A_279 : i32
      %add3A_281 = arith.constant 0 : i32
      %add3A_282 = arith.addi %add3A_280, %add3A_281 : i32
      %get3A_283 = arith.index_cast %add3A_282 : i32 to index
      %get3A_284 = tpu.vector_load %arg9[%get3A_283] {strides = array<i32>} : memref<8192xf32, #tpu.memory_space<vmem>>, vector<16xf32>,
      %add3A_285 = arith.addf %get3A_284, %while3A_276#0 : vector<16xf32>
      %swap3A = arith.index_cast %add3A_282 : i32 to index
      %swap3A_286 = tpu.vector_load %arg9[%swap3A] {strides = array<i32>} : memref<8192xf32, #tpu.memory_space<vmem>>, vector<16xf32>,
      tpu.vector_store %arg9[%swap3A], %add3A_285 {strides = array<i32>} : memref<8192xf32, #tpu.memory_space<vmem>>, vector<16xf32>,
      %mul3A_287 = arith.constant 1024 : i32
      %mul3A_288 = arith.muli %while3A_174, %mul3A_287 : i32
      %add3A_289 = arith.constant 0 : i32
      %add3A_290 = arith.addi %mul3A_288, %add3A_289 : i32
      %add3A_291 = arith.constant 16 : i32
      %add3A_292 = arith.addi %add3A_290, %add3A_291 : i32
      %get3A_293 = arith.index_cast %add3A_292 : i32 to index
      %get3A_294 = tpu.vector_load %arg9[%get3A_293] {strides = array<i32>} : memref<8192xf32, #tpu.memory_space<vmem>>, vector<16xf32>,
      %add3A_295 = arith.addf %get3A_294, %while3A_276#1 : vector<16xf32>
      %swap3A_296 = arith.index_cast %add3A_292 : i32 to index
      %swap3A_297 = tpu.vector_load %arg9[%swap3A_296] {strides = array<i32>} : memref<8192xf32, #tpu.memory_space<vmem>>, vector<16xf32>,
      tpu.vector_store %arg9[%swap3A_296], %add3A_295 {strides = array<i32>} : memref<8192xf32, #tpu.memory_space<vmem>>, vector<16xf32>,
      %mul3A_298 = arith.constant 1024 : i32
      %mul3A_299 = arith.muli %while3A_174, %mul3A_298 : i32
      %add3A_300 = arith.constant 0 : i32
      %add3A_301 = arith.addi %mul3A_299, %add3A_300 : i32
      %add3A_302 = arith.constant 32 : i32
      %add3A_303 = arith.addi %add3A_301, %add3A_302 : i32
      %get3A_304 = arith.index_cast %add3A_303 : i32 to index
      %get3A_305 = tpu.vector_load %arg9[%get3A_304] {strides = array<i32>} : memref<8192xf32, #tpu.memory_space<vmem>>, vector<16xf32>,
      %add3A_306 = arith.addf %get3A_305, %while3A_276#2 : vector<16xf32>
      %swap3A_307 = arith.index_cast %add3A_303 : i32 to index
      %swap3A_308 = tpu.vector_load %arg9[%swap3A_307] {strides = array<i32>} : memref<8192xf32, #tpu.memory_space<vmem>>, vector<16xf32>,
      tpu.vector_store %arg9[%swap3A_307], %add3A_306 {strides = array<i32>} : memref<8192xf32, #tpu.memory_space<vmem>>, vector<16xf32>,
      %mul3A_309 = arith.constant 1024 : i32
      %mul3A_310 = arith.muli %while3A_174, %mul3A_309 : i32
      %add3A_311 = arith.constant 0 : i32
      %add3A_312 = arith.addi %mul3A_310, %add3A_311 : i32
      %add3A_313 = arith.constant 48 : i32
      %add3A_314 = arith.addi %add3A_312, %add3A_313 : i32
      %get3A_315 = arith.index_cast %add3A_314 : i32 to index
      %get3A_316 = tpu.vector_load %arg9[%get3A_315] {strides = array<i32>} : memref<8192xf32, #tpu.memory_space<vmem>>, vector<16xf32>,
      %add3A_317 = arith.addf %get3A_316, %while3A_276#3 : vector<16xf32>
      %swap3A_318 = arith.index_cast %add3A_314 : i32 to index
      %swap3A_319 = tpu.vector_load %arg9[%swap3A_318] {strides = array<i32>} : memref<8192xf32, #tpu.memory_space<vmem>>, vector<16xf32>,
      tpu.vector_store %arg9[%swap3A_318], %add3A_317 {strides = array<i32>} : memref<8192xf32, #tpu.memory_space<vmem>>, vector<16xf32>,
      %mul3A_320 = arith.constant 1024 : i32
      %mul3A_321 = arith.muli %while3A_174, %mul3A_320 : i32
      %add3A_322 = arith.constant 0 : i32
      %add3A_323 = arith.addi %mul3A_321, %add3A_322 : i32
      %add3A_324 = arith.constant 64 : i32
      %add3A_325 = arith.addi %add3A_323, %add3A_324 : i32
      %get3A_326 = arith.index_cast %add3A_325 : i32 to index
      %get3A_327 = tpu.vector_load %arg9[%get3A_326] {strides = array<i32>} : memref<8192xf32, #tpu.memory_space<vmem>>, vector<16xf32>,
      %add3A_328 = arith.addf %get3A_327, %while3A_276#4 : vector<16xf32>
      %swap3A_329 = arith.index_cast %add3A_325 : i32 to index
      %swap3A_330 = tpu.vector_load %arg9[%swap3A_329] {strides = array<i32>} : memref<8192xf32, #tpu.memory_space<vmem>>, vector<16xf32>,
      tpu.vector_store %arg9[%swap3A_329], %add3A_328 {strides = array<i32>} : memref<8192xf32, #tpu.memory_space<vmem>>, vector<16xf32>,
      %mul3A_331 = arith.constant 1024 : i32
      %mul3A_332 = arith.muli %while3A_174, %mul3A_331 : i32
      %add3A_333 = arith.constant 0 : i32
      %add3A_334 = arith.addi %mul3A_332, %add3A_333 : i32
      %add3A_335 = arith.constant 80 : i32
      %add3A_336 = arith.addi %add3A_334, %add3A_335 : i32
      %get3A_337 = arith.index_cast %add3A_336 : i32 to index
      %get3A_338 = tpu.vector_load %arg9[%get3A_337] {strides = array<i32>} : memref<8192xf32, #tpu.memory_space<vmem>>, vector<16xf32>,
      %add3A_339 = arith.addf %get3A_338, %while3A_276#5 : vector<16xf32>
      %swap3A_340 = arith.index_cast %add3A_336 : i32 to index
      %swap3A_341 = tpu.vector_load %arg9[%swap3A_340] {strides = array<i32>} : memref<8192xf32, #tpu.memory_space<vmem>>, vector<16xf32>,
      tpu.vector_store %arg9[%swap3A_340], %add3A_339 {strides = array<i32>} : memref<8192xf32, #tpu.memory_space<vmem>>, vector<16xf32>,
      %mul3A_342 = arith.constant 1024 : i32
      %mul3A_343 = arith.muli %while3A_174, %mul3A_342 : i32
      %add3A_344 = arith.constant 0 : i32
      %add3A_345 = arith.addi %mul3A_343, %add3A_344 : i32
      %add3A_346 = arith.constant 96 : i32
      %add3A_347 = arith.addi %add3A_345, %add3A_346 : i32
      %get3A_348 = arith.index_cast %add3A_347 : i32 to index
      %get3A_349 = tpu.vector_load %arg9[%get3A_348] {strides = array<i32>} : memref<8192xf32, #tpu.memory_space<vmem>>, vector<16xf32>,
      %add3A_350 = arith.addf %get3A_349, %while3A_276#6 : vector<16xf32>
      %swap3A_351 = arith.index_cast %add3A_347 : i32 to index
      %swap3A_352 = tpu.vector_load %arg9[%swap3A_351] {strides = array<i32>} : memref<8192xf32, #tpu.memory_space<vmem>>, vector<16xf32>,
      tpu.vector_store %arg9[%swap3A_351], %add3A_350 {strides = array<i32>} : memref<8192xf32, #tpu.memory_space<vmem>>, vector<16xf32>,
      %mul3A_353 = arith.constant 1024 : i32
      %mul3A_354 = arith.muli %while3A_174, %mul3A_353 : i32
      %add3A_355 = arith.constant 0 : i32
      %add3A_356 = arith.addi %mul3A_354, %add3A_355 : i32
      %add3A_357 = arith.constant 112 : i32
      %add3A_358 = arith.addi %add3A_356, %add3A_357 : i32
      %get3A_359 = arith.index_cast %add3A_358 : i32 to index
      %get3A_360 = tpu.vector_load %arg9[%get3A_359] {strides = array<i32>} : memref<8192xf32, #tpu.memory_space<vmem>>, vector<16xf32>,
      %add3A_361 = arith.addf %get3A_360, %while3A_276#7 : vector<16xf32>
      %swap3A_362 = arith.index_cast %add3A_358 : i32 to index
      %swap3A_363 = tpu.vector_load %arg9[%swap3A_362] {strides = array<i32>} : memref<8192xf32, #tpu.memory_space<vmem>>, vector<16xf32>,
      tpu.vector_store %arg9[%swap3A_362], %add3A_361 {strides = array<i32>} : memref<8192xf32, #tpu.memory_space<vmem>>, vector<16xf32>,
      %mul3A_364 = arith.constant 1024 : i32
      %mul3A_365 = arith.muli %while3A_174, %mul3A_364 : i32
      %add3A_366 = arith.constant 0 : i32
      %add3A_367 = arith.addi %mul3A_365, %add3A_366 : i32
      %add3A_368 = arith.constant 128 : i32
      %add3A_369 = arith.addi %add3A_367, %add3A_368 : i32
      %get3A_370 = arith.index_cast %add3A_369 : i32 to index
      %get3A_371 = tpu.vector_load %arg9[%get3A_370] {strides = array<i32>} : memref<8192xf32, #tpu.memory_space<vmem>>, vector<16xf32>,
      %add3A_372 = arith.addf %get3A_371, %while3A_276#8 : vector<16xf32>
      %swap3A_373 = arith.index_cast %add3A_369 : i32 to index
      %swap3A_374 = tpu.vector_load %arg9[%swap3A_373] {strides = array<i32>} : memref<8192xf32, #tpu.memory_space<vmem>>, vector<16xf32>,
      tpu.vector_store %arg9[%swap3A_373], %add3A_372 {strides = array<i32>} : memref<8192xf32, #tpu.memory_space<vmem>>, vector<16xf32>,
      %mul3A_375 = arith.constant 1024 : i32
      %mul3A_376 = arith.muli %while3A_174, %mul3A_375 : i32
      %add3A_377 = arith.constant 0 : i32
      %add3A_378 = arith.addi %mul3A_376, %add3A_377 : i32
      %add3A_379 = arith.constant 144 : i32
      %add3A_380 = arith.addi %add3A_378, %add3A_379 : i32
      %get3A_381 = arith.index_cast %add3A_380 : i32 to index
      %get3A_382 = tpu.vector_load %arg9[%get3A_381] {strides = array<i32>} : memref<8192xf32, #tpu.memory_space<vmem>>, vector<16xf32>,
      %add3A_383 = arith.addf %get3A_382, %while3A_276#9 : vector<16xf32>
      %swap3A_384 = arith.index_cast %add3A_380 : i32 to index
      %swap3A_385 = tpu.vector_load %arg9[%swap3A_384] {strides = array<i32>} : memref<8192xf32, #tpu.memory_space<vmem>>, vector<16xf32>,
      tpu.vector_store %arg9[%swap3A_384], %add3A_383 {strides = array<i32>} : memref<8192xf32, #tpu.memory_space<vmem>>, vector<16xf32>,
      %mul3A_386 = arith.constant 1024 : i32
      %mul3A_387 = arith.muli %while3A_174, %mul3A_386 : i32
      %add3A_388 = arith.constant 0 : i32
      %add3A_389 = arith.addi %mul3A_387, %add3A_388 : i32
      %add3A_390 = arith.constant 160 : i32
      %add3A_391 = arith.addi %add3A_389, %add3A_390 : i32
      %get3A_392 = arith.index_cast %add3A_391 : i32 to index
      %get3A_393 = tpu.vector_load %arg9[%get3A_392] {strides = array<i32>} : memref<8192xf32, #tpu.memory_space<vmem>>, vector<16xf32>,
      %add3A_394 = arith.addf %get3A_393, %while3A_276#10 : vector<16xf32>
      %swap3A_395 = arith.index_cast %add3A_391 : i32 to index
      %swap3A_396 = tpu.vector_load %arg9[%swap3A_395] {strides = array<i32>} : memref<8192xf32, #tpu.memory_space<vmem>>, vector<16xf32>,
      tpu.vector_store %arg9[%swap3A_395], %add3A_394 {strides = array<i32>} : memref<8192xf32, #tpu.memory_space<vmem>>, vector<16xf32>,
      %mul3A_397 = arith.constant 1024 : i32
      %mul3A_398 = arith.muli %while3A_174, %mul3A_397 : i32
      %add3A_399 = arith.constant 0 : i32
      %add3A_400 = arith.addi %mul3A_398, %add3A_399 : i32
      %add3A_401 = arith.constant 176 : i32
      %add3A_402 = arith.addi %add3A_400, %add3A_401 : i32
      %get3A_403 = arith.index_cast %add3A_402 : i32 to index
      %get3A_404 = tpu.vector_load %arg9[%get3A_403] {strides = array<i32>} : memref<8192xf32, #tpu.memory_space<vmem>>, vector<16xf32>,
      %add3A_405 = arith.addf %get3A_404, %while3A_276#11 : vector<16xf32>
      %swap3A_406 = arith.index_cast %add3A_402 : i32 to index
      %swap3A_407 = tpu.vector_load %arg9[%swap3A_406] {strides = array<i32>} : memref<8192xf32, #tpu.memory_space<vmem>>, vector<16xf32>,
      tpu.vector_store %arg9[%swap3A_406], %add3A_405 {strides = array<i32>} : memref<8192xf32, #tpu.memory_space<vmem>>, vector<16xf32>,
      %mul3A_408 = arith.constant 1024 : i32
      %mul3A_409 = arith.muli %while3A_174, %mul3A_408 : i32
      %add3A_410 = arith.constant 0 : i32
      %add3A_411 = arith.addi %mul3A_409, %add3A_410 : i32
      %add3A_412 = arith.constant 192 : i32
      %add3A_413 = arith.addi %add3A_411, %add3A_412 : i32
      %get3A_414 = arith.index_cast %add3A_413 : i32 to index
      %get3A_415 = tpu.vector_load %arg9[%get3A_414] {strides = array<i32>} : memref<8192xf32, #tpu.memory_space<vmem>>, vector<16xf32>,
      %add3A_416 = arith.addf %get3A_415, %while3A_276#12 : vector<16xf32>
      %swap3A_417 = arith.index_cast %add3A_413 : i32 to index
      %swap3A_418 = tpu.vector_load %arg9[%swap3A_417] {strides = array<i32>} : memref<8192xf32, #tpu.memory_space<vmem>>, vector<16xf32>,
      tpu.vector_store %arg9[%swap3A_417], %add3A_416 {strides = array<i32>} : memref<8192xf32, #tpu.memory_space<vmem>>, vector<16xf32>,
      %mul3A_419 = arith.constant 1024 : i32
      %mul3A_420 = arith.muli %while3A_174, %mul3A_419 : i32
      %add3A_421 = arith.constant 0 : i32
      %add3A_422 = arith.addi %mul3A_420, %add3A_421 : i32
      %add3A_423 = arith.constant 208 : i32
      %add3A_424 = arith.addi %add3A_422, %add3A_423 : i32
      %get3A_425 = arith.index_cast %add3A_424 : i32 to index
      %get3A_426 = tpu.vector_load %arg9[%get3A_425] {strides = array<i32>} : memref<8192xf32, #tpu.memory_space<vmem>>, vector<16xf32>,
      %add3A_427 = arith.addf %get3A_426, %while3A_276#13 : vector<16xf32>
      %swap3A_428 = arith.index_cast %add3A_424 : i32 to index
      %swap3A_429 = tpu.vector_load %arg9[%swap3A_428] {strides = array<i32>} : memref<8192xf32, #tpu.memory_space<vmem>>, vector<16xf32>,
      tpu.vector_store %arg9[%swap3A_428], %add3A_427 {strides = array<i32>} : memref<8192xf32, #tpu.memory_space<vmem>>, vector<16xf32>,
      %mul3A_430 = arith.constant 1024 : i32
      %mul3A_431 = arith.muli %while3A_174, %mul3A_430 : i32
      %add3A_432 = arith.constant 0 : i32
      %add3A_433 = arith.addi %mul3A_431, %add3A_432 : i32
      %add3A_434 = arith.constant 224 : i32
      %add3A_435 = arith.addi %add3A_433, %add3A_434 : i32
      %get3A_436 = arith.index_cast %add3A_435 : i32 to index
      %get3A_437 = tpu.vector_load %arg9[%get3A_436] {strides = array<i32>} : memref<8192xf32, #tpu.memory_space<vmem>>, vector<16xf32>,
      %add3A_438 = arith.addf %get3A_437, %while3A_276#14 : vector<16xf32>
      %swap3A_439 = arith.index_cast %add3A_435 : i32 to index
      %swap3A_440 = tpu.vector_load %arg9[%swap3A_439] {strides = array<i32>} : memref<8192xf32, #tpu.memory_space<vmem>>, vector<16xf32>,
      tpu.vector_store %arg9[%swap3A_439], %add3A_438 {strides = array<i32>} : memref<8192xf32, #tpu.memory_space<vmem>>, vector<16xf32>,
      %mul3A_441 = arith.constant 1024 : i32
      %mul3A_442 = arith.muli %while3A_174, %mul3A_441 : i32
      %add3A_443 = arith.constant 0 : i32
      %add3A_444 = arith.addi %mul3A_442, %add3A_443 : i32
      %add3A_445 = arith.constant 240 : i32
      %add3A_446 = arith.addi %add3A_444, %add3A_445 : i32
      %get3A_447 = arith.index_cast %add3A_446 : i32 to index
      %get3A_448 = tpu.vector_load %arg9[%get3A_447] {strides = array<i32>} : memref<8192xf32, #tpu.memory_space<vmem>>, vector<16xf32>,
      %add3A_449 = arith.addf %get3A_448, %while3A_276#15 : vector<16xf32>
      %swap3A_450 = arith.index_cast %add3A_446 : i32 to index
      %swap3A_451 = tpu.vector_load %arg9[%swap3A_450] {strides = array<i32>} : memref<8192xf32, #tpu.memory_space<vmem>>, vector<16xf32>,
      tpu.vector_store %arg9[%swap3A_450], %add3A_449 {strides = array<i32>} : memref<8192xf32, #tpu.memory_space<vmem>>, vector<16xf32>,
      %mul3A_452 = arith.constant 1024 : i32
      %mul3A_453 = arith.muli %while3A_174, %mul3A_452 : i32
      %add3A_454 = arith.constant 0 : i32
      %add3A_455 = arith.addi %mul3A_453, %add3A_454 : i32
      %add3A_456 = arith.constant 256 : i32
      %add3A_457 = arith.addi %add3A_455, %add3A_456 : i32
      %get3A_458 = arith.index_cast %add3A_457 : i32 to index
      %get3A_459 = tpu.vector_load %arg9[%get3A_458] {strides = array<i32>} : memref<8192xf32, #tpu.memory_space<vmem>>, vector<16xf32>,
      %add3A_460 = arith.addf %get3A_459, %while3A_276#16 : vector<16xf32>
      %swap3A_461 = arith.index_cast %add3A_457 : i32 to index
      %swap3A_462 = tpu.vector_load %arg9[%swap3A_461] {strides = array<i32>} : memref<8192xf32, #tpu.memory_space<vmem>>, vector<16xf32>,
      tpu.vector_store %arg9[%swap3A_461], %add3A_460 {strides = array<i32>} : memref<8192xf32, #tpu.memory_space<vmem>>, vector<16xf32>,
      %mul3A_463 = arith.constant 1024 : i32
      %mul3A_464 = arith.muli %while3A_174, %mul3A_463 : i32
      %add3A_465 = arith.constant 0 : i32
      %add3A_466 = arith.addi %mul3A_464, %add3A_465 : i32
      %add3A_467 = arith.constant 272 : i32
      %add3A_468 = arith.addi %add3A_466, %add3A_467 : i32
      %get3A_469 = arith.index_cast %add3A_468 : i32 to index
      %get3A_470 = tpu.vector_load %arg9[%get3A_469] {strides = array<i32>} : memref<8192xf32, #tpu.memory_space<vmem>>, vector<16xf32>,
      %add3A_471 = arith.addf %get3A_470, %while3A_276#17 : vector<16xf32>
      %swap3A_472 = arith.index_cast %add3A_468 : i32 to index
      %swap3A_473 = tpu.vector_load %arg9[%swap3A_472] {strides = array<i32>} : memref<8192xf32, #tpu.memory_space<vmem>>, vector<16xf32>,
      tpu.vector_store %arg9[%swap3A_472], %add3A_471 {strides = array<i32>} : memref<8192xf32, #tpu.memory_space<vmem>>, vector<16xf32>,
      %mul3A_474 = arith.constant 1024 : i32
      %mul3A_475 = arith.muli %while3A_174, %mul3A_474 : i32
      %add3A_476 = arith.constant 0 : i32
      %add3A_477 = arith.addi %mul3A_475, %add3A_476 : i32
      %add3A_478 = arith.constant 288 : i32
      %add3A_479 = arith.addi %add3A_477, %add3A_478 : i32
      %get3A_480 = arith.index_cast %add3A_479 : i32 to index
      %get3A_481 = tpu.vector_load %arg9[%get3A_480] {strides = array<i32>} : memref<8192xf32, #tpu.memory_space<vmem>>, vector<16xf32>,
      %add3A_482 = arith.addf %get3A_481, %while3A_276#18 : vector<16xf32>
      %swap3A_483 = arith.index_cast %add3A_479 : i32 to index
      %swap3A_484 = tpu.vector_load %arg9[%swap3A_483] {strides = array<i32>} : memref<8192xf32, #tpu.memory_space<vmem>>, vector<16xf32>,
      tpu.vector_store %arg9[%swap3A_483], %add3A_482 {strides = array<i32>} : memref<8192xf32, #tpu.memory_space<vmem>>, vector<16xf32>,
      %mul3A_485 = arith.constant 1024 : i32
      %mul3A_486 = arith.muli %while3A_174, %mul3A_485 : i32
      %add3A_487 = arith.constant 0 : i32
      %add3A_488 = arith.addi %mul3A_486, %add3A_487 : i32
      %add3A_489 = arith.constant 304 : i32
      %add3A_490 = arith.addi %add3A_488, %add3A_489 : i32
      %get3A_491 = arith.index_cast %add3A_490 : i32 to index
      %get3A_492 = tpu.vector_load %arg9[%get3A_491] {strides = array<i32>} : memref<8192xf32, #tpu.memory_space<vmem>>, vector<16xf32>,
      %add3A_493 = arith.addf %get3A_492, %while3A_276#19 : vector<16xf32>
      %swap3A_494 = arith.index_cast %add3A_490 : i32 to index
      %swap3A_495 = tpu.vector_load %arg9[%swap3A_494] {strides = array<i32>} : memref<8192xf32, #tpu.memory_space<vmem>>, vector<16xf32>,
      tpu.vector_store %arg9[%swap3A_494], %add3A_493 {strides = array<i32>} : memref<8192xf32, #tpu.memory_space<vmem>>, vector<16xf32>,
      %mul3A_496 = arith.constant 1024 : i32
      %mul3A_497 = arith.muli %while3A_174, %mul3A_496 : i32
      %add3A_498 = arith.constant 0 : i32
      %add3A_499 = arith.addi %mul3A_497, %add3A_498 : i32
      %add3A_500 = arith.constant 320 : i32
      %add3A_501 = arith.addi %add3A_499, %add3A_500 : i32
      %get3A_502 = arith.index_cast %add3A_501 : i32 to index
      %get3A_503 = tpu.vector_load %arg9[%get3A_502] {strides = array<i32>} : memref<8192xf32, #tpu.memory_space<vmem>>, vector<16xf32>,
      %add3A_504 = arith.addf %get3A_503, %while3A_276#20 : vector<16xf32>
      %swap3A_505 = arith.index_cast %add3A_501 : i32 to index
      %swap3A_506 = tpu.vector_load %arg9[%swap3A_505] {strides = array<i32>} : memref<8192xf32, #tpu.memory_space<vmem>>, vector<16xf32>,
      tpu.vector_store %arg9[%swap3A_505], %add3A_504 {strides = array<i32>} : memref<8192xf32, #tpu.memory_space<vmem>>, vector<16xf32>,
      %mul3A_507 = arith.constant 1024 : i32
      %mul3A_508 = arith.muli %while3A_174, %mul3A_507 : i32
      %add3A_509 = arith.constant 0 : i32
      %add3A_510 = arith.addi %mul3A_508, %add3A_509 : i32
      %add3A_511 = arith.constant 336 : i32
      %add3A_512 = arith.addi %add3A_510, %add3A_511 : i32
      %get3A_513 = arith.index_cast %add3A_512 : i32 to index
      %get3A_514 = tpu.vector_load %arg9[%get3A_513] {strides = array<i32>} : memref<8192xf32, #tpu.memory_space<vmem>>, vector<16xf32>,
      %add3A_515 = arith.addf %get3A_514, %while3A_276#21 : vector<16xf32>
      %swap3A_516 = arith.index_cast %add3A_512 : i32 to index
      %swap3A_517 = tpu.vector_load %arg9[%swap3A_516] {strides = array<i32>} : memref<8192xf32, #tpu.memory_space<vmem>>, vector<16xf32>,
      tpu.vector_store %arg9[%swap3A_516], %add3A_515 {strides = array<i32>} : memref<8192xf32, #tpu.memory_space<vmem>>, vector<16xf32>,
      %mul3A_518 = arith.constant 1024 : i32
      %mul3A_519 = arith.muli %while3A_174, %mul3A_518 : i32
      %add3A_520 = arith.constant 0 : i32
      %add3A_521 = arith.addi %mul3A_519, %add3A_520 : i32
      %add3A_522 = arith.constant 352 : i32
      %add3A_523 = arith.addi %add3A_521, %add3A_522 : i32
      %get3A_524 = arith.index_cast %add3A_523 : i32 to index
      %get3A_525 = tpu.vector_load %arg9[%get3A_524] {strides = array<i32>} : memref<8192xf32, #tpu.memory_space<vmem>>, vector<16xf32>,
      %add3A_526 = arith.addf %get3A_525, %while3A_276#22 : vector<16xf32>
      %swap3A_527 = arith.index_cast %add3A_523 : i32 to index
      %swap3A_528 = tpu.vector_load %arg9[%swap3A_527] {strides = array<i32>} : memref<8192xf32, #tpu.memory_space<vmem>>, vector<16xf32>,
      tpu.vector_store %arg9[%swap3A_527], %add3A_526 {strides = array<i32>} : memref<8192xf32, #tpu.memory_space<vmem>>, vector<16xf32>,
      %mul3A_529 = arith.constant 1024 : i32
      %mul3A_530 = arith.muli %while3A_174, %mul3A_529 : i32
      %add3A_531 = arith.constant 0 : i32
      %add3A_532 = arith.addi %mul3A_530, %add3A_531 : i32
      %add3A_533 = arith.constant 368 : i32
      %add3A_534 = arith.addi %add3A_532, %add3A_533 : i32
      %get3A_535 = arith.index_cast %add3A_534 : i32 to index
      %get3A_536 = tpu.vector_load %arg9[%get3A_535] {strides = array<i32>} : memref<8192xf32, #tpu.memory_space<vmem>>, vector<16xf32>,
      %add3A_537 = arith.addf %get3A_536, %while3A_276#23 : vector<16xf32>
      %swap3A_538 = arith.index_cast %add3A_534 : i32 to index
      %swap3A_539 = tpu.vector_load %arg9[%swap3A_538] {strides = array<i32>} : memref<8192xf32, #tpu.memory_space<vmem>>, vector<16xf32>,
      tpu.vector_store %arg9[%swap3A_538], %add3A_537 {strides = array<i32>} : memref<8192xf32, #tpu.memory_space<vmem>>, vector<16xf32>,
      %mul3A_540 = arith.constant 1024 : i32
      %mul3A_541 = arith.muli %while3A_174, %mul3A_540 : i32
      %add3A_542 = arith.constant 0 : i32
      %add3A_543 = arith.addi %mul3A_541, %add3A_542 : i32
      %add3A_544 = arith.constant 384 : i32
      %add3A_545 = arith.addi %add3A_543, %add3A_544 : i32
      %get3A_546 = arith.index_cast %add3A_545 : i32 to index
      %get3A_547 = tpu.vector_load %arg9[%get3A_546] {strides = array<i32>} : memref<8192xf32, #tpu.memory_space<vmem>>, vector<16xf32>,
      %add3A_548 = arith.addf %get3A_547, %while3A_276#24 : vector<16xf32>
      %swap3A_549 = arith.index_cast %add3A_545 : i32 to index
      %swap3A_550 = tpu.vector_load %arg9[%swap3A_549] {strides = array<i32>} : memref<8192xf32, #tpu.memory_space<vmem>>, vector<16xf32>,
      tpu.vector_store %arg9[%swap3A_549], %add3A_548 {strides = array<i32>} : memref<8192xf32, #tpu.memory_space<vmem>>, vector<16xf32>,
      %mul3A_551 = arith.constant 1024 : i32
      %mul3A_552 = arith.muli %while3A_174, %mul3A_551 : i32
      %add3A_553 = arith.constant 0 : i32
      %add3A_554 = arith.addi %mul3A_552, %add3A_553 : i32
      %add3A_555 = arith.constant 400 : i32
      %add3A_556 = arith.addi %add3A_554, %add3A_555 : i32
      %get3A_557 = arith.index_cast %add3A_556 : i32 to index
      %get3A_558 = tpu.vector_load %arg9[%get3A_557] {strides = array<i32>} : memref<8192xf32, #tpu.memory_space<vmem>>, vector<16xf32>,
      %add3A_559 = arith.addf %get3A_558, %while3A_276#25 : vector<16xf32>
      %swap3A_560 = arith.index_cast %add3A_556 : i32 to index
      %swap3A_561 = tpu.vector_load %arg9[%swap3A_560] {strides = array<i32>} : memref<8192xf32, #tpu.memory_space<vmem>>, vector<16xf32>,
      tpu.vector_store %arg9[%swap3A_560], %add3A_559 {strides = array<i32>} : memref<8192xf32, #tpu.memory_space<vmem>>, vector<16xf32>,
      %mul3A_562 = arith.constant 1024 : i32
      %mul3A_563 = arith.muli %while3A_174, %mul3A_562 : i32
      %add3A_564 = arith.constant 0 : i32
      %add3A_565 = arith.addi %mul3A_563, %add3A_564 : i32
      %add3A_566 = arith.constant 416 : i32
      %add3A_567 = arith.addi %add3A_565, %add3A_566 : i32
      %get3A_568 = arith.index_cast %add3A_567 : i32 to index
      %get3A_569 = tpu.vector_load %arg9[%get3A_568] {strides = array<i32>} : memref<8192xf32, #tpu.memory_space<vmem>>, vector<16xf32>,
      %add3A_570 = arith.addf %get3A_569, %while3A_276#26 : vector<16xf32>
      %swap3A_571 = arith.index_cast %add3A_567 : i32 to index
      %swap3A_572 = tpu.vector_load %arg9[%swap3A_571] {strides = array<i32>} : memref<8192xf32, #tpu.memory_space<vmem>>, vector<16xf32>,
      tpu.vector_store %arg9[%swap3A_571], %add3A_570 {strides = array<i32>} : memref<8192xf32, #tpu.memory_space<vmem>>, vector<16xf32>,
      %mul3A_573 = arith.constant 1024 : i32
      %mul3A_574 = arith.muli %while3A_174, %mul3A_573 : i32
      %add3A_575 = arith.constant 0 : i32
      %add3A_576 = arith.addi %mul3A_574, %add3A_575 : i32
      %add3A_577 = arith.constant 432 : i32
      %add3A_578 = arith.addi %add3A_576, %add3A_577 : i32
      %get3A_579 = arith.index_cast %add3A_578 : i32 to index
      %get3A_580 = tpu.vector_load %arg9[%get3A_579] {strides = array<i32>} : memref<8192xf32, #tpu.memory_space<vmem>>, vector<16xf32>,
      %add3A_581 = arith.addf %get3A_580, %while3A_276#27 : vector<16xf32>
      %swap3A_582 = arith.index_cast %add3A_578 : i32 to index
      %swap3A_583 = tpu.vector_load %arg9[%swap3A_582] {strides = array<i32>} : memref<8192xf32, #tpu.memory_space<vmem>>, vector<16xf32>,
      tpu.vector_store %arg9[%swap3A_582], %add3A_581 {strides = array<i32>} : memref<8192xf32, #tpu.memory_space<vmem>>, vector<16xf32>,
      %mul3A_584 = arith.constant 1024 : i32
      %mul3A_585 = arith.muli %while3A_174, %mul3A_584 : i32
      %add3A_586 = arith.constant 0 : i32
      %add3A_587 = arith.addi %mul3A_585, %add3A_586 : i32
      %add3A_588 = arith.constant 448 : i32
      %add3A_589 = arith.addi %add3A_587, %add3A_588 : i32
      %get3A_590 = arith.index_cast %add3A_589 : i32 to index
      %get3A_591 = tpu.vector_load %arg9[%get3A_590] {strides = array<i32>} : memref<8192xf32, #tpu.memory_space<vmem>>, vector<16xf32>,
      %add3A_592 = arith.addf %get3A_591, %while3A_276#28 : vector<16xf32>
      %swap3A_593 = arith.index_cast %add3A_589 : i32 to index
      %swap3A_594 = tpu.vector_load %arg9[%swap3A_593] {strides = array<i32>} : memref<8192xf32, #tpu.memory_space<vmem>>, vector<16xf32>,
      tpu.vector_store %arg9[%swap3A_593], %add3A_592 {strides = array<i32>} : memref<8192xf32, #tpu.memory_space<vmem>>, vector<16xf32>,
      %mul3A_595 = arith.constant 1024 : i32
      %mul3A_596 = arith.muli %while3A_174, %mul3A_595 : i32
      %add3A_597 = arith.constant 0 : i32
      %add3A_598 = arith.addi %mul3A_596, %add3A_597 : i32
      %add3A_599 = arith.constant 464 : i32
      %add3A_600 = arith.addi %add3A_598, %add3A_599 : i32
      %get3A_601 = arith.index_cast %add3A_600 : i32 to index
      %get3A_602 = tpu.vector_load %arg9[%get3A_601] {strides = array<i32>} : memref<8192xf32, #tpu.memory_space<vmem>>, vector<16xf32>,
      %add3A_603 = arith.addf %get3A_602, %while3A_276#29 : vector<16xf32>
      %swap3A_604 = arith.index_cast %add3A_600 : i32 to index
      %swap3A_605 = tpu.vector_load %arg9[%swap3A_604] {strides = array<i32>} : memref<8192xf32, #tpu.memory_space<vmem>>, vector<16xf32>,
      tpu.vector_store %arg9[%swap3A_604], %add3A_603 {strides = array<i32>} : memref<8192xf32, #tpu.memory_space<vmem>>, vector<16xf32>,
      %mul3A_606 = arith.constant 1024 : i32
      %mul3A_607 = arith.muli %while3A_174, %mul3A_606 : i32
      %add3A_608 = arith.constant 0 : i32
      %add3A_609 = arith.addi %mul3A_607, %add3A_608 : i32
      %add3A_610 = arith.constant 480 : i32
      %add3A_611 = arith.addi %add3A_609, %add3A_610 : i32
      %get3A_612 = arith.index_cast %add3A_611 : i32 to index
      %get3A_613 = tpu.vector_load %arg9[%get3A_612] {strides = array<i32>} : memref<8192xf32, #tpu.memory_space<vmem>>, vector<16xf32>,
      %add3A_614 = arith.addf %get3A_613, %while3A_276#30 : vector<16xf32>
      %swap3A_615 = arith.index_cast %add3A_611 : i32 to index
      %swap3A_616 = tpu.vector_load %arg9[%swap3A_615] {strides = array<i32>} : memref<8192xf32, #tpu.memory_space<vmem>>, vector<16xf32>,
      tpu.vector_store %arg9[%swap3A_615], %add3A_614 {strides = array<i32>} : memref<8192xf32, #tpu.memory_space<vmem>>, vector<16xf32>,
      %mul3A_617 = arith.constant 1024 : i32
      %mul3A_618 = arith.muli %while3A_174, %mul3A_617 : i32
      %add3A_619 = arith.constant 0 : i32
      %add3A_620 = arith.addi %mul3A_618, %add3A_619 : i32
      %add3A_621 = arith.constant 496 : i32
      %add3A_622 = arith.addi %add3A_620, %add3A_621 : i32
      %get3A_623 = arith.index_cast %add3A_622 : i32 to index
      %get3A_624 = tpu.vector_load %arg9[%get3A_623] {strides = array<i32>} : memref<8192xf32, #tpu.memory_space<vmem>>, vector<16xf32>,
      %add3A_625 = arith.addf %get3A_624, %while3A_276#31 : vector<16xf32>
      %swap3A_626 = arith.index_cast %add3A_622 : i32 to index
      %swap3A_627 = tpu.vector_load %arg9[%swap3A_626] {strides = array<i32>} : memref<8192xf32, #tpu.memory_space<vmem>>, vector<16xf32>,
      tpu.vector_store %arg9[%swap3A_626], %add3A_625 {strides = array<i32>} : memref<8192xf32, #tpu.memory_space<vmem>>, vector<16xf32>,
      %broadcast_in_dim3A_628 = arith.constant 0.000000e+00 : f32
      %broadcast_in_dim3A_629 = vector.broadcast %broadcast_in_dim3A_628 : f32 to vector<16xf32>
      %broadcast_in_dim3A_630 = arith.constant 0.000000e+00 : f32
      %broadcast_in_dim3A_631 = vector.broadcast %broadcast_in_dim3A_630 : f32 to vector<16xf32>
      %broadcast_in_dim3A_632 = arith.constant 0.000000e+00 : f32
      %broadcast_in_dim3A_633 = vector.broadcast %broadcast_in_dim3A_632 : f32 to vector<16xf32>
      %broadcast_in_dim3A_634 = arith.constant 0.000000e+00 : f32
      %broadcast_in_dim3A_635 = vector.broadcast %broadcast_in_dim3A_634 : f32 to vector<16xf32>
      %broadcast_in_dim3A_636 = arith.constant 0.000000e+00 : f32
      %broadcast_in_dim3A_637 = vector.broadcast %broadcast_in_dim3A_636 : f32 to vector<16xf32>
      %broadcast_in_dim3A_638 = arith.constant 0.000000e+00 : f32
      %broadcast_in_dim3A_639 = vector.broadcast %broadcast_in_dim3A_638 : f32 to vector<16xf32>
      %broadcast_in_dim3A_640 = arith.constant 0.000000e+00 : f32
      %broadcast_in_dim3A_641 = vector.broadcast %broadcast_in_dim3A_640 : f32 to vector<16xf32>
      %broadcast_in_dim3A_642 = arith.constant 0.000000e+00 : f32
      %broadcast_in_dim3A_643 = vector.broadcast %broadcast_in_dim3A_642 : f32 to vector<16xf32>
      %broadcast_in_dim3A_644 = arith.constant 0.000000e+00 : f32
      %broadcast_in_dim3A_645 = vector.broadcast %broadcast_in_dim3A_644 : f32 to vector<16xf32>
      %broadcast_in_dim3A_646 = arith.constant 0.000000e+00 : f32
      %broadcast_in_dim3A_647 = vector.broadcast %broadcast_in_dim3A_646 : f32 to vector<16xf32>
      %broadcast_in_dim3A_648 = arith.constant 0.000000e+00 : f32
      %broadcast_in_dim3A_649 = vector.broadcast %broadcast_in_dim3A_648 : f32 to vector<16xf32>
      %broadcast_in_dim3A_650 = arith.constant 0.000000e+00 : f32
      %broadcast_in_dim3A_651 = vector.broadcast %broadcast_in_dim3A_650 : f32 to vector<16xf32>
      %broadcast_in_dim3A_652 = arith.constant 0.000000e+00 : f32
      %broadcast_in_dim3A_653 = vector.broadcast %broadcast_in_dim3A_652 : f32 to vector<16xf32>
      %broadcast_in_dim3A_654 = arith.constant 0.000000e+00 : f32
      %broadcast_in_dim3A_655 = vector.broadcast %broadcast_in_dim3A_654 : f32 to vector<16xf32>
      %broadcast_in_dim3A_656 = arith.constant 0.000000e+00 : f32
      %broadcast_in_dim3A_657 = vector.broadcast %broadcast_in_dim3A_656 : f32 to vector<16xf32>
      %broadcast_in_dim3A_658 = arith.constant 0.000000e+00 : f32
      %broadcast_in_dim3A_659 = vector.broadcast %broadcast_in_dim3A_658 : f32 to vector<16xf32>
      %broadcast_in_dim3A_660 = arith.constant 0.000000e+00 : f32
      %broadcast_in_dim3A_661 = vector.broadcast %broadcast_in_dim3A_660 : f32 to vector<16xf32>
      %broadcast_in_dim3A_662 = arith.constant 0.000000e+00 : f32
      %broadcast_in_dim3A_663 = vector.broadcast %broadcast_in_dim3A_662 : f32 to vector<16xf32>
      %broadcast_in_dim3A_664 = arith.constant 0.000000e+00 : f32
      %broadcast_in_dim3A_665 = vector.broadcast %broadcast_in_dim3A_664 : f32 to vector<16xf32>
      %broadcast_in_dim3A_666 = arith.constant 0.000000e+00 : f32
      %broadcast_in_dim3A_667 = vector.broadcast %broadcast_in_dim3A_666 : f32 to vector<16xf32>
      %broadcast_in_dim3A_668 = arith.constant 0.000000e+00 : f32
      %broadcast_in_dim3A_669 = vector.broadcast %broadcast_in_dim3A_668 : f32 to vector<16xf32>
      %broadcast_in_dim3A_670 = arith.constant 0.000000e+00 : f32
      %broadcast_in_dim3A_671 = vector.broadcast %broadcast_in_dim3A_670 : f32 to vector<16xf32>
      %broadcast_in_dim3A_672 = arith.constant 0.000000e+00 : f32
      %broadcast_in_dim3A_673 = vector.broadcast %broadcast_in_dim3A_672 : f32 to vector<16xf32>
      %broadcast_in_dim3A_674 = arith.constant 0.000000e+00 : f32
      %broadcast_in_dim3A_675 = vector.broadcast %broadcast_in_dim3A_674 : f32 to vector<16xf32>
      %broadcast_in_dim3A_676 = arith.constant 0.000000e+00 : f32
      %broadcast_in_dim3A_677 = vector.broadcast %broadcast_in_dim3A_676 : f32 to vector<16xf32>
      %broadcast_in_dim3A_678 = arith.constant 0.000000e+00 : f32
      %broadcast_in_dim3A_679 = vector.broadcast %broadcast_in_dim3A_678 : f32 to vector<16xf32>
      %broadcast_in_dim3A_680 = arith.constant 0.000000e+00 : f32
      %broadcast_in_dim3A_681 = vector.broadcast %broadcast_in_dim3A_680 : f32 to vector<16xf32>
      %broadcast_in_dim3A_682 = arith.constant 0.000000e+00 : f32
      %broadcast_in_dim3A_683 = vector.broadcast %broadcast_in_dim3A_682 : f32 to vector<16xf32>
      %broadcast_in_dim3A_684 = arith.constant 0.000000e+00 : f32
      %broadcast_in_dim3A_685 = vector.broadcast %broadcast_in_dim3A_684 : f32 to vector<16xf32>
      %broadcast_in_dim3A_686 = arith.constant 0.000000e+00 : f32
      %broadcast_in_dim3A_687 = vector.broadcast %broadcast_in_dim3A_686 : f32 to vector<16xf32>
      %broadcast_in_dim3A_688 = arith.constant 0.000000e+00 : f32
      %broadcast_in_dim3A_689 = vector.broadcast %broadcast_in_dim3A_688 : f32 to vector<16xf32>
      %broadcast_in_dim3A_690 = arith.constant 0.000000e+00 : f32
      %broadcast_in_dim3A_691 = vector.broadcast %broadcast_in_dim3A_690 : f32 to vector<16xf32>
      %while3A_692 = arith.subi %min3A_202, %min3A : i32
      %while3A_693 = arith.addi %min3A, %while3A_692 : i32
      %while3A_694 = arith.constant 1 : i32
      %while3A_695 = arith.divsi %while3A_692, %while3A_694 : i32
      %while3A_696 = arith.muli %while3A_695, %while3A_694 : i32
      %while3A_697 = arith.addi %min3A, %while3A_696 : i32
      %while3A_698 = arith.constant 1 : i32
      %while3A_699:32 = scf.for %while3A_1055 = %min3A to %while3A_697 step %while3A_698 iter_args(%while3A_1056 = %broadcast_in_dim3A_629, %while3A_1057 = %broadcast_in_dim3A_631, %while3A_1058 = %broadcast_in_dim3A_633, %while3A_1059 = %broadcast_in_dim3A_635, %while3A_1060 = %broadcast_in_dim3A_637, %while3A_1061 = %broadcast_in_dim3A_639, %while3A_1062 = %broadcast_in_dim3A_641, %while3A_1063 = %broadcast_in_dim3A_643, %while3A_1064 = %broadcast_in_dim3A_645, %while3A_1065 = %broadcast_in_dim3A_647, %while3A_1066 = %broadcast_in_dim3A_649, %while3A_1067 = %broadcast_in_dim3A_651, %while3A_1068 = %broadcast_in_dim3A_653, %while3A_1069 = %broadcast_in_dim3A_655, %while3A_1070 = %broadcast_in_dim3A_657, %while3A_1071 = %broadcast_in_dim3A_659, %while3A_1072 = %broadcast_in_dim3A_661, %while3A_1073 = %broadcast_in_dim3A_663, %while3A_1074 = %broadcast_in_dim3A_665, %while3A_1075 = %broadcast_in_dim3A_667, %while3A_1076 = %broadcast_in_dim3A_669, %while3A_1077 = %broadcast_in_dim3A_671, %while3A_1078 = %broadcast_in_dim3A_673, %while3A_1079 = %broadcast_in_dim3A_675, %while3A_1080 = %broadcast_in_dim3A_677, %while3A_1081 = %broadcast_in_dim3A_679, %while3A_1082 = %broadcast_in_dim3A_681, %while3A_1083 = %broadcast_in_dim3A_683, %while3A_1084 = %broadcast_in_dim3A_685, %while3A_1085 = %broadcast_in_dim3A_687, %while3A_1086 = %broadcast_in_dim3A_689, %while3A_1087 = %broadcast_in_dim3A_691) -> (vector<16xf32>, vector<16xf32>, vector<16xf32>, vector<16xf32>, vector<16xf32>, vector<16xf32>, vector<16xf32>, vector<16xf32>, vector<16xf32>, vector<16xf32>, vector<16xf32>, vector<16xf32>, vector<16xf32>, vector<16xf32>, vector<16xf32>, vector<16xf32>, vector<16xf32>, vector<16xf32>, vector<16xf32>, vector<16xf32>, vector<16xf32>, vector<16xf32>, vector<16xf32>, vector<16xf32>, vector<16xf32>, vector<16xf32>, vector<16xf32>, vector<16xf32>, vector<16xf32>, vector<16xf32>, vector<16xf32>, vector<16xf32>)  : i32 {
        %get3A_1088 = arith.index_cast %while3A_1055 : i32 to index
        %get3A_1089 = arith.constant 512 : index
        %get3A_1090 = tpu.vector_load %arg7[%get3A_1088, %get3A_1089] {strides = array<i32>} : memref<64x1024xf32, #tpu.memory_space<vmem>>, vector<16xf32>,
        %add3A_1091 = arith.addf %while3A_1056, %get3A_1090 : vector<16xf32>
        %get3A_1092 = arith.index_cast %while3A_1055 : i32 to index
        %get3A_1093 = arith.constant 528 : index
        %get3A_1094 = tpu.vector_load %arg7[%get3A_1092, %get3A_1093] {strides = array<i32>} : memref<64x1024xf32, #tpu.memory_space<vmem>>, vector<16xf32>,
        %add3A_1095 = arith.addf %while3A_1057, %get3A_1094 : vector<16xf32>
        %get3A_1096 = arith.index_cast %while3A_1055 : i32 to index
        %get3A_1097 = arith.constant 544 : index
        %get3A_1098 = tpu.vector_load %arg7[%get3A_1096, %get3A_1097] {strides = array<i32>} : memref<64x1024xf32, #tpu.memory_space<vmem>>, vector<16xf32>,
        %add3A_1099 = arith.addf %while3A_1058, %get3A_1098 : vector<16xf32>
        %get3A_1100 = arith.index_cast %while3A_1055 : i32 to index
        %get3A_1101 = arith.constant 560 : index
        %get3A_1102 = tpu.vector_load %arg7[%get3A_1100, %get3A_1101] {strides = array<i32>} : memref<64x1024xf32, #tpu.memory_space<vmem>>, vector<16xf32>,
        %add3A_1103 = arith.addf %while3A_1059, %get3A_1102 : vector<16xf32>
        %get3A_1104 = arith.index_cast %while3A_1055 : i32 to index
        %get3A_1105 = arith.constant 576 : index
        %get3A_1106 = tpu.vector_load %arg7[%get3A_1104, %get3A_1105] {strides = array<i32>} : memref<64x1024xf32, #tpu.memory_space<vmem>>, vector<16xf32>,
        %add3A_1107 = arith.addf %while3A_1060, %get3A_1106 : vector<16xf32>
        %get3A_1108 = arith.index_cast %while3A_1055 : i32 to index
        %get3A_1109 = arith.constant 592 : index
        %get3A_1110 = tpu.vector_load %arg7[%get3A_1108, %get3A_1109] {strides = array<i32>} : memref<64x1024xf32, #tpu.memory_space<vmem>>, vector<16xf32>,
        %add3A_1111 = arith.addf %while3A_1061, %get3A_1110 : vector<16xf32>
        %get3A_1112 = arith.index_cast %while3A_1055 : i32 to index
        %get3A_1113 = arith.constant 608 : index
        %get3A_1114 = tpu.vector_load %arg7[%get3A_1112, %get3A_1113] {strides = array<i32>} : memref<64x1024xf32, #tpu.memory_space<vmem>>, vector<16xf32>,
        %add3A_1115 = arith.addf %while3A_1062, %get3A_1114 : vector<16xf32>
        %get3A_1116 = arith.index_cast %while3A_1055 : i32 to index
        %get3A_1117 = arith.constant 624 : index
        %get3A_1118 = tpu.vector_load %arg7[%get3A_1116, %get3A_1117] {strides = array<i32>} : memref<64x1024xf32, #tpu.memory_space<vmem>>, vector<16xf32>,
        %add3A_1119 = arith.addf %while3A_1063, %get3A_1118 : vector<16xf32>
        %get3A_1120 = arith.index_cast %while3A_1055 : i32 to index
        %get3A_1121 = arith.constant 640 : index
        %get3A_1122 = tpu.vector_load %arg7[%get3A_1120, %get3A_1121] {strides = array<i32>} : memref<64x1024xf32, #tpu.memory_space<vmem>>, vector<16xf32>,
        %add3A_1123 = arith.addf %while3A_1064, %get3A_1122 : vector<16xf32>
        %get3A_1124 = arith.index_cast %while3A_1055 : i32 to index
        %get3A_1125 = arith.constant 656 : index
        %get3A_1126 = tpu.vector_load %arg7[%get3A_1124, %get3A_1125] {strides = array<i32>} : memref<64x1024xf32, #tpu.memory_space<vmem>>, vector<16xf32>,
        %add3A_1127 = arith.addf %while3A_1065, %get3A_1126 : vector<16xf32>
        %get3A_1128 = arith.index_cast %while3A_1055 : i32 to index
        %get3A_1129 = arith.constant 672 : index
        %get3A_1130 = tpu.vector_load %arg7[%get3A_1128, %get3A_1129] {strides = array<i32>} : memref<64x1024xf32, #tpu.memory_space<vmem>>, vector<16xf32>,
        %add3A_1131 = arith.addf %while3A_1066, %get3A_1130 : vector<16xf32>
        %get3A_1132 = arith.index_cast %while3A_1055 : i32 to index
        %get3A_1133 = arith.constant 688 : index
        %get3A_1134 = tpu.vector_load %arg7[%get3A_1132, %get3A_1133] {strides = array<i32>} : memref<64x1024xf32, #tpu.memory_space<vmem>>, vector<16xf32>,
        %add3A_1135 = arith.addf %while3A_1067, %get3A_1134 : vector<16xf32>
        %get3A_1136 = arith.index_cast %while3A_1055 : i32 to index
        %get3A_1137 = arith.constant 704 : index
        %get3A_1138 = tpu.vector_load %arg7[%get3A_1136, %get3A_1137] {strides = array<i32>} : memref<64x1024xf32, #tpu.memory_space<vmem>>, vector<16xf32>,
        %add3A_1139 = arith.addf %while3A_1068, %get3A_1138 : vector<16xf32>
        %get3A_1140 = arith.index_cast %while3A_1055 : i32 to index
        %get3A_1141 = arith.constant 720 : index
        %get3A_1142 = tpu.vector_load %arg7[%get3A_1140, %get3A_1141] {strides = array<i32>} : memref<64x1024xf32, #tpu.memory_space<vmem>>, vector<16xf32>,
        %add3A_1143 = arith.addf %while3A_1069, %get3A_1142 : vector<16xf32>
        %get3A_1144 = arith.index_cast %while3A_1055 : i32 to index
        %get3A_1145 = arith.constant 736 : index
        %get3A_1146 = tpu.vector_load %arg7[%get3A_1144, %get3A_1145] {strides = array<i32>} : memref<64x1024xf32, #tpu.memory_space<vmem>>, vector<16xf32>,
        %add3A_1147 = arith.addf %while3A_1070, %get3A_1146 : vector<16xf32>
        %get3A_1148 = arith.index_cast %while3A_1055 : i32 to index
        %get3A_1149 = arith.constant 752 : index
        %get3A_1150 = tpu.vector_load %arg7[%get3A_1148, %get3A_1149] {strides = array<i32>} : memref<64x1024xf32, #tpu.memory_space<vmem>>, vector<16xf32>,
        %add3A_1151 = arith.addf %while3A_1071, %get3A_1150 : vector<16xf32>
        %get3A_1152 = arith.index_cast %while3A_1055 : i32 to index
        %get3A_1153 = arith.constant 768 : index
        %get3A_1154 = tpu.vector_load %arg7[%get3A_1152, %get3A_1153] {strides = array<i32>} : memref<64x1024xf32, #tpu.memory_space<vmem>>, vector<16xf32>,
        %add3A_1155 = arith.addf %while3A_1072, %get3A_1154 : vector<16xf32>
        %get3A_1156 = arith.index_cast %while3A_1055 : i32 to index
        %get3A_1157 = arith.constant 784 : index
        %get3A_1158 = tpu.vector_load %arg7[%get3A_1156, %get3A_1157] {strides = array<i32>} : memref<64x1024xf32, #tpu.memory_space<vmem>>, vector<16xf32>,
        %add3A_1159 = arith.addf %while3A_1073, %get3A_1158 : vector<16xf32>
        %get3A_1160 = arith.index_cast %while3A_1055 : i32 to index
        %get3A_1161 = arith.constant 800 : index
        %get3A_1162 = tpu.vector_load %arg7[%get3A_1160, %get3A_1161] {strides = array<i32>} : memref<64x1024xf32, #tpu.memory_space<vmem>>, vector<16xf32>,
        %add3A_1163 = arith.addf %while3A_1074, %get3A_1162 : vector<16xf32>
        %get3A_1164 = arith.index_cast %while3A_1055 : i32 to index
        %get3A_1165 = arith.constant 816 : index
        %get3A_1166 = tpu.vector_load %arg7[%get3A_1164, %get3A_1165] {strides = array<i32>} : memref<64x1024xf32, #tpu.memory_space<vmem>>, vector<16xf32>,
        %add3A_1167 = arith.addf %while3A_1075, %get3A_1166 : vector<16xf32>
        %get3A_1168 = arith.index_cast %while3A_1055 : i32 to index
        %get3A_1169 = arith.constant 832 : index
        %get3A_1170 = tpu.vector_load %arg7[%get3A_1168, %get3A_1169] {strides = array<i32>} : memref<64x1024xf32, #tpu.memory_space<vmem>>, vector<16xf32>,
        %add3A_1171 = arith.addf %while3A_1076, %get3A_1170 : vector<16xf32>
        %get3A_1172 = arith.index_cast %while3A_1055 : i32 to index
        %get3A_1173 = arith.constant 848 : index
        %get3A_1174 = tpu.vector_load %arg7[%get3A_1172, %get3A_1173] {strides = array<i32>} : memref<64x1024xf32, #tpu.memory_space<vmem>>, vector<16xf32>,
        %add3A_1175 = arith.addf %while3A_1077, %get3A_1174 : vector<16xf32>
        %get3A_1176 = arith.index_cast %while3A_1055 : i32 to index
        %get3A_1177 = arith.constant 864 : index
        %get3A_1178 = tpu.vector_load %arg7[%get3A_1176, %get3A_1177] {strides = array<i32>} : memref<64x1024xf32, #tpu.memory_space<vmem>>, vector<16xf32>,
        %add3A_1179 = arith.addf %while3A_1078, %get3A_1178 : vector<16xf32>
        %get3A_1180 = arith.index_cast %while3A_1055 : i32 to index
        %get3A_1181 = arith.constant 880 : index
        %get3A_1182 = tpu.vector_load %arg7[%get3A_1180, %get3A_1181] {strides = array<i32>} : memref<64x1024xf32, #tpu.memory_space<vmem>>, vector<16xf32>,
        %add3A_1183 = arith.addf %while3A_1079, %get3A_1182 : vector<16xf32>
        %get3A_1184 = arith.index_cast %while3A_1055 : i32 to index
        %get3A_1185 = arith.constant 896 : index
        %get3A_1186 = tpu.vector_load %arg7[%get3A_1184, %get3A_1185] {strides = array<i32>} : memref<64x1024xf32, #tpu.memory_space<vmem>>, vector<16xf32>,
        %add3A_1187 = arith.addf %while3A_1080, %get3A_1186 : vector<16xf32>
        %get3A_1188 = arith.index_cast %while3A_1055 : i32 to index
        %get3A_1189 = arith.constant 912 : index
        %get3A_1190 = tpu.vector_load %arg7[%get3A_1188, %get3A_1189] {strides = array<i32>} : memref<64x1024xf32, #tpu.memory_space<vmem>>, vector<16xf32>,
        %add3A_1191 = arith.addf %while3A_1081, %get3A_1190 : vector<16xf32>
        %get3A_1192 = arith.index_cast %while3A_1055 : i32 to index
        %get3A_1193 = arith.constant 928 : index
        %get3A_1194 = tpu.vector_load %arg7[%get3A_1192, %get3A_1193] {strides = array<i32>} : memref<64x1024xf32, #tpu.memory_space<vmem>>, vector<16xf32>,
        %add3A_1195 = arith.addf %while3A_1082, %get3A_1194 : vector<16xf32>
        %get3A_1196 = arith.index_cast %while3A_1055 : i32 to index
        %get3A_1197 = arith.constant 944 : index
        %get3A_1198 = tpu.vector_load %arg7[%get3A_1196, %get3A_1197] {strides = array<i32>} : memref<64x1024xf32, #tpu.memory_space<vmem>>, vector<16xf32>,
        %add3A_1199 = arith.addf %while3A_1083, %get3A_1198 : vector<16xf32>
        %get3A_1200 = arith.index_cast %while3A_1055 : i32 to index
        %get3A_1201 = arith.constant 960 : index
        %get3A_1202 = tpu.vector_load %arg7[%get3A_1200, %get3A_1201] {strides = array<i32>} : memref<64x1024xf32, #tpu.memory_space<vmem>>, vector<16xf32>,
        %add3A_1203 = arith.addf %while3A_1084, %get3A_1202 : vector<16xf32>
        %get3A_1204 = arith.index_cast %while3A_1055 : i32 to index
        %get3A_1205 = arith.constant 976 : index
        %get3A_1206 = tpu.vector_load %arg7[%get3A_1204, %get3A_1205] {strides = array<i32>} : memref<64x1024xf32, #tpu.memory_space<vmem>>, vector<16xf32>,
        %add3A_1207 = arith.addf %while3A_1085, %get3A_1206 : vector<16xf32>
        %get3A_1208 = arith.index_cast %while3A_1055 : i32 to index
        %get3A_1209 = arith.constant 992 : index
        %get3A_1210 = tpu.vector_load %arg7[%get3A_1208, %get3A_1209] {strides = array<i32>} : memref<64x1024xf32, #tpu.memory_space<vmem>>, vector<16xf32>,
        %add3A_1211 = arith.addf %while3A_1086, %get3A_1210 : vector<16xf32>
        %get3A_1212 = arith.index_cast %while3A_1055 : i32 to index
        %get3A_1213 = arith.constant 1008 : index
        %get3A_1214 = tpu.vector_load %arg7[%get3A_1212, %get3A_1213] {strides = array<i32>} : memref<64x1024xf32, #tpu.memory_space<vmem>>, vector<16xf32>,
        %add3A_1215 = arith.addf %while3A_1087, %get3A_1214 : vector<16xf32>
        scf.yield %add3A_1091, %add3A_1095, %add3A_1099, %add3A_1103, %add3A_1107, %add3A_1111, %add3A_1115, %add3A_1119, %add3A_1123, %add3A_1127, %add3A_1131, %add3A_1135, %add3A_1139, %add3A_1143, %add3A_1147, %add3A_1151, %add3A_1155, %add3A_1159, %add3A_1163, %add3A_1167, %add3A_1171, %add3A_1175, %add3A_1179, %add3A_1183, %add3A_1187, %add3A_1191, %add3A_1195, %add3A_1199, %add3A_1203, %add3A_1207, %add3A_1211, %add3A_1215 : vector<16xf32>, vector<16xf32>, vector<16xf32>, vector<16xf32>, vector<16xf32>, vector<16xf32>, vector<16xf32>, vector<16xf32>, vector<16xf32>, vector<16xf32>, vector<16xf32>, vector<16xf32>, vector<16xf32>, vector<16xf32>, vector<16xf32>, vector<16xf32>, vector<16xf32>, vector<16xf32>, vector<16xf32>, vector<16xf32>, vector<16xf32>, vector<16xf32>, vector<16xf32>, vector<16xf32>, vector<16xf32>, vector<16xf32>, vector<16xf32>, vector<16xf32>, vector<16xf32>, vector<16xf32>, vector<16xf32>, vector<16xf32>
      }
      %while3A_700 = arith.constant 1 : i32
      %while3A_701:32 = scf.for %while3A_1055 = %while3A_697 to %while3A_693 step %while3A_700 iter_args(%while3A_1056 = %while3A_699#0, %while3A_1057 = %while3A_699#1, %while3A_1058 = %while3A_699#2, %while3A_1059 = %while3A_699#3, %while3A_1060 = %while3A_699#4, %while3A_1061 = %while3A_699#5, %while3A_1062 = %while3A_699#6, %while3A_1063 = %while3A_699#7, %while3A_1064 = %while3A_699#8, %while3A_1065 = %while3A_699#9, %while3A_1066 = %while3A_699#10, %while3A_1067 = %while3A_699#11, %while3A_1068 = %while3A_699#12, %while3A_1069 = %while3A_699#13, %while3A_1070 = %while3A_699#14, %while3A_1071 = %while3A_699#15, %while3A_1072 = %while3A_699#16, %while3A_1073 = %while3A_699#17, %while3A_1074 = %while3A_699#18, %while3A_1075 = %while3A_699#19, %while3A_1076 = %while3A_699#20, %while3A_1077 = %while3A_699#21, %while3A_1078 = %while3A_699#22, %while3A_1079 = %while3A_699#23, %while3A_1080 = %while3A_699#24, %while3A_1081 = %while3A_699#25, %while3A_1082 = %while3A_699#26, %while3A_1083 = %while3A_699#27, %while3A_1084 = %while3A_699#28, %while3A_1085 = %while3A_699#29, %while3A_1086 = %while3A_699#30, %while3A_1087 = %while3A_699#31) -> (vector<16xf32>, vector<16xf32>, vector<16xf32>, vector<16xf32>, vector<16xf32>, vector<16xf32>, vector<16xf32>, vector<16xf32>, vector<16xf32>, vector<16xf32>, vector<16xf32>, vector<16xf32>, vector<16xf32>, vector<16xf32>, vector<16xf32>, vector<16xf32>, vector<16xf32>, vector<16xf32>, vector<16xf32>, vector<16xf32>, vector<16xf32>, vector<16xf32>, vector<16xf32>, vector<16xf32>, vector<16xf32>, vector<16xf32>, vector<16xf32>, vector<16xf32>, vector<16xf32>, vector<16xf32>, vector<16xf32>, vector<16xf32>)  : i32 {
        %get3A_1088 = arith.index_cast %while3A_1055 : i32 to index
        %get3A_1089 = arith.constant 512 : index
        %get3A_1090 = tpu.vector_load %arg7[%get3A_1088, %get3A_1089] {strides = array<i32>} : memref<64x1024xf32, #tpu.memory_space<vmem>>, vector<16xf32>,
        %add3A_1091 = arith.addf %while3A_1056, %get3A_1090 : vector<16xf32>
        %get3A_1092 = arith.index_cast %while3A_1055 : i32 to index
        %get3A_1093 = arith.constant 528 : index
        %get3A_1094 = tpu.vector_load %arg7[%get3A_1092, %get3A_1093] {strides = array<i32>} : memref<64x1024xf32, #tpu.memory_space<vmem>>, vector<16xf32>,
        %add3A_1095 = arith.addf %while3A_1057, %get3A_1094 : vector<16xf32>
        %get3A_1096 = arith.index_cast %while3A_1055 : i32 to index
        %get3A_1097 = arith.constant 544 : index
        %get3A_1098 = tpu.vector_load %arg7[%get3A_1096, %get3A_1097] {strides = array<i32>} : memref<64x1024xf32, #tpu.memory_space<vmem>>, vector<16xf32>,
        %add3A_1099 = arith.addf %while3A_1058, %get3A_1098 : vector<16xf32>
        %get3A_1100 = arith.index_cast %while3A_1055 : i32 to index
        %get3A_1101 = arith.constant 560 : index
        %get3A_1102 = tpu.vector_load %arg7[%get3A_1100, %get3A_1101] {strides = array<i32>} : memref<64x1024xf32, #tpu.memory_space<vmem>>, vector<16xf32>,
        %add3A_1103 = arith.addf %while3A_1059, %get3A_1102 : vector<16xf32>
        %get3A_1104 = arith.index_cast %while3A_1055 : i32 to index
        %get3A_1105 = arith.constant 576 : index
        %get3A_1106 = tpu.vector_load %arg7[%get3A_1104, %get3A_1105] {strides = array<i32>} : memref<64x1024xf32, #tpu.memory_space<vmem>>, vector<16xf32>,
        %add3A_1107 = arith.addf %while3A_1060, %get3A_1106 : vector<16xf32>
        %get3A_1108 = arith.index_cast %while3A_1055 : i32 to index
        %get3A_1109 = arith.constant 592 : index
        %get3A_1110 = tpu.vector_load %arg7[%get3A_1108, %get3A_1109] {strides = array<i32>} : memref<64x1024xf32, #tpu.memory_space<vmem>>, vector<16xf32>,
        %add3A_1111 = arith.addf %while3A_1061, %get3A_1110 : vector<16xf32>
        %get3A_1112 = arith.index_cast %while3A_1055 : i32 to index
        %get3A_1113 = arith.constant 608 : index
        %get3A_1114 = tpu.vector_load %arg7[%get3A_1112, %get3A_1113] {strides = array<i32>} : memref<64x1024xf32, #tpu.memory_space<vmem>>, vector<16xf32>,
        %add3A_1115 = arith.addf %while3A_1062, %get3A_1114 : vector<16xf32>
        %get3A_1116 = arith.index_cast %while3A_1055 : i32 to index
        %get3A_1117 = arith.constant 624 : index
        %get3A_1118 = tpu.vector_load %arg7[%get3A_1116, %get3A_1117] {strides = array<i32>} : memref<64x1024xf32, #tpu.memory_space<vmem>>, vector<16xf32>,
        %add3A_1119 = arith.addf %while3A_1063, %get3A_1118 : vector<16xf32>
        %get3A_1120 = arith.index_cast %while3A_1055 : i32 to index
        %get3A_1121 = arith.constant 640 : index
        %get3A_1122 = tpu.vector_load %arg7[%get3A_1120, %get3A_1121] {strides = array<i32>} : memref<64x1024xf32, #tpu.memory_space<vmem>>, vector<16xf32>,
        %add3A_1123 = arith.addf %while3A_1064, %get3A_1122 : vector<16xf32>
        %get3A_1124 = arith.index_cast %while3A_1055 : i32 to index
        %get3A_1125 = arith.constant 656 : index
        %get3A_1126 = tpu.vector_load %arg7[%get3A_1124, %get3A_1125] {strides = array<i32>} : memref<64x1024xf32, #tpu.memory_space<vmem>>, vector<16xf32>,
        %add3A_1127 = arith.addf %while3A_1065, %get3A_1126 : vector<16xf32>
        %get3A_1128 = arith.index_cast %while3A_1055 : i32 to index
        %get3A_1129 = arith.constant 672 : index
        %get3A_1130 = tpu.vector_load %arg7[%get3A_1128, %get3A_1129] {strides = array<i32>} : memref<64x1024xf32, #tpu.memory_space<vmem>>, vector<16xf32>,
        %add3A_1131 = arith.addf %while3A_1066, %get3A_1130 : vector<16xf32>
        %get3A_1132 = arith.index_cast %while3A_1055 : i32 to index
        %get3A_1133 = arith.constant 688 : index
        %get3A_1134 = tpu.vector_load %arg7[%get3A_1132, %get3A_1133] {strides = array<i32>} : memref<64x1024xf32, #tpu.memory_space<vmem>>, vector<16xf32>,
        %add3A_1135 = arith.addf %while3A_1067, %get3A_1134 : vector<16xf32>
        %get3A_1136 = arith.index_cast %while3A_1055 : i32 to index
        %get3A_1137 = arith.constant 704 : index
        %get3A_1138 = tpu.vector_load %arg7[%get3A_1136, %get3A_1137] {strides = array<i32>} : memref<64x1024xf32, #tpu.memory_space<vmem>>, vector<16xf32>,
        %add3A_1139 = arith.addf %while3A_1068, %get3A_1138 : vector<16xf32>
        %get3A_1140 = arith.index_cast %while3A_1055 : i32 to index
        %get3A_1141 = arith.constant 720 : index
        %get3A_1142 = tpu.vector_load %arg7[%get3A_1140, %get3A_1141] {strides = array<i32>} : memref<64x1024xf32, #tpu.memory_space<vmem>>, vector<16xf32>,
        %add3A_1143 = arith.addf %while3A_1069, %get3A_1142 : vector<16xf32>
        %get3A_1144 = arith.index_cast %while3A_1055 : i32 to index
        %get3A_1145 = arith.constant 736 : index
        %get3A_1146 = tpu.vector_load %arg7[%get3A_1144, %get3A_1145] {strides = array<i32>} : memref<64x1024xf32, #tpu.memory_space<vmem>>, vector<16xf32>,
        %add3A_1147 = arith.addf %while3A_1070, %get3A_1146 : vector<16xf32>
        %get3A_1148 = arith.index_cast %while3A_1055 : i32 to index
        %get3A_1149 = arith.constant 752 : index
        %get3A_1150 = tpu.vector_load %arg7[%get3A_1148, %get3A_1149] {strides = array<i32>} : memref<64x1024xf32, #tpu.memory_space<vmem>>, vector<16xf32>,
        %add3A_1151 = arith.addf %while3A_1071, %get3A_1150 : vector<16xf32>
        %get3A_1152 = arith.index_cast %while3A_1055 : i32 to index
        %get3A_1153 = arith.constant 768 : index
        %get3A_1154 = tpu.vector_load %arg7[%get3A_1152, %get3A_1153] {strides = array<i32>} : memref<64x1024xf32, #tpu.memory_space<vmem>>, vector<16xf32>,
        %add3A_1155 = arith.addf %while3A_1072, %get3A_1154 : vector<16xf32>
        %get3A_1156 = arith.index_cast %while3A_1055 : i32 to index
        %get3A_1157 = arith.constant 784 : index
        %get3A_1158 = tpu.vector_load %arg7[%get3A_1156, %get3A_1157] {strides = array<i32>} : memref<64x1024xf32, #tpu.memory_space<vmem>>, vector<16xf32>,
        %add3A_1159 = arith.addf %while3A_1073, %get3A_1158 : vector<16xf32>
        %get3A_1160 = arith.index_cast %while3A_1055 : i32 to index
        %get3A_1161 = arith.constant 800 : index
        %get3A_1162 = tpu.vector_load %arg7[%get3A_1160, %get3A_1161] {strides = array<i32>} : memref<64x1024xf32, #tpu.memory_space<vmem>>, vector<16xf32>,
        %add3A_1163 = arith.addf %while3A_1074, %get3A_1162 : vector<16xf32>
        %get3A_1164 = arith.index_cast %while3A_1055 : i32 to index
        %get3A_1165 = arith.constant 816 : index
        %get3A_1166 = tpu.vector_load %arg7[%get3A_1164, %get3A_1165] {strides = array<i32>} : memref<64x1024xf32, #tpu.memory_space<vmem>>, vector<16xf32>,
        %add3A_1167 = arith.addf %while3A_1075, %get3A_1166 : vector<16xf32>
        %get3A_1168 = arith.index_cast %while3A_1055 : i32 to index
        %get3A_1169 = arith.constant 832 : index
        %get3A_1170 = tpu.vector_load %arg7[%get3A_1168, %get3A_1169] {strides = array<i32>} : memref<64x1024xf32, #tpu.memory_space<vmem>>, vector<16xf32>,
        %add3A_1171 = arith.addf %while3A_1076, %get3A_1170 : vector<16xf32>
        %get3A_1172 = arith.index_cast %while3A_1055 : i32 to index
        %get3A_1173 = arith.constant 848 : index
        %get3A_1174 = tpu.vector_load %arg7[%get3A_1172, %get3A_1173] {strides = array<i32>} : memref<64x1024xf32, #tpu.memory_space<vmem>>, vector<16xf32>,
        %add3A_1175 = arith.addf %while3A_1077, %get3A_1174 : vector<16xf32>
        %get3A_1176 = arith.index_cast %while3A_1055 : i32 to index
        %get3A_1177 = arith.constant 864 : index
        %get3A_1178 = tpu.vector_load %arg7[%get3A_1176, %get3A_1177] {strides = array<i32>} : memref<64x1024xf32, #tpu.memory_space<vmem>>, vector<16xf32>,
        %add3A_1179 = arith.addf %while3A_1078, %get3A_1178 : vector<16xf32>
        %get3A_1180 = arith.index_cast %while3A_1055 : i32 to index
        %get3A_1181 = arith.constant 880 : index
        %get3A_1182 = tpu.vector_load %arg7[%get3A_1180, %get3A_1181] {strides = array<i32>} : memref<64x1024xf32, #tpu.memory_space<vmem>>, vector<16xf32>,
        %add3A_1183 = arith.addf %while3A_1079, %get3A_1182 : vector<16xf32>
        %get3A_1184 = arith.index_cast %while3A_1055 : i32 to index
        %get3A_1185 = arith.constant 896 : index
        %get3A_1186 = tpu.vector_load %arg7[%get3A_1184, %get3A_1185] {strides = array<i32>} : memref<64x1024xf32, #tpu.memory_space<vmem>>, vector<16xf32>,
        %add3A_1187 = arith.addf %while3A_1080, %get3A_1186 : vector<16xf32>
        %get3A_1188 = arith.index_cast %while3A_1055 : i32 to index
        %get3A_1189 = arith.constant 912 : index
        %get3A_1190 = tpu.vector_load %arg7[%get3A_1188, %get3A_1189] {strides = array<i32>} : memref<64x1024xf32, #tpu.memory_space<vmem>>, vector<16xf32>,
        %add3A_1191 = arith.addf %while3A_1081, %get3A_1190 : vector<16xf32>
        %get3A_1192 = arith.index_cast %while3A_1055 : i32 to index
        %get3A_1193 = arith.constant 928 : index
        %get3A_1194 = tpu.vector_load %arg7[%get3A_1192, %get3A_1193] {strides = array<i32>} : memref<64x1024xf32, #tpu.memory_space<vmem>>, vector<16xf32>,
        %add3A_1195 = arith.addf %while3A_1082, %get3A_1194 : vector<16xf32>
        %get3A_1196 = arith.index_cast %while3A_1055 : i32 to index
        %get3A_1197 = arith.constant 944 : index
        %get3A_1198 = tpu.vector_load %arg7[%get3A_1196, %get3A_1197] {strides = array<i32>} : memref<64x1024xf32, #tpu.memory_space<vmem>>, vector<16xf32>,
        %add3A_1199 = arith.addf %while3A_1083, %get3A_1198 : vector<16xf32>
        %get3A_1200 = arith.index_cast %while3A_1055 : i32 to index
        %get3A_1201 = arith.constant 960 : index
        %get3A_1202 = tpu.vector_load %arg7[%get3A_1200, %get3A_1201] {strides = array<i32>} : memref<64x1024xf32, #tpu.memory_space<vmem>>, vector<16xf32>,
        %add3A_1203 = arith.addf %while3A_1084, %get3A_1202 : vector<16xf32>
        %get3A_1204 = arith.index_cast %while3A_1055 : i32 to index
        %get3A_1205 = arith.constant 976 : index
        %get3A_1206 = tpu.vector_load %arg7[%get3A_1204, %get3A_1205] {strides = array<i32>} : memref<64x1024xf32, #tpu.memory_space<vmem>>, vector<16xf32>,
        %add3A_1207 = arith.addf %while3A_1085, %get3A_1206 : vector<16xf32>
        %get3A_1208 = arith.index_cast %while3A_1055 : i32 to index
        %get3A_1209 = arith.constant 992 : index
        %get3A_1210 = tpu.vector_load %arg7[%get3A_1208, %get3A_1209] {strides = array<i32>} : memref<64x1024xf32, #tpu.memory_space<vmem>>, vector<16xf32>,
        %add3A_1211 = arith.addf %while3A_1086, %get3A_1210 : vector<16xf32>
        %get3A_1212 = arith.index_cast %while3A_1055 : i32 to index
        %get3A_1213 = arith.constant 1008 : index
        %get3A_1214 = tpu.vector_load %arg7[%get3A_1212, %get3A_1213] {strides = array<i32>} : memref<64x1024xf32, #tpu.memory_space<vmem>>, vector<16xf32>,
        %add3A_1215 = arith.addf %while3A_1087, %get3A_1214 : vector<16xf32>
        scf.yield %add3A_1091, %add3A_1095, %add3A_1099, %add3A_1103, %add3A_1107, %add3A_1111, %add3A_1115, %add3A_1119, %add3A_1123, %add3A_1127, %add3A_1131, %add3A_1135, %add3A_1139, %add3A_1143, %add3A_1147, %add3A_1151, %add3A_1155, %add3A_1159, %add3A_1163, %add3A_1167, %add3A_1171, %add3A_1175, %add3A_1179, %add3A_1183, %add3A_1187, %add3A_1191, %add3A_1195, %add3A_1199, %add3A_1203, %add3A_1207, %add3A_1211, %add3A_1215 : vector<16xf32>, vector<16xf32>, vector<16xf32>, vector<16xf32>, vector<16xf32>, vector<16xf32>, vector<16xf32>, vector<16xf32>, vector<16xf32>, vector<16xf32>, vector<16xf32>, vector<16xf32>, vector<16xf32>, vector<16xf32>, vector<16xf32>, vector<16xf32>, vector<16xf32>, vector<16xf32>, vector<16xf32>, vector<16xf32>, vector<16xf32>, vector<16xf32>, vector<16xf32>, vector<16xf32>, vector<16xf32>, vector<16xf32>, vector<16xf32>, vector<16xf32>, vector<16xf32>, vector<16xf32>, vector<16xf32>, vector<16xf32>
      }
      %mul3A_702 = arith.constant 1024 : i32
      %mul3A_703 = arith.muli %while3A_174, %mul3A_702 : i32
      %add3A_704 = arith.constant 512 : i32
      %add3A_705 = arith.addi %mul3A_703, %add3A_704 : i32
      %add3A_706 = arith.constant 0 : i32
      %add3A_707 = arith.addi %add3A_705, %add3A_706 : i32
      %get3A_708 = arith.index_cast %add3A_707 : i32 to index
      %get3A_709 = tpu.vector_load %arg9[%get3A_708] {strides = array<i32>} : memref<8192xf32, #tpu.memory_space<vmem>>, vector<16xf32>,
      %add3A_710 = arith.addf %get3A_709, %while3A_701#0 : vector<16xf32>
      %swap3A_711 = arith.index_cast %add3A_707 : i32 to index
      %swap3A_712 = tpu.vector_load %arg9[%swap3A_711] {strides = array<i32>} : memref<8192xf32, #tpu.memory_space<vmem>>, vector<16xf32>,
      tpu.vector_store %arg9[%swap3A_711], %add3A_710 {strides = array<i32>} : memref<8192xf32, #tpu.memory_space<vmem>>, vector<16xf32>,
      %mul3A_713 = arith.constant 1024 : i32
      %mul3A_714 = arith.muli %while3A_174, %mul3A_713 : i32
      %add3A_715 = arith.constant 512 : i32
      %add3A_716 = arith.addi %mul3A_714, %add3A_715 : i32
      %add3A_717 = arith.constant 16 : i32
      %add3A_718 = arith.addi %add3A_716, %add3A_717 : i32
      %get3A_719 = arith.index_cast %add3A_718 : i32 to index
      %get3A_720 = tpu.vector_load %arg9[%get3A_719] {strides = array<i32>} : memref<8192xf32, #tpu.memory_space<vmem>>, vector<16xf32>,
      %add3A_721 = arith.addf %get3A_720, %while3A_701#1 : vector<16xf32>
      %swap3A_722 = arith.index_cast %add3A_718 : i32 to index
      %swap3A_723 = tpu.vector_load %arg9[%swap3A_722] {strides = array<i32>} : memref<8192xf32, #tpu.memory_space<vmem>>, vector<16xf32>,
      tpu.vector_store %arg9[%swap3A_722], %add3A_721 {strides = array<i32>} : memref<8192xf32, #tpu.memory_space<vmem>>, vector<16xf32>,
      %mul3A_724 = arith.constant 1024 : i32
      %mul3A_725 = arith.muli %while3A_174, %mul3A_724 : i32
      %add3A_726 = arith.constant 512 : i32
      %add3A_727 = arith.addi %mul3A_725, %add3A_726 : i32
      %add3A_728 = arith.constant 32 : i32
      %add3A_729 = arith.addi %add3A_727, %add3A_728 : i32
      %get3A_730 = arith.index_cast %add3A_729 : i32 to index
      %get3A_731 = tpu.vector_load %arg9[%get3A_730] {strides = array<i32>} : memref<8192xf32, #tpu.memory_space<vmem>>, vector<16xf32>,
      %add3A_732 = arith.addf %get3A_731, %while3A_701#2 : vector<16xf32>
      %swap3A_733 = arith.index_cast %add3A_729 : i32 to index
      %swap3A_734 = tpu.vector_load %arg9[%swap3A_733] {strides = array<i32>} : memref<8192xf32, #tpu.memory_space<vmem>>, vector<16xf32>,
      tpu.vector_store %arg9[%swap3A_733], %add3A_732 {strides = array<i32>} : memref<8192xf32, #tpu.memory_space<vmem>>, vector<16xf32>,
      %mul3A_735 = arith.constant 1024 : i32
      %mul3A_736 = arith.muli %while3A_174, %mul3A_735 : i32
      %add3A_737 = arith.constant 512 : i32
      %add3A_738 = arith.addi %mul3A_736, %add3A_737 : i32
      %add3A_739 = arith.constant 48 : i32
      %add3A_740 = arith.addi %add3A_738, %add3A_739 : i32
      %get3A_741 = arith.index_cast %add3A_740 : i32 to index
      %get3A_742 = tpu.vector_load %arg9[%get3A_741] {strides = array<i32>} : memref<8192xf32, #tpu.memory_space<vmem>>, vector<16xf32>,
      %add3A_743 = arith.addf %get3A_742, %while3A_701#3 : vector<16xf32>
      %swap3A_744 = arith.index_cast %add3A_740 : i32 to index
      %swap3A_745 = tpu.vector_load %arg9[%swap3A_744] {strides = array<i32>} : memref<8192xf32, #tpu.memory_space<vmem>>, vector<16xf32>,
      tpu.vector_store %arg9[%swap3A_744], %add3A_743 {strides = array<i32>} : memref<8192xf32, #tpu.memory_space<vmem>>, vector<16xf32>,
      %mul3A_746 = arith.constant 1024 : i32
      %mul3A_747 = arith.muli %while3A_174, %mul3A_746 : i32
      %add3A_748 = arith.constant 512 : i32
      %add3A_749 = arith.addi %mul3A_747, %add3A_748 : i32
      %add3A_750 = arith.constant 64 : i32
      %add3A_751 = arith.addi %add3A_749, %add3A_750 : i32
      %get3A_752 = arith.index_cast %add3A_751 : i32 to index
      %get3A_753 = tpu.vector_load %arg9[%get3A_752] {strides = array<i32>} : memref<8192xf32, #tpu.memory_space<vmem>>, vector<16xf32>,
      %add3A_754 = arith.addf %get3A_753, %while3A_701#4 : vector<16xf32>
      %swap3A_755 = arith.index_cast %add3A_751 : i32 to index
      %swap3A_756 = tpu.vector_load %arg9[%swap3A_755] {strides = array<i32>} : memref<8192xf32, #tpu.memory_space<vmem>>, vector<16xf32>,
      tpu.vector_store %arg9[%swap3A_755], %add3A_754 {strides = array<i32>} : memref<8192xf32, #tpu.memory_space<vmem>>, vector<16xf32>,
      %mul3A_757 = arith.constant 1024 : i32
      %mul3A_758 = arith.muli %while3A_174, %mul3A_757 : i32
      %add3A_759 = arith.constant 512 : i32
      %add3A_760 = arith.addi %mul3A_758, %add3A_759 : i32
      %add3A_761 = arith.constant 80 : i32
      %add3A_762 = arith.addi %add3A_760, %add3A_761 : i32
      %get3A_763 = arith.index_cast %add3A_762 : i32 to index
      %get3A_764 = tpu.vector_load %arg9[%get3A_763] {strides = array<i32>} : memref<8192xf32, #tpu.memory_space<vmem>>, vector<16xf32>,
      %add3A_765 = arith.addf %get3A_764, %while3A_701#5 : vector<16xf32>
      %swap3A_766 = arith.index_cast %add3A_762 : i32 to index
      %swap3A_767 = tpu.vector_load %arg9[%swap3A_766] {strides = array<i32>} : memref<8192xf32, #tpu.memory_space<vmem>>, vector<16xf32>,
      tpu.vector_store %arg9[%swap3A_766], %add3A_765 {strides = array<i32>} : memref<8192xf32, #tpu.memory_space<vmem>>, vector<16xf32>,
      %mul3A_768 = arith.constant 1024 : i32
      %mul3A_769 = arith.muli %while3A_174, %mul3A_768 : i32
      %add3A_770 = arith.constant 512 : i32
      %add3A_771 = arith.addi %mul3A_769, %add3A_770 : i32
      %add3A_772 = arith.constant 96 : i32
      %add3A_773 = arith.addi %add3A_771, %add3A_772 : i32
      %get3A_774 = arith.index_cast %add3A_773 : i32 to index
      %get3A_775 = tpu.vector_load %arg9[%get3A_774] {strides = array<i32>} : memref<8192xf32, #tpu.memory_space<vmem>>, vector<16xf32>,
      %add3A_776 = arith.addf %get3A_775, %while3A_701#6 : vector<16xf32>
      %swap3A_777 = arith.index_cast %add3A_773 : i32 to index
      %swap3A_778 = tpu.vector_load %arg9[%swap3A_777] {strides = array<i32>} : memref<8192xf32, #tpu.memory_space<vmem>>, vector<16xf32>,
      tpu.vector_store %arg9[%swap3A_777], %add3A_776 {strides = array<i32>} : memref<8192xf32, #tpu.memory_space<vmem>>, vector<16xf32>,
      %mul3A_779 = arith.constant 1024 : i32
      %mul3A_780 = arith.muli %while3A_174, %mul3A_779 : i32
      %add3A_781 = arith.constant 512 : i32
      %add3A_782 = arith.addi %mul3A_780, %add3A_781 : i32
      %add3A_783 = arith.constant 112 : i32
      %add3A_784 = arith.addi %add3A_782, %add3A_783 : i32
      %get3A_785 = arith.index_cast %add3A_784 : i32 to index
      %get3A_786 = tpu.vector_load %arg9[%get3A_785] {strides = array<i32>} : memref<8192xf32, #tpu.memory_space<vmem>>, vector<16xf32>,
      %add3A_787 = arith.addf %get3A_786, %while3A_701#7 : vector<16xf32>
      %swap3A_788 = arith.index_cast %add3A_784 : i32 to index
      %swap3A_789 = tpu.vector_load %arg9[%swap3A_788] {strides = array<i32>} : memref<8192xf32, #tpu.memory_space<vmem>>, vector<16xf32>,
      tpu.vector_store %arg9[%swap3A_788], %add3A_787 {strides = array<i32>} : memref<8192xf32, #tpu.memory_space<vmem>>, vector<16xf32>,
      %mul3A_790 = arith.constant 1024 : i32
      %mul3A_791 = arith.muli %while3A_174, %mul3A_790 : i32
      %add3A_792 = arith.constant 512 : i32
      %add3A_793 = arith.addi %mul3A_791, %add3A_792 : i32
      %add3A_794 = arith.constant 128 : i32
      %add3A_795 = arith.addi %add3A_793, %add3A_794 : i32
      %get3A_796 = arith.index_cast %add3A_795 : i32 to index
      %get3A_797 = tpu.vector_load %arg9[%get3A_796] {strides = array<i32>} : memref<8192xf32, #tpu.memory_space<vmem>>, vector<16xf32>,
      %add3A_798 = arith.addf %get3A_797, %while3A_701#8 : vector<16xf32>
      %swap3A_799 = arith.index_cast %add3A_795 : i32 to index
      %swap3A_800 = tpu.vector_load %arg9[%swap3A_799] {strides = array<i32>} : memref<8192xf32, #tpu.memory_space<vmem>>, vector<16xf32>,
      tpu.vector_store %arg9[%swap3A_799], %add3A_798 {strides = array<i32>} : memref<8192xf32, #tpu.memory_space<vmem>>, vector<16xf32>,
      %mul3A_801 = arith.constant 1024 : i32
      %mul3A_802 = arith.muli %while3A_174, %mul3A_801 : i32
      %add3A_803 = arith.constant 512 : i32
      %add3A_804 = arith.addi %mul3A_802, %add3A_803 : i32
      %add3A_805 = arith.constant 144 : i32
      %add3A_806 = arith.addi %add3A_804, %add3A_805 : i32
      %get3A_807 = arith.index_cast %add3A_806 : i32 to index
      %get3A_808 = tpu.vector_load %arg9[%get3A_807] {strides = array<i32>} : memref<8192xf32, #tpu.memory_space<vmem>>, vector<16xf32>,
      %add3A_809 = arith.addf %get3A_808, %while3A_701#9 : vector<16xf32>
      %swap3A_810 = arith.index_cast %add3A_806 : i32 to index
      %swap3A_811 = tpu.vector_load %arg9[%swap3A_810] {strides = array<i32>} : memref<8192xf32, #tpu.memory_space<vmem>>, vector<16xf32>,
      tpu.vector_store %arg9[%swap3A_810], %add3A_809 {strides = array<i32>} : memref<8192xf32, #tpu.memory_space<vmem>>, vector<16xf32>,
      %mul3A_812 = arith.constant 1024 : i32
      %mul3A_813 = arith.muli %while3A_174, %mul3A_812 : i32
      %add3A_814 = arith.constant 512 : i32
      %add3A_815 = arith.addi %mul3A_813, %add3A_814 : i32
      %add3A_816 = arith.constant 160 : i32
      %add3A_817 = arith.addi %add3A_815, %add3A_816 : i32
      %get3A_818 = arith.index_cast %add3A_817 : i32 to index
      %get3A_819 = tpu.vector_load %arg9[%get3A_818] {strides = array<i32>} : memref<8192xf32, #tpu.memory_space<vmem>>, vector<16xf32>,
      %add3A_820 = arith.addf %get3A_819, %while3A_701#10 : vector<16xf32>
      %swap3A_821 = arith.index_cast %add3A_817 : i32 to index
      %swap3A_822 = tpu.vector_load %arg9[%swap3A_821] {strides = array<i32>} : memref<8192xf32, #tpu.memory_space<vmem>>, vector<16xf32>,
      tpu.vector_store %arg9[%swap3A_821], %add3A_820 {strides = array<i32>} : memref<8192xf32, #tpu.memory_space<vmem>>, vector<16xf32>,
      %mul3A_823 = arith.constant 1024 : i32
      %mul3A_824 = arith.muli %while3A_174, %mul3A_823 : i32
      %add3A_825 = arith.constant 512 : i32
      %add3A_826 = arith.addi %mul3A_824, %add3A_825 : i32
      %add3A_827 = arith.constant 176 : i32
      %add3A_828 = arith.addi %add3A_826, %add3A_827 : i32
      %get3A_829 = arith.index_cast %add3A_828 : i32 to index
      %get3A_830 = tpu.vector_load %arg9[%get3A_829] {strides = array<i32>} : memref<8192xf32, #tpu.memory_space<vmem>>, vector<16xf32>,
      %add3A_831 = arith.addf %get3A_830, %while3A_701#11 : vector<16xf32>
      %swap3A_832 = arith.index_cast %add3A_828 : i32 to index
      %swap3A_833 = tpu.vector_load %arg9[%swap3A_832] {strides = array<i32>} : memref<8192xf32, #tpu.memory_space<vmem>>, vector<16xf32>,
      tpu.vector_store %arg9[%swap3A_832], %add3A_831 {strides = array<i32>} : memref<8192xf32, #tpu.memory_space<vmem>>, vector<16xf32>,
      %mul3A_834 = arith.constant 1024 : i32
      %mul3A_835 = arith.muli %while3A_174, %mul3A_834 : i32
      %add3A_836 = arith.constant 512 : i32
      %add3A_837 = arith.addi %mul3A_835, %add3A_836 : i32
      %add3A_838 = arith.constant 192 : i32
      %add3A_839 = arith.addi %add3A_837, %add3A_838 : i32
      %get3A_840 = arith.index_cast %add3A_839 : i32 to index
      %get3A_841 = tpu.vector_load %arg9[%get3A_840] {strides = array<i32>} : memref<8192xf32, #tpu.memory_space<vmem>>, vector<16xf32>,
      %add3A_842 = arith.addf %get3A_841, %while3A_701#12 : vector<16xf32>
      %swap3A_843 = arith.index_cast %add3A_839 : i32 to index
      %swap3A_844 = tpu.vector_load %arg9[%swap3A_843] {strides = array<i32>} : memref<8192xf32, #tpu.memory_space<vmem>>, vector<16xf32>,
      tpu.vector_store %arg9[%swap3A_843], %add3A_842 {strides = array<i32>} : memref<8192xf32, #tpu.memory_space<vmem>>, vector<16xf32>,
      %mul3A_845 = arith.constant 1024 : i32
      %mul3A_846 = arith.muli %while3A_174, %mul3A_845 : i32
      %add3A_847 = arith.constant 512 : i32
      %add3A_848 = arith.addi %mul3A_846, %add3A_847 : i32
      %add3A_849 = arith.constant 208 : i32
      %add3A_850 = arith.addi %add3A_848, %add3A_849 : i32
      %get3A_851 = arith.index_cast %add3A_850 : i32 to index
      %get3A_852 = tpu.vector_load %arg9[%get3A_851] {strides = array<i32>} : memref<8192xf32, #tpu.memory_space<vmem>>, vector<16xf32>,
      %add3A_853 = arith.addf %get3A_852, %while3A_701#13 : vector<16xf32>
      %swap3A_854 = arith.index_cast %add3A_850 : i32 to index
      %swap3A_855 = tpu.vector_load %arg9[%swap3A_854] {strides = array<i32>} : memref<8192xf32, #tpu.memory_space<vmem>>, vector<16xf32>,
      tpu.vector_store %arg9[%swap3A_854], %add3A_853 {strides = array<i32>} : memref<8192xf32, #tpu.memory_space<vmem>>, vector<16xf32>,
      %mul3A_856 = arith.constant 1024 : i32
      %mul3A_857 = arith.muli %while3A_174, %mul3A_856 : i32
      %add3A_858 = arith.constant 512 : i32
      %add3A_859 = arith.addi %mul3A_857, %add3A_858 : i32
      %add3A_860 = arith.constant 224 : i32
      %add3A_861 = arith.addi %add3A_859, %add3A_860 : i32
      %get3A_862 = arith.index_cast %add3A_861 : i32 to index
      %get3A_863 = tpu.vector_load %arg9[%get3A_862] {strides = array<i32>} : memref<8192xf32, #tpu.memory_space<vmem>>, vector<16xf32>,
      %add3A_864 = arith.addf %get3A_863, %while3A_701#14 : vector<16xf32>
      %swap3A_865 = arith.index_cast %add3A_861 : i32 to index
      %swap3A_866 = tpu.vector_load %arg9[%swap3A_865] {strides = array<i32>} : memref<8192xf32, #tpu.memory_space<vmem>>, vector<16xf32>,
      tpu.vector_store %arg9[%swap3A_865], %add3A_864 {strides = array<i32>} : memref<8192xf32, #tpu.memory_space<vmem>>, vector<16xf32>,
      %mul3A_867 = arith.constant 1024 : i32
      %mul3A_868 = arith.muli %while3A_174, %mul3A_867 : i32
      %add3A_869 = arith.constant 512 : i32
      %add3A_870 = arith.addi %mul3A_868, %add3A_869 : i32
      %add3A_871 = arith.constant 240 : i32
      %add3A_872 = arith.addi %add3A_870, %add3A_871 : i32
      %get3A_873 = arith.index_cast %add3A_872 : i32 to index
      %get3A_874 = tpu.vector_load %arg9[%get3A_873] {strides = array<i32>} : memref<8192xf32, #tpu.memory_space<vmem>>, vector<16xf32>,
      %add3A_875 = arith.addf %get3A_874, %while3A_701#15 : vector<16xf32>
      %swap3A_876 = arith.index_cast %add3A_872 : i32 to index
      %swap3A_877 = tpu.vector_load %arg9[%swap3A_876] {strides = array<i32>} : memref<8192xf32, #tpu.memory_space<vmem>>, vector<16xf32>,
      tpu.vector_store %arg9[%swap3A_876], %add3A_875 {strides = array<i32>} : memref<8192xf32, #tpu.memory_space<vmem>>, vector<16xf32>,
      %mul3A_878 = arith.constant 1024 : i32
      %mul3A_879 = arith.muli %while3A_174, %mul3A_878 : i32
      %add3A_880 = arith.constant 512 : i32
      %add3A_881 = arith.addi %mul3A_879, %add3A_880 : i32
      %add3A_882 = arith.constant 256 : i32
      %add3A_883 = arith.addi %add3A_881, %add3A_882 : i32
      %get3A_884 = arith.index_cast %add3A_883 : i32 to index
      %get3A_885 = tpu.vector_load %arg9[%get3A_884] {strides = array<i32>} : memref<8192xf32, #tpu.memory_space<vmem>>, vector<16xf32>,
      %add3A_886 = arith.addf %get3A_885, %while3A_701#16 : vector<16xf32>
      %swap3A_887 = arith.index_cast %add3A_883 : i32 to index
      %swap3A_888 = tpu.vector_load %arg9[%swap3A_887] {strides = array<i32>} : memref<8192xf32, #tpu.memory_space<vmem>>, vector<16xf32>,
      tpu.vector_store %arg9[%swap3A_887], %add3A_886 {strides = array<i32>} : memref<8192xf32, #tpu.memory_space<vmem>>, vector<16xf32>,
      %mul3A_889 = arith.constant 1024 : i32
      %mul3A_890 = arith.muli %while3A_174, %mul3A_889 : i32
      %add3A_891 = arith.constant 512 : i32
      %add3A_892 = arith.addi %mul3A_890, %add3A_891 : i32
      %add3A_893 = arith.constant 272 : i32
      %add3A_894 = arith.addi %add3A_892, %add3A_893 : i32
      %get3A_895 = arith.index_cast %add3A_894 : i32 to index
      %get3A_896 = tpu.vector_load %arg9[%get3A_895] {strides = array<i32>} : memref<8192xf32, #tpu.memory_space<vmem>>, vector<16xf32>,
      %add3A_897 = arith.addf %get3A_896, %while3A_701#17 : vector<16xf32>
      %swap3A_898 = arith.index_cast %add3A_894 : i32 to index
      %swap3A_899 = tpu.vector_load %arg9[%swap3A_898] {strides = array<i32>} : memref<8192xf32, #tpu.memory_space<vmem>>, vector<16xf32>,
      tpu.vector_store %arg9[%swap3A_898], %add3A_897 {strides = array<i32>} : memref<8192xf32, #tpu.memory_space<vmem>>, vector<16xf32>,
      %mul3A_900 = arith.constant 1024 : i32
      %mul3A_901 = arith.muli %while3A_174, %mul3A_900 : i32
      %add3A_902 = arith.constant 512 : i32
      %add3A_903 = arith.addi %mul3A_901, %add3A_902 : i32
      %add3A_904 = arith.constant 288 : i32
      %add3A_905 = arith.addi %add3A_903, %add3A_904 : i32
      %get3A_906 = arith.index_cast %add3A_905 : i32 to index
      %get3A_907 = tpu.vector_load %arg9[%get3A_906] {strides = array<i32>} : memref<8192xf32, #tpu.memory_space<vmem>>, vector<16xf32>,
      %add3A_908 = arith.addf %get3A_907, %while3A_701#18 : vector<16xf32>
      %swap3A_909 = arith.index_cast %add3A_905 : i32 to index
      %swap3A_910 = tpu.vector_load %arg9[%swap3A_909] {strides = array<i32>} : memref<8192xf32, #tpu.memory_space<vmem>>, vector<16xf32>,
      tpu.vector_store %arg9[%swap3A_909], %add3A_908 {strides = array<i32>} : memref<8192xf32, #tpu.memory_space<vmem>>, vector<16xf32>,
      %mul3A_911 = arith.constant 1024 : i32
      %mul3A_912 = arith.muli %while3A_174, %mul3A_911 : i32
      %add3A_913 = arith.constant 512 : i32
      %add3A_914 = arith.addi %mul3A_912, %add3A_913 : i32
      %add3A_915 = arith.constant 304 : i32
      %add3A_916 = arith.addi %add3A_914, %add3A_915 : i32
      %get3A_917 = arith.index_cast %add3A_916 : i32 to index
      %get3A_918 = tpu.vector_load %arg9[%get3A_917] {strides = array<i32>} : memref<8192xf32, #tpu.memory_space<vmem>>, vector<16xf32>,
      %add3A_919 = arith.addf %get3A_918, %while3A_701#19 : vector<16xf32>
      %swap3A_920 = arith.index_cast %add3A_916 : i32 to index
      %swap3A_921 = tpu.vector_load %arg9[%swap3A_920] {strides = array<i32>} : memref<8192xf32, #tpu.memory_space<vmem>>, vector<16xf32>,
      tpu.vector_store %arg9[%swap3A_920], %add3A_919 {strides = array<i32>} : memref<8192xf32, #tpu.memory_space<vmem>>, vector<16xf32>,
      %mul3A_922 = arith.constant 1024 : i32
      %mul3A_923 = arith.muli %while3A_174, %mul3A_922 : i32
      %add3A_924 = arith.constant 512 : i32
      %add3A_925 = arith.addi %mul3A_923, %add3A_924 : i32
      %add3A_926 = arith.constant 320 : i32
      %add3A_927 = arith.addi %add3A_925, %add3A_926 : i32
      %get3A_928 = arith.index_cast %add3A_927 : i32 to index
      %get3A_929 = tpu.vector_load %arg9[%get3A_928] {strides = array<i32>} : memref<8192xf32, #tpu.memory_space<vmem>>, vector<16xf32>,
      %add3A_930 = arith.addf %get3A_929, %while3A_701#20 : vector<16xf32>
      %swap3A_931 = arith.index_cast %add3A_927 : i32 to index
      %swap3A_932 = tpu.vector_load %arg9[%swap3A_931] {strides = array<i32>} : memref<8192xf32, #tpu.memory_space<vmem>>, vector<16xf32>,
      tpu.vector_store %arg9[%swap3A_931], %add3A_930 {strides = array<i32>} : memref<8192xf32, #tpu.memory_space<vmem>>, vector<16xf32>,
      %mul3A_933 = arith.constant 1024 : i32
      %mul3A_934 = arith.muli %while3A_174, %mul3A_933 : i32
      %add3A_935 = arith.constant 512 : i32
      %add3A_936 = arith.addi %mul3A_934, %add3A_935 : i32
      %add3A_937 = arith.constant 336 : i32
      %add3A_938 = arith.addi %add3A_936, %add3A_937 : i32
      %get3A_939 = arith.index_cast %add3A_938 : i32 to index
      %get3A_940 = tpu.vector_load %arg9[%get3A_939] {strides = array<i32>} : memref<8192xf32, #tpu.memory_space<vmem>>, vector<16xf32>,
      %add3A_941 = arith.addf %get3A_940, %while3A_701#21 : vector<16xf32>
      %swap3A_942 = arith.index_cast %add3A_938 : i32 to index
      %swap3A_943 = tpu.vector_load %arg9[%swap3A_942] {strides = array<i32>} : memref<8192xf32, #tpu.memory_space<vmem>>, vector<16xf32>,
      tpu.vector_store %arg9[%swap3A_942], %add3A_941 {strides = array<i32>} : memref<8192xf32, #tpu.memory_space<vmem>>, vector<16xf32>,
      %mul3A_944 = arith.constant 1024 : i32
      %mul3A_945 = arith.muli %while3A_174, %mul3A_944 : i32
      %add3A_946 = arith.constant 512 : i32
      %add3A_947 = arith.addi %mul3A_945, %add3A_946 : i32
      %add3A_948 = arith.constant 352 : i32
      %add3A_949 = arith.addi %add3A_947, %add3A_948 : i32
      %get3A_950 = arith.index_cast %add3A_949 : i32 to index
      %get3A_951 = tpu.vector_load %arg9[%get3A_950] {strides = array<i32>} : memref<8192xf32, #tpu.memory_space<vmem>>, vector<16xf32>,
      %add3A_952 = arith.addf %get3A_951, %while3A_701#22 : vector<16xf32>
      %swap3A_953 = arith.index_cast %add3A_949 : i32 to index
      %swap3A_954 = tpu.vector_load %arg9[%swap3A_953] {strides = array<i32>} : memref<8192xf32, #tpu.memory_space<vmem>>, vector<16xf32>,
      tpu.vector_store %arg9[%swap3A_953], %add3A_952 {strides = array<i32>} : memref<8192xf32, #tpu.memory_space<vmem>>, vector<16xf32>,
      %mul3A_955 = arith.constant 1024 : i32
      %mul3A_956 = arith.muli %while3A_174, %mul3A_955 : i32
      %add3A_957 = arith.constant 512 : i32
      %add3A_958 = arith.addi %mul3A_956, %add3A_957 : i32
      %add3A_959 = arith.constant 368 : i32
      %add3A_960 = arith.addi %add3A_958, %add3A_959 : i32
      %get3A_961 = arith.index_cast %add3A_960 : i32 to index
      %get3A_962 = tpu.vector_load %arg9[%get3A_961] {strides = array<i32>} : memref<8192xf32, #tpu.memory_space<vmem>>, vector<16xf32>,
      %add3A_963 = arith.addf %get3A_962, %while3A_701#23 : vector<16xf32>
      %swap3A_964 = arith.index_cast %add3A_960 : i32 to index
      %swap3A_965 = tpu.vector_load %arg9[%swap3A_964] {strides = array<i32>} : memref<8192xf32, #tpu.memory_space<vmem>>, vector<16xf32>,
      tpu.vector_store %arg9[%swap3A_964], %add3A_963 {strides = array<i32>} : memref<8192xf32, #tpu.memory_space<vmem>>, vector<16xf32>,
      %mul3A_966 = arith.constant 1024 : i32
      %mul3A_967 = arith.muli %while3A_174, %mul3A_966 : i32
      %add3A_968 = arith.constant 512 : i32
      %add3A_969 = arith.addi %mul3A_967, %add3A_968 : i32
      %add3A_970 = arith.constant 384 : i32
      %add3A_971 = arith.addi %add3A_969, %add3A_970 : i32
      %get3A_972 = arith.index_cast %add3A_971 : i32 to index
      %get3A_973 = tpu.vector_load %arg9[%get3A_972] {strides = array<i32>} : memref<8192xf32, #tpu.memory_space<vmem>>, vector<16xf32>,
      %add3A_974 = arith.addf %get3A_973, %while3A_701#24 : vector<16xf32>
      %swap3A_975 = arith.index_cast %add3A_971 : i32 to index
      %swap3A_976 = tpu.vector_load %arg9[%swap3A_975] {strides = array<i32>} : memref<8192xf32, #tpu.memory_space<vmem>>, vector<16xf32>,
      tpu.vector_store %arg9[%swap3A_975], %add3A_974 {strides = array<i32>} : memref<8192xf32, #tpu.memory_space<vmem>>, vector<16xf32>,
      %mul3A_977 = arith.constant 1024 : i32
      %mul3A_978 = arith.muli %while3A_174, %mul3A_977 : i32
      %add3A_979 = arith.constant 512 : i32
      %add3A_980 = arith.addi %mul3A_978, %add3A_979 : i32
      %add3A_981 = arith.constant 400 : i32
      %add3A_982 = arith.addi %add3A_980, %add3A_981 : i32
      %get3A_983 = arith.index_cast %add3A_982 : i32 to index
      %get3A_984 = tpu.vector_load %arg9[%get3A_983] {strides = array<i32>} : memref<8192xf32, #tpu.memory_space<vmem>>, vector<16xf32>,
      %add3A_985 = arith.addf %get3A_984, %while3A_701#25 : vector<16xf32>
      %swap3A_986 = arith.index_cast %add3A_982 : i32 to index
      %swap3A_987 = tpu.vector_load %arg9[%swap3A_986] {strides = array<i32>} : memref<8192xf32, #tpu.memory_space<vmem>>, vector<16xf32>,
      tpu.vector_store %arg9[%swap3A_986], %add3A_985 {strides = array<i32>} : memref<8192xf32, #tpu.memory_space<vmem>>, vector<16xf32>,
      %mul3A_988 = arith.constant 1024 : i32
      %mul3A_989 = arith.muli %while3A_174, %mul3A_988 : i32
      %add3A_990 = arith.constant 512 : i32
      %add3A_991 = arith.addi %mul3A_989, %add3A_990 : i32
      %add3A_992 = arith.constant 416 : i32
      %add3A_993 = arith.addi %add3A_991, %add3A_992 : i32
      %get3A_994 = arith.index_cast %add3A_993 : i32 to index
      %get3A_995 = tpu.vector_load %arg9[%get3A_994] {strides = array<i32>} : memref<8192xf32, #tpu.memory_space<vmem>>, vector<16xf32>,
      %add3A_996 = arith.addf %get3A_995, %while3A_701#26 : vector<16xf32>
      %swap3A_997 = arith.index_cast %add3A_993 : i32 to index
      %swap3A_998 = tpu.vector_load %arg9[%swap3A_997] {strides = array<i32>} : memref<8192xf32, #tpu.memory_space<vmem>>, vector<16xf32>,
      tpu.vector_store %arg9[%swap3A_997], %add3A_996 {strides = array<i32>} : memref<8192xf32, #tpu.memory_space<vmem>>, vector<16xf32>,
      %mul3A_999 = arith.constant 1024 : i32
      %mul3A_1000 = arith.muli %while3A_174, %mul3A_999 : i32
      %add3A_1001 = arith.constant 512 : i32
      %add3A_1002 = arith.addi %mul3A_1000, %add3A_1001 : i32
      %add3A_1003 = arith.constant 432 : i32
      %add3A_1004 = arith.addi %add3A_1002, %add3A_1003 : i32
      %get3A_1005 = arith.index_cast %add3A_1004 : i32 to index
      %get3A_1006 = tpu.vector_load %arg9[%get3A_1005] {strides = array<i32>} : memref<8192xf32, #tpu.memory_space<vmem>>, vector<16xf32>,
      %add3A_1007 = arith.addf %get3A_1006, %while3A_701#27 : vector<16xf32>
      %swap3A_1008 = arith.index_cast %add3A_1004 : i32 to index
      %swap3A_1009 = tpu.vector_load %arg9[%swap3A_1008] {strides = array<i32>} : memref<8192xf32, #tpu.memory_space<vmem>>, vector<16xf32>,
      tpu.vector_store %arg9[%swap3A_1008], %add3A_1007 {strides = array<i32>} : memref<8192xf32, #tpu.memory_space<vmem>>, vector<16xf32>,
      %mul3A_1010 = arith.constant 1024 : i32
      %mul3A_1011 = arith.muli %while3A_174, %mul3A_1010 : i32
      %add3A_1012 = arith.constant 512 : i32
      %add3A_1013 = arith.addi %mul3A_1011, %add3A_1012 : i32
      %add3A_1014 = arith.constant 448 : i32
      %add3A_1015 = arith.addi %add3A_1013, %add3A_1014 : i32
      %get3A_1016 = arith.index_cast %add3A_1015 : i32 to index
      %get3A_1017 = tpu.vector_load %arg9[%get3A_1016] {strides = array<i32>} : memref<8192xf32, #tpu.memory_space<vmem>>, vector<16xf32>,
      %add3A_1018 = arith.addf %get3A_1017, %while3A_701#28 : vector<16xf32>
      %swap3A_1019 = arith.index_cast %add3A_1015 : i32 to index
      %swap3A_1020 = tpu.vector_load %arg9[%swap3A_1019] {strides = array<i32>} : memref<8192xf32, #tpu.memory_space<vmem>>, vector<16xf32>,
      tpu.vector_store %arg9[%swap3A_1019], %add3A_1018 {strides = array<i32>} : memref<8192xf32, #tpu.memory_space<vmem>>, vector<16xf32>,
      %mul3A_1021 = arith.constant 1024 : i32
      %mul3A_1022 = arith.muli %while3A_174, %mul3A_1021 : i32
      %add3A_1023 = arith.constant 512 : i32
      %add3A_1024 = arith.addi %mul3A_1022, %add3A_1023 : i32
      %add3A_1025 = arith.constant 464 : i32
      %add3A_1026 = arith.addi %add3A_1024, %add3A_1025 : i32
      %get3A_1027 = arith.index_cast %add3A_1026 : i32 to index
      %get3A_1028 = tpu.vector_load %arg9[%get3A_1027] {strides = array<i32>} : memref<8192xf32, #tpu.memory_space<vmem>>, vector<16xf32>,
      %add3A_1029 = arith.addf %get3A_1028, %while3A_701#29 : vector<16xf32>
      %swap3A_1030 = arith.index_cast %add3A_1026 : i32 to index
      %swap3A_1031 = tpu.vector_load %arg9[%swap3A_1030] {strides = array<i32>} : memref<8192xf32, #tpu.memory_space<vmem>>, vector<16xf32>,
      tpu.vector_store %arg9[%swap3A_1030], %add3A_1029 {strides = array<i32>} : memref<8192xf32, #tpu.memory_space<vmem>>, vector<16xf32>,
      %mul3A_1032 = arith.constant 1024 : i32
      %mul3A_1033 = arith.muli %while3A_174, %mul3A_1032 : i32
      %add3A_1034 = arith.constant 512 : i32
      %add3A_1035 = arith.addi %mul3A_1033, %add3A_1034 : i32
      %add3A_1036 = arith.constant 480 : i32
      %add3A_1037 = arith.addi %add3A_1035, %add3A_1036 : i32
      %get3A_1038 = arith.index_cast %add3A_1037 : i32 to index
      %get3A_1039 = tpu.vector_load %arg9[%get3A_1038] {strides = array<i32>} : memref<8192xf32, #tpu.memory_space<vmem>>, vector<16xf32>,
      %add3A_1040 = arith.addf %get3A_1039, %while3A_701#30 : vector<16xf32>
      %swap3A_1041 = arith.index_cast %add3A_1037 : i32 to index
      %swap3A_1042 = tpu.vector_load %arg9[%swap3A_1041] {strides = array<i32>} : memref<8192xf32, #tpu.memory_space<vmem>>, vector<16xf32>,
      tpu.vector_store %arg9[%swap3A_1041], %add3A_1040 {strides = array<i32>} : memref<8192xf32, #tpu.memory_space<vmem>>, vector<16xf32>,
      %mul3A_1043 = arith.constant 1024 : i32
      %mul3A_1044 = arith.muli %while3A_174, %mul3A_1043 : i32
      %add3A_1045 = arith.constant 512 : i32
      %add3A_1046 = arith.addi %mul3A_1044, %add3A_1045 : i32
      %add3A_1047 = arith.constant 496 : i32
      %add3A_1048 = arith.addi %add3A_1046, %add3A_1047 : i32
      %get3A_1049 = arith.index_cast %add3A_1048 : i32 to index
      %get3A_1050 = tpu.vector_load %arg9[%get3A_1049] {strides = array<i32>} : memref<8192xf32, #tpu.memory_space<vmem>>, vector<16xf32>,
      %add3A_1051 = arith.addf %get3A_1050, %while3A_701#31 : vector<16xf32>
      %swap3A_1052 = arith.index_cast %add3A_1048 : i32 to index
      %swap3A_1053 = tpu.vector_load %arg9[%swap3A_1052] {strides = array<i32>} : memref<8192xf32, #tpu.memory_space<vmem>>, vector<16xf32>,
      tpu.vector_store %arg9[%swap3A_1052], %add3A_1051 {strides = array<i32>} : memref<8192xf32, #tpu.memory_space<vmem>>, vector<16xf32>,
      %while3A_1054 = arith.constant 0 : i32
      scf.yield %while3A_1054 : i32
    }
    %while3A_155 = arith.constant 1 : i32
    %while3A_156 = scf.for %while3A_174 = %while3A_152 to %while3A_148 step %while3A_155 iter_args(%while3A_175 = %while3A_154) -> (i32)  : i32 {
      %eq3A_176 = vector.broadcast %while3A_174 : i32 to vector<16xi32>
      %eq3A_177 = arith.cmpi eq, %iota3A, %eq3A_176 : vector<16xi32>
      %jit3A_178 = arith.constant 0 : i32
      %broadcast_in_dim3A_179 = vector.broadcast %jit3A_178 : i32 to vector<16xi32>
      %select_n3A_180 = arith.select %eq3A_177, %get3A_18, %broadcast_in_dim3A_179 : vector<16xi1>, vector<16xi32>
      %reduce_sum3A_181 = arith.constant true
      %reduce_sum3A_182 = vector.broadcast %reduce_sum3A_181 : i1 to vector<16xi1>
      %reduce_sum3A_183 = tpu.scan <sum>, %select_n3A_180 masked %reduce_sum3A_182 : vector<16xi32>, vector<16xi1> -> vector<16xi32>
      %reduce_sum3A_184 = vector.extract %reduce_sum3A_183[15] : i32 from vector<16xi32>
      %add3A_185 = arith.constant 1 : i32
      %add3A_186 = arith.addi %while3A_174, %add3A_185 : i32
      %eq3A_187 = vector.broadcast %add3A_186 : i32 to vector<16xi32>
      %eq3A_188 = arith.cmpi eq, %iota3A, %eq3A_187 : vector<16xi32>
      %jit3A_189 = arith.constant 0 : i32
      %broadcast_in_dim3A_190 = vector.broadcast %jit3A_189 : i32 to vector<16xi32>
      %select_n3A_191 = arith.select %eq3A_188, %get3A_18, %broadcast_in_dim3A_190 : vector<16xi1>, vector<16xi32>
      %reduce_sum3A_192 = arith.constant true
      %reduce_sum3A_193 = vector.broadcast %reduce_sum3A_192 : i1 to vector<16xi1>
      %reduce_sum3A_194 = tpu.scan <sum>, %select_n3A_191 masked %reduce_sum3A_193 : vector<16xi32>, vector<16xi1> -> vector<16xi32>
      %reduce_sum3A_195 = vector.extract %reduce_sum3A_194[15] : i32 from vector<16xi32>
      %sub3A = arith.subi %reduce_sum3A_184, %add3A_99 : i32
      %jit3A_196 = arith.constant 0 : i32
      %jit3A_197 = arith.constant 64 : i32
      %max3A = arith.maxsi %jit3A_196, %sub3A : i32
      %min3A = arith.minsi %jit3A_197, %max3A : i32
      %sub3A_198 = arith.subi %reduce_sum3A_195, %add3A_99 : i32
      %jit3A_199 = arith.constant 0 : i32
      %jit3A_200 = arith.constant 64 : i32
      %max3A_201 = arith.maxsi %jit3A_199, %sub3A_198 : i32
      %min3A_202 = arith.minsi %jit3A_200, %max3A_201 : i32
      %broadcast_in_dim3A_203 = arith.constant 0.000000e+00 : f32
      %broadcast_in_dim3A_204 = vector.broadcast %broadcast_in_dim3A_203 : f32 to vector<16xf32>
      %broadcast_in_dim3A_205 = arith.constant 0.000000e+00 : f32
      %broadcast_in_dim3A_206 = vector.broadcast %broadcast_in_dim3A_205 : f32 to vector<16xf32>
      %broadcast_in_dim3A_207 = arith.constant 0.000000e+00 : f32
      %broadcast_in_dim3A_208 = vector.broadcast %broadcast_in_dim3A_207 : f32 to vector<16xf32>
      %broadcast_in_dim3A_209 = arith.constant 0.000000e+00 : f32
      %broadcast_in_dim3A_210 = vector.broadcast %broadcast_in_dim3A_209 : f32 to vector<16xf32>
      %broadcast_in_dim3A_211 = arith.constant 0.000000e+00 : f32
      %broadcast_in_dim3A_212 = vector.broadcast %broadcast_in_dim3A_211 : f32 to vector<16xf32>
      %broadcast_in_dim3A_213 = arith.constant 0.000000e+00 : f32
      %broadcast_in_dim3A_214 = vector.broadcast %broadcast_in_dim3A_213 : f32 to vector<16xf32>
      %broadcast_in_dim3A_215 = arith.constant 0.000000e+00 : f32
      %broadcast_in_dim3A_216 = vector.broadcast %broadcast_in_dim3A_215 : f32 to vector<16xf32>
      %broadcast_in_dim3A_217 = arith.constant 0.000000e+00 : f32
      %broadcast_in_dim3A_218 = vector.broadcast %broadcast_in_dim3A_217 : f32 to vector<16xf32>
      %broadcast_in_dim3A_219 = arith.constant 0.000000e+00 : f32
      %broadcast_in_dim3A_220 = vector.broadcast %broadcast_in_dim3A_219 : f32 to vector<16xf32>
      %broadcast_in_dim3A_221 = arith.constant 0.000000e+00 : f32
      %broadcast_in_dim3A_222 = vector.broadcast %broadcast_in_dim3A_221 : f32 to vector<16xf32>
      %broadcast_in_dim3A_223 = arith.constant 0.000000e+00 : f32
      %broadcast_in_dim3A_224 = vector.broadcast %broadcast_in_dim3A_223 : f32 to vector<16xf32>
      %broadcast_in_dim3A_225 = arith.constant 0.000000e+00 : f32
      %broadcast_in_dim3A_226 = vector.broadcast %broadcast_in_dim3A_225 : f32 to vector<16xf32>
      %broadcast_in_dim3A_227 = arith.constant 0.000000e+00 : f32
      %broadcast_in_dim3A_228 = vector.broadcast %broadcast_in_dim3A_227 : f32 to vector<16xf32>
      %broadcast_in_dim3A_229 = arith.constant 0.000000e+00 : f32
      %broadcast_in_dim3A_230 = vector.broadcast %broadcast_in_dim3A_229 : f32 to vector<16xf32>
      %broadcast_in_dim3A_231 = arith.constant 0.000000e+00 : f32
      %broadcast_in_dim3A_232 = vector.broadcast %broadcast_in_dim3A_231 : f32 to vector<16xf32>
      %broadcast_in_dim3A_233 = arith.constant 0.000000e+00 : f32
      %broadcast_in_dim3A_234 = vector.broadcast %broadcast_in_dim3A_233 : f32 to vector<16xf32>
      %broadcast_in_dim3A_235 = arith.constant 0.000000e+00 : f32
      %broadcast_in_dim3A_236 = vector.broadcast %broadcast_in_dim3A_235 : f32 to vector<16xf32>
      %broadcast_in_dim3A_237 = arith.constant 0.000000e+00 : f32
      %broadcast_in_dim3A_238 = vector.broadcast %broadcast_in_dim3A_237 : f32 to vector<16xf32>
      %broadcast_in_dim3A_239 = arith.constant 0.000000e+00 : f32
      %broadcast_in_dim3A_240 = vector.broadcast %broadcast_in_dim3A_239 : f32 to vector<16xf32>
      %broadcast_in_dim3A_241 = arith.constant 0.000000e+00 : f32
      %broadcast_in_dim3A_242 = vector.broadcast %broadcast_in_dim3A_241 : f32 to vector<16xf32>
      %broadcast_in_dim3A_243 = arith.constant 0.000000e+00 : f32
      %broadcast_in_dim3A_244 = vector.broadcast %broadcast_in_dim3A_243 : f32 to vector<16xf32>
      %broadcast_in_dim3A_245 = arith.constant 0.000000e+00 : f32
      %broadcast_in_dim3A_246 = vector.broadcast %broadcast_in_dim3A_245 : f32 to vector<16xf32>
      %broadcast_in_dim3A_247 = arith.constant 0.000000e+00 : f32
      %broadcast_in_dim3A_248 = vector.broadcast %broadcast_in_dim3A_247 : f32 to vector<16xf32>
      %broadcast_in_dim3A_249 = arith.constant 0.000000e+00 : f32
      %broadcast_in_dim3A_250 = vector.broadcast %broadcast_in_dim3A_249 : f32 to vector<16xf32>
      %broadcast_in_dim3A_251 = arith.constant 0.000000e+00 : f32
      %broadcast_in_dim3A_252 = vector.broadcast %broadcast_in_dim3A_251 : f32 to vector<16xf32>
      %broadcast_in_dim3A_253 = arith.constant 0.000000e+00 : f32
      %broadcast_in_dim3A_254 = vector.broadcast %broadcast_in_dim3A_253 : f32 to vector<16xf32>
      %broadcast_in_dim3A_255 = arith.constant 0.000000e+00 : f32
      %broadcast_in_dim3A_256 = vector.broadcast %broadcast_in_dim3A_255 : f32 to vector<16xf32>
      %broadcast_in_dim3A_257 = arith.constant 0.000000e+00 : f32
      %broadcast_in_dim3A_258 = vector.broadcast %broadcast_in_dim3A_257 : f32 to vector<16xf32>
      %broadcast_in_dim3A_259 = arith.constant 0.000000e+00 : f32
      %broadcast_in_dim3A_260 = vector.broadcast %broadcast_in_dim3A_259 : f32 to vector<16xf32>
      %broadcast_in_dim3A_261 = arith.constant 0.000000e+00 : f32
      %broadcast_in_dim3A_262 = vector.broadcast %broadcast_in_dim3A_261 : f32 to vector<16xf32>
      %broadcast_in_dim3A_263 = arith.constant 0.000000e+00 : f32
      %broadcast_in_dim3A_264 = vector.broadcast %broadcast_in_dim3A_263 : f32 to vector<16xf32>
      %broadcast_in_dim3A_265 = arith.constant 0.000000e+00 : f32
      %broadcast_in_dim3A_266 = vector.broadcast %broadcast_in_dim3A_265 : f32 to vector<16xf32>
      %while3A_267 = arith.subi %min3A_202, %min3A : i32
      %while3A_268 = arith.addi %min3A, %while3A_267 : i32
      %while3A_269 = arith.constant 1 : i32
      %while3A_270 = arith.divsi %while3A_267, %while3A_269 : i32
      %while3A_271 = arith.muli %while3A_270, %while3A_269 : i32
      %while3A_272 = arith.addi %min3A, %while3A_271 : i32
      %while3A_273 = arith.constant 1 : i32
      %while3A_274:32 = scf.for %while3A_1055 = %min3A to %while3A_272 step %while3A_273 iter_args(%while3A_1056 = %broadcast_in_dim3A_204, %while3A_1057 = %broadcast_in_dim3A_206, %while3A_1058 = %broadcast_in_dim3A_208, %while3A_1059 = %broadcast_in_dim3A_210, %while3A_1060 = %broadcast_in_dim3A_212, %while3A_1061 = %broadcast_in_dim3A_214, %while3A_1062 = %broadcast_in_dim3A_216, %while3A_1063 = %broadcast_in_dim3A_218, %while3A_1064 = %broadcast_in_dim3A_220, %while3A_1065 = %broadcast_in_dim3A_222, %while3A_1066 = %broadcast_in_dim3A_224, %while3A_1067 = %broadcast_in_dim3A_226, %while3A_1068 = %broadcast_in_dim3A_228, %while3A_1069 = %broadcast_in_dim3A_230, %while3A_1070 = %broadcast_in_dim3A_232, %while3A_1071 = %broadcast_in_dim3A_234, %while3A_1072 = %broadcast_in_dim3A_236, %while3A_1073 = %broadcast_in_dim3A_238, %while3A_1074 = %broadcast_in_dim3A_240, %while3A_1075 = %broadcast_in_dim3A_242, %while3A_1076 = %broadcast_in_dim3A_244, %while3A_1077 = %broadcast_in_dim3A_246, %while3A_1078 = %broadcast_in_dim3A_248, %while3A_1079 = %broadcast_in_dim3A_250, %while3A_1080 = %broadcast_in_dim3A_252, %while3A_1081 = %broadcast_in_dim3A_254, %while3A_1082 = %broadcast_in_dim3A_256, %while3A_1083 = %broadcast_in_dim3A_258, %while3A_1084 = %broadcast_in_dim3A_260, %while3A_1085 = %broadcast_in_dim3A_262, %while3A_1086 = %broadcast_in_dim3A_264, %while3A_1087 = %broadcast_in_dim3A_266) -> (vector<16xf32>, vector<16xf32>, vector<16xf32>, vector<16xf32>, vector<16xf32>, vector<16xf32>, vector<16xf32>, vector<16xf32>, vector<16xf32>, vector<16xf32>, vector<16xf32>, vector<16xf32>, vector<16xf32>, vector<16xf32>, vector<16xf32>, vector<16xf32>, vector<16xf32>, vector<16xf32>, vector<16xf32>, vector<16xf32>, vector<16xf32>, vector<16xf32>, vector<16xf32>, vector<16xf32>, vector<16xf32>, vector<16xf32>, vector<16xf32>, vector<16xf32>, vector<16xf32>, vector<16xf32>, vector<16xf32>, vector<16xf32>)  : i32 {
        %get3A_1088 = arith.index_cast %while3A_1055 : i32 to index
        %get3A_1089 = arith.constant 0 : index
        %get3A_1090 = tpu.vector_load %arg7[%get3A_1088, %get3A_1089] {strides = array<i32>} : memref<64x1024xf32, #tpu.memory_space<vmem>>, vector<16xf32>,
        %add3A_1091 = arith.addf %while3A_1056, %get3A_1090 : vector<16xf32>
        %get3A_1092 = arith.index_cast %while3A_1055 : i32 to index
        %get3A_1093 = arith.constant 16 : index
        %get3A_1094 = tpu.vector_load %arg7[%get3A_1092, %get3A_1093] {strides = array<i32>} : memref<64x1024xf32, #tpu.memory_space<vmem>>, vector<16xf32>,
        %add3A_1095 = arith.addf %while3A_1057, %get3A_1094 : vector<16xf32>
        %get3A_1096 = arith.index_cast %while3A_1055 : i32 to index
        %get3A_1097 = arith.constant 32 : index
        %get3A_1098 = tpu.vector_load %arg7[%get3A_1096, %get3A_1097] {strides = array<i32>} : memref<64x1024xf32, #tpu.memory_space<vmem>>, vector<16xf32>,
        %add3A_1099 = arith.addf %while3A_1058, %get3A_1098 : vector<16xf32>
        %get3A_1100 = arith.index_cast %while3A_1055 : i32 to index
        %get3A_1101 = arith.constant 48 : index
        %get3A_1102 = tpu.vector_load %arg7[%get3A_1100, %get3A_1101] {strides = array<i32>} : memref<64x1024xf32, #tpu.memory_space<vmem>>, vector<16xf32>,
        %add3A_1103 = arith.addf %while3A_1059, %get3A_1102 : vector<16xf32>
        %get3A_1104 = arith.index_cast %while3A_1055 : i32 to index
        %get3A_1105 = arith.constant 64 : index
        %get3A_1106 = tpu.vector_load %arg7[%get3A_1104, %get3A_1105] {strides = array<i32>} : memref<64x1024xf32, #tpu.memory_space<vmem>>, vector<16xf32>,
        %add3A_1107 = arith.addf %while3A_1060, %get3A_1106 : vector<16xf32>
        %get3A_1108 = arith.index_cast %while3A_1055 : i32 to index
        %get3A_1109 = arith.constant 80 : index
        %get3A_1110 = tpu.vector_load %arg7[%get3A_1108, %get3A_1109] {strides = array<i32>} : memref<64x1024xf32, #tpu.memory_space<vmem>>, vector<16xf32>,
        %add3A_1111 = arith.addf %while3A_1061, %get3A_1110 : vector<16xf32>
        %get3A_1112 = arith.index_cast %while3A_1055 : i32 to index
        %get3A_1113 = arith.constant 96 : index
        %get3A_1114 = tpu.vector_load %arg7[%get3A_1112, %get3A_1113] {strides = array<i32>} : memref<64x1024xf32, #tpu.memory_space<vmem>>, vector<16xf32>,
        %add3A_1115 = arith.addf %while3A_1062, %get3A_1114 : vector<16xf32>
        %get3A_1116 = arith.index_cast %while3A_1055 : i32 to index
        %get3A_1117 = arith.constant 112 : index
        %get3A_1118 = tpu.vector_load %arg7[%get3A_1116, %get3A_1117] {strides = array<i32>} : memref<64x1024xf32, #tpu.memory_space<vmem>>, vector<16xf32>,
        %add3A_1119 = arith.addf %while3A_1063, %get3A_1118 : vector<16xf32>
        %get3A_1120 = arith.index_cast %while3A_1055 : i32 to index
        %get3A_1121 = arith.constant 128 : index
        %get3A_1122 = tpu.vector_load %arg7[%get3A_1120, %get3A_1121] {strides = array<i32>} : memref<64x1024xf32, #tpu.memory_space<vmem>>, vector<16xf32>,
        %add3A_1123 = arith.addf %while3A_1064, %get3A_1122 : vector<16xf32>
        %get3A_1124 = arith.index_cast %while3A_1055 : i32 to index
        %get3A_1125 = arith.constant 144 : index
        %get3A_1126 = tpu.vector_load %arg7[%get3A_1124, %get3A_1125] {strides = array<i32>} : memref<64x1024xf32, #tpu.memory_space<vmem>>, vector<16xf32>,
        %add3A_1127 = arith.addf %while3A_1065, %get3A_1126 : vector<16xf32>
        %get3A_1128 = arith.index_cast %while3A_1055 : i32 to index
        %get3A_1129 = arith.constant 160 : index
        %get3A_1130 = tpu.vector_load %arg7[%get3A_1128, %get3A_1129] {strides = array<i32>} : memref<64x1024xf32, #tpu.memory_space<vmem>>, vector<16xf32>,
        %add3A_1131 = arith.addf %while3A_1066, %get3A_1130 : vector<16xf32>
        %get3A_1132 = arith.index_cast %while3A_1055 : i32 to index
        %get3A_1133 = arith.constant 176 : index
        %get3A_1134 = tpu.vector_load %arg7[%get3A_1132, %get3A_1133] {strides = array<i32>} : memref<64x1024xf32, #tpu.memory_space<vmem>>, vector<16xf32>,
        %add3A_1135 = arith.addf %while3A_1067, %get3A_1134 : vector<16xf32>
        %get3A_1136 = arith.index_cast %while3A_1055 : i32 to index
        %get3A_1137 = arith.constant 192 : index
        %get3A_1138 = tpu.vector_load %arg7[%get3A_1136, %get3A_1137] {strides = array<i32>} : memref<64x1024xf32, #tpu.memory_space<vmem>>, vector<16xf32>,
        %add3A_1139 = arith.addf %while3A_1068, %get3A_1138 : vector<16xf32>
        %get3A_1140 = arith.index_cast %while3A_1055 : i32 to index
        %get3A_1141 = arith.constant 208 : index
        %get3A_1142 = tpu.vector_load %arg7[%get3A_1140, %get3A_1141] {strides = array<i32>} : memref<64x1024xf32, #tpu.memory_space<vmem>>, vector<16xf32>,
        %add3A_1143 = arith.addf %while3A_1069, %get3A_1142 : vector<16xf32>
        %get3A_1144 = arith.index_cast %while3A_1055 : i32 to index
        %get3A_1145 = arith.constant 224 : index
        %get3A_1146 = tpu.vector_load %arg7[%get3A_1144, %get3A_1145] {strides = array<i32>} : memref<64x1024xf32, #tpu.memory_space<vmem>>, vector<16xf32>,
        %add3A_1147 = arith.addf %while3A_1070, %get3A_1146 : vector<16xf32>
        %get3A_1148 = arith.index_cast %while3A_1055 : i32 to index
        %get3A_1149 = arith.constant 240 : index
        %get3A_1150 = tpu.vector_load %arg7[%get3A_1148, %get3A_1149] {strides = array<i32>} : memref<64x1024xf32, #tpu.memory_space<vmem>>, vector<16xf32>,
        %add3A_1151 = arith.addf %while3A_1071, %get3A_1150 : vector<16xf32>
        %get3A_1152 = arith.index_cast %while3A_1055 : i32 to index
        %get3A_1153 = arith.constant 256 : index
        %get3A_1154 = tpu.vector_load %arg7[%get3A_1152, %get3A_1153] {strides = array<i32>} : memref<64x1024xf32, #tpu.memory_space<vmem>>, vector<16xf32>,
        %add3A_1155 = arith.addf %while3A_1072, %get3A_1154 : vector<16xf32>
        %get3A_1156 = arith.index_cast %while3A_1055 : i32 to index
        %get3A_1157 = arith.constant 272 : index
        %get3A_1158 = tpu.vector_load %arg7[%get3A_1156, %get3A_1157] {strides = array<i32>} : memref<64x1024xf32, #tpu.memory_space<vmem>>, vector<16xf32>,
        %add3A_1159 = arith.addf %while3A_1073, %get3A_1158 : vector<16xf32>
        %get3A_1160 = arith.index_cast %while3A_1055 : i32 to index
        %get3A_1161 = arith.constant 288 : index
        %get3A_1162 = tpu.vector_load %arg7[%get3A_1160, %get3A_1161] {strides = array<i32>} : memref<64x1024xf32, #tpu.memory_space<vmem>>, vector<16xf32>,
        %add3A_1163 = arith.addf %while3A_1074, %get3A_1162 : vector<16xf32>
        %get3A_1164 = arith.index_cast %while3A_1055 : i32 to index
        %get3A_1165 = arith.constant 304 : index
        %get3A_1166 = tpu.vector_load %arg7[%get3A_1164, %get3A_1165] {strides = array<i32>} : memref<64x1024xf32, #tpu.memory_space<vmem>>, vector<16xf32>,
        %add3A_1167 = arith.addf %while3A_1075, %get3A_1166 : vector<16xf32>
        %get3A_1168 = arith.index_cast %while3A_1055 : i32 to index
        %get3A_1169 = arith.constant 320 : index
        %get3A_1170 = tpu.vector_load %arg7[%get3A_1168, %get3A_1169] {strides = array<i32>} : memref<64x1024xf32, #tpu.memory_space<vmem>>, vector<16xf32>,
        %add3A_1171 = arith.addf %while3A_1076, %get3A_1170 : vector<16xf32>
        %get3A_1172 = arith.index_cast %while3A_1055 : i32 to index
        %get3A_1173 = arith.constant 336 : index
        %get3A_1174 = tpu.vector_load %arg7[%get3A_1172, %get3A_1173] {strides = array<i32>} : memref<64x1024xf32, #tpu.memory_space<vmem>>, vector<16xf32>,
        %add3A_1175 = arith.addf %while3A_1077, %get3A_1174 : vector<16xf32>
        %get3A_1176 = arith.index_cast %while3A_1055 : i32 to index
        %get3A_1177 = arith.constant 352 : index
        %get3A_1178 = tpu.vector_load %arg7[%get3A_1176, %get3A_1177] {strides = array<i32>} : memref<64x1024xf32, #tpu.memory_space<vmem>>, vector<16xf32>,
        %add3A_1179 = arith.addf %while3A_1078, %get3A_1178 : vector<16xf32>
        %get3A_1180 = arith.index_cast %while3A_1055 : i32 to index
        %get3A_1181 = arith.constant 368 : index
        %get3A_1182 = tpu.vector_load %arg7[%get3A_1180, %get3A_1181] {strides = array<i32>} : memref<64x1024xf32, #tpu.memory_space<vmem>>, vector<16xf32>,
        %add3A_1183 = arith.addf %while3A_1079, %get3A_1182 : vector<16xf32>
        %get3A_1184 = arith.index_cast %while3A_1055 : i32 to index
        %get3A_1185 = arith.constant 384 : index
        %get3A_1186 = tpu.vector_load %arg7[%get3A_1184, %get3A_1185] {strides = array<i32>} : memref<64x1024xf32, #tpu.memory_space<vmem>>, vector<16xf32>,
        %add3A_1187 = arith.addf %while3A_1080, %get3A_1186 : vector<16xf32>
        %get3A_1188 = arith.index_cast %while3A_1055 : i32 to index
        %get3A_1189 = arith.constant 400 : index
        %get3A_1190 = tpu.vector_load %arg7[%get3A_1188, %get3A_1189] {strides = array<i32>} : memref<64x1024xf32, #tpu.memory_space<vmem>>, vector<16xf32>,
        %add3A_1191 = arith.addf %while3A_1081, %get3A_1190 : vector<16xf32>
        %get3A_1192 = arith.index_cast %while3A_1055 : i32 to index
        %get3A_1193 = arith.constant 416 : index
        %get3A_1194 = tpu.vector_load %arg7[%get3A_1192, %get3A_1193] {strides = array<i32>} : memref<64x1024xf32, #tpu.memory_space<vmem>>, vector<16xf32>,
        %add3A_1195 = arith.addf %while3A_1082, %get3A_1194 : vector<16xf32>
        %get3A_1196 = arith.index_cast %while3A_1055 : i32 to index
        %get3A_1197 = arith.constant 432 : index
        %get3A_1198 = tpu.vector_load %arg7[%get3A_1196, %get3A_1197] {strides = array<i32>} : memref<64x1024xf32, #tpu.memory_space<vmem>>, vector<16xf32>,
        %add3A_1199 = arith.addf %while3A_1083, %get3A_1198 : vector<16xf32>
        %get3A_1200 = arith.index_cast %while3A_1055 : i32 to index
        %get3A_1201 = arith.constant 448 : index
        %get3A_1202 = tpu.vector_load %arg7[%get3A_1200, %get3A_1201] {strides = array<i32>} : memref<64x1024xf32, #tpu.memory_space<vmem>>, vector<16xf32>,
        %add3A_1203 = arith.addf %while3A_1084, %get3A_1202 : vector<16xf32>
        %get3A_1204 = arith.index_cast %while3A_1055 : i32 to index
        %get3A_1205 = arith.constant 464 : index
        %get3A_1206 = tpu.vector_load %arg7[%get3A_1204, %get3A_1205] {strides = array<i32>} : memref<64x1024xf32, #tpu.memory_space<vmem>>, vector<16xf32>,
        %add3A_1207 = arith.addf %while3A_1085, %get3A_1206 : vector<16xf32>
        %get3A_1208 = arith.index_cast %while3A_1055 : i32 to index
        %get3A_1209 = arith.constant 480 : index
        %get3A_1210 = tpu.vector_load %arg7[%get3A_1208, %get3A_1209] {strides = array<i32>} : memref<64x1024xf32, #tpu.memory_space<vmem>>, vector<16xf32>,
        %add3A_1211 = arith.addf %while3A_1086, %get3A_1210 : vector<16xf32>
        %get3A_1212 = arith.index_cast %while3A_1055 : i32 to index
        %get3A_1213 = arith.constant 496 : index
        %get3A_1214 = tpu.vector_load %arg7[%get3A_1212, %get3A_1213] {strides = array<i32>} : memref<64x1024xf32, #tpu.memory_space<vmem>>, vector<16xf32>,
        %add3A_1215 = arith.addf %while3A_1087, %get3A_1214 : vector<16xf32>
        scf.yield %add3A_1091, %add3A_1095, %add3A_1099, %add3A_1103, %add3A_1107, %add3A_1111, %add3A_1115, %add3A_1119, %add3A_1123, %add3A_1127, %add3A_1131, %add3A_1135, %add3A_1139, %add3A_1143, %add3A_1147, %add3A_1151, %add3A_1155, %add3A_1159, %add3A_1163, %add3A_1167, %add3A_1171, %add3A_1175, %add3A_1179, %add3A_1183, %add3A_1187, %add3A_1191, %add3A_1195, %add3A_1199, %add3A_1203, %add3A_1207, %add3A_1211, %add3A_1215 : vector<16xf32>, vector<16xf32>, vector<16xf32>, vector<16xf32>, vector<16xf32>, vector<16xf32>, vector<16xf32>, vector<16xf32>, vector<16xf32>, vector<16xf32>, vector<16xf32>, vector<16xf32>, vector<16xf32>, vector<16xf32>, vector<16xf32>, vector<16xf32>, vector<16xf32>, vector<16xf32>, vector<16xf32>, vector<16xf32>, vector<16xf32>, vector<16xf32>, vector<16xf32>, vector<16xf32>, vector<16xf32>, vector<16xf32>, vector<16xf32>, vector<16xf32>, vector<16xf32>, vector<16xf32>, vector<16xf32>, vector<16xf32>
      }
      %while3A_275 = arith.constant 1 : i32
      %while3A_276:32 = scf.for %while3A_1055 = %while3A_272 to %while3A_268 step %while3A_275 iter_args(%while3A_1056 = %while3A_274#0, %while3A_1057 = %while3A_274#1, %while3A_1058 = %while3A_274#2, %while3A_1059 = %while3A_274#3, %while3A_1060 = %while3A_274#4, %while3A_1061 = %while3A_274#5, %while3A_1062 = %while3A_274#6, %while3A_1063 = %while3A_274#7, %while3A_1064 = %while3A_274#8, %while3A_1065 = %while3A_274#9, %while3A_1066 = %while3A_274#10, %while3A_1067 = %while3A_274#11, %while3A_1068 = %while3A_274#12, %while3A_1069 = %while3A_274#13, %while3A_1070 = %while3A_274#14, %while3A_1071 = %while3A_274#15, %while3A_1072 = %while3A_274#16, %while3A_1073 = %while3A_274#17, %while3A_1074 = %while3A_274#18, %while3A_1075 = %while3A_274#19, %while3A_1076 = %while3A_274#20, %while3A_1077 = %while3A_274#21, %while3A_1078 = %while3A_274#22, %while3A_1079 = %while3A_274#23, %while3A_1080 = %while3A_274#24, %while3A_1081 = %while3A_274#25, %while3A_1082 = %while3A_274#26, %while3A_1083 = %while3A_274#27, %while3A_1084 = %while3A_274#28, %while3A_1085 = %while3A_274#29, %while3A_1086 = %while3A_274#30, %while3A_1087 = %while3A_274#31) -> (vector<16xf32>, vector<16xf32>, vector<16xf32>, vector<16xf32>, vector<16xf32>, vector<16xf32>, vector<16xf32>, vector<16xf32>, vector<16xf32>, vector<16xf32>, vector<16xf32>, vector<16xf32>, vector<16xf32>, vector<16xf32>, vector<16xf32>, vector<16xf32>, vector<16xf32>, vector<16xf32>, vector<16xf32>, vector<16xf32>, vector<16xf32>, vector<16xf32>, vector<16xf32>, vector<16xf32>, vector<16xf32>, vector<16xf32>, vector<16xf32>, vector<16xf32>, vector<16xf32>, vector<16xf32>, vector<16xf32>, vector<16xf32>)  : i32 {
        %get3A_1088 = arith.index_cast %while3A_1055 : i32 to index
        %get3A_1089 = arith.constant 0 : index
        %get3A_1090 = tpu.vector_load %arg7[%get3A_1088, %get3A_1089] {strides = array<i32>} : memref<64x1024xf32, #tpu.memory_space<vmem>>, vector<16xf32>,
        %add3A_1091 = arith.addf %while3A_1056, %get3A_1090 : vector<16xf32>
        %get3A_1092 = arith.index_cast %while3A_1055 : i32 to index
        %get3A_1093 = arith.constant 16 : index
        %get3A_1094 = tpu.vector_load %arg7[%get3A_1092, %get3A_1093] {strides = array<i32>} : memref<64x1024xf32, #tpu.memory_space<vmem>>, vector<16xf32>,
        %add3A_1095 = arith.addf %while3A_1057, %get3A_1094 : vector<16xf32>
        %get3A_1096 = arith.index_cast %while3A_1055 : i32 to index
        %get3A_1097 = arith.constant 32 : index
        %get3A_1098 = tpu.vector_load %arg7[%get3A_1096, %get3A_1097] {strides = array<i32>} : memref<64x1024xf32, #tpu.memory_space<vmem>>, vector<16xf32>,
        %add3A_1099 = arith.addf %while3A_1058, %get3A_1098 : vector<16xf32>
        %get3A_1100 = arith.index_cast %while3A_1055 : i32 to index
        %get3A_1101 = arith.constant 48 : index
        %get3A_1102 = tpu.vector_load %arg7[%get3A_1100, %get3A_1101] {strides = array<i32>} : memref<64x1024xf32, #tpu.memory_space<vmem>>, vector<16xf32>,
        %add3A_1103 = arith.addf %while3A_1059, %get3A_1102 : vector<16xf32>
        %get3A_1104 = arith.index_cast %while3A_1055 : i32 to index
        %get3A_1105 = arith.constant 64 : index
        %get3A_1106 = tpu.vector_load %arg7[%get3A_1104, %get3A_1105] {strides = array<i32>} : memref<64x1024xf32, #tpu.memory_space<vmem>>, vector<16xf32>,
        %add3A_1107 = arith.addf %while3A_1060, %get3A_1106 : vector<16xf32>
        %get3A_1108 = arith.index_cast %while3A_1055 : i32 to index
        %get3A_1109 = arith.constant 80 : index
        %get3A_1110 = tpu.vector_load %arg7[%get3A_1108, %get3A_1109] {strides = array<i32>} : memref<64x1024xf32, #tpu.memory_space<vmem>>, vector<16xf32>,
        %add3A_1111 = arith.addf %while3A_1061, %get3A_1110 : vector<16xf32>
        %get3A_1112 = arith.index_cast %while3A_1055 : i32 to index
        %get3A_1113 = arith.constant 96 : index
        %get3A_1114 = tpu.vector_load %arg7[%get3A_1112, %get3A_1113] {strides = array<i32>} : memref<64x1024xf32, #tpu.memory_space<vmem>>, vector<16xf32>,
        %add3A_1115 = arith.addf %while3A_1062, %get3A_1114 : vector<16xf32>
        %get3A_1116 = arith.index_cast %while3A_1055 : i32 to index
        %get3A_1117 = arith.constant 112 : index
        %get3A_1118 = tpu.vector_load %arg7[%get3A_1116, %get3A_1117] {strides = array<i32>} : memref<64x1024xf32, #tpu.memory_space<vmem>>, vector<16xf32>,
        %add3A_1119 = arith.addf %while3A_1063, %get3A_1118 : vector<16xf32>
        %get3A_1120 = arith.index_cast %while3A_1055 : i32 to index
        %get3A_1121 = arith.constant 128 : index
        %get3A_1122 = tpu.vector_load %arg7[%get3A_1120, %get3A_1121] {strides = array<i32>} : memref<64x1024xf32, #tpu.memory_space<vmem>>, vector<16xf32>,
        %add3A_1123 = arith.addf %while3A_1064, %get3A_1122 : vector<16xf32>
        %get3A_1124 = arith.index_cast %while3A_1055 : i32 to index
        %get3A_1125 = arith.constant 144 : index
        %get3A_1126 = tpu.vector_load %arg7[%get3A_1124, %get3A_1125] {strides = array<i32>} : memref<64x1024xf32, #tpu.memory_space<vmem>>, vector<16xf32>,
        %add3A_1127 = arith.addf %while3A_1065, %get3A_1126 : vector<16xf32>
        %get3A_1128 = arith.index_cast %while3A_1055 : i32 to index
        %get3A_1129 = arith.constant 160 : index
        %get3A_1130 = tpu.vector_load %arg7[%get3A_1128, %get3A_1129] {strides = array<i32>} : memref<64x1024xf32, #tpu.memory_space<vmem>>, vector<16xf32>,
        %add3A_1131 = arith.addf %while3A_1066, %get3A_1130 : vector<16xf32>
        %get3A_1132 = arith.index_cast %while3A_1055 : i32 to index
        %get3A_1133 = arith.constant 176 : index
        %get3A_1134 = tpu.vector_load %arg7[%get3A_1132, %get3A_1133] {strides = array<i32>} : memref<64x1024xf32, #tpu.memory_space<vmem>>, vector<16xf32>,
        %add3A_1135 = arith.addf %while3A_1067, %get3A_1134 : vector<16xf32>
        %get3A_1136 = arith.index_cast %while3A_1055 : i32 to index
        %get3A_1137 = arith.constant 192 : index
        %get3A_1138 = tpu.vector_load %arg7[%get3A_1136, %get3A_1137] {strides = array<i32>} : memref<64x1024xf32, #tpu.memory_space<vmem>>, vector<16xf32>,
        %add3A_1139 = arith.addf %while3A_1068, %get3A_1138 : vector<16xf32>
        %get3A_1140 = arith.index_cast %while3A_1055 : i32 to index
        %get3A_1141 = arith.constant 208 : index
        %get3A_1142 = tpu.vector_load %arg7[%get3A_1140, %get3A_1141] {strides = array<i32>} : memref<64x1024xf32, #tpu.memory_space<vmem>>, vector<16xf32>,
        %add3A_1143 = arith.addf %while3A_1069, %get3A_1142 : vector<16xf32>
        %get3A_1144 = arith.index_cast %while3A_1055 : i32 to index
        %get3A_1145 = arith.constant 224 : index
        %get3A_1146 = tpu.vector_load %arg7[%get3A_1144, %get3A_1145] {strides = array<i32>} : memref<64x1024xf32, #tpu.memory_space<vmem>>, vector<16xf32>,
        %add3A_1147 = arith.addf %while3A_1070, %get3A_1146 : vector<16xf32>
        %get3A_1148 = arith.index_cast %while3A_1055 : i32 to index
        %get3A_1149 = arith.constant 240 : index
        %get3A_1150 = tpu.vector_load %arg7[%get3A_1148, %get3A_1149] {strides = array<i32>} : memref<64x1024xf32, #tpu.memory_space<vmem>>, vector<16xf32>,
        %add3A_1151 = arith.addf %while3A_1071, %get3A_1150 : vector<16xf32>
        %get3A_1152 = arith.index_cast %while3A_1055 : i32 to index
        %get3A_1153 = arith.constant 256 : index
        %get3A_1154 = tpu.vector_load %arg7[%get3A_1152, %get3A_1153] {strides = array<i32>} : memref<64x1024xf32, #tpu.memory_space<vmem>>, vector<16xf32>,
        %add3A_1155 = arith.addf %while3A_1072, %get3A_1154 : vector<16xf32>
        %get3A_1156 = arith.index_cast %while3A_1055 : i32 to index
        %get3A_1157 = arith.constant 272 : index
        %get3A_1158 = tpu.vector_load %arg7[%get3A_1156, %get3A_1157] {strides = array<i32>} : memref<64x1024xf32, #tpu.memory_space<vmem>>, vector<16xf32>,
        %add3A_1159 = arith.addf %while3A_1073, %get3A_1158 : vector<16xf32>
        %get3A_1160 = arith.index_cast %while3A_1055 : i32 to index
        %get3A_1161 = arith.constant 288 : index
        %get3A_1162 = tpu.vector_load %arg7[%get3A_1160, %get3A_1161] {strides = array<i32>} : memref<64x1024xf32, #tpu.memory_space<vmem>>, vector<16xf32>,
        %add3A_1163 = arith.addf %while3A_1074, %get3A_1162 : vector<16xf32>
        %get3A_1164 = arith.index_cast %while3A_1055 : i32 to index
        %get3A_1165 = arith.constant 304 : index
        %get3A_1166 = tpu.vector_load %arg7[%get3A_1164, %get3A_1165] {strides = array<i32>} : memref<64x1024xf32, #tpu.memory_space<vmem>>, vector<16xf32>,
        %add3A_1167 = arith.addf %while3A_1075, %get3A_1166 : vector<16xf32>
        %get3A_1168 = arith.index_cast %while3A_1055 : i32 to index
        %get3A_1169 = arith.constant 320 : index
        %get3A_1170 = tpu.vector_load %arg7[%get3A_1168, %get3A_1169] {strides = array<i32>} : memref<64x1024xf32, #tpu.memory_space<vmem>>, vector<16xf32>,
        %add3A_1171 = arith.addf %while3A_1076, %get3A_1170 : vector<16xf32>
        %get3A_1172 = arith.index_cast %while3A_1055 : i32 to index
        %get3A_1173 = arith.constant 336 : index
        %get3A_1174 = tpu.vector_load %arg7[%get3A_1172, %get3A_1173] {strides = array<i32>} : memref<64x1024xf32, #tpu.memory_space<vmem>>, vector<16xf32>,
        %add3A_1175 = arith.addf %while3A_1077, %get3A_1174 : vector<16xf32>
        %get3A_1176 = arith.index_cast %while3A_1055 : i32 to index
        %get3A_1177 = arith.constant 352 : index
        %get3A_1178 = tpu.vector_load %arg7[%get3A_1176, %get3A_1177] {strides = array<i32>} : memref<64x1024xf32, #tpu.memory_space<vmem>>, vector<16xf32>,
        %add3A_1179 = arith.addf %while3A_1078, %get3A_1178 : vector<16xf32>
        %get3A_1180 = arith.index_cast %while3A_1055 : i32 to index
        %get3A_1181 = arith.constant 368 : index
        %get3A_1182 = tpu.vector_load %arg7[%get3A_1180, %get3A_1181] {strides = array<i32>} : memref<64x1024xf32, #tpu.memory_space<vmem>>, vector<16xf32>,
        %add3A_1183 = arith.addf %while3A_1079, %get3A_1182 : vector<16xf32>
        %get3A_1184 = arith.index_cast %while3A_1055 : i32 to index
        %get3A_1185 = arith.constant 384 : index
        %get3A_1186 = tpu.vector_load %arg7[%get3A_1184, %get3A_1185] {strides = array<i32>} : memref<64x1024xf32, #tpu.memory_space<vmem>>, vector<16xf32>,
        %add3A_1187 = arith.addf %while3A_1080, %get3A_1186 : vector<16xf32>
        %get3A_1188 = arith.index_cast %while3A_1055 : i32 to index
        %get3A_1189 = arith.constant 400 : index
        %get3A_1190 = tpu.vector_load %arg7[%get3A_1188, %get3A_1189] {strides = array<i32>} : memref<64x1024xf32, #tpu.memory_space<vmem>>, vector<16xf32>,
        %add3A_1191 = arith.addf %while3A_1081, %get3A_1190 : vector<16xf32>
        %get3A_1192 = arith.index_cast %while3A_1055 : i32 to index
        %get3A_1193 = arith.constant 416 : index
        %get3A_1194 = tpu.vector_load %arg7[%get3A_1192, %get3A_1193] {strides = array<i32>} : memref<64x1024xf32, #tpu.memory_space<vmem>>, vector<16xf32>,
        %add3A_1195 = arith.addf %while3A_1082, %get3A_1194 : vector<16xf32>
        %get3A_1196 = arith.index_cast %while3A_1055 : i32 to index
        %get3A_1197 = arith.constant 432 : index
        %get3A_1198 = tpu.vector_load %arg7[%get3A_1196, %get3A_1197] {strides = array<i32>} : memref<64x1024xf32, #tpu.memory_space<vmem>>, vector<16xf32>,
        %add3A_1199 = arith.addf %while3A_1083, %get3A_1198 : vector<16xf32>
        %get3A_1200 = arith.index_cast %while3A_1055 : i32 to index
        %get3A_1201 = arith.constant 448 : index
        %get3A_1202 = tpu.vector_load %arg7[%get3A_1200, %get3A_1201] {strides = array<i32>} : memref<64x1024xf32, #tpu.memory_space<vmem>>, vector<16xf32>,
        %add3A_1203 = arith.addf %while3A_1084, %get3A_1202 : vector<16xf32>
        %get3A_1204 = arith.index_cast %while3A_1055 : i32 to index
        %get3A_1205 = arith.constant 464 : index
        %get3A_1206 = tpu.vector_load %arg7[%get3A_1204, %get3A_1205] {strides = array<i32>} : memref<64x1024xf32, #tpu.memory_space<vmem>>, vector<16xf32>,
        %add3A_1207 = arith.addf %while3A_1085, %get3A_1206 : vector<16xf32>
        %get3A_1208 = arith.index_cast %while3A_1055 : i32 to index
        %get3A_1209 = arith.constant 480 : index
        %get3A_1210 = tpu.vector_load %arg7[%get3A_1208, %get3A_1209] {strides = array<i32>} : memref<64x1024xf32, #tpu.memory_space<vmem>>, vector<16xf32>,
        %add3A_1211 = arith.addf %while3A_1086, %get3A_1210 : vector<16xf32>
        %get3A_1212 = arith.index_cast %while3A_1055 : i32 to index
        %get3A_1213 = arith.constant 496 : index
        %get3A_1214 = tpu.vector_load %arg7[%get3A_1212, %get3A_1213] {strides = array<i32>} : memref<64x1024xf32, #tpu.memory_space<vmem>>, vector<16xf32>,
        %add3A_1215 = arith.addf %while3A_1087, %get3A_1214 : vector<16xf32>
        scf.yield %add3A_1091, %add3A_1095, %add3A_1099, %add3A_1103, %add3A_1107, %add3A_1111, %add3A_1115, %add3A_1119, %add3A_1123, %add3A_1127, %add3A_1131, %add3A_1135, %add3A_1139, %add3A_1143, %add3A_1147, %add3A_1151, %add3A_1155, %add3A_1159, %add3A_1163, %add3A_1167, %add3A_1171, %add3A_1175, %add3A_1179, %add3A_1183, %add3A_1187, %add3A_1191, %add3A_1195, %add3A_1199, %add3A_1203, %add3A_1207, %add3A_1211, %add3A_1215 : vector<16xf32>, vector<16xf32>, vector<16xf32>, vector<16xf32>, vector<16xf32>, vector<16xf32>, vector<16xf32>, vector<16xf32>, vector<16xf32>, vector<16xf32>, vector<16xf32>, vector<16xf32>, vector<16xf32>, vector<16xf32>, vector<16xf32>, vector<16xf32>, vector<16xf32>, vector<16xf32>, vector<16xf32>, vector<16xf32>, vector<16xf32>, vector<16xf32>, vector<16xf32>, vector<16xf32>, vector<16xf32>, vector<16xf32>, vector<16xf32>, vector<16xf32>, vector<16xf32>, vector<16xf32>, vector<16xf32>, vector<16xf32>
      }
      %mul3A_277 = arith.constant 1024 : i32
      %mul3A_278 = arith.muli %while3A_174, %mul3A_277 : i32
      %add3A_279 = arith.constant 0 : i32
      %add3A_280 = arith.addi %mul3A_278, %add3A_279 : i32
      %add3A_281 = arith.constant 0 : i32
      %add3A_282 = arith.addi %add3A_280, %add3A_281 : i32
      %get3A_283 = arith.index_cast %add3A_282 : i32 to index
      %get3A_284 = tpu.vector_load %arg9[%get3A_283] {strides = array<i32>} : memref<8192xf32, #tpu.memory_space<vmem>>, vector<16xf32>,
      %add3A_285 = arith.addf %get3A_284, %while3A_276#0 : vector<16xf32>
      %swap3A = arith.index_cast %add3A_282 : i32 to index
      %swap3A_286 = tpu.vector_load %arg9[%swap3A] {strides = array<i32>} : memref<8192xf32, #tpu.memory_space<vmem>>, vector<16xf32>,
      tpu.vector_store %arg9[%swap3A], %add3A_285 {strides = array<i32>} : memref<8192xf32, #tpu.memory_space<vmem>>, vector<16xf32>,
      %mul3A_287 = arith.constant 1024 : i32
      %mul3A_288 = arith.muli %while3A_174, %mul3A_287 : i32
      %add3A_289 = arith.constant 0 : i32
      %add3A_290 = arith.addi %mul3A_288, %add3A_289 : i32
      %add3A_291 = arith.constant 16 : i32
      %add3A_292 = arith.addi %add3A_290, %add3A_291 : i32
      %get3A_293 = arith.index_cast %add3A_292 : i32 to index
      %get3A_294 = tpu.vector_load %arg9[%get3A_293] {strides = array<i32>} : memref<8192xf32, #tpu.memory_space<vmem>>, vector<16xf32>,
      %add3A_295 = arith.addf %get3A_294, %while3A_276#1 : vector<16xf32>
      %swap3A_296 = arith.index_cast %add3A_292 : i32 to index
      %swap3A_297 = tpu.vector_load %arg9[%swap3A_296] {strides = array<i32>} : memref<8192xf32, #tpu.memory_space<vmem>>, vector<16xf32>,
      tpu.vector_store %arg9[%swap3A_296], %add3A_295 {strides = array<i32>} : memref<8192xf32, #tpu.memory_space<vmem>>, vector<16xf32>,
      %mul3A_298 = arith.constant 1024 : i32
      %mul3A_299 = arith.muli %while3A_174, %mul3A_298 : i32
      %add3A_300 = arith.constant 0 : i32
      %add3A_301 = arith.addi %mul3A_299, %add3A_300 : i32
      %add3A_302 = arith.constant 32 : i32
      %add3A_303 = arith.addi %add3A_301, %add3A_302 : i32
      %get3A_304 = arith.index_cast %add3A_303 : i32 to index
      %get3A_305 = tpu.vector_load %arg9[%get3A_304] {strides = array<i32>} : memref<8192xf32, #tpu.memory_space<vmem>>, vector<16xf32>,
      %add3A_306 = arith.addf %get3A_305, %while3A_276#2 : vector<16xf32>
      %swap3A_307 = arith.index_cast %add3A_303 : i32 to index
      %swap3A_308 = tpu.vector_load %arg9[%swap3A_307] {strides = array<i32>} : memref<8192xf32, #tpu.memory_space<vmem>>, vector<16xf32>,
      tpu.vector_store %arg9[%swap3A_307], %add3A_306 {strides = array<i32>} : memref<8192xf32, #tpu.memory_space<vmem>>, vector<16xf32>,
      %mul3A_309 = arith.constant 1024 : i32
      %mul3A_310 = arith.muli %while3A_174, %mul3A_309 : i32
      %add3A_311 = arith.constant 0 : i32
      %add3A_312 = arith.addi %mul3A_310, %add3A_311 : i32
      %add3A_313 = arith.constant 48 : i32
      %add3A_314 = arith.addi %add3A_312, %add3A_313 : i32
      %get3A_315 = arith.index_cast %add3A_314 : i32 to index
      %get3A_316 = tpu.vector_load %arg9[%get3A_315] {strides = array<i32>} : memref<8192xf32, #tpu.memory_space<vmem>>, vector<16xf32>,
      %add3A_317 = arith.addf %get3A_316, %while3A_276#3 : vector<16xf32>
      %swap3A_318 = arith.index_cast %add3A_314 : i32 to index
      %swap3A_319 = tpu.vector_load %arg9[%swap3A_318] {strides = array<i32>} : memref<8192xf32, #tpu.memory_space<vmem>>, vector<16xf32>,
      tpu.vector_store %arg9[%swap3A_318], %add3A_317 {strides = array<i32>} : memref<8192xf32, #tpu.memory_space<vmem>>, vector<16xf32>,
      %mul3A_320 = arith.constant 1024 : i32
      %mul3A_321 = arith.muli %while3A_174, %mul3A_320 : i32
      %add3A_322 = arith.constant 0 : i32
      %add3A_323 = arith.addi %mul3A_321, %add3A_322 : i32
      %add3A_324 = arith.constant 64 : i32
      %add3A_325 = arith.addi %add3A_323, %add3A_324 : i32
      %get3A_326 = arith.index_cast %add3A_325 : i32 to index
      %get3A_327 = tpu.vector_load %arg9[%get3A_326] {strides = array<i32>} : memref<8192xf32, #tpu.memory_space<vmem>>, vector<16xf32>,
      %add3A_328 = arith.addf %get3A_327, %while3A_276#4 : vector<16xf32>
      %swap3A_329 = arith.index_cast %add3A_325 : i32 to index
      %swap3A_330 = tpu.vector_load %arg9[%swap3A_329] {strides = array<i32>} : memref<8192xf32, #tpu.memory_space<vmem>>, vector<16xf32>,
      tpu.vector_store %arg9[%swap3A_329], %add3A_328 {strides = array<i32>} : memref<8192xf32, #tpu.memory_space<vmem>>, vector<16xf32>,
      %mul3A_331 = arith.constant 1024 : i32
      %mul3A_332 = arith.muli %while3A_174, %mul3A_331 : i32
      %add3A_333 = arith.constant 0 : i32
      %add3A_334 = arith.addi %mul3A_332, %add3A_333 : i32
      %add3A_335 = arith.constant 80 : i32
      %add3A_336 = arith.addi %add3A_334, %add3A_335 : i32
      %get3A_337 = arith.index_cast %add3A_336 : i32 to index
      %get3A_338 = tpu.vector_load %arg9[%get3A_337] {strides = array<i32>} : memref<8192xf32, #tpu.memory_space<vmem>>, vector<16xf32>,
      %add3A_339 = arith.addf %get3A_338, %while3A_276#5 : vector<16xf32>
      %swap3A_340 = arith.index_cast %add3A_336 : i32 to index
      %swap3A_341 = tpu.vector_load %arg9[%swap3A_340] {strides = array<i32>} : memref<8192xf32, #tpu.memory_space<vmem>>, vector<16xf32>,
      tpu.vector_store %arg9[%swap3A_340], %add3A_339 {strides = array<i32>} : memref<8192xf32, #tpu.memory_space<vmem>>, vector<16xf32>,
      %mul3A_342 = arith.constant 1024 : i32
      %mul3A_343 = arith.muli %while3A_174, %mul3A_342 : i32
      %add3A_344 = arith.constant 0 : i32
      %add3A_345 = arith.addi %mul3A_343, %add3A_344 : i32
      %add3A_346 = arith.constant 96 : i32
      %add3A_347 = arith.addi %add3A_345, %add3A_346 : i32
      %get3A_348 = arith.index_cast %add3A_347 : i32 to index
      %get3A_349 = tpu.vector_load %arg9[%get3A_348] {strides = array<i32>} : memref<8192xf32, #tpu.memory_space<vmem>>, vector<16xf32>,
      %add3A_350 = arith.addf %get3A_349, %while3A_276#6 : vector<16xf32>
      %swap3A_351 = arith.index_cast %add3A_347 : i32 to index
      %swap3A_352 = tpu.vector_load %arg9[%swap3A_351] {strides = array<i32>} : memref<8192xf32, #tpu.memory_space<vmem>>, vector<16xf32>,
      tpu.vector_store %arg9[%swap3A_351], %add3A_350 {strides = array<i32>} : memref<8192xf32, #tpu.memory_space<vmem>>, vector<16xf32>,
      %mul3A_353 = arith.constant 1024 : i32
      %mul3A_354 = arith.muli %while3A_174, %mul3A_353 : i32
      %add3A_355 = arith.constant 0 : i32
      %add3A_356 = arith.addi %mul3A_354, %add3A_355 : i32
      %add3A_357 = arith.constant 112 : i32
      %add3A_358 = arith.addi %add3A_356, %add3A_357 : i32
      %get3A_359 = arith.index_cast %add3A_358 : i32 to index
      %get3A_360 = tpu.vector_load %arg9[%get3A_359] {strides = array<i32>} : memref<8192xf32, #tpu.memory_space<vmem>>, vector<16xf32>,
      %add3A_361 = arith.addf %get3A_360, %while3A_276#7 : vector<16xf32>
      %swap3A_362 = arith.index_cast %add3A_358 : i32 to index
      %swap3A_363 = tpu.vector_load %arg9[%swap3A_362] {strides = array<i32>} : memref<8192xf32, #tpu.memory_space<vmem>>, vector<16xf32>,
      tpu.vector_store %arg9[%swap3A_362], %add3A_361 {strides = array<i32>} : memref<8192xf32, #tpu.memory_space<vmem>>, vector<16xf32>,
      %mul3A_364 = arith.constant 1024 : i32
      %mul3A_365 = arith.muli %while3A_174, %mul3A_364 : i32
      %add3A_366 = arith.constant 0 : i32
      %add3A_367 = arith.addi %mul3A_365, %add3A_366 : i32
      %add3A_368 = arith.constant 128 : i32
      %add3A_369 = arith.addi %add3A_367, %add3A_368 : i32
      %get3A_370 = arith.index_cast %add3A_369 : i32 to index
      %get3A_371 = tpu.vector_load %arg9[%get3A_370] {strides = array<i32>} : memref<8192xf32, #tpu.memory_space<vmem>>, vector<16xf32>,
      %add3A_372 = arith.addf %get3A_371, %while3A_276#8 : vector<16xf32>
      %swap3A_373 = arith.index_cast %add3A_369 : i32 to index
      %swap3A_374 = tpu.vector_load %arg9[%swap3A_373] {strides = array<i32>} : memref<8192xf32, #tpu.memory_space<vmem>>, vector<16xf32>,
      tpu.vector_store %arg9[%swap3A_373], %add3A_372 {strides = array<i32>} : memref<8192xf32, #tpu.memory_space<vmem>>, vector<16xf32>,
      %mul3A_375 = arith.constant 1024 : i32
      %mul3A_376 = arith.muli %while3A_174, %mul3A_375 : i32
      %add3A_377 = arith.constant 0 : i32
      %add3A_378 = arith.addi %mul3A_376, %add3A_377 : i32
      %add3A_379 = arith.constant 144 : i32
      %add3A_380 = arith.addi %add3A_378, %add3A_379 : i32
      %get3A_381 = arith.index_cast %add3A_380 : i32 to index
      %get3A_382 = tpu.vector_load %arg9[%get3A_381] {strides = array<i32>} : memref<8192xf32, #tpu.memory_space<vmem>>, vector<16xf32>,
      %add3A_383 = arith.addf %get3A_382, %while3A_276#9 : vector<16xf32>
      %swap3A_384 = arith.index_cast %add3A_380 : i32 to index
      %swap3A_385 = tpu.vector_load %arg9[%swap3A_384] {strides = array<i32>} : memref<8192xf32, #tpu.memory_space<vmem>>, vector<16xf32>,
      tpu.vector_store %arg9[%swap3A_384], %add3A_383 {strides = array<i32>} : memref<8192xf32, #tpu.memory_space<vmem>>, vector<16xf32>,
      %mul3A_386 = arith.constant 1024 : i32
      %mul3A_387 = arith.muli %while3A_174, %mul3A_386 : i32
      %add3A_388 = arith.constant 0 : i32
      %add3A_389 = arith.addi %mul3A_387, %add3A_388 : i32
      %add3A_390 = arith.constant 160 : i32
      %add3A_391 = arith.addi %add3A_389, %add3A_390 : i32
      %get3A_392 = arith.index_cast %add3A_391 : i32 to index
      %get3A_393 = tpu.vector_load %arg9[%get3A_392] {strides = array<i32>} : memref<8192xf32, #tpu.memory_space<vmem>>, vector<16xf32>,
      %add3A_394 = arith.addf %get3A_393, %while3A_276#10 : vector<16xf32>
      %swap3A_395 = arith.index_cast %add3A_391 : i32 to index
      %swap3A_396 = tpu.vector_load %arg9[%swap3A_395] {strides = array<i32>} : memref<8192xf32, #tpu.memory_space<vmem>>, vector<16xf32>,
      tpu.vector_store %arg9[%swap3A_395], %add3A_394 {strides = array<i32>} : memref<8192xf32, #tpu.memory_space<vmem>>, vector<16xf32>,
      %mul3A_397 = arith.constant 1024 : i32
      %mul3A_398 = arith.muli %while3A_174, %mul3A_397 : i32
      %add3A_399 = arith.constant 0 : i32
      %add3A_400 = arith.addi %mul3A_398, %add3A_399 : i32
      %add3A_401 = arith.constant 176 : i32
      %add3A_402 = arith.addi %add3A_400, %add3A_401 : i32
      %get3A_403 = arith.index_cast %add3A_402 : i32 to index
      %get3A_404 = tpu.vector_load %arg9[%get3A_403] {strides = array<i32>} : memref<8192xf32, #tpu.memory_space<vmem>>, vector<16xf32>,
      %add3A_405 = arith.addf %get3A_404, %while3A_276#11 : vector<16xf32>
      %swap3A_406 = arith.index_cast %add3A_402 : i32 to index
      %swap3A_407 = tpu.vector_load %arg9[%swap3A_406] {strides = array<i32>} : memref<8192xf32, #tpu.memory_space<vmem>>, vector<16xf32>,
      tpu.vector_store %arg9[%swap3A_406], %add3A_405 {strides = array<i32>} : memref<8192xf32, #tpu.memory_space<vmem>>, vector<16xf32>,
      %mul3A_408 = arith.constant 1024 : i32
      %mul3A_409 = arith.muli %while3A_174, %mul3A_408 : i32
      %add3A_410 = arith.constant 0 : i32
      %add3A_411 = arith.addi %mul3A_409, %add3A_410 : i32
      %add3A_412 = arith.constant 192 : i32
      %add3A_413 = arith.addi %add3A_411, %add3A_412 : i32
      %get3A_414 = arith.index_cast %add3A_413 : i32 to index
      %get3A_415 = tpu.vector_load %arg9[%get3A_414] {strides = array<i32>} : memref<8192xf32, #tpu.memory_space<vmem>>, vector<16xf32>,
      %add3A_416 = arith.addf %get3A_415, %while3A_276#12 : vector<16xf32>
      %swap3A_417 = arith.index_cast %add3A_413 : i32 to index
      %swap3A_418 = tpu.vector_load %arg9[%swap3A_417] {strides = array<i32>} : memref<8192xf32, #tpu.memory_space<vmem>>, vector<16xf32>,
      tpu.vector_store %arg9[%swap3A_417], %add3A_416 {strides = array<i32>} : memref<8192xf32, #tpu.memory_space<vmem>>, vector<16xf32>,
      %mul3A_419 = arith.constant 1024 : i32
      %mul3A_420 = arith.muli %while3A_174, %mul3A_419 : i32
      %add3A_421 = arith.constant 0 : i32
      %add3A_422 = arith.addi %mul3A_420, %add3A_421 : i32
      %add3A_423 = arith.constant 208 : i32
      %add3A_424 = arith.addi %add3A_422, %add3A_423 : i32
      %get3A_425 = arith.index_cast %add3A_424 : i32 to index
      %get3A_426 = tpu.vector_load %arg9[%get3A_425] {strides = array<i32>} : memref<8192xf32, #tpu.memory_space<vmem>>, vector<16xf32>,
      %add3A_427 = arith.addf %get3A_426, %while3A_276#13 : vector<16xf32>
      %swap3A_428 = arith.index_cast %add3A_424 : i32 to index
      %swap3A_429 = tpu.vector_load %arg9[%swap3A_428] {strides = array<i32>} : memref<8192xf32, #tpu.memory_space<vmem>>, vector<16xf32>,
      tpu.vector_store %arg9[%swap3A_428], %add3A_427 {strides = array<i32>} : memref<8192xf32, #tpu.memory_space<vmem>>, vector<16xf32>,
      %mul3A_430 = arith.constant 1024 : i32
      %mul3A_431 = arith.muli %while3A_174, %mul3A_430 : i32
      %add3A_432 = arith.constant 0 : i32
      %add3A_433 = arith.addi %mul3A_431, %add3A_432 : i32
      %add3A_434 = arith.constant 224 : i32
      %add3A_435 = arith.addi %add3A_433, %add3A_434 : i32
      %get3A_436 = arith.index_cast %add3A_435 : i32 to index
      %get3A_437 = tpu.vector_load %arg9[%get3A_436] {strides = array<i32>} : memref<8192xf32, #tpu.memory_space<vmem>>, vector<16xf32>,
      %add3A_438 = arith.addf %get3A_437, %while3A_276#14 : vector<16xf32>
      %swap3A_439 = arith.index_cast %add3A_435 : i32 to index
      %swap3A_440 = tpu.vector_load %arg9[%swap3A_439] {strides = array<i32>} : memref<8192xf32, #tpu.memory_space<vmem>>, vector<16xf32>,
      tpu.vector_store %arg9[%swap3A_439], %add3A_438 {strides = array<i32>} : memref<8192xf32, #tpu.memory_space<vmem>>, vector<16xf32>,
      %mul3A_441 = arith.constant 1024 : i32
      %mul3A_442 = arith.muli %while3A_174, %mul3A_441 : i32
      %add3A_443 = arith.constant 0 : i32
      %add3A_444 = arith.addi %mul3A_442, %add3A_443 : i32
      %add3A_445 = arith.constant 240 : i32
      %add3A_446 = arith.addi %add3A_444, %add3A_445 : i32
      %get3A_447 = arith.index_cast %add3A_446 : i32 to index
      %get3A_448 = tpu.vector_load %arg9[%get3A_447] {strides = array<i32>} : memref<8192xf32, #tpu.memory_space<vmem>>, vector<16xf32>,
      %add3A_449 = arith.addf %get3A_448, %while3A_276#15 : vector<16xf32>
      %swap3A_450 = arith.index_cast %add3A_446 : i32 to index
      %swap3A_451 = tpu.vector_load %arg9[%swap3A_450] {strides = array<i32>} : memref<8192xf32, #tpu.memory_space<vmem>>, vector<16xf32>,
      tpu.vector_store %arg9[%swap3A_450], %add3A_449 {strides = array<i32>} : memref<8192xf32, #tpu.memory_space<vmem>>, vector<16xf32>,
      %mul3A_452 = arith.constant 1024 : i32
      %mul3A_453 = arith.muli %while3A_174, %mul3A_452 : i32
      %add3A_454 = arith.constant 0 : i32
      %add3A_455 = arith.addi %mul3A_453, %add3A_454 : i32
      %add3A_456 = arith.constant 256 : i32
      %add3A_457 = arith.addi %add3A_455, %add3A_456 : i32
      %get3A_458 = arith.index_cast %add3A_457 : i32 to index
      %get3A_459 = tpu.vector_load %arg9[%get3A_458] {strides = array<i32>} : memref<8192xf32, #tpu.memory_space<vmem>>, vector<16xf32>,
      %add3A_460 = arith.addf %get3A_459, %while3A_276#16 : vector<16xf32>
      %swap3A_461 = arith.index_cast %add3A_457 : i32 to index
      %swap3A_462 = tpu.vector_load %arg9[%swap3A_461] {strides = array<i32>} : memref<8192xf32, #tpu.memory_space<vmem>>, vector<16xf32>,
      tpu.vector_store %arg9[%swap3A_461], %add3A_460 {strides = array<i32>} : memref<8192xf32, #tpu.memory_space<vmem>>, vector<16xf32>,
      %mul3A_463 = arith.constant 1024 : i32
      %mul3A_464 = arith.muli %while3A_174, %mul3A_463 : i32
      %add3A_465 = arith.constant 0 : i32
      %add3A_466 = arith.addi %mul3A_464, %add3A_465 : i32
      %add3A_467 = arith.constant 272 : i32
      %add3A_468 = arith.addi %add3A_466, %add3A_467 : i32
      %get3A_469 = arith.index_cast %add3A_468 : i32 to index
      %get3A_470 = tpu.vector_load %arg9[%get3A_469] {strides = array<i32>} : memref<8192xf32, #tpu.memory_space<vmem>>, vector<16xf32>,
      %add3A_471 = arith.addf %get3A_470, %while3A_276#17 : vector<16xf32>
      %swap3A_472 = arith.index_cast %add3A_468 : i32 to index
      %swap3A_473 = tpu.vector_load %arg9[%swap3A_472] {strides = array<i32>} : memref<8192xf32, #tpu.memory_space<vmem>>, vector<16xf32>,
      tpu.vector_store %arg9[%swap3A_472], %add3A_471 {strides = array<i32>} : memref<8192xf32, #tpu.memory_space<vmem>>, vector<16xf32>,
      %mul3A_474 = arith.constant 1024 : i32
      %mul3A_475 = arith.muli %while3A_174, %mul3A_474 : i32
      %add3A_476 = arith.constant 0 : i32
      %add3A_477 = arith.addi %mul3A_475, %add3A_476 : i32
      %add3A_478 = arith.constant 288 : i32
      %add3A_479 = arith.addi %add3A_477, %add3A_478 : i32
      %get3A_480 = arith.index_cast %add3A_479 : i32 to index
      %get3A_481 = tpu.vector_load %arg9[%get3A_480] {strides = array<i32>} : memref<8192xf32, #tpu.memory_space<vmem>>, vector<16xf32>,
      %add3A_482 = arith.addf %get3A_481, %while3A_276#18 : vector<16xf32>
      %swap3A_483 = arith.index_cast %add3A_479 : i32 to index
      %swap3A_484 = tpu.vector_load %arg9[%swap3A_483] {strides = array<i32>} : memref<8192xf32, #tpu.memory_space<vmem>>, vector<16xf32>,
      tpu.vector_store %arg9[%swap3A_483], %add3A_482 {strides = array<i32>} : memref<8192xf32, #tpu.memory_space<vmem>>, vector<16xf32>,
      %mul3A_485 = arith.constant 1024 : i32
      %mul3A_486 = arith.muli %while3A_174, %mul3A_485 : i32
      %add3A_487 = arith.constant 0 : i32
      %add3A_488 = arith.addi %mul3A_486, %add3A_487 : i32
      %add3A_489 = arith.constant 304 : i32
      %add3A_490 = arith.addi %add3A_488, %add3A_489 : i32
      %get3A_491 = arith.index_cast %add3A_490 : i32 to index
      %get3A_492 = tpu.vector_load %arg9[%get3A_491] {strides = array<i32>} : memref<8192xf32, #tpu.memory_space<vmem>>, vector<16xf32>,
      %add3A_493 = arith.addf %get3A_492, %while3A_276#19 : vector<16xf32>
      %swap3A_494 = arith.index_cast %add3A_490 : i32 to index
      %swap3A_495 = tpu.vector_load %arg9[%swap3A_494] {strides = array<i32>} : memref<8192xf32, #tpu.memory_space<vmem>>, vector<16xf32>,
      tpu.vector_store %arg9[%swap3A_494], %add3A_493 {strides = array<i32>} : memref<8192xf32, #tpu.memory_space<vmem>>, vector<16xf32>,
      %mul3A_496 = arith.constant 1024 : i32
      %mul3A_497 = arith.muli %while3A_174, %mul3A_496 : i32
      %add3A_498 = arith.constant 0 : i32
      %add3A_499 = arith.addi %mul3A_497, %add3A_498 : i32
      %add3A_500 = arith.constant 320 : i32
      %add3A_501 = arith.addi %add3A_499, %add3A_500 : i32
      %get3A_502 = arith.index_cast %add3A_501 : i32 to index
      %get3A_503 = tpu.vector_load %arg9[%get3A_502] {strides = array<i32>} : memref<8192xf32, #tpu.memory_space<vmem>>, vector<16xf32>,
      %add3A_504 = arith.addf %get3A_503, %while3A_276#20 : vector<16xf32>
      %swap3A_505 = arith.index_cast %add3A_501 : i32 to index
      %swap3A_506 = tpu.vector_load %arg9[%swap3A_505] {strides = array<i32>} : memref<8192xf32, #tpu.memory_space<vmem>>, vector<16xf32>,
      tpu.vector_store %arg9[%swap3A_505], %add3A_504 {strides = array<i32>} : memref<8192xf32, #tpu.memory_space<vmem>>, vector<16xf32>,
      %mul3A_507 = arith.constant 1024 : i32
      %mul3A_508 = arith.muli %while3A_174, %mul3A_507 : i32
      %add3A_509 = arith.constant 0 : i32
      %add3A_510 = arith.addi %mul3A_508, %add3A_509 : i32
      %add3A_511 = arith.constant 336 : i32
      %add3A_512 = arith.addi %add3A_510, %add3A_511 : i32
      %get3A_513 = arith.index_cast %add3A_512 : i32 to index
      %get3A_514 = tpu.vector_load %arg9[%get3A_513] {strides = array<i32>} : memref<8192xf32, #tpu.memory_space<vmem>>, vector<16xf32>,
      %add3A_515 = arith.addf %get3A_514, %while3A_276#21 : vector<16xf32>
      %swap3A_516 = arith.index_cast %add3A_512 : i32 to index
      %swap3A_517 = tpu.vector_load %arg9[%swap3A_516] {strides = array<i32>} : memref<8192xf32, #tpu.memory_space<vmem>>, vector<16xf32>,
      tpu.vector_store %arg9[%swap3A_516], %add3A_515 {strides = array<i32>} : memref<8192xf32, #tpu.memory_space<vmem>>, vector<16xf32>,
      %mul3A_518 = arith.constant 1024 : i32
      %mul3A_519 = arith.muli %while3A_174, %mul3A_518 : i32
      %add3A_520 = arith.constant 0 : i32
      %add3A_521 = arith.addi %mul3A_519, %add3A_520 : i32
      %add3A_522 = arith.constant 352 : i32
      %add3A_523 = arith.addi %add3A_521, %add3A_522 : i32
      %get3A_524 = arith.index_cast %add3A_523 : i32 to index
      %get3A_525 = tpu.vector_load %arg9[%get3A_524] {strides = array<i32>} : memref<8192xf32, #tpu.memory_space<vmem>>, vector<16xf32>,
      %add3A_526 = arith.addf %get3A_525, %while3A_276#22 : vector<16xf32>
      %swap3A_527 = arith.index_cast %add3A_523 : i32 to index
      %swap3A_528 = tpu.vector_load %arg9[%swap3A_527] {strides = array<i32>} : memref<8192xf32, #tpu.memory_space<vmem>>, vector<16xf32>,
      tpu.vector_store %arg9[%swap3A_527], %add3A_526 {strides = array<i32>} : memref<8192xf32, #tpu.memory_space<vmem>>, vector<16xf32>,
      %mul3A_529 = arith.constant 1024 : i32
      %mul3A_530 = arith.muli %while3A_174, %mul3A_529 : i32
      %add3A_531 = arith.constant 0 : i32
      %add3A_532 = arith.addi %mul3A_530, %add3A_531 : i32
      %add3A_533 = arith.constant 368 : i32
      %add3A_534 = arith.addi %add3A_532, %add3A_533 : i32
      %get3A_535 = arith.index_cast %add3A_534 : i32 to index
      %get3A_536 = tpu.vector_load %arg9[%get3A_535] {strides = array<i32>} : memref<8192xf32, #tpu.memory_space<vmem>>, vector<16xf32>,
      %add3A_537 = arith.addf %get3A_536, %while3A_276#23 : vector<16xf32>
      %swap3A_538 = arith.index_cast %add3A_534 : i32 to index
      %swap3A_539 = tpu.vector_load %arg9[%swap3A_538] {strides = array<i32>} : memref<8192xf32, #tpu.memory_space<vmem>>, vector<16xf32>,
      tpu.vector_store %arg9[%swap3A_538], %add3A_537 {strides = array<i32>} : memref<8192xf32, #tpu.memory_space<vmem>>, vector<16xf32>,
      %mul3A_540 = arith.constant 1024 : i32
      %mul3A_541 = arith.muli %while3A_174, %mul3A_540 : i32
      %add3A_542 = arith.constant 0 : i32
      %add3A_543 = arith.addi %mul3A_541, %add3A_542 : i32
      %add3A_544 = arith.constant 384 : i32
      %add3A_545 = arith.addi %add3A_543, %add3A_544 : i32
      %get3A_546 = arith.index_cast %add3A_545 : i32 to index
      %get3A_547 = tpu.vector_load %arg9[%get3A_546] {strides = array<i32>} : memref<8192xf32, #tpu.memory_space<vmem>>, vector<16xf32>,
      %add3A_548 = arith.addf %get3A_547, %while3A_276#24 : vector<16xf32>
      %swap3A_549 = arith.index_cast %add3A_545 : i32 to index
      %swap3A_550 = tpu.vector_load %arg9[%swap3A_549] {strides = array<i32>} : memref<8192xf32, #tpu.memory_space<vmem>>, vector<16xf32>,
      tpu.vector_store %arg9[%swap3A_549], %add3A_548 {strides = array<i32>} : memref<8192xf32, #tpu.memory_space<vmem>>, vector<16xf32>,
      %mul3A_551 = arith.constant 1024 : i32
      %mul3A_552 = arith.muli %while3A_174, %mul3A_551 : i32
      %add3A_553 = arith.constant 0 : i32
      %add3A_554 = arith.addi %mul3A_552, %add3A_553 : i32
      %add3A_555 = arith.constant 400 : i32
      %add3A_556 = arith.addi %add3A_554, %add3A_555 : i32
      %get3A_557 = arith.index_cast %add3A_556 : i32 to index
      %get3A_558 = tpu.vector_load %arg9[%get3A_557] {strides = array<i32>} : memref<8192xf32, #tpu.memory_space<vmem>>, vector<16xf32>,
      %add3A_559 = arith.addf %get3A_558, %while3A_276#25 : vector<16xf32>
      %swap3A_560 = arith.index_cast %add3A_556 : i32 to index
      %swap3A_561 = tpu.vector_load %arg9[%swap3A_560] {strides = array<i32>} : memref<8192xf32, #tpu.memory_space<vmem>>, vector<16xf32>,
      tpu.vector_store %arg9[%swap3A_560], %add3A_559 {strides = array<i32>} : memref<8192xf32, #tpu.memory_space<vmem>>, vector<16xf32>,
      %mul3A_562 = arith.constant 1024 : i32
      %mul3A_563 = arith.muli %while3A_174, %mul3A_562 : i32
      %add3A_564 = arith.constant 0 : i32
      %add3A_565 = arith.addi %mul3A_563, %add3A_564 : i32
      %add3A_566 = arith.constant 416 : i32
      %add3A_567 = arith.addi %add3A_565, %add3A_566 : i32
      %get3A_568 = arith.index_cast %add3A_567 : i32 to index
      %get3A_569 = tpu.vector_load %arg9[%get3A_568] {strides = array<i32>} : memref<8192xf32, #tpu.memory_space<vmem>>, vector<16xf32>,
      %add3A_570 = arith.addf %get3A_569, %while3A_276#26 : vector<16xf32>
      %swap3A_571 = arith.index_cast %add3A_567 : i32 to index
      %swap3A_572 = tpu.vector_load %arg9[%swap3A_571] {strides = array<i32>} : memref<8192xf32, #tpu.memory_space<vmem>>, vector<16xf32>,
      tpu.vector_store %arg9[%swap3A_571], %add3A_570 {strides = array<i32>} : memref<8192xf32, #tpu.memory_space<vmem>>, vector<16xf32>,
      %mul3A_573 = arith.constant 1024 : i32
      %mul3A_574 = arith.muli %while3A_174, %mul3A_573 : i32
      %add3A_575 = arith.constant 0 : i32
      %add3A_576 = arith.addi %mul3A_574, %add3A_575 : i32
      %add3A_577 = arith.constant 432 : i32
      %add3A_578 = arith.addi %add3A_576, %add3A_577 : i32
      %get3A_579 = arith.index_cast %add3A_578 : i32 to index
      %get3A_580 = tpu.vector_load %arg9[%get3A_579] {strides = array<i32>} : memref<8192xf32, #tpu.memory_space<vmem>>, vector<16xf32>,
      %add3A_581 = arith.addf %get3A_580, %while3A_276#27 : vector<16xf32>
      %swap3A_582 = arith.index_cast %add3A_578 : i32 to index
      %swap3A_583 = tpu.vector_load %arg9[%swap3A_582] {strides = array<i32>} : memref<8192xf32, #tpu.memory_space<vmem>>, vector<16xf32>,
      tpu.vector_store %arg9[%swap3A_582], %add3A_581 {strides = array<i32>} : memref<8192xf32, #tpu.memory_space<vmem>>, vector<16xf32>,
      %mul3A_584 = arith.constant 1024 : i32
      %mul3A_585 = arith.muli %while3A_174, %mul3A_584 : i32
      %add3A_586 = arith.constant 0 : i32
      %add3A_587 = arith.addi %mul3A_585, %add3A_586 : i32
      %add3A_588 = arith.constant 448 : i32
      %add3A_589 = arith.addi %add3A_587, %add3A_588 : i32
      %get3A_590 = arith.index_cast %add3A_589 : i32 to index
      %get3A_591 = tpu.vector_load %arg9[%get3A_590] {strides = array<i32>} : memref<8192xf32, #tpu.memory_space<vmem>>, vector<16xf32>,
      %add3A_592 = arith.addf %get3A_591, %while3A_276#28 : vector<16xf32>
      %swap3A_593 = arith.index_cast %add3A_589 : i32 to index
      %swap3A_594 = tpu.vector_load %arg9[%swap3A_593] {strides = array<i32>} : memref<8192xf32, #tpu.memory_space<vmem>>, vector<16xf32>,
      tpu.vector_store %arg9[%swap3A_593], %add3A_592 {strides = array<i32>} : memref<8192xf32, #tpu.memory_space<vmem>>, vector<16xf32>,
      %mul3A_595 = arith.constant 1024 : i32
      %mul3A_596 = arith.muli %while3A_174, %mul3A_595 : i32
      %add3A_597 = arith.constant 0 : i32
      %add3A_598 = arith.addi %mul3A_596, %add3A_597 : i32
      %add3A_599 = arith.constant 464 : i32
      %add3A_600 = arith.addi %add3A_598, %add3A_599 : i32
      %get3A_601 = arith.index_cast %add3A_600 : i32 to index
      %get3A_602 = tpu.vector_load %arg9[%get3A_601] {strides = array<i32>} : memref<8192xf32, #tpu.memory_space<vmem>>, vector<16xf32>,
      %add3A_603 = arith.addf %get3A_602, %while3A_276#29 : vector<16xf32>
      %swap3A_604 = arith.index_cast %add3A_600 : i32 to index
      %swap3A_605 = tpu.vector_load %arg9[%swap3A_604] {strides = array<i32>} : memref<8192xf32, #tpu.memory_space<vmem>>, vector<16xf32>,
      tpu.vector_store %arg9[%swap3A_604], %add3A_603 {strides = array<i32>} : memref<8192xf32, #tpu.memory_space<vmem>>, vector<16xf32>,
      %mul3A_606 = arith.constant 1024 : i32
      %mul3A_607 = arith.muli %while3A_174, %mul3A_606 : i32
      %add3A_608 = arith.constant 0 : i32
      %add3A_609 = arith.addi %mul3A_607, %add3A_608 : i32
      %add3A_610 = arith.constant 480 : i32
      %add3A_611 = arith.addi %add3A_609, %add3A_610 : i32
      %get3A_612 = arith.index_cast %add3A_611 : i32 to index
      %get3A_613 = tpu.vector_load %arg9[%get3A_612] {strides = array<i32>} : memref<8192xf32, #tpu.memory_space<vmem>>, vector<16xf32>,
      %add3A_614 = arith.addf %get3A_613, %while3A_276#30 : vector<16xf32>
      %swap3A_615 = arith.index_cast %add3A_611 : i32 to index
      %swap3A_616 = tpu.vector_load %arg9[%swap3A_615] {strides = array<i32>} : memref<8192xf32, #tpu.memory_space<vmem>>, vector<16xf32>,
      tpu.vector_store %arg9[%swap3A_615], %add3A_614 {strides = array<i32>} : memref<8192xf32, #tpu.memory_space<vmem>>, vector<16xf32>,
      %mul3A_617 = arith.constant 1024 : i32
      %mul3A_618 = arith.muli %while3A_174, %mul3A_617 : i32
      %add3A_619 = arith.constant 0 : i32
      %add3A_620 = arith.addi %mul3A_618, %add3A_619 : i32
      %add3A_621 = arith.constant 496 : i32
      %add3A_622 = arith.addi %add3A_620, %add3A_621 : i32
      %get3A_623 = arith.index_cast %add3A_622 : i32 to index
      %get3A_624 = tpu.vector_load %arg9[%get3A_623] {strides = array<i32>} : memref<8192xf32, #tpu.memory_space<vmem>>, vector<16xf32>,
      %add3A_625 = arith.addf %get3A_624, %while3A_276#31 : vector<16xf32>
      %swap3A_626 = arith.index_cast %add3A_622 : i32 to index
      %swap3A_627 = tpu.vector_load %arg9[%swap3A_626] {strides = array<i32>} : memref<8192xf32, #tpu.memory_space<vmem>>, vector<16xf32>,
      tpu.vector_store %arg9[%swap3A_626], %add3A_625 {strides = array<i32>} : memref<8192xf32, #tpu.memory_space<vmem>>, vector<16xf32>,
      %broadcast_in_dim3A_628 = arith.constant 0.000000e+00 : f32
      %broadcast_in_dim3A_629 = vector.broadcast %broadcast_in_dim3A_628 : f32 to vector<16xf32>
      %broadcast_in_dim3A_630 = arith.constant 0.000000e+00 : f32
      %broadcast_in_dim3A_631 = vector.broadcast %broadcast_in_dim3A_630 : f32 to vector<16xf32>
      %broadcast_in_dim3A_632 = arith.constant 0.000000e+00 : f32
      %broadcast_in_dim3A_633 = vector.broadcast %broadcast_in_dim3A_632 : f32 to vector<16xf32>
      %broadcast_in_dim3A_634 = arith.constant 0.000000e+00 : f32
      %broadcast_in_dim3A_635 = vector.broadcast %broadcast_in_dim3A_634 : f32 to vector<16xf32>
      %broadcast_in_dim3A_636 = arith.constant 0.000000e+00 : f32
      %broadcast_in_dim3A_637 = vector.broadcast %broadcast_in_dim3A_636 : f32 to vector<16xf32>
      %broadcast_in_dim3A_638 = arith.constant 0.000000e+00 : f32
      %broadcast_in_dim3A_639 = vector.broadcast %broadcast_in_dim3A_638 : f32 to vector<16xf32>
      %broadcast_in_dim3A_640 = arith.constant 0.000000e+00 : f32
      %broadcast_in_dim3A_641 = vector.broadcast %broadcast_in_dim3A_640 : f32 to vector<16xf32>
      %broadcast_in_dim3A_642 = arith.constant 0.000000e+00 : f32
      %broadcast_in_dim3A_643 = vector.broadcast %broadcast_in_dim3A_642 : f32 to vector<16xf32>
      %broadcast_in_dim3A_644 = arith.constant 0.000000e+00 : f32
      %broadcast_in_dim3A_645 = vector.broadcast %broadcast_in_dim3A_644 : f32 to vector<16xf32>
      %broadcast_in_dim3A_646 = arith.constant 0.000000e+00 : f32
      %broadcast_in_dim3A_647 = vector.broadcast %broadcast_in_dim3A_646 : f32 to vector<16xf32>
      %broadcast_in_dim3A_648 = arith.constant 0.000000e+00 : f32
      %broadcast_in_dim3A_649 = vector.broadcast %broadcast_in_dim3A_648 : f32 to vector<16xf32>
      %broadcast_in_dim3A_650 = arith.constant 0.000000e+00 : f32
      %broadcast_in_dim3A_651 = vector.broadcast %broadcast_in_dim3A_650 : f32 to vector<16xf32>
      %broadcast_in_dim3A_652 = arith.constant 0.000000e+00 : f32
      %broadcast_in_dim3A_653 = vector.broadcast %broadcast_in_dim3A_652 : f32 to vector<16xf32>
      %broadcast_in_dim3A_654 = arith.constant 0.000000e+00 : f32
      %broadcast_in_dim3A_655 = vector.broadcast %broadcast_in_dim3A_654 : f32 to vector<16xf32>
      %broadcast_in_dim3A_656 = arith.constant 0.000000e+00 : f32
      %broadcast_in_dim3A_657 = vector.broadcast %broadcast_in_dim3A_656 : f32 to vector<16xf32>
      %broadcast_in_dim3A_658 = arith.constant 0.000000e+00 : f32
      %broadcast_in_dim3A_659 = vector.broadcast %broadcast_in_dim3A_658 : f32 to vector<16xf32>
      %broadcast_in_dim3A_660 = arith.constant 0.000000e+00 : f32
      %broadcast_in_dim3A_661 = vector.broadcast %broadcast_in_dim3A_660 : f32 to vector<16xf32>
      %broadcast_in_dim3A_662 = arith.constant 0.000000e+00 : f32
      %broadcast_in_dim3A_663 = vector.broadcast %broadcast_in_dim3A_662 : f32 to vector<16xf32>
      %broadcast_in_dim3A_664 = arith.constant 0.000000e+00 : f32
      %broadcast_in_dim3A_665 = vector.broadcast %broadcast_in_dim3A_664 : f32 to vector<16xf32>
      %broadcast_in_dim3A_666 = arith.constant 0.000000e+00 : f32
      %broadcast_in_dim3A_667 = vector.broadcast %broadcast_in_dim3A_666 : f32 to vector<16xf32>
      %broadcast_in_dim3A_668 = arith.constant 0.000000e+00 : f32
      %broadcast_in_dim3A_669 = vector.broadcast %broadcast_in_dim3A_668 : f32 to vector<16xf32>
      %broadcast_in_dim3A_670 = arith.constant 0.000000e+00 : f32
      %broadcast_in_dim3A_671 = vector.broadcast %broadcast_in_dim3A_670 : f32 to vector<16xf32>
      %broadcast_in_dim3A_672 = arith.constant 0.000000e+00 : f32
      %broadcast_in_dim3A_673 = vector.broadcast %broadcast_in_dim3A_672 : f32 to vector<16xf32>
      %broadcast_in_dim3A_674 = arith.constant 0.000000e+00 : f32
      %broadcast_in_dim3A_675 = vector.broadcast %broadcast_in_dim3A_674 : f32 to vector<16xf32>
      %broadcast_in_dim3A_676 = arith.constant 0.000000e+00 : f32
      %broadcast_in_dim3A_677 = vector.broadcast %broadcast_in_dim3A_676 : f32 to vector<16xf32>
      %broadcast_in_dim3A_678 = arith.constant 0.000000e+00 : f32
      %broadcast_in_dim3A_679 = vector.broadcast %broadcast_in_dim3A_678 : f32 to vector<16xf32>
      %broadcast_in_dim3A_680 = arith.constant 0.000000e+00 : f32
      %broadcast_in_dim3A_681 = vector.broadcast %broadcast_in_dim3A_680 : f32 to vector<16xf32>
      %broadcast_in_dim3A_682 = arith.constant 0.000000e+00 : f32
      %broadcast_in_dim3A_683 = vector.broadcast %broadcast_in_dim3A_682 : f32 to vector<16xf32>
      %broadcast_in_dim3A_684 = arith.constant 0.000000e+00 : f32
      %broadcast_in_dim3A_685 = vector.broadcast %broadcast_in_dim3A_684 : f32 to vector<16xf32>
      %broadcast_in_dim3A_686 = arith.constant 0.000000e+00 : f32
      %broadcast_in_dim3A_687 = vector.broadcast %broadcast_in_dim3A_686 : f32 to vector<16xf32>
      %broadcast_in_dim3A_688 = arith.constant 0.000000e+00 : f32
      %broadcast_in_dim3A_689 = vector.broadcast %broadcast_in_dim3A_688 : f32 to vector<16xf32>
      %broadcast_in_dim3A_690 = arith.constant 0.000000e+00 : f32
      %broadcast_in_dim3A_691 = vector.broadcast %broadcast_in_dim3A_690 : f32 to vector<16xf32>
      %while3A_692 = arith.subi %min3A_202, %min3A : i32
      %while3A_693 = arith.addi %min3A, %while3A_692 : i32
      %while3A_694 = arith.constant 1 : i32
      %while3A_695 = arith.divsi %while3A_692, %while3A_694 : i32
      %while3A_696 = arith.muli %while3A_695, %while3A_694 : i32
      %while3A_697 = arith.addi %min3A, %while3A_696 : i32
      %while3A_698 = arith.constant 1 : i32
      %while3A_699:32 = scf.for %while3A_1055 = %min3A to %while3A_697 step %while3A_698 iter_args(%while3A_1056 = %broadcast_in_dim3A_629, %while3A_1057 = %broadcast_in_dim3A_631, %while3A_1058 = %broadcast_in_dim3A_633, %while3A_1059 = %broadcast_in_dim3A_635, %while3A_1060 = %broadcast_in_dim3A_637, %while3A_1061 = %broadcast_in_dim3A_639, %while3A_1062 = %broadcast_in_dim3A_641, %while3A_1063 = %broadcast_in_dim3A_643, %while3A_1064 = %broadcast_in_dim3A_645, %while3A_1065 = %broadcast_in_dim3A_647, %while3A_1066 = %broadcast_in_dim3A_649, %while3A_1067 = %broadcast_in_dim3A_651, %while3A_1068 = %broadcast_in_dim3A_653, %while3A_1069 = %broadcast_in_dim3A_655, %while3A_1070 = %broadcast_in_dim3A_657, %while3A_1071 = %broadcast_in_dim3A_659, %while3A_1072 = %broadcast_in_dim3A_661, %while3A_1073 = %broadcast_in_dim3A_663, %while3A_1074 = %broadcast_in_dim3A_665, %while3A_1075 = %broadcast_in_dim3A_667, %while3A_1076 = %broadcast_in_dim3A_669, %while3A_1077 = %broadcast_in_dim3A_671, %while3A_1078 = %broadcast_in_dim3A_673, %while3A_1079 = %broadcast_in_dim3A_675, %while3A_1080 = %broadcast_in_dim3A_677, %while3A_1081 = %broadcast_in_dim3A_679, %while3A_1082 = %broadcast_in_dim3A_681, %while3A_1083 = %broadcast_in_dim3A_683, %while3A_1084 = %broadcast_in_dim3A_685, %while3A_1085 = %broadcast_in_dim3A_687, %while3A_1086 = %broadcast_in_dim3A_689, %while3A_1087 = %broadcast_in_dim3A_691) -> (vector<16xf32>, vector<16xf32>, vector<16xf32>, vector<16xf32>, vector<16xf32>, vector<16xf32>, vector<16xf32>, vector<16xf32>, vector<16xf32>, vector<16xf32>, vector<16xf32>, vector<16xf32>, vector<16xf32>, vector<16xf32>, vector<16xf32>, vector<16xf32>, vector<16xf32>, vector<16xf32>, vector<16xf32>, vector<16xf32>, vector<16xf32>, vector<16xf32>, vector<16xf32>, vector<16xf32>, vector<16xf32>, vector<16xf32>, vector<16xf32>, vector<16xf32>, vector<16xf32>, vector<16xf32>, vector<16xf32>, vector<16xf32>)  : i32 {
        %get3A_1088 = arith.index_cast %while3A_1055 : i32 to index
        %get3A_1089 = arith.constant 512 : index
        %get3A_1090 = tpu.vector_load %arg7[%get3A_1088, %get3A_1089] {strides = array<i32>} : memref<64x1024xf32, #tpu.memory_space<vmem>>, vector<16xf32>,
        %add3A_1091 = arith.addf %while3A_1056, %get3A_1090 : vector<16xf32>
        %get3A_1092 = arith.index_cast %while3A_1055 : i32 to index
        %get3A_1093 = arith.constant 528 : index
        %get3A_1094 = tpu.vector_load %arg7[%get3A_1092, %get3A_1093] {strides = array<i32>} : memref<64x1024xf32, #tpu.memory_space<vmem>>, vector<16xf32>,
        %add3A_1095 = arith.addf %while3A_1057, %get3A_1094 : vector<16xf32>
        %get3A_1096 = arith.index_cast %while3A_1055 : i32 to index
        %get3A_1097 = arith.constant 544 : index
        %get3A_1098 = tpu.vector_load %arg7[%get3A_1096, %get3A_1097] {strides = array<i32>} : memref<64x1024xf32, #tpu.memory_space<vmem>>, vector<16xf32>,
        %add3A_1099 = arith.addf %while3A_1058, %get3A_1098 : vector<16xf32>
        %get3A_1100 = arith.index_cast %while3A_1055 : i32 to index
        %get3A_1101 = arith.constant 560 : index
        %get3A_1102 = tpu.vector_load %arg7[%get3A_1100, %get3A_1101] {strides = array<i32>} : memref<64x1024xf32, #tpu.memory_space<vmem>>, vector<16xf32>,
        %add3A_1103 = arith.addf %while3A_1059, %get3A_1102 : vector<16xf32>
        %get3A_1104 = arith.index_cast %while3A_1055 : i32 to index
        %get3A_1105 = arith.constant 576 : index
        %get3A_1106 = tpu.vector_load %arg7[%get3A_1104, %get3A_1105] {strides = array<i32>} : memref<64x1024xf32, #tpu.memory_space<vmem>>, vector<16xf32>,
        %add3A_1107 = arith.addf %while3A_1060, %get3A_1106 : vector<16xf32>
        %get3A_1108 = arith.index_cast %while3A_1055 : i32 to index
        %get3A_1109 = arith.constant 592 : index
        %get3A_1110 = tpu.vector_load %arg7[%get3A_1108, %get3A_1109] {strides = array<i32>} : memref<64x1024xf32, #tpu.memory_space<vmem>>, vector<16xf32>,
        %add3A_1111 = arith.addf %while3A_1061, %get3A_1110 : vector<16xf32>
        %get3A_1112 = arith.index_cast %while3A_1055 : i32 to index
        %get3A_1113 = arith.constant 608 : index
        %get3A_1114 = tpu.vector_load %arg7[%get3A_1112, %get3A_1113] {strides = array<i32>} : memref<64x1024xf32, #tpu.memory_space<vmem>>, vector<16xf32>,
        %add3A_1115 = arith.addf %while3A_1062, %get3A_1114 : vector<16xf32>
        %get3A_1116 = arith.index_cast %while3A_1055 : i32 to index
        %get3A_1117 = arith.constant 624 : index
        %get3A_1118 = tpu.vector_load %arg7[%get3A_1116, %get3A_1117] {strides = array<i32>} : memref<64x1024xf32, #tpu.memory_space<vmem>>, vector<16xf32>,
        %add3A_1119 = arith.addf %while3A_1063, %get3A_1118 : vector<16xf32>
        %get3A_1120 = arith.index_cast %while3A_1055 : i32 to index
        %get3A_1121 = arith.constant 640 : index
        %get3A_1122 = tpu.vector_load %arg7[%get3A_1120, %get3A_1121] {strides = array<i32>} : memref<64x1024xf32, #tpu.memory_space<vmem>>, vector<16xf32>,
        %add3A_1123 = arith.addf %while3A_1064, %get3A_1122 : vector<16xf32>
        %get3A_1124 = arith.index_cast %while3A_1055 : i32 to index
        %get3A_1125 = arith.constant 656 : index
        %get3A_1126 = tpu.vector_load %arg7[%get3A_1124, %get3A_1125] {strides = array<i32>} : memref<64x1024xf32, #tpu.memory_space<vmem>>, vector<16xf32>,
        %add3A_1127 = arith.addf %while3A_1065, %get3A_1126 : vector<16xf32>
        %get3A_1128 = arith.index_cast %while3A_1055 : i32 to index
        %get3A_1129 = arith.constant 672 : index
        %get3A_1130 = tpu.vector_load %arg7[%get3A_1128, %get3A_1129] {strides = array<i32>} : memref<64x1024xf32, #tpu.memory_space<vmem>>, vector<16xf32>,
        %add3A_1131 = arith.addf %while3A_1066, %get3A_1130 : vector<16xf32>
        %get3A_1132 = arith.index_cast %while3A_1055 : i32 to index
        %get3A_1133 = arith.constant 688 : index
        %get3A_1134 = tpu.vector_load %arg7[%get3A_1132, %get3A_1133] {strides = array<i32>} : memref<64x1024xf32, #tpu.memory_space<vmem>>, vector<16xf32>,
        %add3A_1135 = arith.addf %while3A_1067, %get3A_1134 : vector<16xf32>
        %get3A_1136 = arith.index_cast %while3A_1055 : i32 to index
        %get3A_1137 = arith.constant 704 : index
        %get3A_1138 = tpu.vector_load %arg7[%get3A_1136, %get3A_1137] {strides = array<i32>} : memref<64x1024xf32, #tpu.memory_space<vmem>>, vector<16xf32>,
        %add3A_1139 = arith.addf %while3A_1068, %get3A_1138 : vector<16xf32>
        %get3A_1140 = arith.index_cast %while3A_1055 : i32 to index
        %get3A_1141 = arith.constant 720 : index
        %get3A_1142 = tpu.vector_load %arg7[%get3A_1140, %get3A_1141] {strides = array<i32>} : memref<64x1024xf32, #tpu.memory_space<vmem>>, vector<16xf32>,
        %add3A_1143 = arith.addf %while3A_1069, %get3A_1142 : vector<16xf32>
        %get3A_1144 = arith.index_cast %while3A_1055 : i32 to index
        %get3A_1145 = arith.constant 736 : index
        %get3A_1146 = tpu.vector_load %arg7[%get3A_1144, %get3A_1145] {strides = array<i32>} : memref<64x1024xf32, #tpu.memory_space<vmem>>, vector<16xf32>,
        %add3A_1147 = arith.addf %while3A_1070, %get3A_1146 : vector<16xf32>
        %get3A_1148 = arith.index_cast %while3A_1055 : i32 to index
        %get3A_1149 = arith.constant 752 : index
        %get3A_1150 = tpu.vector_load %arg7[%get3A_1148, %get3A_1149] {strides = array<i32>} : memref<64x1024xf32, #tpu.memory_space<vmem>>, vector<16xf32>,
        %add3A_1151 = arith.addf %while3A_1071, %get3A_1150 : vector<16xf32>
        %get3A_1152 = arith.index_cast %while3A_1055 : i32 to index
        %get3A_1153 = arith.constant 768 : index
        %get3A_1154 = tpu.vector_load %arg7[%get3A_1152, %get3A_1153] {strides = array<i32>} : memref<64x1024xf32, #tpu.memory_space<vmem>>, vector<16xf32>,
        %add3A_1155 = arith.addf %while3A_1072, %get3A_1154 : vector<16xf32>
        %get3A_1156 = arith.index_cast %while3A_1055 : i32 to index
        %get3A_1157 = arith.constant 784 : index
        %get3A_1158 = tpu.vector_load %arg7[%get3A_1156, %get3A_1157] {strides = array<i32>} : memref<64x1024xf32, #tpu.memory_space<vmem>>, vector<16xf32>,
        %add3A_1159 = arith.addf %while3A_1073, %get3A_1158 : vector<16xf32>
        %get3A_1160 = arith.index_cast %while3A_1055 : i32 to index
        %get3A_1161 = arith.constant 800 : index
        %get3A_1162 = tpu.vector_load %arg7[%get3A_1160, %get3A_1161] {strides = array<i32>} : memref<64x1024xf32, #tpu.memory_space<vmem>>, vector<16xf32>,
        %add3A_1163 = arith.addf %while3A_1074, %get3A_1162 : vector<16xf32>
        %get3A_1164 = arith.index_cast %while3A_1055 : i32 to index
        %get3A_1165 = arith.constant 816 : index
        %get3A_1166 = tpu.vector_load %arg7[%get3A_1164, %get3A_1165] {strides = array<i32>} : memref<64x1024xf32, #tpu.memory_space<vmem>>, vector<16xf32>,
        %add3A_1167 = arith.addf %while3A_1075, %get3A_1166 : vector<16xf32>
        %get3A_1168 = arith.index_cast %while3A_1055 : i32 to index
        %get3A_1169 = arith.constant 832 : index
        %get3A_1170 = tpu.vector_load %arg7[%get3A_1168, %get3A_1169] {strides = array<i32>} : memref<64x1024xf32, #tpu.memory_space<vmem>>, vector<16xf32>,
        %add3A_1171 = arith.addf %while3A_1076, %get3A_1170 : vector<16xf32>
        %get3A_1172 = arith.index_cast %while3A_1055 : i32 to index
        %get3A_1173 = arith.constant 848 : index
        %get3A_1174 = tpu.vector_load %arg7[%get3A_1172, %get3A_1173] {strides = array<i32>} : memref<64x1024xf32, #tpu.memory_space<vmem>>, vector<16xf32>,
        %add3A_1175 = arith.addf %while3A_1077, %get3A_1174 : vector<16xf32>
        %get3A_1176 = arith.index_cast %while3A_1055 : i32 to index
        %get3A_1177 = arith.constant 864 : index
        %get3A_1178 = tpu.vector_load %arg7[%get3A_1176, %get3A_1177] {strides = array<i32>} : memref<64x1024xf32, #tpu.memory_space<vmem>>, vector<16xf32>,
        %add3A_1179 = arith.addf %while3A_1078, %get3A_1178 : vector<16xf32>
        %get3A_1180 = arith.index_cast %while3A_1055 : i32 to index
        %get3A_1181 = arith.constant 880 : index
        %get3A_1182 = tpu.vector_load %arg7[%get3A_1180, %get3A_1181] {strides = array<i32>} : memref<64x1024xf32, #tpu.memory_space<vmem>>, vector<16xf32>,
        %add3A_1183 = arith.addf %while3A_1079, %get3A_1182 : vector<16xf32>
        %get3A_1184 = arith.index_cast %while3A_1055 : i32 to index
        %get3A_1185 = arith.constant 896 : index
        %get3A_1186 = tpu.vector_load %arg7[%get3A_1184, %get3A_1185] {strides = array<i32>} : memref<64x1024xf32, #tpu.memory_space<vmem>>, vector<16xf32>,
        %add3A_1187 = arith.addf %while3A_1080, %get3A_1186 : vector<16xf32>
        %get3A_1188 = arith.index_cast %while3A_1055 : i32 to index
        %get3A_1189 = arith.constant 912 : index
        %get3A_1190 = tpu.vector_load %arg7[%get3A_1188, %get3A_1189] {strides = array<i32>} : memref<64x1024xf32, #tpu.memory_space<vmem>>, vector<16xf32>,
        %add3A_1191 = arith.addf %while3A_1081, %get3A_1190 : vector<16xf32>
        %get3A_1192 = arith.index_cast %while3A_1055 : i32 to index
        %get3A_1193 = arith.constant 928 : index
        %get3A_1194 = tpu.vector_load %arg7[%get3A_1192, %get3A_1193] {strides = array<i32>} : memref<64x1024xf32, #tpu.memory_space<vmem>>, vector<16xf32>,
        %add3A_1195 = arith.addf %while3A_1082, %get3A_1194 : vector<16xf32>
        %get3A_1196 = arith.index_cast %while3A_1055 : i32 to index
        %get3A_1197 = arith.constant 944 : index
        %get3A_1198 = tpu.vector_load %arg7[%get3A_1196, %get3A_1197] {strides = array<i32>} : memref<64x1024xf32, #tpu.memory_space<vmem>>, vector<16xf32>,
        %add3A_1199 = arith.addf %while3A_1083, %get3A_1198 : vector<16xf32>
        %get3A_1200 = arith.index_cast %while3A_1055 : i32 to index
        %get3A_1201 = arith.constant 960 : index
        %get3A_1202 = tpu.vector_load %arg7[%get3A_1200, %get3A_1201] {strides = array<i32>} : memref<64x1024xf32, #tpu.memory_space<vmem>>, vector<16xf32>,
        %add3A_1203 = arith.addf %while3A_1084, %get3A_1202 : vector<16xf32>
        %get3A_1204 = arith.index_cast %while3A_1055 : i32 to index
        %get3A_1205 = arith.constant 976 : index
        %get3A_1206 = tpu.vector_load %arg7[%get3A_1204, %get3A_1205] {strides = array<i32>} : memref<64x1024xf32, #tpu.memory_space<vmem>>, vector<16xf32>,
        %add3A_1207 = arith.addf %while3A_1085, %get3A_1206 : vector<16xf32>
        %get3A_1208 = arith.index_cast %while3A_1055 : i32 to index
        %get3A_1209 = arith.constant 992 : index
        %get3A_1210 = tpu.vector_load %arg7[%get3A_1208, %get3A_1209] {strides = array<i32>} : memref<64x1024xf32, #tpu.memory_space<vmem>>, vector<16xf32>,
        %add3A_1211 = arith.addf %while3A_1086, %get3A_1210 : vector<16xf32>
        %get3A_1212 = arith.index_cast %while3A_1055 : i32 to index
        %get3A_1213 = arith.constant 1008 : index
        %get3A_1214 = tpu.vector_load %arg7[%get3A_1212, %get3A_1213] {strides = array<i32>} : memref<64x1024xf32, #tpu.memory_space<vmem>>, vector<16xf32>,
        %add3A_1215 = arith.addf %while3A_1087, %get3A_1214 : vector<16xf32>
        scf.yield %add3A_1091, %add3A_1095, %add3A_1099, %add3A_1103, %add3A_1107, %add3A_1111, %add3A_1115, %add3A_1119, %add3A_1123, %add3A_1127, %add3A_1131, %add3A_1135, %add3A_1139, %add3A_1143, %add3A_1147, %add3A_1151, %add3A_1155, %add3A_1159, %add3A_1163, %add3A_1167, %add3A_1171, %add3A_1175, %add3A_1179, %add3A_1183, %add3A_1187, %add3A_1191, %add3A_1195, %add3A_1199, %add3A_1203, %add3A_1207, %add3A_1211, %add3A_1215 : vector<16xf32>, vector<16xf32>, vector<16xf32>, vector<16xf32>, vector<16xf32>, vector<16xf32>, vector<16xf32>, vector<16xf32>, vector<16xf32>, vector<16xf32>, vector<16xf32>, vector<16xf32>, vector<16xf32>, vector<16xf32>, vector<16xf32>, vector<16xf32>, vector<16xf32>, vector<16xf32>, vector<16xf32>, vector<16xf32>, vector<16xf32>, vector<16xf32>, vector<16xf32>, vector<16xf32>, vector<16xf32>, vector<16xf32>, vector<16xf32>, vector<16xf32>, vector<16xf32>, vector<16xf32>, vector<16xf32>, vector<16xf32>
      }
      %while3A_700 = arith.constant 1 : i32
      %while3A_701:32 = scf.for %while3A_1055 = %while3A_697 to %while3A_693 step %while3A_700 iter_args(%while3A_1056 = %while3A_699#0, %while3A_1057 = %while3A_699#1, %while3A_1058 = %while3A_699#2, %while3A_1059 = %while3A_699#3, %while3A_1060 = %while3A_699#4, %while3A_1061 = %while3A_699#5, %while3A_1062 = %while3A_699#6, %while3A_1063 = %while3A_699#7, %while3A_1064 = %while3A_699#8, %while3A_1065 = %while3A_699#9, %while3A_1066 = %while3A_699#10, %while3A_1067 = %while3A_699#11, %while3A_1068 = %while3A_699#12, %while3A_1069 = %while3A_699#13, %while3A_1070 = %while3A_699#14, %while3A_1071 = %while3A_699#15, %while3A_1072 = %while3A_699#16, %while3A_1073 = %while3A_699#17, %while3A_1074 = %while3A_699#18, %while3A_1075 = %while3A_699#19, %while3A_1076 = %while3A_699#20, %while3A_1077 = %while3A_699#21, %while3A_1078 = %while3A_699#22, %while3A_1079 = %while3A_699#23, %while3A_1080 = %while3A_699#24, %while3A_1081 = %while3A_699#25, %while3A_1082 = %while3A_699#26, %while3A_1083 = %while3A_699#27, %while3A_1084 = %while3A_699#28, %while3A_1085 = %while3A_699#29, %while3A_1086 = %while3A_699#30, %while3A_1087 = %while3A_699#31) -> (vector<16xf32>, vector<16xf32>, vector<16xf32>, vector<16xf32>, vector<16xf32>, vector<16xf32>, vector<16xf32>, vector<16xf32>, vector<16xf32>, vector<16xf32>, vector<16xf32>, vector<16xf32>, vector<16xf32>, vector<16xf32>, vector<16xf32>, vector<16xf32>, vector<16xf32>, vector<16xf32>, vector<16xf32>, vector<16xf32>, vector<16xf32>, vector<16xf32>, vector<16xf32>, vector<16xf32>, vector<16xf32>, vector<16xf32>, vector<16xf32>, vector<16xf32>, vector<16xf32>, vector<16xf32>, vector<16xf32>, vector<16xf32>)  : i32 {
        %get3A_1088 = arith.index_cast %while3A_1055 : i32 to index
        %get3A_1089 = arith.constant 512 : index
        %get3A_1090 = tpu.vector_load %arg7[%get3A_1088, %get3A_1089] {strides = array<i32>} : memref<64x1024xf32, #tpu.memory_space<vmem>>, vector<16xf32>,
        %add3A_1091 = arith.addf %while3A_1056, %get3A_1090 : vector<16xf32>
        %get3A_1092 = arith.index_cast %while3A_1055 : i32 to index
        %get3A_1093 = arith.constant 528 : index
        %get3A_1094 = tpu.vector_load %arg7[%get3A_1092, %get3A_1093] {strides = array<i32>} : memref<64x1024xf32, #tpu.memory_space<vmem>>, vector<16xf32>,
        %add3A_1095 = arith.addf %while3A_1057, %get3A_1094 : vector<16xf32>
        %get3A_1096 = arith.index_cast %while3A_1055 : i32 to index
        %get3A_1097 = arith.constant 544 : index
        %get3A_1098 = tpu.vector_load %arg7[%get3A_1096, %get3A_1097] {strides = array<i32>} : memref<64x1024xf32, #tpu.memory_space<vmem>>, vector<16xf32>,
        %add3A_1099 = arith.addf %while3A_1058, %get3A_1098 : vector<16xf32>
        %get3A_1100 = arith.index_cast %while3A_1055 : i32 to index
        %get3A_1101 = arith.constant 560 : index
        %get3A_1102 = tpu.vector_load %arg7[%get3A_1100, %get3A_1101] {strides = array<i32>} : memref<64x1024xf32, #tpu.memory_space<vmem>>, vector<16xf32>,
        %add3A_1103 = arith.addf %while3A_1059, %get3A_1102 : vector<16xf32>
        %get3A_1104 = arith.index_cast %while3A_1055 : i32 to index
        %get3A_1105 = arith.constant 576 : index
        %get3A_1106 = tpu.vector_load %arg7[%get3A_1104, %get3A_1105] {strides = array<i32>} : memref<64x1024xf32, #tpu.memory_space<vmem>>, vector<16xf32>,
        %add3A_1107 = arith.addf %while3A_1060, %get3A_1106 : vector<16xf32>
        %get3A_1108 = arith.index_cast %while3A_1055 : i32 to index
        %get3A_1109 = arith.constant 592 : index
        %get3A_1110 = tpu.vector_load %arg7[%get3A_1108, %get3A_1109] {strides = array<i32>} : memref<64x1024xf32, #tpu.memory_space<vmem>>, vector<16xf32>,
        %add3A_1111 = arith.addf %while3A_1061, %get3A_1110 : vector<16xf32>
        %get3A_1112 = arith.index_cast %while3A_1055 : i32 to index
        %get3A_1113 = arith.constant 608 : index
        %get3A_1114 = tpu.vector_load %arg7[%get3A_1112, %get3A_1113] {strides = array<i32>} : memref<64x1024xf32, #tpu.memory_space<vmem>>, vector<16xf32>,
        %add3A_1115 = arith.addf %while3A_1062, %get3A_1114 : vector<16xf32>
        %get3A_1116 = arith.index_cast %while3A_1055 : i32 to index
        %get3A_1117 = arith.constant 624 : index
        %get3A_1118 = tpu.vector_load %arg7[%get3A_1116, %get3A_1117] {strides = array<i32>} : memref<64x1024xf32, #tpu.memory_space<vmem>>, vector<16xf32>,
        %add3A_1119 = arith.addf %while3A_1063, %get3A_1118 : vector<16xf32>
        %get3A_1120 = arith.index_cast %while3A_1055 : i32 to index
        %get3A_1121 = arith.constant 640 : index
        %get3A_1122 = tpu.vector_load %arg7[%get3A_1120, %get3A_1121] {strides = array<i32>} : memref<64x1024xf32, #tpu.memory_space<vmem>>, vector<16xf32>,
        %add3A_1123 = arith.addf %while3A_1064, %get3A_1122 : vector<16xf32>
        %get3A_1124 = arith.index_cast %while3A_1055 : i32 to index
        %get3A_1125 = arith.constant 656 : index
        %get3A_1126 = tpu.vector_load %arg7[%get3A_1124, %get3A_1125] {strides = array<i32>} : memref<64x1024xf32, #tpu.memory_space<vmem>>, vector<16xf32>,
        %add3A_1127 = arith.addf %while3A_1065, %get3A_1126 : vector<16xf32>
        %get3A_1128 = arith.index_cast %while3A_1055 : i32 to index
        %get3A_1129 = arith.constant 672 : index
        %get3A_1130 = tpu.vector_load %arg7[%get3A_1128, %get3A_1129] {strides = array<i32>} : memref<64x1024xf32, #tpu.memory_space<vmem>>, vector<16xf32>,
        %add3A_1131 = arith.addf %while3A_1066, %get3A_1130 : vector<16xf32>
        %get3A_1132 = arith.index_cast %while3A_1055 : i32 to index
        %get3A_1133 = arith.constant 688 : index
        %get3A_1134 = tpu.vector_load %arg7[%get3A_1132, %get3A_1133] {strides = array<i32>} : memref<64x1024xf32, #tpu.memory_space<vmem>>, vector<16xf32>,
        %add3A_1135 = arith.addf %while3A_1067, %get3A_1134 : vector<16xf32>
        %get3A_1136 = arith.index_cast %while3A_1055 : i32 to index
        %get3A_1137 = arith.constant 704 : index
        %get3A_1138 = tpu.vector_load %arg7[%get3A_1136, %get3A_1137] {strides = array<i32>} : memref<64x1024xf32, #tpu.memory_space<vmem>>, vector<16xf32>,
        %add3A_1139 = arith.addf %while3A_1068, %get3A_1138 : vector<16xf32>
        %get3A_1140 = arith.index_cast %while3A_1055 : i32 to index
        %get3A_1141 = arith.constant 720 : index
        %get3A_1142 = tpu.vector_load %arg7[%get3A_1140, %get3A_1141] {strides = array<i32>} : memref<64x1024xf32, #tpu.memory_space<vmem>>, vector<16xf32>,
        %add3A_1143 = arith.addf %while3A_1069, %get3A_1142 : vector<16xf32>
        %get3A_1144 = arith.index_cast %while3A_1055 : i32 to index
        %get3A_1145 = arith.constant 736 : index
        %get3A_1146 = tpu.vector_load %arg7[%get3A_1144, %get3A_1145] {strides = array<i32>} : memref<64x1024xf32, #tpu.memory_space<vmem>>, vector<16xf32>,
        %add3A_1147 = arith.addf %while3A_1070, %get3A_1146 : vector<16xf32>
        %get3A_1148 = arith.index_cast %while3A_1055 : i32 to index
        %get3A_1149 = arith.constant 752 : index
        %get3A_1150 = tpu.vector_load %arg7[%get3A_1148, %get3A_1149] {strides = array<i32>} : memref<64x1024xf32, #tpu.memory_space<vmem>>, vector<16xf32>,
        %add3A_1151 = arith.addf %while3A_1071, %get3A_1150 : vector<16xf32>
        %get3A_1152 = arith.index_cast %while3A_1055 : i32 to index
        %get3A_1153 = arith.constant 768 : index
        %get3A_1154 = tpu.vector_load %arg7[%get3A_1152, %get3A_1153] {strides = array<i32>} : memref<64x1024xf32, #tpu.memory_space<vmem>>, vector<16xf32>,
        %add3A_1155 = arith.addf %while3A_1072, %get3A_1154 : vector<16xf32>
        %get3A_1156 = arith.index_cast %while3A_1055 : i32 to index
        %get3A_1157 = arith.constant 784 : index
        %get3A_1158 = tpu.vector_load %arg7[%get3A_1156, %get3A_1157] {strides = array<i32>} : memref<64x1024xf32, #tpu.memory_space<vmem>>, vector<16xf32>,
        %add3A_1159 = arith.addf %while3A_1073, %get3A_1158 : vector<16xf32>
        %get3A_1160 = arith.index_cast %while3A_1055 : i32 to index
        %get3A_1161 = arith.constant 800 : index
        %get3A_1162 = tpu.vector_load %arg7[%get3A_1160, %get3A_1161] {strides = array<i32>} : memref<64x1024xf32, #tpu.memory_space<vmem>>, vector<16xf32>,
        %add3A_1163 = arith.addf %while3A_1074, %get3A_1162 : vector<16xf32>
        %get3A_1164 = arith.index_cast %while3A_1055 : i32 to index
        %get3A_1165 = arith.constant 816 : index
        %get3A_1166 = tpu.vector_load %arg7[%get3A_1164, %get3A_1165] {strides = array<i32>} : memref<64x1024xf32, #tpu.memory_space<vmem>>, vector<16xf32>,
        %add3A_1167 = arith.addf %while3A_1075, %get3A_1166 : vector<16xf32>
        %get3A_1168 = arith.index_cast %while3A_1055 : i32 to index
        %get3A_1169 = arith.constant 832 : index
        %get3A_1170 = tpu.vector_load %arg7[%get3A_1168, %get3A_1169] {strides = array<i32>} : memref<64x1024xf32, #tpu.memory_space<vmem>>, vector<16xf32>,
        %add3A_1171 = arith.addf %while3A_1076, %get3A_1170 : vector<16xf32>
        %get3A_1172 = arith.index_cast %while3A_1055 : i32 to index
        %get3A_1173 = arith.constant 848 : index
        %get3A_1174 = tpu.vector_load %arg7[%get3A_1172, %get3A_1173] {strides = array<i32>} : memref<64x1024xf32, #tpu.memory_space<vmem>>, vector<16xf32>,
        %add3A_1175 = arith.addf %while3A_1077, %get3A_1174 : vector<16xf32>
        %get3A_1176 = arith.index_cast %while3A_1055 : i32 to index
        %get3A_1177 = arith.constant 864 : index
        %get3A_1178 = tpu.vector_load %arg7[%get3A_1176, %get3A_1177] {strides = array<i32>} : memref<64x1024xf32, #tpu.memory_space<vmem>>, vector<16xf32>,
        %add3A_1179 = arith.addf %while3A_1078, %get3A_1178 : vector<16xf32>
        %get3A_1180 = arith.index_cast %while3A_1055 : i32 to index
        %get3A_1181 = arith.constant 880 : index
        %get3A_1182 = tpu.vector_load %arg7[%get3A_1180, %get3A_1181] {strides = array<i32>} : memref<64x1024xf32, #tpu.memory_space<vmem>>, vector<16xf32>,
        %add3A_1183 = arith.addf %while3A_1079, %get3A_1182 : vector<16xf32>
        %get3A_1184 = arith.index_cast %while3A_1055 : i32 to index
        %get3A_1185 = arith.constant 896 : index
        %get3A_1186 = tpu.vector_load %arg7[%get3A_1184, %get3A_1185] {strides = array<i32>} : memref<64x1024xf32, #tpu.memory_space<vmem>>, vector<16xf32>,
        %add3A_1187 = arith.addf %while3A_1080, %get3A_1186 : vector<16xf32>
        %get3A_1188 = arith.index_cast %while3A_1055 : i32 to index
        %get3A_1189 = arith.constant 912 : index
        %get3A_1190 = tpu.vector_load %arg7[%get3A_1188, %get3A_1189] {strides = array<i32>} : memref<64x1024xf32, #tpu.memory_space<vmem>>, vector<16xf32>,
        %add3A_1191 = arith.addf %while3A_1081, %get3A_1190 : vector<16xf32>
        %get3A_1192 = arith.index_cast %while3A_1055 : i32 to index
        %get3A_1193 = arith.constant 928 : index
        %get3A_1194 = tpu.vector_load %arg7[%get3A_1192, %get3A_1193] {strides = array<i32>} : memref<64x1024xf32, #tpu.memory_space<vmem>>, vector<16xf32>,
        %add3A_1195 = arith.addf %while3A_1082, %get3A_1194 : vector<16xf32>
        %get3A_1196 = arith.index_cast %while3A_1055 : i32 to index
        %get3A_1197 = arith.constant 944 : index
        %get3A_1198 = tpu.vector_load %arg7[%get3A_1196, %get3A_1197] {strides = array<i32>} : memref<64x1024xf32, #tpu.memory_space<vmem>>, vector<16xf32>,
        %add3A_1199 = arith.addf %while3A_1083, %get3A_1198 : vector<16xf32>
        %get3A_1200 = arith.index_cast %while3A_1055 : i32 to index
        %get3A_1201 = arith.constant 960 : index
        %get3A_1202 = tpu.vector_load %arg7[%get3A_1200, %get3A_1201] {strides = array<i32>} : memref<64x1024xf32, #tpu.memory_space<vmem>>, vector<16xf32>,
        %add3A_1203 = arith.addf %while3A_1084, %get3A_1202 : vector<16xf32>
        %get3A_1204 = arith.index_cast %while3A_1055 : i32 to index
        %get3A_1205 = arith.constant 976 : index
        %get3A_1206 = tpu.vector_load %arg7[%get3A_1204, %get3A_1205] {strides = array<i32>} : memref<64x1024xf32, #tpu.memory_space<vmem>>, vector<16xf32>,
        %add3A_1207 = arith.addf %while3A_1085, %get3A_1206 : vector<16xf32>
        %get3A_1208 = arith.index_cast %while3A_1055 : i32 to index
        %get3A_1209 = arith.constant 992 : index
        %get3A_1210 = tpu.vector_load %arg7[%get3A_1208, %get3A_1209] {strides = array<i32>} : memref<64x1024xf32, #tpu.memory_space<vmem>>, vector<16xf32>,
        %add3A_1211 = arith.addf %while3A_1086, %get3A_1210 : vector<16xf32>
        %get3A_1212 = arith.index_cast %while3A_1055 : i32 to index
        %get3A_1213 = arith.constant 1008 : index
        %get3A_1214 = tpu.vector_load %arg7[%get3A_1212, %get3A_1213] {strides = array<i32>} : memref<64x1024xf32, #tpu.memory_space<vmem>>, vector<16xf32>,
        %add3A_1215 = arith.addf %while3A_1087, %get3A_1214 : vector<16xf32>
        scf.yield %add3A_1091, %add3A_1095, %add3A_1099, %add3A_1103, %add3A_1107, %add3A_1111, %add3A_1115, %add3A_1119, %add3A_1123, %add3A_1127, %add3A_1131, %add3A_1135, %add3A_1139, %add3A_1143, %add3A_1147, %add3A_1151, %add3A_1155, %add3A_1159, %add3A_1163, %add3A_1167, %add3A_1171, %add3A_1175, %add3A_1179, %add3A_1183, %add3A_1187, %add3A_1191, %add3A_1195, %add3A_1199, %add3A_1203, %add3A_1207, %add3A_1211, %add3A_1215 : vector<16xf32>, vector<16xf32>, vector<16xf32>, vector<16xf32>, vector<16xf32>, vector<16xf32>, vector<16xf32>, vector<16xf32>, vector<16xf32>, vector<16xf32>, vector<16xf32>, vector<16xf32>, vector<16xf32>, vector<16xf32>, vector<16xf32>, vector<16xf32>, vector<16xf32>, vector<16xf32>, vector<16xf32>, vector<16xf32>, vector<16xf32>, vector<16xf32>, vector<16xf32>, vector<16xf32>, vector<16xf32>, vector<16xf32>, vector<16xf32>, vector<16xf32>, vector<16xf32>, vector<16xf32>, vector<16xf32>, vector<16xf32>
      }
      %mul3A_702 = arith.constant 1024 : i32
      %mul3A_703 = arith.muli %while3A_174, %mul3A_702 : i32
      %add3A_704 = arith.constant 512 : i32
      %add3A_705 = arith.addi %mul3A_703, %add3A_704 : i32
      %add3A_706 = arith.constant 0 : i32
      %add3A_707 = arith.addi %add3A_705, %add3A_706 : i32
      %get3A_708 = arith.index_cast %add3A_707 : i32 to index
      %get3A_709 = tpu.vector_load %arg9[%get3A_708] {strides = array<i32>} : memref<8192xf32, #tpu.memory_space<vmem>>, vector<16xf32>,
      %add3A_710 = arith.addf %get3A_709, %while3A_701#0 : vector<16xf32>
      %swap3A_711 = arith.index_cast %add3A_707 : i32 to index
      %swap3A_712 = tpu.vector_load %arg9[%swap3A_711] {strides = array<i32>} : memref<8192xf32, #tpu.memory_space<vmem>>, vector<16xf32>,
      tpu.vector_store %arg9[%swap3A_711], %add3A_710 {strides = array<i32>} : memref<8192xf32, #tpu.memory_space<vmem>>, vector<16xf32>,
      %mul3A_713 = arith.constant 1024 : i32
      %mul3A_714 = arith.muli %while3A_174, %mul3A_713 : i32
      %add3A_715 = arith.constant 512 : i32
      %add3A_716 = arith.addi %mul3A_714, %add3A_715 : i32
      %add3A_717 = arith.constant 16 : i32
      %add3A_718 = arith.addi %add3A_716, %add3A_717 : i32
      %get3A_719 = arith.index_cast %add3A_718 : i32 to index
      %get3A_720 = tpu.vector_load %arg9[%get3A_719] {strides = array<i32>} : memref<8192xf32, #tpu.memory_space<vmem>>, vector<16xf32>,
      %add3A_721 = arith.addf %get3A_720, %while3A_701#1 : vector<16xf32>
      %swap3A_722 = arith.index_cast %add3A_718 : i32 to index
      %swap3A_723 = tpu.vector_load %arg9[%swap3A_722] {strides = array<i32>} : memref<8192xf32, #tpu.memory_space<vmem>>, vector<16xf32>,
      tpu.vector_store %arg9[%swap3A_722], %add3A_721 {strides = array<i32>} : memref<8192xf32, #tpu.memory_space<vmem>>, vector<16xf32>,
      %mul3A_724 = arith.constant 1024 : i32
      %mul3A_725 = arith.muli %while3A_174, %mul3A_724 : i32
      %add3A_726 = arith.constant 512 : i32
      %add3A_727 = arith.addi %mul3A_725, %add3A_726 : i32
      %add3A_728 = arith.constant 32 : i32
      %add3A_729 = arith.addi %add3A_727, %add3A_728 : i32
      %get3A_730 = arith.index_cast %add3A_729 : i32 to index
      %get3A_731 = tpu.vector_load %arg9[%get3A_730] {strides = array<i32>} : memref<8192xf32, #tpu.memory_space<vmem>>, vector<16xf32>,
      %add3A_732 = arith.addf %get3A_731, %while3A_701#2 : vector<16xf32>
      %swap3A_733 = arith.index_cast %add3A_729 : i32 to index
      %swap3A_734 = tpu.vector_load %arg9[%swap3A_733] {strides = array<i32>} : memref<8192xf32, #tpu.memory_space<vmem>>, vector<16xf32>,
      tpu.vector_store %arg9[%swap3A_733], %add3A_732 {strides = array<i32>} : memref<8192xf32, #tpu.memory_space<vmem>>, vector<16xf32>,
      %mul3A_735 = arith.constant 1024 : i32
      %mul3A_736 = arith.muli %while3A_174, %mul3A_735 : i32
      %add3A_737 = arith.constant 512 : i32
      %add3A_738 = arith.addi %mul3A_736, %add3A_737 : i32
      %add3A_739 = arith.constant 48 : i32
      %add3A_740 = arith.addi %add3A_738, %add3A_739 : i32
      %get3A_741 = arith.index_cast %add3A_740 : i32 to index
      %get3A_742 = tpu.vector_load %arg9[%get3A_741] {strides = array<i32>} : memref<8192xf32, #tpu.memory_space<vmem>>, vector<16xf32>,
      %add3A_743 = arith.addf %get3A_742, %while3A_701#3 : vector<16xf32>
      %swap3A_744 = arith.index_cast %add3A_740 : i32 to index
      %swap3A_745 = tpu.vector_load %arg9[%swap3A_744] {strides = array<i32>} : memref<8192xf32, #tpu.memory_space<vmem>>, vector<16xf32>,
      tpu.vector_store %arg9[%swap3A_744], %add3A_743 {strides = array<i32>} : memref<8192xf32, #tpu.memory_space<vmem>>, vector<16xf32>,
      %mul3A_746 = arith.constant 1024 : i32
      %mul3A_747 = arith.muli %while3A_174, %mul3A_746 : i32
      %add3A_748 = arith.constant 512 : i32
      %add3A_749 = arith.addi %mul3A_747, %add3A_748 : i32
      %add3A_750 = arith.constant 64 : i32
      %add3A_751 = arith.addi %add3A_749, %add3A_750 : i32
      %get3A_752 = arith.index_cast %add3A_751 : i32 to index
      %get3A_753 = tpu.vector_load %arg9[%get3A_752] {strides = array<i32>} : memref<8192xf32, #tpu.memory_space<vmem>>, vector<16xf32>,
      %add3A_754 = arith.addf %get3A_753, %while3A_701#4 : vector<16xf32>
      %swap3A_755 = arith.index_cast %add3A_751 : i32 to index
      %swap3A_756 = tpu.vector_load %arg9[%swap3A_755] {strides = array<i32>} : memref<8192xf32, #tpu.memory_space<vmem>>, vector<16xf32>,
      tpu.vector_store %arg9[%swap3A_755], %add3A_754 {strides = array<i32>} : memref<8192xf32, #tpu.memory_space<vmem>>, vector<16xf32>,
      %mul3A_757 = arith.constant 1024 : i32
      %mul3A_758 = arith.muli %while3A_174, %mul3A_757 : i32
      %add3A_759 = arith.constant 512 : i32
      %add3A_760 = arith.addi %mul3A_758, %add3A_759 : i32
      %add3A_761 = arith.constant 80 : i32
      %add3A_762 = arith.addi %add3A_760, %add3A_761 : i32
      %get3A_763 = arith.index_cast %add3A_762 : i32 to index
      %get3A_764 = tpu.vector_load %arg9[%get3A_763] {strides = array<i32>} : memref<8192xf32, #tpu.memory_space<vmem>>, vector<16xf32>,
      %add3A_765 = arith.addf %get3A_764, %while3A_701#5 : vector<16xf32>
      %swap3A_766 = arith.index_cast %add3A_762 : i32 to index
      %swap3A_767 = tpu.vector_load %arg9[%swap3A_766] {strides = array<i32>} : memref<8192xf32, #tpu.memory_space<vmem>>, vector<16xf32>,
      tpu.vector_store %arg9[%swap3A_766], %add3A_765 {strides = array<i32>} : memref<8192xf32, #tpu.memory_space<vmem>>, vector<16xf32>,
      %mul3A_768 = arith.constant 1024 : i32
      %mul3A_769 = arith.muli %while3A_174, %mul3A_768 : i32
      %add3A_770 = arith.constant 512 : i32
      %add3A_771 = arith.addi %mul3A_769, %add3A_770 : i32
      %add3A_772 = arith.constant 96 : i32
      %add3A_773 = arith.addi %add3A_771, %add3A_772 : i32
      %get3A_774 = arith.index_cast %add3A_773 : i32 to index
      %get3A_775 = tpu.vector_load %arg9[%get3A_774] {strides = array<i32>} : memref<8192xf32, #tpu.memory_space<vmem>>, vector<16xf32>,
      %add3A_776 = arith.addf %get3A_775, %while3A_701#6 : vector<16xf32>
      %swap3A_777 = arith.index_cast %add3A_773 : i32 to index
      %swap3A_778 = tpu.vector_load %arg9[%swap3A_777] {strides = array<i32>} : memref<8192xf32, #tpu.memory_space<vmem>>, vector<16xf32>,
      tpu.vector_store %arg9[%swap3A_777], %add3A_776 {strides = array<i32>} : memref<8192xf32, #tpu.memory_space<vmem>>, vector<16xf32>,
      %mul3A_779 = arith.constant 1024 : i32
      %mul3A_780 = arith.muli %while3A_174, %mul3A_779 : i32
      %add3A_781 = arith.constant 512 : i32
      %add3A_782 = arith.addi %mul3A_780, %add3A_781 : i32
      %add3A_783 = arith.constant 112 : i32
      %add3A_784 = arith.addi %add3A_782, %add3A_783 : i32
      %get3A_785 = arith.index_cast %add3A_784 : i32 to index
      %get3A_786 = tpu.vector_load %arg9[%get3A_785] {strides = array<i32>} : memref<8192xf32, #tpu.memory_space<vmem>>, vector<16xf32>,
      %add3A_787 = arith.addf %get3A_786, %while3A_701#7 : vector<16xf32>
      %swap3A_788 = arith.index_cast %add3A_784 : i32 to index
      %swap3A_789 = tpu.vector_load %arg9[%swap3A_788] {strides = array<i32>} : memref<8192xf32, #tpu.memory_space<vmem>>, vector<16xf32>,
      tpu.vector_store %arg9[%swap3A_788], %add3A_787 {strides = array<i32>} : memref<8192xf32, #tpu.memory_space<vmem>>, vector<16xf32>,
      %mul3A_790 = arith.constant 1024 : i32
      %mul3A_791 = arith.muli %while3A_174, %mul3A_790 : i32
      %add3A_792 = arith.constant 512 : i32
      %add3A_793 = arith.addi %mul3A_791, %add3A_792 : i32
      %add3A_794 = arith.constant 128 : i32
      %add3A_795 = arith.addi %add3A_793, %add3A_794 : i32
      %get3A_796 = arith.index_cast %add3A_795 : i32 to index
      %get3A_797 = tpu.vector_load %arg9[%get3A_796] {strides = array<i32>} : memref<8192xf32, #tpu.memory_space<vmem>>, vector<16xf32>,
      %add3A_798 = arith.addf %get3A_797, %while3A_701#8 : vector<16xf32>
      %swap3A_799 = arith.index_cast %add3A_795 : i32 to index
      %swap3A_800 = tpu.vector_load %arg9[%swap3A_799] {strides = array<i32>} : memref<8192xf32, #tpu.memory_space<vmem>>, vector<16xf32>,
      tpu.vector_store %arg9[%swap3A_799], %add3A_798 {strides = array<i32>} : memref<8192xf32, #tpu.memory_space<vmem>>, vector<16xf32>,
      %mul3A_801 = arith.constant 1024 : i32
      %mul3A_802 = arith.muli %while3A_174, %mul3A_801 : i32
      %add3A_803 = arith.constant 512 : i32
      %add3A_804 = arith.addi %mul3A_802, %add3A_803 : i32
      %add3A_805 = arith.constant 144 : i32
      %add3A_806 = arith.addi %add3A_804, %add3A_805 : i32
      %get3A_807 = arith.index_cast %add3A_806 : i32 to index
      %get3A_808 = tpu.vector_load %arg9[%get3A_807] {strides = array<i32>} : memref<8192xf32, #tpu.memory_space<vmem>>, vector<16xf32>,
      %add3A_809 = arith.addf %get3A_808, %while3A_701#9 : vector<16xf32>
      %swap3A_810 = arith.index_cast %add3A_806 : i32 to index
      %swap3A_811 = tpu.vector_load %arg9[%swap3A_810] {strides = array<i32>} : memref<8192xf32, #tpu.memory_space<vmem>>, vector<16xf32>,
      tpu.vector_store %arg9[%swap3A_810], %add3A_809 {strides = array<i32>} : memref<8192xf32, #tpu.memory_space<vmem>>, vector<16xf32>,
      %mul3A_812 = arith.constant 1024 : i32
      %mul3A_813 = arith.muli %while3A_174, %mul3A_812 : i32
      %add3A_814 = arith.constant 512 : i32
      %add3A_815 = arith.addi %mul3A_813, %add3A_814 : i32
      %add3A_816 = arith.constant 160 : i32
      %add3A_817 = arith.addi %add3A_815, %add3A_816 : i32
      %get3A_818 = arith.index_cast %add3A_817 : i32 to index
      %get3A_819 = tpu.vector_load %arg9[%get3A_818] {strides = array<i32>} : memref<8192xf32, #tpu.memory_space<vmem>>, vector<16xf32>,
      %add3A_820 = arith.addf %get3A_819, %while3A_701#10 : vector<16xf32>
      %swap3A_821 = arith.index_cast %add3A_817 : i32 to index
      %swap3A_822 = tpu.vector_load %arg9[%swap3A_821] {strides = array<i32>} : memref<8192xf32, #tpu.memory_space<vmem>>, vector<16xf32>,
      tpu.vector_store %arg9[%swap3A_821], %add3A_820 {strides = array<i32>} : memref<8192xf32, #tpu.memory_space<vmem>>, vector<16xf32>,
      %mul3A_823 = arith.constant 1024 : i32
      %mul3A_824 = arith.muli %while3A_174, %mul3A_823 : i32
      %add3A_825 = arith.constant 512 : i32
      %add3A_826 = arith.addi %mul3A_824, %add3A_825 : i32
      %add3A_827 = arith.constant 176 : i32
      %add3A_828 = arith.addi %add3A_826, %add3A_827 : i32
      %get3A_829 = arith.index_cast %add3A_828 : i32 to index
      %get3A_830 = tpu.vector_load %arg9[%get3A_829] {strides = array<i32>} : memref<8192xf32, #tpu.memory_space<vmem>>, vector<16xf32>,
      %add3A_831 = arith.addf %get3A_830, %while3A_701#11 : vector<16xf32>
      %swap3A_832 = arith.index_cast %add3A_828 : i32 to index
      %swap3A_833 = tpu.vector_load %arg9[%swap3A_832] {strides = array<i32>} : memref<8192xf32, #tpu.memory_space<vmem>>, vector<16xf32>,
      tpu.vector_store %arg9[%swap3A_832], %add3A_831 {strides = array<i32>} : memref<8192xf32, #tpu.memory_space<vmem>>, vector<16xf32>,
      %mul3A_834 = arith.constant 1024 : i32
      %mul3A_835 = arith.muli %while3A_174, %mul3A_834 : i32
      %add3A_836 = arith.constant 512 : i32
      %add3A_837 = arith.addi %mul3A_835, %add3A_836 : i32
      %add3A_838 = arith.constant 192 : i32
      %add3A_839 = arith.addi %add3A_837, %add3A_838 : i32
      %get3A_840 = arith.index_cast %add3A_839 : i32 to index
      %get3A_841 = tpu.vector_load %arg9[%get3A_840] {strides = array<i32>} : memref<8192xf32, #tpu.memory_space<vmem>>, vector<16xf32>,
      %add3A_842 = arith.addf %get3A_841, %while3A_701#12 : vector<16xf32>
      %swap3A_843 = arith.index_cast %add3A_839 : i32 to index
      %swap3A_844 = tpu.vector_load %arg9[%swap3A_843] {strides = array<i32>} : memref<8192xf32, #tpu.memory_space<vmem>>, vector<16xf32>,
      tpu.vector_store %arg9[%swap3A_843], %add3A_842 {strides = array<i32>} : memref<8192xf32, #tpu.memory_space<vmem>>, vector<16xf32>,
      %mul3A_845 = arith.constant 1024 : i32
      %mul3A_846 = arith.muli %while3A_174, %mul3A_845 : i32
      %add3A_847 = arith.constant 512 : i32
      %add3A_848 = arith.addi %mul3A_846, %add3A_847 : i32
      %add3A_849 = arith.constant 208 : i32
      %add3A_850 = arith.addi %add3A_848, %add3A_849 : i32
      %get3A_851 = arith.index_cast %add3A_850 : i32 to index
      %get3A_852 = tpu.vector_load %arg9[%get3A_851] {strides = array<i32>} : memref<8192xf32, #tpu.memory_space<vmem>>, vector<16xf32>,
      %add3A_853 = arith.addf %get3A_852, %while3A_701#13 : vector<16xf32>
      %swap3A_854 = arith.index_cast %add3A_850 : i32 to index
      %swap3A_855 = tpu.vector_load %arg9[%swap3A_854] {strides = array<i32>} : memref<8192xf32, #tpu.memory_space<vmem>>, vector<16xf32>,
      tpu.vector_store %arg9[%swap3A_854], %add3A_853 {strides = array<i32>} : memref<8192xf32, #tpu.memory_space<vmem>>, vector<16xf32>,
      %mul3A_856 = arith.constant 1024 : i32
      %mul3A_857 = arith.muli %while3A_174, %mul3A_856 : i32
      %add3A_858 = arith.constant 512 : i32
      %add3A_859 = arith.addi %mul3A_857, %add3A_858 : i32
      %add3A_860 = arith.constant 224 : i32
      %add3A_861 = arith.addi %add3A_859, %add3A_860 : i32
      %get3A_862 = arith.index_cast %add3A_861 : i32 to index
      %get3A_863 = tpu.vector_load %arg9[%get3A_862] {strides = array<i32>} : memref<8192xf32, #tpu.memory_space<vmem>>, vector<16xf32>,
      %add3A_864 = arith.addf %get3A_863, %while3A_701#14 : vector<16xf32>
      %swap3A_865 = arith.index_cast %add3A_861 : i32 to index
      %swap3A_866 = tpu.vector_load %arg9[%swap3A_865] {strides = array<i32>} : memref<8192xf32, #tpu.memory_space<vmem>>, vector<16xf32>,
      tpu.vector_store %arg9[%swap3A_865], %add3A_864 {strides = array<i32>} : memref<8192xf32, #tpu.memory_space<vmem>>, vector<16xf32>,
      %mul3A_867 = arith.constant 1024 : i32
      %mul3A_868 = arith.muli %while3A_174, %mul3A_867 : i32
      %add3A_869 = arith.constant 512 : i32
      %add3A_870 = arith.addi %mul3A_868, %add3A_869 : i32
      %add3A_871 = arith.constant 240 : i32
      %add3A_872 = arith.addi %add3A_870, %add3A_871 : i32
      %get3A_873 = arith.index_cast %add3A_872 : i32 to index
      %get3A_874 = tpu.vector_load %arg9[%get3A_873] {strides = array<i32>} : memref<8192xf32, #tpu.memory_space<vmem>>, vector<16xf32>,
      %add3A_875 = arith.addf %get3A_874, %while3A_701#15 : vector<16xf32>
      %swap3A_876 = arith.index_cast %add3A_872 : i32 to index
      %swap3A_877 = tpu.vector_load %arg9[%swap3A_876] {strides = array<i32>} : memref<8192xf32, #tpu.memory_space<vmem>>, vector<16xf32>,
      tpu.vector_store %arg9[%swap3A_876], %add3A_875 {strides = array<i32>} : memref<8192xf32, #tpu.memory_space<vmem>>, vector<16xf32>,
      %mul3A_878 = arith.constant 1024 : i32
      %mul3A_879 = arith.muli %while3A_174, %mul3A_878 : i32
      %add3A_880 = arith.constant 512 : i32
      %add3A_881 = arith.addi %mul3A_879, %add3A_880 : i32
      %add3A_882 = arith.constant 256 : i32
      %add3A_883 = arith.addi %add3A_881, %add3A_882 : i32
      %get3A_884 = arith.index_cast %add3A_883 : i32 to index
      %get3A_885 = tpu.vector_load %arg9[%get3A_884] {strides = array<i32>} : memref<8192xf32, #tpu.memory_space<vmem>>, vector<16xf32>,
      %add3A_886 = arith.addf %get3A_885, %while3A_701#16 : vector<16xf32>
      %swap3A_887 = arith.index_cast %add3A_883 : i32 to index
      %swap3A_888 = tpu.vector_load %arg9[%swap3A_887] {strides = array<i32>} : memref<8192xf32, #tpu.memory_space<vmem>>, vector<16xf32>,
      tpu.vector_store %arg9[%swap3A_887], %add3A_886 {strides = array<i32>} : memref<8192xf32, #tpu.memory_space<vmem>>, vector<16xf32>,
      %mul3A_889 = arith.constant 1024 : i32
      %mul3A_890 = arith.muli %while3A_174, %mul3A_889 : i32
      %add3A_891 = arith.constant 512 : i32
      %add3A_892 = arith.addi %mul3A_890, %add3A_891 : i32
      %add3A_893 = arith.constant 272 : i32
      %add3A_894 = arith.addi %add3A_892, %add3A_893 : i32
      %get3A_895 = arith.index_cast %add3A_894 : i32 to index
      %get3A_896 = tpu.vector_load %arg9[%get3A_895] {strides = array<i32>} : memref<8192xf32, #tpu.memory_space<vmem>>, vector<16xf32>,
      %add3A_897 = arith.addf %get3A_896, %while3A_701#17 : vector<16xf32>
      %swap3A_898 = arith.index_cast %add3A_894 : i32 to index
      %swap3A_899 = tpu.vector_load %arg9[%swap3A_898] {strides = array<i32>} : memref<8192xf32, #tpu.memory_space<vmem>>, vector<16xf32>,
      tpu.vector_store %arg9[%swap3A_898], %add3A_897 {strides = array<i32>} : memref<8192xf32, #tpu.memory_space<vmem>>, vector<16xf32>,
      %mul3A_900 = arith.constant 1024 : i32
      %mul3A_901 = arith.muli %while3A_174, %mul3A_900 : i32
      %add3A_902 = arith.constant 512 : i32
      %add3A_903 = arith.addi %mul3A_901, %add3A_902 : i32
      %add3A_904 = arith.constant 288 : i32
      %add3A_905 = arith.addi %add3A_903, %add3A_904 : i32
      %get3A_906 = arith.index_cast %add3A_905 : i32 to index
      %get3A_907 = tpu.vector_load %arg9[%get3A_906] {strides = array<i32>} : memref<8192xf32, #tpu.memory_space<vmem>>, vector<16xf32>,
      %add3A_908 = arith.addf %get3A_907, %while3A_701#18 : vector<16xf32>
      %swap3A_909 = arith.index_cast %add3A_905 : i32 to index
      %swap3A_910 = tpu.vector_load %arg9[%swap3A_909] {strides = array<i32>} : memref<8192xf32, #tpu.memory_space<vmem>>, vector<16xf32>,
      tpu.vector_store %arg9[%swap3A_909], %add3A_908 {strides = array<i32>} : memref<8192xf32, #tpu.memory_space<vmem>>, vector<16xf32>,
      %mul3A_911 = arith.constant 1024 : i32
      %mul3A_912 = arith.muli %while3A_174, %mul3A_911 : i32
      %add3A_913 = arith.constant 512 : i32
      %add3A_914 = arith.addi %mul3A_912, %add3A_913 : i32
      %add3A_915 = arith.constant 304 : i32
      %add3A_916 = arith.addi %add3A_914, %add3A_915 : i32
      %get3A_917 = arith.index_cast %add3A_916 : i32 to index
      %get3A_918 = tpu.vector_load %arg9[%get3A_917] {strides = array<i32>} : memref<8192xf32, #tpu.memory_space<vmem>>, vector<16xf32>,
      %add3A_919 = arith.addf %get3A_918, %while3A_701#19 : vector<16xf32>
      %swap3A_920 = arith.index_cast %add3A_916 : i32 to index
      %swap3A_921 = tpu.vector_load %arg9[%swap3A_920] {strides = array<i32>} : memref<8192xf32, #tpu.memory_space<vmem>>, vector<16xf32>,
      tpu.vector_store %arg9[%swap3A_920], %add3A_919 {strides = array<i32>} : memref<8192xf32, #tpu.memory_space<vmem>>, vector<16xf32>,
      %mul3A_922 = arith.constant 1024 : i32
      %mul3A_923 = arith.muli %while3A_174, %mul3A_922 : i32
      %add3A_924 = arith.constant 512 : i32
      %add3A_925 = arith.addi %mul3A_923, %add3A_924 : i32
      %add3A_926 = arith.constant 320 : i32
      %add3A_927 = arith.addi %add3A_925, %add3A_926 : i32
      %get3A_928 = arith.index_cast %add3A_927 : i32 to index
      %get3A_929 = tpu.vector_load %arg9[%get3A_928] {strides = array<i32>} : memref<8192xf32, #tpu.memory_space<vmem>>, vector<16xf32>,
      %add3A_930 = arith.addf %get3A_929, %while3A_701#20 : vector<16xf32>
      %swap3A_931 = arith.index_cast %add3A_927 : i32 to index
      %swap3A_932 = tpu.vector_load %arg9[%swap3A_931] {strides = array<i32>} : memref<8192xf32, #tpu.memory_space<vmem>>, vector<16xf32>,
      tpu.vector_store %arg9[%swap3A_931], %add3A_930 {strides = array<i32>} : memref<8192xf32, #tpu.memory_space<vmem>>, vector<16xf32>,
      %mul3A_933 = arith.constant 1024 : i32
      %mul3A_934 = arith.muli %while3A_174, %mul3A_933 : i32
      %add3A_935 = arith.constant 512 : i32
      %add3A_936 = arith.addi %mul3A_934, %add3A_935 : i32
      %add3A_937 = arith.constant 336 : i32
      %add3A_938 = arith.addi %add3A_936, %add3A_937 : i32
      %get3A_939 = arith.index_cast %add3A_938 : i32 to index
      %get3A_940 = tpu.vector_load %arg9[%get3A_939] {strides = array<i32>} : memref<8192xf32, #tpu.memory_space<vmem>>, vector<16xf32>,
      %add3A_941 = arith.addf %get3A_940, %while3A_701#21 : vector<16xf32>
      %swap3A_942 = arith.index_cast %add3A_938 : i32 to index
      %swap3A_943 = tpu.vector_load %arg9[%swap3A_942] {strides = array<i32>} : memref<8192xf32, #tpu.memory_space<vmem>>, vector<16xf32>,
      tpu.vector_store %arg9[%swap3A_942], %add3A_941 {strides = array<i32>} : memref<8192xf32, #tpu.memory_space<vmem>>, vector<16xf32>,
      %mul3A_944 = arith.constant 1024 : i32
      %mul3A_945 = arith.muli %while3A_174, %mul3A_944 : i32
      %add3A_946 = arith.constant 512 : i32
      %add3A_947 = arith.addi %mul3A_945, %add3A_946 : i32
      %add3A_948 = arith.constant 352 : i32
      %add3A_949 = arith.addi %add3A_947, %add3A_948 : i32
      %get3A_950 = arith.index_cast %add3A_949 : i32 to index
      %get3A_951 = tpu.vector_load %arg9[%get3A_950] {strides = array<i32>} : memref<8192xf32, #tpu.memory_space<vmem>>, vector<16xf32>,
      %add3A_952 = arith.addf %get3A_951, %while3A_701#22 : vector<16xf32>
      %swap3A_953 = arith.index_cast %add3A_949 : i32 to index
      %swap3A_954 = tpu.vector_load %arg9[%swap3A_953] {strides = array<i32>} : memref<8192xf32, #tpu.memory_space<vmem>>, vector<16xf32>,
      tpu.vector_store %arg9[%swap3A_953], %add3A_952 {strides = array<i32>} : memref<8192xf32, #tpu.memory_space<vmem>>, vector<16xf32>,
      %mul3A_955 = arith.constant 1024 : i32
      %mul3A_956 = arith.muli %while3A_174, %mul3A_955 : i32
      %add3A_957 = arith.constant 512 : i32
      %add3A_958 = arith.addi %mul3A_956, %add3A_957 : i32
      %add3A_959 = arith.constant 368 : i32
      %add3A_960 = arith.addi %add3A_958, %add3A_959 : i32
      %get3A_961 = arith.index_cast %add3A_960 : i32 to index
      %get3A_962 = tpu.vector_load %arg9[%get3A_961] {strides = array<i32>} : memref<8192xf32, #tpu.memory_space<vmem>>, vector<16xf32>,
      %add3A_963 = arith.addf %get3A_962, %while3A_701#23 : vector<16xf32>
      %swap3A_964 = arith.index_cast %add3A_960 : i32 to index
      %swap3A_965 = tpu.vector_load %arg9[%swap3A_964] {strides = array<i32>} : memref<8192xf32, #tpu.memory_space<vmem>>, vector<16xf32>,
      tpu.vector_store %arg9[%swap3A_964], %add3A_963 {strides = array<i32>} : memref<8192xf32, #tpu.memory_space<vmem>>, vector<16xf32>,
      %mul3A_966 = arith.constant 1024 : i32
      %mul3A_967 = arith.muli %while3A_174, %mul3A_966 : i32
      %add3A_968 = arith.constant 512 : i32
      %add3A_969 = arith.addi %mul3A_967, %add3A_968 : i32
      %add3A_970 = arith.constant 384 : i32
      %add3A_971 = arith.addi %add3A_969, %add3A_970 : i32
      %get3A_972 = arith.index_cast %add3A_971 : i32 to index
      %get3A_973 = tpu.vector_load %arg9[%get3A_972] {strides = array<i32>} : memref<8192xf32, #tpu.memory_space<vmem>>, vector<16xf32>,
      %add3A_974 = arith.addf %get3A_973, %while3A_701#24 : vector<16xf32>
      %swap3A_975 = arith.index_cast %add3A_971 : i32 to index
      %swap3A_976 = tpu.vector_load %arg9[%swap3A_975] {strides = array<i32>} : memref<8192xf32, #tpu.memory_space<vmem>>, vector<16xf32>,
      tpu.vector_store %arg9[%swap3A_975], %add3A_974 {strides = array<i32>} : memref<8192xf32, #tpu.memory_space<vmem>>, vector<16xf32>,
      %mul3A_977 = arith.constant 1024 : i32
      %mul3A_978 = arith.muli %while3A_174, %mul3A_977 : i32
      %add3A_979 = arith.constant 512 : i32
      %add3A_980 = arith.addi %mul3A_978, %add3A_979 : i32
      %add3A_981 = arith.constant 400 : i32
      %add3A_982 = arith.addi %add3A_980, %add3A_981 : i32
      %get3A_983 = arith.index_cast %add3A_982 : i32 to index
      %get3A_984 = tpu.vector_load %arg9[%get3A_983] {strides = array<i32>} : memref<8192xf32, #tpu.memory_space<vmem>>, vector<16xf32>,
      %add3A_985 = arith.addf %get3A_984, %while3A_701#25 : vector<16xf32>
      %swap3A_986 = arith.index_cast %add3A_982 : i32 to index
      %swap3A_987 = tpu.vector_load %arg9[%swap3A_986] {strides = array<i32>} : memref<8192xf32, #tpu.memory_space<vmem>>, vector<16xf32>,
      tpu.vector_store %arg9[%swap3A_986], %add3A_985 {strides = array<i32>} : memref<8192xf32, #tpu.memory_space<vmem>>, vector<16xf32>,
      %mul3A_988 = arith.constant 1024 : i32
      %mul3A_989 = arith.muli %while3A_174, %mul3A_988 : i32
      %add3A_990 = arith.constant 512 : i32
      %add3A_991 = arith.addi %mul3A_989, %add3A_990 : i32
      %add3A_992 = arith.constant 416 : i32
      %add3A_993 = arith.addi %add3A_991, %add3A_992 : i32
      %get3A_994 = arith.index_cast %add3A_993 : i32 to index
      %get3A_995 = tpu.vector_load %arg9[%get3A_994] {strides = array<i32>} : memref<8192xf32, #tpu.memory_space<vmem>>, vector<16xf32>,
      %add3A_996 = arith.addf %get3A_995, %while3A_701#26 : vector<16xf32>
      %swap3A_997 = arith.index_cast %add3A_993 : i32 to index
      %swap3A_998 = tpu.vector_load %arg9[%swap3A_997] {strides = array<i32>} : memref<8192xf32, #tpu.memory_space<vmem>>, vector<16xf32>,
      tpu.vector_store %arg9[%swap3A_997], %add3A_996 {strides = array<i32>} : memref<8192xf32, #tpu.memory_space<vmem>>, vector<16xf32>,
      %mul3A_999 = arith.constant 1024 : i32
      %mul3A_1000 = arith.muli %while3A_174, %mul3A_999 : i32
      %add3A_1001 = arith.constant 512 : i32
      %add3A_1002 = arith.addi %mul3A_1000, %add3A_1001 : i32
      %add3A_1003 = arith.constant 432 : i32
      %add3A_1004 = arith.addi %add3A_1002, %add3A_1003 : i32
      %get3A_1005 = arith.index_cast %add3A_1004 : i32 to index
      %get3A_1006 = tpu.vector_load %arg9[%get3A_1005] {strides = array<i32>} : memref<8192xf32, #tpu.memory_space<vmem>>, vector<16xf32>,
      %add3A_1007 = arith.addf %get3A_1006, %while3A_701#27 : vector<16xf32>
      %swap3A_1008 = arith.index_cast %add3A_1004 : i32 to index
      %swap3A_1009 = tpu.vector_load %arg9[%swap3A_1008] {strides = array<i32>} : memref<8192xf32, #tpu.memory_space<vmem>>, vector<16xf32>,
      tpu.vector_store %arg9[%swap3A_1008], %add3A_1007 {strides = array<i32>} : memref<8192xf32, #tpu.memory_space<vmem>>, vector<16xf32>,
      %mul3A_1010 = arith.constant 1024 : i32
      %mul3A_1011 = arith.muli %while3A_174, %mul3A_1010 : i32
      %add3A_1012 = arith.constant 512 : i32
      %add3A_1013 = arith.addi %mul3A_1011, %add3A_1012 : i32
      %add3A_1014 = arith.constant 448 : i32
      %add3A_1015 = arith.addi %add3A_1013, %add3A_1014 : i32
      %get3A_1016 = arith.index_cast %add3A_1015 : i32 to index
      %get3A_1017 = tpu.vector_load %arg9[%get3A_1016] {strides = array<i32>} : memref<8192xf32, #tpu.memory_space<vmem>>, vector<16xf32>,
      %add3A_1018 = arith.addf %get3A_1017, %while3A_701#28 : vector<16xf32>
      %swap3A_1019 = arith.index_cast %add3A_1015 : i32 to index
      %swap3A_1020 = tpu.vector_load %arg9[%swap3A_1019] {strides = array<i32>} : memref<8192xf32, #tpu.memory_space<vmem>>, vector<16xf32>,
      tpu.vector_store %arg9[%swap3A_1019], %add3A_1018 {strides = array<i32>} : memref<8192xf32, #tpu.memory_space<vmem>>, vector<16xf32>,
      %mul3A_1021 = arith.constant 1024 : i32
      %mul3A_1022 = arith.muli %while3A_174, %mul3A_1021 : i32
      %add3A_1023 = arith.constant 512 : i32
      %add3A_1024 = arith.addi %mul3A_1022, %add3A_1023 : i32
      %add3A_1025 = arith.constant 464 : i32
      %add3A_1026 = arith.addi %add3A_1024, %add3A_1025 : i32
      %get3A_1027 = arith.index_cast %add3A_1026 : i32 to index
      %get3A_1028 = tpu.vector_load %arg9[%get3A_1027] {strides = array<i32>} : memref<8192xf32, #tpu.memory_space<vmem>>, vector<16xf32>,
      %add3A_1029 = arith.addf %get3A_1028, %while3A_701#29 : vector<16xf32>
      %swap3A_1030 = arith.index_cast %add3A_1026 : i32 to index
      %swap3A_1031 = tpu.vector_load %arg9[%swap3A_1030] {strides = array<i32>} : memref<8192xf32, #tpu.memory_space<vmem>>, vector<16xf32>,
      tpu.vector_store %arg9[%swap3A_1030], %add3A_1029 {strides = array<i32>} : memref<8192xf32, #tpu.memory_space<vmem>>, vector<16xf32>,
      %mul3A_1032 = arith.constant 1024 : i32
      %mul3A_1033 = arith.muli %while3A_174, %mul3A_1032 : i32
      %add3A_1034 = arith.constant 512 : i32
      %add3A_1035 = arith.addi %mul3A_1033, %add3A_1034 : i32
      %add3A_1036 = arith.constant 480 : i32
      %add3A_1037 = arith.addi %add3A_1035, %add3A_1036 : i32
      %get3A_1038 = arith.index_cast %add3A_1037 : i32 to index
      %get3A_1039 = tpu.vector_load %arg9[%get3A_1038] {strides = array<i32>} : memref<8192xf32, #tpu.memory_space<vmem>>, vector<16xf32>,
      %add3A_1040 = arith.addf %get3A_1039, %while3A_701#30 : vector<16xf32>
      %swap3A_1041 = arith.index_cast %add3A_1037 : i32 to index
      %swap3A_1042 = tpu.vector_load %arg9[%swap3A_1041] {strides = array<i32>} : memref<8192xf32, #tpu.memory_space<vmem>>, vector<16xf32>,
      tpu.vector_store %arg9[%swap3A_1041], %add3A_1040 {strides = array<i32>} : memref<8192xf32, #tpu.memory_space<vmem>>, vector<16xf32>,
      %mul3A_1043 = arith.constant 1024 : i32
      %mul3A_1044 = arith.muli %while3A_174, %mul3A_1043 : i32
      %add3A_1045 = arith.constant 512 : i32
      %add3A_1046 = arith.addi %mul3A_1044, %add3A_1045 : i32
      %add3A_1047 = arith.constant 496 : i32
      %add3A_1048 = arith.addi %add3A_1046, %add3A_1047 : i32
      %get3A_1049 = arith.index_cast %add3A_1048 : i32 to index
      %get3A_1050 = tpu.vector_load %arg9[%get3A_1049] {strides = array<i32>} : memref<8192xf32, #tpu.memory_space<vmem>>, vector<16xf32>,
      %add3A_1051 = arith.addf %get3A_1050, %while3A_701#31 : vector<16xf32>
      %swap3A_1052 = arith.index_cast %add3A_1048 : i32 to index
      %swap3A_1053 = tpu.vector_load %arg9[%swap3A_1052] {strides = array<i32>} : memref<8192xf32, #tpu.memory_space<vmem>>, vector<16xf32>,
      tpu.vector_store %arg9[%swap3A_1052], %add3A_1051 {strides = array<i32>} : memref<8192xf32, #tpu.memory_space<vmem>>, vector<16xf32>,
      %while3A_1054 = arith.constant 0 : i32
      scf.yield %while3A_1054 : i32
    }
    %scan3A_157 = arith.constant 0 : i32
    %scan3A_158 = arith.constant 0 : i32
    %scan3A_159 = arith.constant 8 : i32
    %scan3A_160 = arith.addi %scan3A_158, %scan3A_159 : i32
    %scan3A_161 = arith.constant 1 : i32
    %scan3A_162 = scf.for %scan3A_174 = %scan3A_158 to %scan3A_160 step %scan3A_161 iter_args(%scan3A_175 = %scan3A_157) -> (i32)  : i32 {
      %mul3A_176 = arith.constant 1024 : i32
      %mul3A_177 = arith.muli %scan3A_174, %mul3A_176 : i32
      %dma_start3A_178 = tpu.memref_slice %arg9[%mul3A_177] : memref<8192xf32, #tpu.memory_space<vmem>> -> memref<1024xf32, #tpu.memory_space<vmem>>
      %dma_start3A_179 = arith.constant 0 : i32
      %dma_start3A_180 = tpu.memref_slice %arg5[%add3A, %scan3A_174, %dma_start3A_179] : memref<16x8x1024xf32, #tpu.memory_space<hbm>> -> memref<1x1x1024xf32, #tpu.memory_space<hbm>>
      %dma_start3A_181 = tpu.memref_squeeze %dma_start3A_180 : memref<1x1x1024xf32, #tpu.memory_space<hbm>> -> memref<1024xf32, #tpu.memory_space<hbm>>
      %dma_start3A_182 = arith.constant 0 : i32
      %dma_start3A_183 = tpu.memref_slice %arg5[%add3A, %scan3A_174, %dma_start3A_182] : memref<16x8x1024xf32, #tpu.memory_space<hbm>> -> memref<1x1x1024xf32, #tpu.memory_space<hbm>>
      %dma_start3A_184 = tpu.memref_squeeze %dma_start3A_183 : memref<1x1x1024xf32, #tpu.memory_space<hbm>> -> memref<1024xf32, #tpu.memory_space<hbm>>
      %dma_start3A_185 = tpu.memref_slice %arg9[%mul3A_177] : memref<8192xf32, #tpu.memory_space<vmem>> -> memref<1024xf32, #tpu.memory_space<vmem>>
      tpu.enqueue_dma source(%dma_start3A_185 : memref<1024xf32, #tpu.memory_space<vmem>>) target(%dma_start3A_184 : memref<1024xf32, #tpu.memory_space<hbm>>) target_semaphore(%arg12 : memref<!tpu.dma_semaphore, #tpu.memory_space<semaphore_mem>>)
      %scan3A_186 = arith.constant 0 : i32
      scf.yield %scan3A_186 : i32
    }
    %scan3A_163 = arith.constant 8 : i32
    %scan3A_164 = arith.constant 0 : i32
    %scan3A_165 = arith.constant 0 : i32
    %scan3A_166 = arith.constant 8 : i32
    %scan3A_167 = arith.addi %scan3A_165, %scan3A_166 : i32
    %scan3A_168 = arith.constant 1 : i32
    %scan3A_169 = scf.for %scan3A_174 = %scan3A_165 to %scan3A_167 step %scan3A_168 iter_args(%scan3A_175 = %scan3A_164) -> (i32)  : i32 {
      %dma_wait3A_176 = arith.constant 0 : i32
      %dma_wait3A_177 = arith.constant 0 : i32
      %dma_wait3A_178 = arith.constant 0 : i32
      %dma_wait3A_179 = tpu.memref_slice %arg9[%dma_wait3A_178] : memref<8192xf32, #tpu.memory_space<vmem>> -> memref<1024xf32, #tpu.memory_space<vmem>>
      %dma_wait3A_180 = arith.constant 0 : i32
      %dma_wait3A_181 = tpu.memref_slice %arg5[%dma_wait3A_176, %dma_wait3A_177, %dma_wait3A_180] : memref<16x8x1024xf32, #tpu.memory_space<hbm>> -> memref<1x1x1024xf32, #tpu.memory_space<hbm>>
      %dma_wait3A_182 = tpu.memref_squeeze %dma_wait3A_181 : memref<1x1x1024xf32, #tpu.memory_space<hbm>> -> memref<1024xf32, #tpu.memory_space<hbm>>
      %dma_wait3A_183 = arith.constant 0 : i32
      %dma_wait3A_184 = tpu.memref_slice %arg5[%dma_wait3A_176, %dma_wait3A_177, %dma_wait3A_183] : memref<16x8x1024xf32, #tpu.memory_space<hbm>> -> memref<1x1x1024xf32, #tpu.memory_space<hbm>>
      %dma_wait3A_185 = tpu.memref_squeeze %dma_wait3A_184 : memref<1x1x1024xf32, #tpu.memory_space<hbm>> -> memref<1024xf32, #tpu.memory_space<hbm>>
      %dma_wait3A_186 = arith.constant 0 : i32
      %dma_wait3A_187 = tpu.memref_slice %arg9[%dma_wait3A_186] : memref<8192xf32, #tpu.memory_space<vmem>> -> memref<1024xf32, #tpu.memory_space<vmem>>
      tpu.wait_dma2 semaphore(%arg12 : memref<!tpu.dma_semaphore, #tpu.memory_space<semaphore_mem>>) src(%dma_wait3A_187 : memref<1024xf32, #tpu.memory_space<vmem>>) dst(%dma_wait3A_185 : memref<1024xf32, #tpu.memory_space<hbm>>)
      %scan3A_188 = arith.constant 0 : i32
      scf.yield %scan3A_188 : i32
    }
    %scan3A_170 = arith.constant 8 : i32
    %convert_element_type3A_171 = arith.extui %and3A : i1 to i32
    %cond3A_172 = arith.constant 0 : i32
    %cond3A_173 = arith.cmpi ne, %convert_element_type3A_171, %cond3A_172 : i32
    scf.if %cond3A_173 {
      %dma_wait3A_174 = arith.constant 0 : i32
      %dma_wait3A_175 = tpu.memref_slice %arg10[%dma_wait3A_174] : memref<16xi32, #tpu.memory_space<vmem>> -> memref<8xi32, #tpu.memory_space<vmem>>
      %dma_wait3A_176 = arith.constant 0 : i32
      %dma_wait3A_177 = arith.constant 0 : i32
      %dma_wait3A_178 = tpu.memref_slice %arg3[%dma_wait3A_176, %dma_wait3A_177] : memref<8192x1024xf32, #tpu.memory_space<hbm>> -> memref<8192x1024xf32, #tpu.memory_space<hbm>>
      tpu.wait_indirect_dma semaphore(%arg14 : memref<!tpu.dma_semaphore, #tpu.memory_space<semaphore_mem>>) src(%dma_wait3A_178 : memref<8192x1024xf32, #tpu.memory_space<hbm>>) dst(%arg11 : memref<8x1024xf32, #tpu.memory_space<vmem>>)
      "tpu.region"() ({
        %run_scoped3A = tpu.sem_alloc : memref<!tpu.dma_semaphore, #tpu.memory_space<semaphore_mem>>
        tpu.enqueue_dma source(%arg11 : memref<8x1024xf32, #tpu.memory_space<vmem>>) target(%arg6 : memref<8x1024xf32, #tpu.memory_space<hbm>>) target_semaphore(%run_scoped3A : memref<!tpu.dma_semaphore, #tpu.memory_space<semaphore_mem>>)
        tpu.wait_dma2 semaphore(%run_scoped3A : memref<!tpu.dma_semaphore, #tpu.memory_space<semaphore_mem>>) src(%arg11 : memref<8x1024xf32, #tpu.memory_space<vmem>>) dst(%arg6 : memref<8x1024xf32, #tpu.memory_space<hbm>>)
        tpu.yield
      }) : () -> ()
    } else {
    }
    return
  }
}

module attributes {stable_mosaic.version = 14 : i64} {
  func.func @_tc_combine_body(%arg0: memref<9xi32, #tpu.memory_space<smem>>, %arg1: memref<16x8x1024xf32, #tpu.memory_space<vmem>>, %arg2: memref<8x1024xf32, #tpu.memory_space<vmem>>, %arg3: memref<8x1024xf32, #tpu.memory_space<vmem>>) attributes {dimension_semantics = [], scalar_prefetch = 0 : i64, scratch_operands = 0 : i64, tpu.core_type = #tpu.core_type<tc>} {
    %get3A = arith.constant 1 : index
    %get3A_0 = memref.load %arg0[%get3A] : memref<9xi32, #tpu.memory_space<smem>>
    %get3A_1 = arith.constant 0 : index
    %get3A_2 = memref.load %arg0[%get3A_1] : memref<9xi32, #tpu.memory_space<smem>>
    %sub3A = arith.subi %get3A_0, %get3A_2 : i32
    %get3A_3 = arith.constant 2 : index
    %get3A_4 = memref.load %arg0[%get3A_3] : memref<9xi32, #tpu.memory_space<smem>>
    %get3A_5 = arith.constant 1 : index
    %get3A_6 = memref.load %arg0[%get3A_5] : memref<9xi32, #tpu.memory_space<smem>>
    %sub3A_7 = arith.subi %get3A_4, %get3A_6 : i32
    %get3A_8 = arith.constant 3 : index
    %get3A_9 = memref.load %arg0[%get3A_8] : memref<9xi32, #tpu.memory_space<smem>>
    %get3A_10 = arith.constant 2 : index
    %get3A_11 = memref.load %arg0[%get3A_10] : memref<9xi32, #tpu.memory_space<smem>>
    %sub3A_12 = arith.subi %get3A_9, %get3A_11 : i32
    %get3A_13 = arith.constant 4 : index
    %get3A_14 = memref.load %arg0[%get3A_13] : memref<9xi32, #tpu.memory_space<smem>>
    %get3A_15 = arith.constant 3 : index
    %get3A_16 = memref.load %arg0[%get3A_15] : memref<9xi32, #tpu.memory_space<smem>>
    %sub3A_17 = arith.subi %get3A_14, %get3A_16 : i32
    %get3A_18 = arith.constant 5 : index
    %get3A_19 = memref.load %arg0[%get3A_18] : memref<9xi32, #tpu.memory_space<smem>>
    %get3A_20 = arith.constant 4 : index
    %get3A_21 = memref.load %arg0[%get3A_20] : memref<9xi32, #tpu.memory_space<smem>>
    %sub3A_22 = arith.subi %get3A_19, %get3A_21 : i32
    %get3A_23 = arith.constant 6 : index
    %get3A_24 = memref.load %arg0[%get3A_23] : memref<9xi32, #tpu.memory_space<smem>>
    %get3A_25 = arith.constant 5 : index
    %get3A_26 = memref.load %arg0[%get3A_25] : memref<9xi32, #tpu.memory_space<smem>>
    %sub3A_27 = arith.subi %get3A_24, %get3A_26 : i32
    %get3A_28 = arith.constant 7 : index
    %get3A_29 = memref.load %arg0[%get3A_28] : memref<9xi32, #tpu.memory_space<smem>>
    %get3A_30 = arith.constant 6 : index
    %get3A_31 = memref.load %arg0[%get3A_30] : memref<9xi32, #tpu.memory_space<smem>>
    %sub3A_32 = arith.subi %get3A_29, %get3A_31 : i32
    %get3A_33 = arith.constant 8 : index
    %get3A_34 = memref.load %arg0[%get3A_33] : memref<9xi32, #tpu.memory_space<smem>>
    %get3A_35 = arith.constant 7 : index
    %get3A_36 = memref.load %arg0[%get3A_35] : memref<9xi32, #tpu.memory_space<smem>>
    %sub3A_37 = arith.subi %get3A_34, %get3A_36 : i32
    %stack3A = vector.broadcast %sub3A : i32 to vector<1xi32>
    %stack3A_38 = vector.broadcast %sub3A_7 : i32 to vector<1xi32>
    %stack3A_39 = vector.broadcast %sub3A_12 : i32 to vector<1xi32>
    %stack3A_40 = vector.broadcast %sub3A_17 : i32 to vector<1xi32>
    %stack3A_41 = vector.broadcast %sub3A_22 : i32 to vector<1xi32>
    %stack3A_42 = vector.broadcast %sub3A_27 : i32 to vector<1xi32>
    %stack3A_43 = vector.broadcast %sub3A_32 : i32 to vector<1xi32>
    %stack3A_44 = vector.broadcast %sub3A_37 : i32 to vector<1xi32>
    %stack3A_45 = tpu.concatenate %stack3A, %stack3A_38, %stack3A_39, %stack3A_40, %stack3A_41, %stack3A_42, %stack3A_43, %stack3A_44 in 0 : vector<1xi32>, vector<1xi32>, vector<1xi32>, vector<1xi32>, vector<1xi32>, vector<1xi32>, vector<1xi32>, vector<1xi32> -> vector<8xi32>
    %broadcast_in_dim3A = vector.shape_cast %stack3A_45 : vector<8xi32> to vector<8x1xi32>
    %convert_element_type3A = arith.sitofp %broadcast_in_dim3A : vector<8x1xi32> to vector<8x1xf32>
    %get3A_46 = arith.constant 0 : index
    %get3A_47 = arith.constant 0 : index
    %get3A_48 = arith.constant 0 : index
    %get3A_49 = vector.load %arg1[%get3A_46, %get3A_47, %get3A_48] : memref<16x8x1024xf32, #tpu.memory_space<vmem>>, vector<16x8x1024xf32>
    %reduce_sum3A = arith.constant dense<0.000000e+00> : vector<8x1024xf32>
    %reduce_sum3A_50 = vector.multi_reduction <add>, %get3A_49, %reduce_sum3A [0] : vector<16x8x1024xf32> to vector<8x1024xf32>
    %get3A_51 = arith.constant 0 : index
    %get3A_52 = arith.constant 0 : index
    %get3A_53 = vector.load %arg2[%get3A_51, %get3A_52] : memref<8x1024xf32, #tpu.memory_space<vmem>>, vector<8x1024xf32>
    %add3A = arith.addf %reduce_sum3A_50, %get3A_53 : vector<8x1024xf32>
    %div3A = vector.broadcast %convert_element_type3A : vector<8x1xf32> to vector<8x1024xf32>
    %div3A_54 = arith.divf %add3A, %div3A : vector<8x1024xf32>
    %swap3A = arith.constant 0 : index
    %swap3A_55 = arith.constant 0 : index
    %swap3A_56 = vector.load %arg3[%swap3A, %swap3A_55] : memref<8x1024xf32, #tpu.memory_space<vmem>>, vector<8x1024xf32>
    tpu.vector_store %arg3[%swap3A, %swap3A_55], %div3A_54 {strides = array<i32>} : memref<8x1024xf32, #tpu.memory_space<vmem>>, vector<8x1024xf32>,
    return
  }
}

module attributes {stable_mosaic.version = 14 : i64} {
  func.func @_tc_sum_body(%arg0: i32, %arg1: memref<9xi32, #tpu.memory_space<smem>>, %arg2: memref<1024x1024xf32, #tpu.memory_space<vmem>>, %arg3: memref<8x1024xf32, #tpu.memory_space<vmem>>) attributes {dimension_semantics = [#tpu.dimension_semantics<arbitrary>], iteration_bounds = array<i64: 7>, scalar_prefetch = 0 : i64, scratch_operands = 0 : i64, tpu.core_type = #tpu.core_type<tc>, window_params = [{transform_indices = @transform_0, window_bounds = array<i64: 9>}, {transform_indices = @transform_1, window_bounds = array<i64: 1024, 1024>}, {pipeline_mode = #tpu.pipeline_mode<synchronous>, transform_indices = @transform_2, window_bounds = array<i64: 8, 1024>}]} {
    %eq3A = arith.constant 0 : i32
    %eq3A_0 = arith.cmpi eq, %arg0, %eq3A : i32
    %convert_element_type3A = arith.extui %eq3A_0 : i1 to i32
    %cond3A = arith.constant 0 : i32
    %cond3A_1 = arith.cmpi ne, %convert_element_type3A, %cond3A : i32
    scf.if %cond3A_1 {
      %broadcast_in_dim3A_67 = arith.constant 0.000000e+00 : f32
      %broadcast_in_dim3A_68 = vector.broadcast %broadcast_in_dim3A_67 : f32 to vector<8x1024xf32>
      %swap3A_69 = arith.constant 0 : index
      %swap3A_70 = arith.constant 0 : index
      %swap3A_71 = vector.load %arg3[%swap3A_69, %swap3A_70] : memref<8x1024xf32, #tpu.memory_space<vmem>>, vector<8x1024xf32>
      tpu.vector_store %arg3[%swap3A_69, %swap3A_70], %broadcast_in_dim3A_68 {strides = array<i32>} : memref<8x1024xf32, #tpu.memory_space<vmem>>, vector<8x1024xf32>,
    } else {
    }
    %iota3A = tpu.iota {dimensions = array<i32: 1>} : vector<8x1024xi32>
    %mul3A = arith.constant 1024 : i32
    %mul3A_2 = arith.muli %arg0, %mul3A : i32
    %add3A = vector.broadcast %mul3A_2 : i32 to vector<8x1024xi32>
    %add3A_3 = arith.addi %iota3A, %add3A : vector<8x1024xi32>
    %get3A = arith.constant 0 : index
    %get3A_4 = memref.load %arg1[%get3A] : memref<9xi32, #tpu.memory_space<smem>>
    %get3A_5 = arith.constant 1 : index
    %get3A_6 = memref.load %arg1[%get3A_5] : memref<9xi32, #tpu.memory_space<smem>>
    %get3A_7 = arith.constant 2 : index
    %get3A_8 = memref.load %arg1[%get3A_7] : memref<9xi32, #tpu.memory_space<smem>>
    %get3A_9 = arith.constant 3 : index
    %get3A_10 = memref.load %arg1[%get3A_9] : memref<9xi32, #tpu.memory_space<smem>>
    %get3A_11 = arith.constant 4 : index
    %get3A_12 = memref.load %arg1[%get3A_11] : memref<9xi32, #tpu.memory_space<smem>>
    %get3A_13 = arith.constant 5 : index
    %get3A_14 = memref.load %arg1[%get3A_13] : memref<9xi32, #tpu.memory_space<smem>>
    %get3A_15 = arith.constant 6 : index
    %get3A_16 = memref.load %arg1[%get3A_15] : memref<9xi32, #tpu.memory_space<smem>>
    %get3A_17 = arith.constant 7 : index
    %get3A_18 = memref.load %arg1[%get3A_17] : memref<9xi32, #tpu.memory_space<smem>>
    %stack3A = vector.broadcast %get3A_4 : i32 to vector<1xi32>
    %stack3A_19 = vector.broadcast %get3A_6 : i32 to vector<1xi32>
    %stack3A_20 = vector.broadcast %get3A_8 : i32 to vector<1xi32>
    %stack3A_21 = vector.broadcast %get3A_10 : i32 to vector<1xi32>
    %stack3A_22 = vector.broadcast %get3A_12 : i32 to vector<1xi32>
    %stack3A_23 = vector.broadcast %get3A_14 : i32 to vector<1xi32>
    %stack3A_24 = vector.broadcast %get3A_16 : i32 to vector<1xi32>
    %stack3A_25 = vector.broadcast %get3A_18 : i32 to vector<1xi32>
    %stack3A_26 = tpu.concatenate %stack3A, %stack3A_19, %stack3A_20, %stack3A_21, %stack3A_22, %stack3A_23, %stack3A_24, %stack3A_25 in 0 : vector<1xi32>, vector<1xi32>, vector<1xi32>, vector<1xi32>, vector<1xi32>, vector<1xi32>, vector<1xi32>, vector<1xi32> -> vector<8xi32>
    %broadcast_in_dim3A = vector.shape_cast %stack3A_26 : vector<8xi32> to vector<8x1xi32>
    %get3A_27 = arith.constant 1 : index
    %get3A_28 = memref.load %arg1[%get3A_27] : memref<9xi32, #tpu.memory_space<smem>>
    %get3A_29 = arith.constant 2 : index
    %get3A_30 = memref.load %arg1[%get3A_29] : memref<9xi32, #tpu.memory_space<smem>>
    %get3A_31 = arith.constant 3 : index
    %get3A_32 = memref.load %arg1[%get3A_31] : memref<9xi32, #tpu.memory_space<smem>>
    %get3A_33 = arith.constant 4 : index
    %get3A_34 = memref.load %arg1[%get3A_33] : memref<9xi32, #tpu.memory_space<smem>>
    %get3A_35 = arith.constant 5 : index
    %get3A_36 = memref.load %arg1[%get3A_35] : memref<9xi32, #tpu.memory_space<smem>>
    %get3A_37 = arith.constant 6 : index
    %get3A_38 = memref.load %arg1[%get3A_37] : memref<9xi32, #tpu.memory_space<smem>>
    %get3A_39 = arith.constant 7 : index
    %get3A_40 = memref.load %arg1[%get3A_39] : memref<9xi32, #tpu.memory_space<smem>>
    %get3A_41 = arith.constant 8 : index
    %get3A_42 = memref.load %arg1[%get3A_41] : memref<9xi32, #tpu.memory_space<smem>>
    %stack3A_43 = vector.broadcast %get3A_28 : i32 to vector<1xi32>
    %stack3A_44 = vector.broadcast %get3A_30 : i32 to vector<1xi32>
    %stack3A_45 = vector.broadcast %get3A_32 : i32 to vector<1xi32>
    %stack3A_46 = vector.broadcast %get3A_34 : i32 to vector<1xi32>
    %stack3A_47 = vector.broadcast %get3A_36 : i32 to vector<1xi32>
    %stack3A_48 = vector.broadcast %get3A_38 : i32 to vector<1xi32>
    %stack3A_49 = vector.broadcast %get3A_40 : i32 to vector<1xi32>
    %stack3A_50 = vector.broadcast %get3A_42 : i32 to vector<1xi32>
    %stack3A_51 = tpu.concatenate %stack3A_43, %stack3A_44, %stack3A_45, %stack3A_46, %stack3A_47, %stack3A_48, %stack3A_49, %stack3A_50 in 0 : vector<1xi32>, vector<1xi32>, vector<1xi32>, vector<1xi32>, vector<1xi32>, vector<1xi32>, vector<1xi32>, vector<1xi32> -> vector<8xi32>
    %broadcast_in_dim3A_52 = vector.shape_cast %stack3A_51 : vector<8xi32> to vector<8x1xi32>
    %le3A = vector.broadcast %broadcast_in_dim3A : vector<8x1xi32> to vector<8x1024xi32>
    %le3A_53 = arith.cmpi sle, %le3A, %add3A_3 : vector<8x1024xi32>
    %lt3A = vector.broadcast %broadcast_in_dim3A_52 : vector<8x1xi32> to vector<8x1024xi32>
    %lt3A_54 = arith.cmpi slt, %add3A_3, %lt3A : vector<8x1024xi32>
    %and3A = arith.andi %le3A_53, %lt3A_54 : vector<8x1024xi1>
    %convert_element_type3A_55 = arith.extui %and3A : vector<8x1024xi1> to vector<8x1024xi32>
    %convert_element_type3A_56 = arith.sitofp %convert_element_type3A_55 : vector<8x1024xi32> to vector<8x1024xf32>
    %get3A_57 = arith.constant 0 : index
    %get3A_58 = arith.constant 0 : index
    %get3A_59 = vector.load %arg3[%get3A_57, %get3A_58] : memref<8x1024xf32, #tpu.memory_space<vmem>>, vector<8x1024xf32>
    %get3A_60 = arith.constant 0 : index
    %get3A_61 = arith.constant 0 : index
    %get3A_62 = vector.load %arg2[%get3A_60, %get3A_61] : memref<1024x1024xf32, #tpu.memory_space<vmem>>, vector<1024x1024xf32>
    %dot_general3A = arith.constant dense<0.000000e+00> : vector<8x1024xf32>
    %dot_general3A_63 = tpu.matmul %convert_element_type3A_56, %get3A_62, %dot_general3A {dimension_numbers = #tpu.dot_dimension_numbers<[1], [0], [0], [1], [0, 0, 1, 1], [], []>, transpose_lhs_hint = false} : vector<8x1024xf32>, vector<1024x1024xf32>, vector<8x1024xf32> -> vector<8x1024xf32>
    %add3A_64 = arith.addf %get3A_59, %dot_general3A_63 : vector<8x1024xf32>
    %swap3A = arith.constant 0 : index
    %swap3A_65 = arith.constant 0 : index
    %swap3A_66 = vector.load %arg3[%swap3A, %swap3A_65] : memref<8x1024xf32, #tpu.memory_space<vmem>>, vector<8x1024xf32>
    tpu.vector_store %arg3[%swap3A, %swap3A_65], %add3A_64 {strides = array<i32>} : memref<8x1024xf32, #tpu.memory_space<vmem>>, vector<8x1024xf32>,
    return
  }
  func.func @transform_0(%arg0: i32) -> i32 {
    %c0_i32 = arith.constant 0 : i32
    %c0_i32_0 = arith.constant 0 : i32
    return %c0_i32 : i32
  }
  func.func @transform_1(%arg0: i32) -> (i32, i32) {
    %c0_i32 = arith.constant 0 : i32
    %c0_i32_0 = arith.constant 0 : i32
    return %arg0, %c0_i32 : i32, i32
  }
  func.func @transform_2(%arg0: i32) -> (i32, i32) {
    %c0_i32 = arith.constant 0 : i32
    %c0_i32_0 = arith.constant 0 : i32
    %c0_i32_1 = arith.constant 0 : i32
    return %c0_i32, %c0_i32_0 : i32, i32
  }
}

</mosaic_0001>

<sc_bundles>
// kernel: _run.5.cloned.1.call-start
scs
__scs_entry_jumppad:
0x0: {  	(pc) =	sbr.rel $0x88, $3  }
0x1: {  	(tag) =	ssettag $0x0;
	lr =	simm.s32 $0x1  }
0x2: {  	[smem:$0x3F9E] =	sst lr;
	_ =	strace $0xD0000000  }
0x3: {  	_ = 	snop  }
0x4: {  	_ = 	snop  }
0x5: {  	_ = 	snop  }
0x6: {  	_ = 	snop  }
0x7: {  	_ = 	snop  }
__scs_overlays_trampoline_lowered:
0x8: {  	[smem:$0x3FAD] =	sst s0  }
0x9: {  	[smem:$0x3FAE] =	sst s1  }
0xa: {  	[smem:$0x3FAF] =	sst s2  }
0xb: {  	[smem:$0x3FB0] =	sst s3  }
0xc: {  	[smem:$0x3FB1] =	sst s4  }
0xd: {  	[smem:$0x3FB2] =	sst s5  }
0xe: {  	[smem:$0x3FB3] =	sst s6  }
0xf: {  	[smem:$0x3FB4] =	sst s7  }
0x10: {  	[smem:$0x3FB5] =	sst s8  }
0x11: {  	[smem:$0x3FB6] =	sst s9;
	s0 =	simm.s32 @!p0 $0x0  }
0x12: {  	s1 =	sld [smem:$0x3F9C];
	s0 =	simm.s32 @p0 $0x1  }
0x13: {  	[smem:$0x3FB7] =	sst s0;
	s0 =	simm.s32 @!p1 $0x0  }
0x14: {  	s2 =	sld [smem:$0x3F9B];
	s0 =	simm.s32 @p1 $0x1  }
0x15: {  	[smem:$0x3FB8] =	sst s0;
	s0 =	simm.s32 @!p2 $0x0  }
0x16: {  	s3 =	sld [smem:$0x3FDB];
	s0 =	simm.s32 @p2 $0x1  }
0x17: {  	s4 =	simm.s32 $0x1BF5;
	[smem:$0x3FBA] =	sst s0  }
0x18: {  	s0 =	sld [smem:$0x3F9D];
	_ =	swait.ge [sflag:s4], $0x0  }
0x19: {  	s7 =	sld [smem:$0x3F9E]  }
0x1a: {  	s8 =	sadd.s32 $0xFFFFE003, lr  }
0x1b: {  	s9 =	sadd.s32 $0xFFFFFEF7, lr;
	s5 =	simm.s32 $0xFFFFFFFF;
	p2 =	slt.u32 s8, $0xFFFFF086  }
0x1c: {  	p1 =	slt.u32 s9, $0xF7A;
	s5 =	simm.s32 @!p2 $0x0  }
0x1d: {  	s5 =	simm.s32 @p1 $0x1;
	p0 =	seq.s32 s7, s2  }
0x1e: {  	s7 =	smul.u32 @!p0 $0xF7A, s2;
	p2 =	seq.s32 @!p0 s5, $0x0  }
0x1f: {  	s9 =	smul.u32 $0xF7A, s1;
	s8 =	simm.s32 @!p0 $0x1BF5;
	p2 =	por !p2, p0  }
0x20: {  	[sflag:s8] =	ssyncset.s32 @!p0 $0xFFFFF086;
	s6 =	sadd.s32 @!p0 s3, s7;
	s7 =	simm.s32 @!p0 $0x108  }
0x21: {  	s3 =	sadd.s32 s3, s9;
	s6 =	sadd.s32 @!p0 $0x88, s6;
	s7 =	simm.s32 @p2 $0x1082  }
0x22: {  	[simem:s7], [sflag:s8] =	dma.local @!p0 [hbm:s6], $0xF7A  }
0x23: {  	s9 =	sor.u32 $0xD0000000, s2;
	s6 =	simm.s32 $0x108;
	_ =	swait.ge @!p0 [sflag:s8], $0x0  }
0x24: {  	s3 =	sadd.s32 $0x88, s3;
	s6 =	simm.s32 @!p1 $0x1082;
	[sflag:s4] =	ssyncset.s32 $0xFFFFF086  }
0x25: {  	[simem:s6], [sflag:s4] =	dma.local [hbm:s3], $0xF7A  }
0x26: {  	[smem:$0x3F9E] =	sst s1;
	(tag) =	ssettag s2;
	_ =	strace s9  }
0x27: {  	s1 =	sld [smem:$0x3FAE]  }
0x28: {  	s2 =	sld [smem:$0x3FAF]  }
0x29: {  	s4 =	sld [smem:$0x3FB1]  }
0x2a: {  	p0 =	seq.s32 s5, $0x0;
	s5 =	sld [smem:$0x3FB2]  }
0x2b: {  	s6 =	sld [smem:$0x3FB3]  }
0x2c: {  	s7 =	sld [smem:$0x3FB4]  }
0x2d: {  	s3 =	simm.s32 $0x108;
	s8 =	sld [smem:$0x3FB5]  }
0x2e: {  	s3 =	simm.s32 @!p0 $0x1082;
	s9 =	sld [smem:$0x3FB6]  }
0x2f: {  	lr =	sadd.s32 s0, s3;
	s0 =	sld [smem:$0x3FAD]  }
0x30: {  	s3 =	sld [smem:$0x3FB0]  }
0x31: {  	[smem:$0x3FB9] =	sst s10  }
0x32: {  	s10 =	sld [smem:$0x3FB7];
	_ =	sdelay $0x3  }
0x33: {  	p0 =	seq.s32 s10, $0x1;
	s10 =	sld [smem:$0x3FB9];
	_ =	sdelay $0x3  }
0x34: {  	[smem:$0x3FB9] =	sst s10  }
0x35: {  	s10 =	sld [smem:$0x3FB8];
	_ =	sdelay $0x3  }
0x36: {  	p1 =	seq.s32 s10, $0x1;
	s10 =	sld [smem:$0x3FB9];
	_ =	sdelay $0x3  }
0x37: {  	[smem:$0x3FB9] =	sst s10  }
0x38: {  	s10 =	sld [smem:$0x3FBA]  }
0x39: {  	_ = 	snop;
	(pc) =	sbr.ind lr, $3  }
0x3a: {  	_ = 	snop  }
0x3b: {  	_ = 	snop  }
0x3c: {  	p2 =	seq.s32 s10, $0x1;
	s10 =	sld [smem:$0x3FB9]  }
0x3d: {  	_ =	shalt  }
0x3e: {  	_ =	shalt  }
0x3f: {  	_ =	shalt  }
0x40: {  	_ =	shalt  }
0x41: {  	_ =	shalt  }
0x42: {  	_ =	shalt  }
0x43: {  	_ =	shalt  }
0x44: {  	_ =	shalt  }
0x45: {  	_ =	shalt  }
0x46: {  	_ =	shalt  }
0x47: {  	_ =	shalt  }
0x48: {  	_ =	shalt  }
0x49: {  	_ =	shalt  }
0x4a: {  	_ =	shalt  }
0x4b: {  	_ =	shalt  }
0x4c: {  	_ =	shalt  }
0x4d: {  	_ =	shalt  }
0x4e: {  	_ =	shalt  }
0x4f: {  	_ =	shalt  }
0x50: {  	_ =	shalt  }
0x51: {  	_ =	shalt  }
0x52: {  	_ =	shalt  }
0x53: {  	_ =	shalt  }
0x54: {  	_ =	shalt  }
0x55: {  	_ =	shalt  }
0x56: {  	_ =	shalt  }
0x57: {  	_ =	shalt  }
0x58: {  	_ =	shalt  }
0x59: {  	_ =	shalt  }
0x5a: {  	_ =	shalt  }
0x5b: {  	_ =	shalt  }
0x5c: {  	_ =	shalt  }
0x5d: {  	_ =	shalt  }
0x5e: {  	_ =	shalt  }
0x5f: {  	_ =	shalt  }
0x60: {  	_ =	shalt  }
0x61: {  	_ =	shalt  }
0x62: {  	_ =	shalt  }
0x63: {  	_ =	shalt  }
0x64: {  	_ =	shalt  }
0x65: {  	_ =	shalt  }
0x66: {  	_ =	shalt  }
0x67: {  	_ =	shalt  }
0x68: {  	_ =	shalt  }
0x69: {  	_ =	shalt  }
0x6a: {  	_ =	shalt  }
0x6b: {  	_ =	shalt  }
0x6c: {  	_ =	shalt  }
0x6d: {  	_ =	shalt  }
0x6e: {  	_ =	shalt  }
0x6f: {  	_ =	shalt  }
0x70: {  	_ =	shalt  }
0x71: {  	_ =	shalt  }
0x72: {  	_ =	shalt  }
0x73: {  	_ =	shalt  }
0x74: {  	_ =	shalt  }
0x75: {  	_ =	shalt  }
0x76: {  	_ =	shalt  }
0x77: {  	_ =	shalt  }
0x78: {  	_ =	shalt  }
0x79: {  	_ =	shalt  }
0x7a: {  	_ =	shalt  }
0x7b: {  	_ =	shalt  }
0x7c: {  	_ =	shalt  }
0x7d: {  	_ =	shalt  }
0x7e: {  	_ =	shalt  }
0x7f: {  	_ =	shalt  }
0x80: {  	_ =	shalt  }
0x81: {  	_ =	shalt  }
0x82: {  	_ =	shalt  }
0x83: {  	_ =	shalt  }
0x84: {  	_ =	shalt  }
0x85: {  	_ =	shalt  }
0x86: {  	_ =	shalt  }
0x87: {  	_ =	shalt  }
.Lfunc_end0:
.L_simem_size_0:
called_computation_lowered:
.L_overlay_start_0:
0x88: {  	s0 =	sld [smem:$0x3FD9]  }
0x89: {  	s1 =	sld [smem:$0x3FFE];
	_ =	sdelay $0x3  }
0x8a: {  	s0 =	sadd.s32 s1, s0  }
0x8b: {  	[smem:$0x3FC5] =	sst s0  }
0x8c: {  	_ = 	snop  }
0x8d: {  	s0 =	sld [smem:$0x3FD0]  }
0x8e: {  	s13 =	sld [smem:$0x3FC9]  }
0x8f: {  	s2 =	sld [smem:$0x3FC8]  }
0x90: {  	s4 =	simm.s32 $0xA;
	s5 =	simm.s32 $0x10;
	s3 =	sld [smem:$0x3FC7]  }
0x91: {  	[smem:s5], [sflag:s4] =	dma.local [hbm:s0], $0x1  }
0x92: {  	_ =	swait.eq [sflag:s4], $0x1  }
0x93: {  	[sflag:s4] =	ssyncset.done $0x0  }
0x94: {  	[sflag:s4] =	ssyncadd.s32 $0xFFFFFFFF  }
0x95: {  	s14 =	sld [smem:$0x11];
	(tm) =	ssettm $0x1  }
0x96: {  	s15 =	sld [smem:$0x3FFB];
	_ =	sdelay $0x3  }
0x97: {  	_ =	strace s15  }
0x98: {  	s4 =	sld [smem:$0x3FFC];
	_ =	sdelay $0x3  }
0x99: {  	_ =	strace s4  }
0x9a: {  	s4 =	sld [smem:$0x3FFD];
	_ =	sdelay $0x3  }
0x9b: {  	_ =	strace s4  }
0x9c: {  	_ =	strace $0x8FFFFFFF  }
0x9d: {  	s16 =	sld [smem:$0x3FDB];
	_ =	sdelay $0x1  }
0x9e: {  	s17 =	simm.s32 $_scs_section_size  }
0x9f: {  	s6 =	simm.s32 $_size__tile_overlayer_lowered;
	s7 =	simm.s32 $_tile_overlayer_lowered  }
0xa0: {  	s20 =	simm.s32 $0x1BFF;
	s19 =	sshll.u32 s7, $0x1;
	s4 =	sadd.s32 s17, s16  }
0xa1: {  	s8 =	simm.s32 $0x0;
	s18 =	sshll.u32 s6, $0x1;
	s6 =	sadd.s32 s19, s4  }
0xa2: {  	[timem:s8], [sflag:s20] =	dma.local [hbm:s6], s18  }
0xa3: {  	_ =	swait.ge [sflag:s20], s18  }
0xa4: {  	s5 =	ssub.s32 $0x0, s18;
	[sflag:s20] =	ssyncset.done $0x0  }
0xa5: {  	[sflag:s20] =	ssyncadd.s32 s5;
	_ =	sdelay $0x1  }
0xa6: {  	s21 =	simm.s32 $0x1B8B  }
0xa7: {  	_ =	swait.ge [sflag:s21], $0x1  }
0xa8: {  	[sflag:s21] =	ssyncset.done $0x0  }
0xa9: {  	s23 =	simm.s32 $0x1B8E;
	s22 =	sld [smem:$0x3FFE];
	[sflag:s21] =	ssyncadd.s32 $0xFFFFFFFF  }
0xaa: {  	s24 =	simm.s32 $execute0_lowered;
	[smem:$0x3FD2] =	sst s23  }
0xab: {  	s6 =	sshll.u32 s24, $0x1;
	_ =	strace $0x80000046;
	[dreg:$0x1] =	wrdreg $0xFFFFFFFF  }
0xac: {  	s25 =	simm.s32 $_size_execute0_lowered;
	s4 =	sadd.s32 s4, s6;
	[dreg:$0x0] =	wrdreg $0x0  }
0xad: {  	s6 =	sshll.u32 s25, $0x1;
	[dreg:$0x2] =	wrdreg s4  }
0xae: {  	[dreg:$0x3] =	wrdreg s6  }
0xaf: {  	[dreg:$0x4] =	wrdreg $0xC0  }
0xb0: {  	_ =	task [dreg:s8], $0x5FFFF  }
0xb1: {  	[dreg:$0x1] =	wrdreg $0xFFFFFFFF  }
0xb2: {  	[dreg:$0x0] =	wrdreg $0x60  }
0xb3: {  	[dreg:$0x2] =	wrdreg s13  }
0xb4: {  	[dreg:$0x3] =	wrdreg s2  }
0xb5: {  	[dreg:$0x4] =	wrdreg s3  }
0xb6: {  	[dreg:$0x5] =	wrdreg s22  }
0xb7: {  	[dreg:$0x6] =	wrdreg s14  }
0xb8: {  	[dreg:$0x7] =	wrdreg $0x9  }
0xb9: {  	_ =	task.clear_ibuf [dreg:s8], $0x8FFFF;
	_ =	strace $0x90000046  }
0xba: {  	s26 =	simm.s32 $0x9;
	_ =	strace $0x80000048  }
0xbb: {  	_ =	swait.ge [sflag:s26], $0x1  }
0xbc: {  	[sflag:s26] =	ssyncadd.s32 $0xFFFFFFFF  }
0xbd: {  	_ =	strace $0x90000048  }
0xbe: {  	_ =	sfence  }
0xbf: {  	s28 =	sld [smem:$0x0];
	_ =	sdelay $0x1  }
0xc0: {  	s29 =	srdreg.scid  }
0xc1: {  	s30 =	sshll.u32 s29, $0xD;
	s31 =	sshrl.u32 s29, $0x2  }
0xc2: {  	s1 =	sand.u32 $0x1, s29;
	s2 =	sand.u32 $0x4000, s30;
	s0 =	sadd.s32 s31, s28  }
0xc3: {  	s1 =	sor.u32 s2, s1;
	s0 =	sshll.u32 s0, $0x11  }
0xc4: {  	s0 =	sor.u32 s0, s1  }
0xc5: {  	s0 =	sadd.s32 $0x8F2B, s0  }
0xc6: {  	[sflag:s0] =	ssyncadd.remote.s32 $0x1  }
0xc7: {  	_ =	sfence.sel $0xFFFF  }
0xc8: {  	[dreg:$0x0] =	wrdreg $0xFFFFFFFF;
	(pc) =	sbr.abs _section_cstart, $3  }
0xc9: {  	[dreg:$0x1] =	wrdreg $0xFFFFFFFF  }
0xca: {  	_ =	task.clear_ibuf [dreg:s8], $0x2FFFF;
	_ =	strace $0x9FFFFFFF  }
0xcb: {  	(tm) =	ssettm $0x7FFFFFFF  }
tec
execute0_lowered:
.L_overlay_start_1:
0x0: {  	(tag) =	ssettag $0x1  }
0x1: {  	s4 =	rddreg [dreg:$0x0]  }
0x2: {  	s5 =	rddreg [dreg:$0x1]  }
0x3: {  	s6 =	rddreg [dreg:$0x2];
	s0 =	stileid.u32  }
0x4: {  	s7 =	rddreg [dreg:$0x3];
	s8 =	sshll.u32 s0, $0x6  }
0x5: {  	s2 =	rddreg [dreg:$0x4];
	s9 =	simm.s32 $0x0;
	s3 =	sor.u32 $0x1C00, s8  }
0x6: {  	[smem:$0x7FF] =	sst s9;
	s10 =	sshll.u32 s3, $0x7  }
0x7: {  	s1 =	rddreg [dreg:$0x5];
	_ =	strace $0x80000047;
	s4 =	sadd.s32 s4, s10  }
0x8: {  	[tilespmem:s9], [sflag:$0x1] =	stream.linear.gather [hbm4b:s4+s9], $0x10000, $0x38;
	[tilespmem:$0x14080] =	vst v63  }
0x9: {  	s28 =	simm.s32 $0x12000;
	s29 =	simm.s32 $0x3  }
0xa: {  	[tilespmem:s28], [sflag:$0x3] =	stream.linear.gather [hbm4b:s6+s9], $0x9, $0x38;
	[tilespmem:$0x14080] =	vst v63  }
0xb: {  	_ =	swait.ge [sflag:s29], $0x9  }
0xc: {  	[sflag:s29] =	ssyncset.done $0x0  }
0xd: {  	p0 =	sne.s32 s0, $0x1;
	[sflag:s29] =	ssyncadd.s32 $0xFFFFFFF7  }
0xe: {  	v0 =	vld.msk @!p0 [tilespmem:$0x12000], $0xff;
	_ =	sdelay $0x4  }
0xf: {  	v1 =	vshll.u32 @!p0 v0, $0x3  }
0x10: {  	v2 =	vlaneseq.u32 @!p0;
	v0 =	vand.u32 @!p0 $0x7, v0;
	v1 =	vand.u32 @!p0 $0xFFFFFFC0, v1  }
0x11: {  	v0 =	vor.u32 @!p0 v0, v1;
	v1 =	vand.u32 @!p0 $0x7, v2;
	v2 =	vshrl.u32 @!p0 v2, $0x3  }
0x12: {  	v0 =	vperm.xlane @!p0 v0, v1;
	v1 =	vmul.u32 @!p0 $0x8, v2;
	_ =	sdelay $0x1  }
0x13: {  	v0 =	vadd.s32 @!p0 v1, v0;
	_ =	sdelay $0x3  }
0x14: {  	vm0 =	vmmov @!p0 $0xffff;
	s4 =	simm.s32 @!p0 $0x0;
	s6 =	simm.s32 @!p0 $0x12080  }
0x15: {  	[tilespmem:s6], [sflag:$0x2] =	stream.indirect_vreg.gather @!p0 [hbm4b:s5+s4], $0x80, v0, vm0, $0xb8;
	[tilespmem:$0x14080] =	vst v63  }
0x16: {  	s30 =	sshll.u32 s0, $0xA;
	s9 =	simm.s32 @!p0 $0x12880;
	s6 =	sadd.s32 @!p0 $0x100, s5  }
0x17: {  	[tilespmem:s9], [sflag:$0x2] =	stream.indirect_vreg.gather @!p0 [hbm4b:s6+s4], $0x80, v0, vm0, $0xb8;
	[tilespmem:$0x14080] =	vst v63  }
0x18: {  	s31 =	sadd.s32 s30, s7;
	s6 =	sadd.s32 @!p0 $0x200, s5;
	s9 =	simm.s32 @!p0 $0x13080  }
0x19: {  	[tilespmem:s9], [sflag:$0x2] =	stream.indirect_vreg.gather @!p0 [hbm4b:s6+s4], $0x80, v0, vm0, $0xb8;
	[tilespmem:$0x14080] =	vst v63  }
0x1a: {  	s7 =	simm.s32 $0x200;
	s5 =	sadd.s32 @!p0 $0x300, s5;
	s9 =	simm.s32 @!p0 $0x13880  }
0x1b: {  	[tilespmem:s9], [sflag:$0x2] =	stream.indirect_vreg.gather @!p0 [hbm4b:s5+s4], $0x80, v0, vm0, $0xb8;
	[tilespmem:$0x14080] =	vst v63  }
0x1c: {  	s6 =	sor.u32 $0x1C3F, s8;
	s4 =	sadd.s32 $0xC00, s31;
	v0 =	vimm.f32 $0.0e+00;
	s5 =	simm.s32 $0x0  }
.LBB2_1:
0x1d: {  	p0 =	sne.s32 s7, $0x7E00;
	[tilespmem:s5+$0x10070] =	vst v0  }
0x1e: {  	[tilespmem:s5+$0x10000] =	vst v0  }
0x1f: {  	[tilespmem:s5+$0x10010] =	vst v0  }
.Ltmp0:
0x20: {  	[tilespmem:s5+$0x10020] =	vst v0;
	(pc) =	sbr.rel @p0 .LBB2_1-.Ltmp0, $4  }
0x21: {  	[tilespmem:s5+$0x10030] =	vst v0  }
0x22: {  	[tilespmem:s5+$0x10040] =	vst v0  }
0x23: {  	[tilespmem:s5+$0x10050] =	vst v0  }
0x24: {  	[tilespmem:s5+$0x10060] =	vst v0;
	s5 =	sshra.s32 s7, $0x2;
	s7 =	sadd.s32 $0x200, s7  }
0x25: {  	[tilespmem:s5+$0x10070] =	vst v0  }
0x26: {  	[tilespmem:s5+$0x10000] =	vst v0  }
0x27: {  	[tilespmem:s5+$0x10010] =	vst v0  }
0x28: {  	[tilespmem:s5+$0x10020] =	vst v0  }
0x29: {  	[tilespmem:s5+$0x10030] =	vst v0  }
0x2a: {  	[tilespmem:s5+$0x10040] =	vst v0  }
0x2b: {  	[tilespmem:s5+$0x10050] =	vst v0  }
0x2c: {  	[tilespmem:s5+$0x10060] =	vst v0  }
0x2d: {  	v0 =	vld [tilespmem:$0x12000];
	_ =	sdelay $0x3  }
0x2e: {  	vm0 =	vcmask $0x308  }
0x2f: {  	vm10 =	vcmask $0x70C;
	v1 =	vsel vm0, $0x0, v0  }
0x30: {  	vm11 =	vcmask $0xB10;
	(xrf0) =	vadd.scan.msk.s32 $0xffff, v1;
	v1 =	vsel vm10, $0x0, v0  }
0x31: {  	vm12 =	vcmask $0xF14;
	(xrf0) =	vadd.scan.msk.s32 $0xffff, v1;
	v1 =	vsel vm11, $0x0, v0  }
0x32: {  	vm13 =	vcmask $0x1318;
	(xrf0) =	vadd.scan.msk.s32 $0xffff, v1;
	v1 =	vsel vm12, $0x0, v0  }
0x33: {  	vm14 =	vcmask $0x171C;
	(xrf0) =	vadd.scan.msk.s32 $0xffff, v1;
	v1 =	vsel vm13, $0x0, v0  }
0x34: {  	(xrf0) =	vadd.scan.msk.s32 $0xffff, v1;
	v1 =	vsel vm14, $0x0, v0;
	_ =	sdelay $0x1  }
0x35: {  	v2, _, _ =	vpop (xrf0);
	(xrf0) =	vadd.scan.msk.s32 $0xffff, v1  }
0x36: {  	vm15 =	vcmask $0x1B20;
	v1, _, _ =	vpop (xrf0);
	(v2sf) =	vpush v2, $0xF  }
0x37: {  	v2, _, _ =	vpop (xrf0);
	(v2sf) =	vpush v1, $0xF;
	v1 =	vsel vm15, $0x0, v0  }
0x38: {  	(v2sf) =	vpush v2, $0xF;
	v2, _, _ =	vpop (xrf0)  }
0x39: {  	(v2sf) =	vpush v2, $0xF  }
0x3a: {  	(xrf0) =	vadd.scan.msk.s32 $0xffff, v1;
	v1, _, _ =	vpop (xrf0)  }
0x3b: {  	(v2sf) =	vpush v1, $0xF;
	v1, _, _ =	vpop (xrf0)  }
0x3c: {  	(v2sf) =	vpush v1, $0xF;
	_ =	sdelay $0x4  }
0x3d: {  	v1, _, _ =	vpop (xrf0)  }
0x3e: {  	(v2sf) =	vpush v1, $0xF;
	_ =	sdelay $0x2  }
0x3f: {  	s11 =	simm.s32 $0x1;
	s30 =	spop (v2sf)  }
0x40: {  	s12 =	simm.s32 $0x1;
	s7 =	spop (v2sf);
	p0 =	sle.s32 s30, s3  }
0x41: {  	s8 =	spop (v2sf);
	s11 =	simm.s32 @!p0 $0x0;
	p0 =	sle.s32 s7, s3  }
0x42: {  	s14 =	simm.s32 $0x1;
	s9 =	spop (v2sf);
	s12 =	simm.s32 @!p0 $0x0  }
0x43: {  	p0 =	sle.s32 s8, s3;
	s11 =	sadd.s32 s12, s11;
	s12 =	simm.s32 $0x1  }
0x44: {  	s10 =	spop (v2sf);
	s12 =	simm.s32 @!p0 $0x0;
	p0 =	sle.s32 s9, s3  }
0x45: {  	s13 =	spop (v2sf);
	s11 =	sadd.s32 s12, s11;
	s14 =	simm.s32 @!p0 $0x0  }
0x46: {  	p0 =	sle.s32 s10, s3;
	s12 =	simm.s32 $0x1;
	s11 =	sadd.s32 s14, s11  }
0x47: {  	s12 =	simm.s32 @!p0 $0x0;
	p0 =	sle.s32 s13, s3;
	s14 =	simm.s32 $0x1  }
0x48: {  	s5 =	simm.s32 $0x1;
	s14 =	simm.s32 @!p0 $0x0;
	p0 =	sle.s32 s30, s6  }
0x49: {  	s5 =	simm.s32 @!p0 $0x0;
	p0 =	sle.s32 s7, s6;
	s7 =	simm.s32 $0x1  }
0x4a: {  	s7 =	simm.s32 @!p0 $0x0;
	p0 =	sle.s32 s8, s6;
	s8 =	simm.s32 $0x1  }
0x4b: {  	s15 =	spop (v2sf);
	s7 =	sadd.s32 s7, s5;
	s8 =	simm.s32 @!p0 $0x0  }
0x4c: {  	p0 =	sle.s32 s15, s3;
	s7 =	sadd.s32 s8, s7;
	s8 =	simm.s32 $0x1  }
0x4d: {  	s8 =	simm.s32 @!p0 $0x0;
	p0 =	sle.s32 s9, s6;
	s9 =	simm.s32 $0x1  }
0x4e: {  	s9 =	simm.s32 @!p0 $0x0;
	p0 =	sle.s32 s10, s6;
	s10 =	simm.s32 $0x1  }
0x4f: {  	s11 =	sadd.s32 s12, s11;
	s7 =	sadd.s32 s9, s7;
	s10 =	simm.s32 @!p0 $0x0  }
0x50: {  	p0 =	sle.s32 s13, s6;
	s9 =	simm.s32 $0x1;
	s7 =	sadd.s32 s10, s7  }
0x51: {  	s9 =	simm.s32 @!p0 $0x0;
	p0 =	sle.s32 s15, s6;
	s6 =	simm.s32 $0x1  }
0x52: {  	s31 =	sadd.s32 s14, s11;
	s9 =	sadd.s32 s9, s7;
	s6 =	simm.s32 @!p0 $0x0  }
0x53: {  	s7 =	sadd.s32 s8, s31;
	s6 =	sadd.s32 s6, s9  }
0x54: {  	p0 =	sle.u32 s7, s6  }
.Ltmp1:
0x55: {  	_ = 	snop;
	(pc) =	sbr.rel @p0 .LBB2_3-.Ltmp1, $4  }
0x56: {  	s5 =	simm.s32 $0x1  }
0x57: {  	_ =	swait.ge [sflag:s5], $0x10000  }
0x58: {  	[sflag:s5] =	ssyncset.done $0x0  }
0x59: {  	[sflag:s5] =	ssyncadd.s32 $0xFFFF0000  }
.LBB2_19:
0x5a: {  	s3 =	simm.s32 $0x80;
	s6 =	simm.s32 $0x400;
	s7 =	simm.s32 $0x10000  }
0x5b: {  	[hbm4b:s4+s3] =	stream.strided.scatter [tilespmem:s7], [sflag:$0x1], $0x400, s6, s3, $0x38;
	[tilespmem:$0x14080] =	vst v63  }
0x5c: {  	s18 =	sadd.s32 $0x10, s4;
	s8 =	simm.s32 $0x10400  }
0x5d: {  	[hbm4b:s18+s3] =	stream.strided.scatter [tilespmem:s8], [sflag:$0x1], $0x400, s6, s3, $0x38;
	[tilespmem:$0x14080] =	vst v63  }
0x5e: {  	s19 =	sadd.s32 $0x20, s4;
	s20 =	simm.s32 $0x10800  }
0x5f: {  	[hbm4b:s19+s3] =	stream.strided.scatter [tilespmem:s20], [sflag:$0x1], $0x400, s6, s3, $0x38;
	[tilespmem:$0x14080] =	vst v63  }
0x60: {  	s21 =	sadd.s32 $0x30, s4;
	s22 =	simm.s32 $0x10C00  }
0x61: {  	[hbm4b:s21+s3] =	stream.strided.scatter [tilespmem:s22], [sflag:$0x1], $0x400, s6, s3, $0x38;
	[tilespmem:$0x14080] =	vst v63  }
0x62: {  	s23 =	sadd.s32 $0x40, s4;
	s24 =	simm.s32 $0x11000  }
0x63: {  	[hbm4b:s23+s3] =	stream.strided.scatter [tilespmem:s24], [sflag:$0x1], $0x400, s6, s3, $0x38;
	[tilespmem:$0x14080] =	vst v63  }
0x64: {  	s25 =	sadd.s32 $0x50, s4;
	s26 =	simm.s32 $0x11400  }
0x65: {  	[hbm4b:s25+s3] =	stream.strided.scatter [tilespmem:s26], [sflag:$0x1], $0x400, s6, s3, $0x38;
	[tilespmem:$0x14080] =	vst v63  }
0x66: {  	s28 =	sadd.s32 $0x60, s4;
	s29 =	simm.s32 $0x11800  }
0x67: {  	[hbm4b:s28+s3] =	stream.strided.scatter [tilespmem:s29], [sflag:$0x1], $0x400, s6, s3, $0x38;
	[tilespmem:$0x14080] =	vst v63  }
0x68: {  	s30 =	sadd.s32 $0x70, s4;
	s31 =	simm.s32 $0x11C00  }
0x69: {  	[hbm4b:s30+s3] =	stream.strided.scatter [tilespmem:s31], [sflag:$0x1], $0x400, s6, s3, $0x38;
	[tilespmem:$0x14080] =	vst v63  }
0x6a: {  	_ =	swait.ge [sflag:s5], $0x400  }
0x6b: {  	[sflag:s5] =	ssyncset.done $0x0  }
0x6c: {  	[sflag:s5] =	ssyncadd.s32 $0xFFFFFC00  }
0x6d: {  	_ =	swait.ge [sflag:s5], $0x400  }
0x6e: {  	[sflag:s5] =	ssyncset.done $0x0  }
0x6f: {  	[sflag:s5] =	ssyncadd.s32 $0xFFFFFC00  }
0x70: {  	_ =	swait.ge [sflag:s5], $0x400  }
0x71: {  	[sflag:s5] =	ssyncset.done $0x0  }
0x72: {  	[sflag:s5] =	ssyncadd.s32 $0xFFFFFC00  }
0x73: {  	_ =	swait.ge [sflag:s5], $0x400  }
0x74: {  	[sflag:s5] =	ssyncset.done $0x0  }
0x75: {  	[sflag:s5] =	ssyncadd.s32 $0xFFFFFC00  }
0x76: {  	_ =	swait.ge [sflag:s5], $0x400  }
0x77: {  	[sflag:s5] =	ssyncset.done $0x0  }
0x78: {  	[sflag:s5] =	ssyncadd.s32 $0xFFFFFC00  }
0x79: {  	_ =	swait.ge [sflag:s5], $0x400  }
0x7a: {  	[sflag:s5] =	ssyncset.done $0x0  }
0x7b: {  	[sflag:s5] =	ssyncadd.s32 $0xFFFFFC00  }
0x7c: {  	_ =	swait.ge [sflag:s5], $0x400  }
0x7d: {  	[sflag:s5] =	ssyncset.done $0x0  }
0x7e: {  	[sflag:s5] =	ssyncadd.s32 $0xFFFFFC00  }
0x7f: {  	_ =	swait.ge [sflag:s5], $0x400  }
0x80: {  	p0 =	seq.s32 s0, $0x1;
	[sflag:s5] =	ssyncset.done $0x0  }
0x81: {  	s3 =	simm.s32 @p0 $0x2;
	[sflag:s5] =	ssyncadd.s32 $0xFFFFFC00  }
0x82: {  	_ =	swait.ge @p0 [sflag:s3], $0x2000  }
0x83: {  	[sflag:s3] =	ssyncset.done @p0 $0x0  }
0x84: {  	s4 =	simm.s32 @p0 $0x12080;
	[sflag:s3] =	ssyncadd.s32 @p0 $0xFFFFE000;
	s3 =	simm.s32 @p0 $0x0  }
0x85: {  	[hbm4b:s2+s3] =	stream.linear.scatter @p0 [tilespmem:s4], [sflag:$0x3], $0x2000, $0x38;
	[tilespmem:$0x14080] =	vst v63  }
0x86: {  	s2 =	simm.s32 @p0 $0x3  }
0x87: {  	_ =	swait.ge @p0 [sflag:s2], $0x2000  }
0x88: {  	[sflag:s2] =	ssyncset.done @p0 $0x0  }
0x89: {  	[sflag:s2] =	ssyncadd.s32 @p0 $0xFFFFE000  }
0x8a: {  	_ =	sfence.sel $0x180000  }
0x8b: {  	[bflag:$0x0] =	sbarrier.arrive $0xFFFF  }
0x8c: {  	p0 =	sne.s32 s0, $0x0;
	_ =	strace $0x90000047  }
0x8d: {  	s0 =	sadd.s32 @!p0 $0x100000, s1;
	[bflag:$0x2] =	sbarrier.arrive $0xFFFF  }
0x8e: {  	[sflag:s0] =	ssyncadd.tile.s32 @!p0 $0x1;
	_ =	shalt  }
.LBB2_3:
.Ltmp2:
0x8f: {  	(pc) =	sbr.rel .LBB2_4-.Ltmp2, $2  }
0x90: {  	_ =	sdelay $0x2  }
0x91: {  	v1 =	vlaneseq.u32  }
.LBB2_13:
0x92: {  	v28 =	vimm.f32 $0.0e+00;
	v29 =	vimm.f32 $0.0e+00  }
0x93: {  	v30 =	vimm.f32 $0.0e+00;
	v31 =	vimm.f32 $0.0e+00;
	v32 =	vimm.f32 $0.0e+00  }
0x94: {  	v33 =	vimm.f32 $0.0e+00;
	v34 =	vimm.f32 $0.0e+00;
	v2 =	vimm.f32 $0.0e+00  }
0x95: {  	v4 =	vimm.f32 $0.0e+00;
	v5 =	vimm.f32 $0.0e+00;
	v6 =	vimm.f32 $0.0e+00  }
0x96: {  	v7 =	vimm.f32 $0.0e+00;
	v8 =	vimm.f32 $0.0e+00;
	v9 =	vimm.f32 $0.0e+00  }
0x97: {  	v10 =	vimm.f32 $0.0e+00;
	v11 =	vimm.f32 $0.0e+00;
	v12 =	vimm.f32 $0.0e+00  }
0x98: {  	v13 =	vimm.f32 $0.0e+00;
	v14 =	vimm.f32 $0.0e+00;
	v15 =	vimm.f32 $0.0e+00  }
0x99: {  	v16 =	vimm.f32 $0.0e+00;
	v17 =	vimm.f32 $0.0e+00;
	v18 =	vimm.f32 $0.0e+00  }
0x9a: {  	v19 =	vimm.f32 $0.0e+00;
	v20 =	vimm.f32 $0.0e+00;
	v21 =	vimm.f32 $0.0e+00  }
0x9b: {  	v22 =	vimm.f32 $0.0e+00;
	v23 =	vimm.f32 $0.0e+00;
	v24 =	vimm.f32 $0.0e+00  }
0x9c: {  	v25 =	vimm.f32 $0.0e+00;
	v26 =	vimm.f32 $0.0e+00;
	v27 =	vimm.f32 $0.0e+00  }
.LBB2_17:
0x9d: {  	s11 =	sadd.s32 s13, s9;
	v40 =	vld @p0 [tilespmem:s12+$0x1860]  }
0x9e: {  	v41 =	vld @p0 [tilespmem:s12+$0x1870];
	s14 =	sor.u32 $0x1C70, s11  }
0x9f: {  	s24 =	sor.u32 $0x1C00, s11;
	v42 =	vld [tilespmem:s14+$0x0]  }
0xa0: {  	s25 =	sor.u32 $0x1C10, s11;
	v43 =	vld [tilespmem:s24+$0x0]  }
0xa1: {  	s26 =	sor.u32 $0x1C20, s11;
	v44 =	vld [tilespmem:s25+$0x0]  }
0xa2: {  	s28 =	sor.u32 $0x1C30, s11;
	v45 =	vld [tilespmem:s26+$0x0]  }
0xa3: {  	s29 =	sor.u32 $0x1C40, s11;
	v46 =	vld [tilespmem:s28+$0x0]  }
0xa4: {  	s30 =	sor.u32 $0x1C50, s11;
	v47 =	vld [tilespmem:s29+$0x0]  }
0xa5: {  	s31 =	sand.u32 $0x7FFFE000, s9;
	s11 =	sor.u32 $0x1C60, s11;
	v48 =	vld [tilespmem:s30+$0x0]  }
0xa6: {  	s9 =	sor.u32 s13, s31;
	v49 =	vld [tilespmem:s11+$0x0]  }
0xa7: {  	v50 =	vld [tilespmem:s9+$0x1000]  }
0xa8: {  	v51 =	vld [tilespmem:s9+$0x1010]  }
0xa9: {  	v52 =	vld [tilespmem:s9+$0x1020]  }
0xaa: {  	v53 =	vld [tilespmem:s9+$0x1030]  }
0xab: {  	v54 =	vld [tilespmem:s9+$0x1040]  }
0xac: {  	v55 =	vld [tilespmem:s9+$0x1050]  }
0xad: {  	v56 =	vld [tilespmem:s9+$0x1060]  }
0xae: {  	v57 =	vld [tilespmem:s9+$0x1070]  }
0xaf: {  	v38 =	vadd.f32 @p0 v38, v28;
	v58 =	vld [tilespmem:s9+$0x1400]  }
0xb0: {  	v36 =	vadd.f32 @p0 v36, v29;
	v59 =	vadd.f32 @p0 v35, v30;
	v60 =	vld [tilespmem:s9+$0x1410]  }
0xb1: {  	v37 =	vadd.f32 @p0 v37, v31;
	v39 =	vadd.f32 @p0 v39, v32;
	v61 =	vld [tilespmem:s9+$0x1420]  }
0xb2: {  	v62 =	vld [tilespmem:s9+$0x1430];
	v40 =	vadd.f32 @p0 v40, v33;
	v41 =	vadd.f32 @p0 v41, v34  }
0xb3: {  	v63 =	vld [tilespmem:s9+$0x1800];
	v28 =	vadd.f32 v42, v2;
	v4 =	vadd.f32 v43, v4  }
0xb4: {  	v42 =	vld [tilespmem:s9+$0x1440];
	v5 =	vadd.f32 v44, v5;
	v6 =	vadd.f32 v45, v6  }
0xb5: {  	v43 =	vld [tilespmem:s9+$0x1450];
	v7 =	vadd.f32 v46, v7;
	v8 =	vadd.f32 v47, v8  }
0xb6: {  	v44 =	vld [tilespmem:s9+$0x1460];
	v9 =	vadd.f32 v48, v9;
	v10 =	vadd.f32 v49, v10  }
0xb7: {  	v45 =	vld [tilespmem:s9+$0x1470];
	v2 =	vadd.f32 v50, v11;
	v29 =	vadd.f32 v51, v12  }
0xb8: {  	v35 =	vadd.f32 v52, v13;
	v30 =	vadd.f32 v53, v14;
	v53 =	vld [tilespmem:s9+$0x1810]  }
0xb9: {  	v31 =	vadd.f32 v54, v15;
	v32 =	vadd.f32 v55, v16;
	v55 =	vld [tilespmem:s9+$0x1820]  }
0xba: {  	v33 =	vadd.f32 v56, v17;
	v13 =	vadd.f32 v57, v18;
	v57 =	vld [tilespmem:s9+$0x1830]  }
0xbb: {  	v34 =	vadd.f32 v58, v19;
	v14 =	vadd.f32 v60, v20;
	v60 =	vld [tilespmem:s9+$0x1840]  }
0xbc: {  	v15 =	vadd.f32 v61, v21;
	v16 =	vadd.f32 v62, v22;
	v61 =	vld [tilespmem:s9+$0x1860]  }
0xbd: {  	v21 =	vld [tilespmem:s9+$0x1850];
	v20 =	vpsel p0, v38, v3;
	v19 =	vadd.f32 v63, v27;
	v22 =	vpsel p0, v36, v3  }
0xbe: {  	v27 =	vpsel p0, v39, v3;
	v62 =	vpsel p0, v40, v3;
	v12 =	vadd.f32 v45, v26;
	v26 =	vld [tilespmem:s9+$0x1870]  }
0xbf: {  	v63 =	vpsel p0, v41, v3;
	v17 =	vadd.f32 v42, v23;
	v11 =	vadd.f32 v43, v24  }
0xc0: {  	v18 =	vadd.f32 v44, v25;
	v20 =	vadd.f32 v53, v20;
	v23 =	vpsel p0, v59, v3  }
0xc1: {  	v25 =	vpsel p0, v37, v3;
	v24 =	vadd.f32 v55, v22;
	v3 =	vadd.f32 v61, v62  }
0xc2: {  	v22 =	vadd.f32 v57, v23;
	v25 =	vadd.f32 v60, v25  }
0xc3: {  	v23 =	vadd.f32 v21, v27;
	v21 =	vadd.f32 v26, v63  }
.LBB2_18:
0xc4: {  	v26 =	vld [tilespmem:s10+$0x10200]  }
0xc5: {  	v27 =	vld [tilespmem:s10+$0x10210]  }
0xc6: {  	v36 =	vld [tilespmem:s10+$0x10220]  }
0xc7: {  	v37 =	vld [tilespmem:s10+$0x10230]  }
0xc8: {  	v38 =	vld [tilespmem:s10+$0x10240]  }
0xc9: {  	v58 =	vld [tilespmem:s10+$0x10250];
	v2 =	vadd.f32 v26, v2  }
0xca: {  	v59 =	vld [tilespmem:s10+$0x10260];
	v27 =	vadd.f32 v27, v29  }
0xcb: {  	v60 =	vld [tilespmem:s10+$0x10270];
	[tilespmem:s10+$0x10200] =	vst v2;
	v2 =	vadd.f32 v36, v35  }
0xcc: {  	v62 =	vld [tilespmem:s10+$0x10280];
	v61 =	vadd.f32 v37, v30;
	[tilespmem:s10+$0x10210] =	vst v27  }
0xcd: {  	v63 =	vld [tilespmem:s10+$0x10290];
	[tilespmem:s10+$0x10220] =	vst v2;
	v2 =	vadd.f32 v38, v31  }
0xce: {  	v26 =	vadd.f32 v58, v32;
	[tilespmem:s10+$0x10230] =	vst v61;
	v36 =	vld [tilespmem:s10+$0x102A0]  }
0xcf: {  	v39 =	vld [tilespmem:s10+$0x102D0];
	[tilespmem:s10+$0x10240] =	vst v2;
	v2 =	vadd.f32 v59, v33  }
0xd0: {  	v13 =	vadd.f32 v60, v13;
	[tilespmem:s10+$0x10250] =	vst v26;
	v38 =	vld [tilespmem:s10+$0x102C0]  }
0xd1: {  	v42 =	vld [tilespmem:s10+$0x102F0];
	[tilespmem:s10+$0x10260] =	vst v2;
	v2 =	vadd.f32 v62, v34  }
0xd2: {  	v41 =	vld [tilespmem:s10+$0x102E0];
	v40 =	vadd.f32 v63, v14;
	[tilespmem:s10+$0x10270] =	vst v13  }
0xd3: {  	v45 =	vld [tilespmem:s10+$0x10310];
	[tilespmem:s10+$0x10280] =	vst v2;
	v2 =	vadd.f32 v36, v15  }
0xd4: {  	v44 =	vld [tilespmem:s10+$0x10300];
	v11 =	vadd.f32 v39, v11;
	[tilespmem:s10+$0x10290] =	vst v40  }
0xd5: {  	v47 =	vld [tilespmem:s10+$0x10330];
	[tilespmem:s10+$0x102A0] =	vst v2;
	v2 =	vadd.f32 v38, v17  }
0xd6: {  	v46 =	vld [tilespmem:s10+$0x10320];
	v48 =	vadd.f32 v42, v12;
	[tilespmem:s10+$0x102D0] =	vst v11  }
0xd7: {  	v50 =	vld [tilespmem:s10+$0x10350];
	[tilespmem:s10+$0x102C0] =	vst v2;
	v2 =	vadd.f32 v41, v18  }
0xd8: {  	v49 =	vld [tilespmem:s10+$0x10340];
	v51 =	vadd.f32 v45, v20;
	[tilespmem:s10+$0x102F0] =	vst v48  }
0xd9: {  	v56 =	vld [tilespmem:s10+$0x10390];
	[tilespmem:s10+$0x102E0] =	vst v2;
	v2 =	vadd.f32 v44, v19  }
0xda: {  	v52 =	vld [tilespmem:s10+$0x10360];
	v54 =	vadd.f32 v47, v22;
	[tilespmem:s10+$0x10310] =	vst v51  }
0xdb: {  	v37 =	vld [tilespmem:s10+$0x102B0];
	[tilespmem:s10+$0x10300] =	vst v2;
	v2 =	vadd.f32 v46, v24  }
0xdc: {  	v55 =	vld [tilespmem:s10+$0x10380];
	v57 =	vadd.f32 v50, v23;
	[tilespmem:s10+$0x10330] =	vst v54  }
0xdd: {  	v53 =	vld [tilespmem:s10+$0x10370];
	[tilespmem:s10+$0x10320] =	vst v2;
	v2 =	vadd.f32 v49, v25  }
0xde: {  	v58 =	vld [tilespmem:s10+$0x103A0];
	v5 =	vadd.f32 v56, v5;
	[tilespmem:s10+$0x10350] =	vst v57  }
0xdf: {  	[tilespmem:s10+$0x10340] =	vst v2;
	v2 =	vadd.f32 v52, v3;
	v3 =	vld [tilespmem:s10+$0x103B0]  }
0xe0: {  	v60 =	vld [tilespmem:s10+$0x103C0];
	[tilespmem:s10+$0x10390] =	vst v5;
	v43 =	vadd.f32 v37, v16  }
0xe1: {  	v61 =	vld [tilespmem:s10+$0x103D0];
	[tilespmem:s10+$0x10360] =	vst v2;
	v2 =	vadd.f32 v55, v4  }
0xe2: {  	v59 =	vadd.f32 v53, v21;
	[tilespmem:s10+$0x102B0] =	vst v43;
	v62 =	vld [tilespmem:s10+$0x103E0]  }
0xe3: {  	v63 =	vld [tilespmem:s10+$0x103F0];
	[tilespmem:s10+$0x10380] =	vst v2;
	v2 =	vadd.f32 v58, v6  }
0xe4: {  	[tilespmem:s10+$0x10370] =	vst v59;
	v3 =	vadd.f32 v3, v7  }
0xe5: {  	p0 =	seq.s32 s7, s6;
	[tilespmem:s10+$0x103A0] =	vst v2;
	v2 =	vadd.f32 v60, v8  }
.Ltmp3:
0xe6: {  	[tilespmem:s10+$0x103B0] =	vst v3;
	v3 =	vadd.f32 v61, v9;
	(pc) =	sbr.rel @p0 .LBB2_19-.Ltmp3, $4  }
0xe7: {  	[tilespmem:s10+$0x103C0] =	vst v2;
	v2 =	vadd.f32 v62, v10  }
0xe8: {  	[tilespmem:s10+$0x103D0] =	vst v3;
	v3 =	vadd.f32 v63, v28  }
0xe9: {  	[tilespmem:s10+$0x103E0] =	vst v2  }
0xea: {  	s7 =	smov.u32 s8;
	[tilespmem:s10+$0x103F0] =	vst v3  }
.LBB2_4:
0xeb: {  	v2 =	vmov s7;
	s8 =	sadd.s32 $0x1, s7  }
0xec: {  	vm0 =	veq.s32 v2, v1;
	v2 =	vmov s8  }
0xed: {  	v3 =	vnsel vm0, $0x0, v0;
	vm15 =	veq.s32 v2, v1  }
0xee: {  	(xrf0) =	vadd.scan.msk.s32 $0xffff, v3;
	v2 =	vnsel vm15, $0x0, v0  }
0xef: {  	(xrf0) =	vadd.scan.msk.s32 $0xffff, v2;
	_ =	sdelay $0x4  }
0xf0: {  	v2, _, _ =	vpop (xrf0)  }
0xf1: {  	(v2sf) =	vpush v2, $0xF;
	v2, _, _ =	vpop (xrf0)  }
0xf2: {  	(v2sf) =	vpush v2, $0xF;
	_ =	sdelay $0xd  }
0xf3: {  	s9 =	spop (v2sf)  }
0xf4: {  	v32 =	vimm.f32 $0.0e+00;
	v35 =	vimm.f32 $0.0e+00;
	v33 =	vimm.f32 $0.0e+00;
	s10 =	spop (v2sf)  }
0xf5: {  	v34 =	vimm.f32 $0.0e+00;
	v30 =	vimm.f32 $0.0e+00;
	v31 =	vimm.f32 $0.0e+00;
	s10 =	ssub.s32 s10, s3  }
0xf6: {  	v11 =	vimm.f32 $0.0e+00;
	v12 =	vimm.f32 $0.0e+00;
	v13 =	vimm.f32 $0.0e+00;
	s9 =	ssub.s32 s9, s3;
	p0 =	sgt.s32 s10, $0x0  }
0xf7: {  	v14 =	vimm.f32 $0.0e+00;
	v6 =	vimm.f32 $0.0e+00;
	v15 =	vimm.f32 $0.0e+00;
	s10 =	simm.s32 @!p0 $0x0;
	p0 =	sgt.s32 s9, $0x0  }
0xf8: {  	v7 =	vimm.f32 $0.0e+00;
	v8 =	vimm.f32 $0.0e+00;
	v9 =	vimm.f32 $0.0e+00;
	s9 =	simm.s32 @!p0 $0x0;
	s11 =	smin.u32 s10, $0x40  }
0xf9: {  	v10 =	vimm.f32 $0.0e+00;
	v5 =	vimm.f32 $0.0e+00;
	v17 =	vimm.f32 $0.0e+00;
	p0 =	sge.u32 s9, s11  }
.Ltmp4:
0xfa: {  	v16 =	vimm.f32 $0.0e+00;
	v18 =	vimm.f32 $0.0e+00;
	v19 =	vimm.f32 $0.0e+00;
	(pc) =	sbr.rel @p0 .LBB2_11-.Ltmp4, $4  }
0xfb: {  	v21 =	vimm.f32 $0.0e+00;
	v20 =	vimm.f32 $0.0e+00;
	v22 =	vimm.f32 $0.0e+00  }
0xfc: {  	v23 =	vimm.f32 $0.0e+00;
	v24 =	vimm.f32 $0.0e+00;
	v25 =	vimm.f32 $0.0e+00  }
0xfd: {  	v26 =	vimm.f32 $0.0e+00;
	v27 =	vimm.f32 $0.0e+00;
	v28 =	vimm.f32 $0.0e+00;
	s10 =	smin.u32 s9, $0x40  }
0xfe: {  	v4 =	vimm.f32 $0.0e+00;
	v3 =	vimm.f32 $0.0e+00;
	v2 =	vimm.f32 $0.0e+00;
	s12 =	ssub.s32 s11, s10;
	s11 =	sshll.u32 s10, $0x7;
	s9 =	sshll.u32 s10, $0xA  }
0xff: {  	p2 =	sne.s32 s12, $0x1  }
.Ltmp5:
0x100: {  	_ = 	snop;
	(pc) =	sbr.rel @!p2 .LBB2_6-.Ltmp5, $3  }
0x101: {  	_ =	sdelay $0x1  }
0x102: {  	s13 =	sshll.u32 s10, $0xA;
	s14 =	sshll.u32 s10, $0x7;
	s15 =	sadd.s32 $0xFFFFFFFF, s12  }
0x103: {  	v3 =	vimm.f32 $0.0e+00;
	p1 =	por $0x0, $0x0;
	s16 =	sand.u32 $0x7FFFE000, s13;
	s17 =	sand.u32 $0x380, s14  }
0x104: {  	s10 =	sor.u32 s17, s16  }
0x105: {  	v4 =	vld [tilespmem:s10+$0xC70]  }
0x106: {  	v5 =	vld [tilespmem:s10+$0x0]  }
0x107: {  	v6 =	vld [tilespmem:s10+$0x10]  }
0x108: {  	v7 =	vld [tilespmem:s10+$0x20]  }
0x109: {  	v8 =	vld [tilespmem:s10+$0x30]  }
0x10a: {  	v9 =	vld [tilespmem:s10+$0x40]  }
0x10b: {  	v10 =	vld [tilespmem:s10+$0x50]  }
0x10c: {  	v11 =	vld [tilespmem:s10+$0x60]  }
0x10d: {  	v12 =	vld [tilespmem:s10+$0x70]  }
0x10e: {  	v13 =	vld [tilespmem:s10+$0x400]  }
0x10f: {  	v14 =	vld [tilespmem:s10+$0x410]  }
0x110: {  	v15 =	vld [tilespmem:s10+$0x420]  }
0x111: {  	v16 =	vld [tilespmem:s10+$0x430]  }
0x112: {  	v17 =	vld [tilespmem:s10+$0x440]  }
0x113: {  	v18 =	vld [tilespmem:s10+$0x450]  }
0x114: {  	v19 =	vld [tilespmem:s10+$0x460]  }
0x115: {  	v20 =	vld [tilespmem:s10+$0x470]  }
0x116: {  	v21 =	vld [tilespmem:s10+$0x800]  }
0x117: {  	v22 =	vld [tilespmem:s10+$0x810];
	v4 =	vadd.f32 v4, v3;
	v5 =	vadd.f32 v5, v3  }
0x118: {  	v23 =	vld [tilespmem:s10+$0x820];
	v6 =	vadd.f32 v6, v3;
	v7 =	vadd.f32 v7, v3  }
0x119: {  	v24 =	vld [tilespmem:s10+$0x830];
	v8 =	vadd.f32 v8, v3;
	v9 =	vadd.f32 v9, v3  }
0x11a: {  	v25 =	vld [tilespmem:s10+$0x840];
	v10 =	vadd.f32 v10, v3;
	v11 =	vadd.f32 v11, v3  }
0x11b: {  	v26 =	vld [tilespmem:s10+$0x850];
	v12 =	vadd.f32 v12, v3;
	v13 =	vadd.f32 v13, v3  }
0x11c: {  	v27 =	vld [tilespmem:s10+$0x860];
	v14 =	vadd.f32 v14, v3;
	v15 =	vadd.f32 v15, v3  }
0x11d: {  	v28 =	vld [tilespmem:s10+$0x870];
	v16 =	vadd.f32 v16, v3;
	v17 =	vadd.f32 v17, v3  }
0x11e: {  	p2 =	sne.s32 s15, $0x1;
	v30 =	vimm.f32 $0.0e+00;
	v29 =	vld [tilespmem:s10+$0xC00];
	v18 =	vadd.f32 v18, v3;
	v19 =	vadd.f32 v19, v3  }
.Ltmp6:
0x11f: {  	v31 =	vimm.f32 $0.0e+00;
	v36 =	vld [tilespmem:s10+$0xC10];
	v20 =	vadd.f32 v20, v3;
	v21 =	vadd.f32 v21, v3;
	(pc) =	sbr.rel @!p2 .LBB2_8-.Ltmp6, $4  }
0x120: {  	v32 =	vimm.f32 $0.0e+00;
	v37 =	vld [tilespmem:s10+$0xC20];
	v22 =	vadd.f32 v22, v3;
	v23 =	vadd.f32 v23, v3  }
0x121: {  	v33 =	vimm.f32 $0.0e+00;
	v38 =	vld [tilespmem:s10+$0xC30];
	v24 =	vadd.f32 v24, v3;
	v25 =	vadd.f32 v25, v3  }
0x122: {  	s13 =	sadd.s32 $0x400, s13;
	s14 =	sadd.s32 $0x80, s14;
	s15 =	sadd.s32 $0xFFFFFFFF, s15;
	v34 =	vimm.f32 $0.0e+00;
	v39 =	vld [tilespmem:s10+$0xC40];
	v26 =	vadd.f32 v26, v3;
	v27 =	vadd.f32 v27, v3  }
0x123: {  	p1 =	por $0x1, $0x1;
	v35 =	vimm.f32 $0.0e+00;
	s16 =	sand.u32 $0x7FFFE000, s13;
	s17 =	sand.u32 $0x380, s14;
	v40 =	vld [tilespmem:s10+$0xC50];
	v28 =	vadd.f32 v28, v3;
	v29 =	vadd.f32 v29, v3  }
.LBB2_9:
0x124: {  	p2 =	sne.s32 s15, $0x1;
	v30 =	vadd.f32 v36, v30;
	v36 =	vld [tilespmem:s10+$0xC60];
	s10 =	sor.u32 s17, s16  }
0x125: {  	v41 =	vld [tilespmem:s10+$0xC70];
	v31 =	vadd.f32 v37, v31  }
0x126: {  	v37 =	vld [tilespmem:s10+$0x0];
	v32 =	vadd.f32 v38, v32  }
0x127: {  	v38 =	vld [tilespmem:s10+$0x10];
	v33 =	vadd.f32 v39, v33  }
0x128: {  	v39 =	vld [tilespmem:s10+$0x20];
	v34 =	vadd.f32 v40, v34  }
0x129: {  	v40 =	vld [tilespmem:s10+$0x30];
	v35 =	vadd.f32 v36, v35  }
0x12a: {  	v36 =	vld [tilespmem:s10+$0x40];
	v4 =	vadd.f32 v41, v4  }
0x12b: {  	v5 =	vadd.f32 v37, v5;
	v37 =	vld [tilespmem:s10+$0x50]  }
0x12c: {  	v6 =	vadd.f32 v38, v6;
	v38 =	vld [tilespmem:s10+$0x60]  }
0x12d: {  	v7 =	vadd.f32 v39, v7;
	v39 =	vld [tilespmem:s10+$0x70]  }
0x12e: {  	v8 =	vadd.f32 v40, v8;
	v40 =	vld [tilespmem:s10+$0x400]  }
0x12f: {  	v9 =	vadd.f32 v36, v9;
	v36 =	vld [tilespmem:s10+$0x410]  }
0x130: {  	v10 =	vadd.f32 v37, v10;
	v37 =	vld [tilespmem:s10+$0x420]  }
0x131: {  	v11 =	vadd.f32 v38, v11;
	v38 =	vld [tilespmem:s10+$0x430]  }
0x132: {  	v12 =	vadd.f32 v39, v12;
	v39 =	vld [tilespmem:s10+$0x440]  }
0x133: {  	v13 =	vadd.f32 v40, v13;
	v40 =	vld [tilespmem:s10+$0x450]  }
0x134: {  	v14 =	vadd.f32 v36, v14;
	v36 =	vld [tilespmem:s10+$0x460]  }
0x135: {  	v15 =	vadd.f32 v37, v15;
	v37 =	vld [tilespmem:s10+$0x470]  }
0x136: {  	v16 =	vadd.f32 v38, v16;
	v38 =	vld [tilespmem:s10+$0x800]  }
0x137: {  	v17 =	vadd.f32 v39, v17;
	v39 =	vld [tilespmem:s10+$0x810]  }
0x138: {  	v18 =	vadd.f32 v40, v18;
	v40 =	vld [tilespmem:s10+$0x820]  }
0x139: {  	v19 =	vadd.f32 v36, v19;
	v36 =	vld [tilespmem:s10+$0x830]  }
0x13a: {  	v20 =	vadd.f32 v37, v20;
	v37 =	vld [tilespmem:s10+$0x840]  }
0x13b: {  	v21 =	vadd.f32 v38, v21;
	v38 =	vld [tilespmem:s10+$0x850]  }
0x13c: {  	v22 =	vadd.f32 v39, v22;
	v39 =	vld [tilespmem:s10+$0x860]  }
0x13d: {  	v23 =	vadd.f32 v40, v23;
	v40 =	vld [tilespmem:s10+$0x870]  }
0x13e: {  	v24 =	vadd.f32 v36, v24;
	v41 =	vld [tilespmem:s10+$0xC00]  }
.Ltmp7:
0x13f: {  	v25 =	vadd.f32 v37, v25;
	v36 =	vld [tilespmem:s10+$0xC10];
	(pc) =	sbr.rel @p2 .LBB2_9-.Ltmp7, $4  }
0x140: {  	v26 =	vadd.f32 v38, v26;
	v37 =	vld [tilespmem:s10+$0xC20]  }
0x141: {  	v27 =	vadd.f32 v39, v27;
	v38 =	vld [tilespmem:s10+$0xC30]  }
0x142: {  	s14 =	sadd.s32 $0x80, s14;
	s13 =	sadd.s32 $0x400, s13;
	v28 =	vadd.f32 v40, v28;
	v39 =	vld [tilespmem:s10+$0xC40]  }
0x143: {  	s15 =	sadd.s32 $0xFFFFFFFF, s15;
	s16 =	sand.u32 $0x7FFFE000, s13;
	s17 =	sand.u32 $0x380, s14;
	v29 =	vadd.f32 v41, v29;
	v40 =	vld [tilespmem:s10+$0xC50]  }
.LBB2_10:
0x144: {  	s13 =	sor.u32 s17, s16;
	v41 =	vld @p1 [tilespmem:s10+$0xC60]  }
0x145: {  	v42 =	vld [tilespmem:s13+$0xC70]  }
0x146: {  	v43 =	vld [tilespmem:s13+$0x0]  }
0x147: {  	v44 =	vld [tilespmem:s13+$0x10]  }
0x148: {  	v45 =	vld [tilespmem:s13+$0x20]  }
0x149: {  	v46 =	vld [tilespmem:s13+$0x30]  }
0x14a: {  	v47 =	vld [tilespmem:s13+$0x40]  }
0x14b: {  	v48 =	vld [tilespmem:s13+$0x50]  }
0x14c: {  	v49 =	vld [tilespmem:s13+$0x60]  }
0x14d: {  	v50 =	vld [tilespmem:s13+$0x70]  }
0x14e: {  	v51 =	vld [tilespmem:s13+$0x400]  }
0x14f: {  	v52 =	vld [tilespmem:s13+$0x410]  }
0x150: {  	v53 =	vld [tilespmem:s13+$0x420]  }
0x151: {  	v54 =	vld [tilespmem:s13+$0x430]  }
0x152: {  	v55 =	vld [tilespmem:s13+$0x440]  }
0x153: {  	v56 =	vld [tilespmem:s13+$0x450]  }
0x154: {  	v57 =	vld [tilespmem:s13+$0x460]  }
0x155: {  	v58 =	vld [tilespmem:s13+$0x470]  }
0x156: {  	v36 =	vadd.f32 @p1 v36, v30;
	v59 =	vld [tilespmem:s13+$0x800]  }
0x157: {  	v37 =	vadd.f32 @p1 v37, v31;
	v60 =	vld [tilespmem:s13+$0x810];
	v38 =	vadd.f32 @p1 v38, v32  }
0x158: {  	v61 =	vld [tilespmem:s13+$0x820];
	v39 =	vadd.f32 @p1 v39, v33;
	v40 =	vadd.f32 @p1 v40, v34  }
0x159: {  	v62 =	vld [tilespmem:s13+$0x840];
	v41 =	vadd.f32 @p1 v41, v35;
	v4 =	vadd.f32 v42, v4  }
0x15a: {  	v63 =	vld [tilespmem:s13+$0x860];
	v32 =	vadd.f32 v43, v5;
	v35 =	vadd.f32 v44, v6  }
0x15b: {  	v42 =	vld [tilespmem:s13+$0x830];
	v33 =	vadd.f32 v45, v7;
	v34 =	vadd.f32 v46, v8  }
0x15c: {  	v30 =	vadd.f32 v47, v9;
	v44 =	vld [tilespmem:s13+$0x850];
	v31 =	vadd.f32 v48, v10  }
0x15d: {  	v11 =	vadd.f32 v49, v11;
	v12 =	vadd.f32 v50, v12;
	v46 =	vld [tilespmem:s13+$0x870]  }
0x15e: {  	v13 =	vadd.f32 v51, v13;
	v14 =	vadd.f32 v52, v14;
	v47 =	vld [tilespmem:s13+$0xC00]  }
0x15f: {  	v6 =	vadd.f32 v53, v15;
	v7 =	vadd.f32 v55, v17;
	v55 =	vld [tilespmem:s13+$0xC10]  }
0x160: {  	v15 =	vadd.f32 v54, v16;
	v9 =	vadd.f32 v57, v19;
	v57 =	vld [tilespmem:s13+$0xC20]  }
0x161: {  	v8 =	vadd.f32 v56, v18;
	v5 =	vadd.f32 v59, v21;
	v59 =	vld [tilespmem:s13+$0xC30]  }
0x162: {  	v10 =	vadd.f32 v58, v20;
	v16 =	vadd.f32 v61, v23;
	v61 =	vld [tilespmem:s13+$0xC40]  }
0x163: {  	v17 =	vadd.f32 v60, v22;
	v19 =	vadd.f32 v62, v25;
	v62 =	vld [tilespmem:s13+$0xC50]  }
0x164: {  	v20 =	vadd.f32 v63, v27;
	v63 =	vld [tilespmem:s13+$0xC60];
	v25 =	vpsel p1, v37, v3;
	v18 =	vadd.f32 v42, v24  }
0x165: {  	v27 =	vpsel p1, v39, v3;
	v21 =	vadd.f32 v44, v26;
	v22 =	vadd.f32 v46, v28  }
0x166: {  	v23 =	vadd.f32 v47, v29;
	v24 =	vpsel p1, v36, v3;
	v26 =	vpsel p1, v38, v3  }
0x167: {  	v28 =	vpsel p1, v40, v3;
	v25 =	vadd.f32 v57, v25;
	v24 =	vadd.f32 v55, v24  }
0x168: {  	v29 =	vpsel p1, v41, v3;
	v3 =	vadd.f32 v59, v26;
	v26 =	vadd.f32 v61, v27  }
0x169: {  	v27 =	vadd.f32 v62, v28;
	v28 =	vadd.f32 v63, v29  }
.LBB2_11:
0x16a: {  	s10 =	sshll.u32 s7, $0xC  }
0x16b: {  	s10 =	sshra.s32 s10, $0x2  }
0x16c: {  	v29 =	vld [tilespmem:s10+$0x10000]  }
0x16d: {  	v36 =	vld [tilespmem:s10+$0x10010]  }
0x16e: {  	v37 =	vld [tilespmem:s10+$0x10020]  }
0x16f: {  	v38 =	vld [tilespmem:s10+$0x10030]  }
0x170: {  	v39 =	vld [tilespmem:s10+$0x10040]  }
0x171: {  	v40 =	vld [tilespmem:s10+$0x10050]  }
0x172: {  	v41 =	vld [tilespmem:s10+$0x10060]  }
0x173: {  	v42 =	vld [tilespmem:s10+$0x10070];
	v29 =	vadd.f32 v29, v32  }
0x174: {  	v45 =	vld [tilespmem:s10+$0x100A0];
	v35 =	vadd.f32 v36, v35  }
0x175: {  	v59 =	vld [tilespmem:s10+$0x100D0];
	v34 =	vadd.f32 v38, v34;
	[tilespmem:s10+$0x10000] =	vst v29  }
0x176: {  	v62 =	vld [tilespmem:s10+$0x10100];
	v31 =	vadd.f32 v40, v31;
	[tilespmem:s10+$0x10010] =	vst v35  }
0x177: {  	v43 =	vld [tilespmem:s10+$0x10080];
	v11 =	vadd.f32 v41, v11;
	[tilespmem:s10+$0x10030] =	vst v34  }
0x178: {  	v44 =	vld [tilespmem:s10+$0x10090];
	v12 =	vadd.f32 v42, v12;
	[tilespmem:s10+$0x10050] =	vst v31  }
0x179: {  	v46 =	vld [tilespmem:s10+$0x100B0];
	v6 =	vadd.f32 v45, v6;
	[tilespmem:s10+$0x10060] =	vst v11  }
0x17a: {  	v47 =	vld [tilespmem:s10+$0x100C0];
	v8 =	vadd.f32 v59, v8;
	[tilespmem:s10+$0x10070] =	vst v12  }
0x17b: {  	v61 =	vld [tilespmem:s10+$0x100F0];
	v5 =	vadd.f32 v62, v5;
	[tilespmem:s10+$0x100A0] =	vst v6  }
0x17c: {  	v60 =	vld [tilespmem:s10+$0x100E0];
	v29 =	vadd.f32 v37, v33;
	[tilespmem:s10+$0x100D0] =	vst v8  }
0x17d: {  	v63 =	vld [tilespmem:s10+$0x10120];
	v11 =	vadd.f32 v43, v13;
	[tilespmem:s10+$0x10100] =	vst v5  }
0x17e: {  	v31 =	vld [tilespmem:s10+$0x10140];
	v12 =	vadd.f32 v44, v14;
	[tilespmem:s10+$0x10020] =	vst v29  }
0x17f: {  	v13 =	vld [tilespmem:s10+$0x10150];
	v6 =	vadd.f32 v47, v7;
	[tilespmem:s10+$0x10080] =	vst v11  }
0x180: {  	v7 =	vld [tilespmem:s10+$0x10190];
	v8 =	vadd.f32 v61, v10;
	[tilespmem:s10+$0x10090] =	vst v12  }
0x181: {  	v10 =	vld [tilespmem:s10+$0x101C0];
	v29 =	vadd.f32 v39, v30;
	[tilespmem:s10+$0x100C0] =	vst v6  }
0x182: {  	v30 =	vld [tilespmem:s10+$0x10110];
	v12 =	vadd.f32 v46, v15;
	[tilespmem:s10+$0x100F0] =	vst v8  }
0x183: {  	v11 =	vld [tilespmem:s10+$0x10170];
	v6 =	vadd.f32 v60, v9;
	[tilespmem:s10+$0x10040] =	vst v29  }
0x184: {  	v15 =	vld [tilespmem:s10+$0x10180];
	v8 =	vadd.f32 v63, v16;
	[tilespmem:s10+$0x100B0] =	vst v12  }
0x185: {  	v9 =	vld [tilespmem:s10+$0x101B0];
	[tilespmem:s10+$0x100E0] =	vst v6;
	v5 =	vadd.f32 v31, v19  }
0x186: {  	v32 =	vimm.f32 $0.0e+00;
	v14 =	vld [tilespmem:s10+$0x10160];
	[tilespmem:s10+$0x10120] =	vst v8;
	v13 =	vadd.f32 v13, v21  }
0x187: {  	v35 =	vimm.f32 $0.0e+00;
	v33 =	vimm.f32 $0.0e+00;
	v29 =	vld [tilespmem:s10+$0x10130];
	v7 =	vadd.f32 v7, v24;
	[tilespmem:s10+$0x10140] =	vst v5  }
0x188: {  	v34 =	vimm.f32 $0.0e+00;
	v12 =	vld [tilespmem:s10+$0x101A0];
	v31 =	vimm.f32 $0.0e+00;
	v6 =	vadd.f32 v30, v17;
	[tilespmem:s10+$0x10150] =	vst v13  }
0x189: {  	v24 =	vimm.f32 $0.0e+00;
	v11 =	vadd.f32 v11, v22;
	v8 =	vadd.f32 v15, v23;
	[tilespmem:s10+$0x10190] =	vst v7  }
0x18a: {  	v21 =	vimm.f32 $0.0e+00;
	v3 =	vadd.f32 v9, v3;
	v5 =	vadd.f32 v10, v26;
	[tilespmem:s10+$0x10110] =	vst v6  }
0x18b: {  	v19 =	vld [tilespmem:s10+$0x101F0];
	v30 =	vimm.f32 $0.0e+00;
	v13 =	vimm.f32 $0.0e+00;
	v15 =	vimm.f32 $0.0e+00;
	[tilespmem:s10+$0x10170] =	vst v11  }
0x18c: {  	v17 =	vld [tilespmem:s10+$0x101D0];
	v22 =	vimm.f32 $0.0e+00;
	v23 =	vimm.f32 $0.0e+00;
	v16 =	vadd.f32 v29, v18;
	[tilespmem:s10+$0x10180] =	vst v8  }
0x18d: {  	v7 =	vimm.f32 $0.0e+00;
	v18 =	vld [tilespmem:s10+$0x101E0];
	v6 =	vadd.f32 v14, v20;
	v12 =	vadd.f32 v12, v25;
	[tilespmem:s10+$0x101B0] =	vst v3  }
0x18e: {  	v29 =	vimm.f32 $0.0e+00;
	v14 =	vimm.f32 $0.0e+00;
	v11 =	vimm.f32 $0.0e+00;
	[tilespmem:s10+$0x101C0] =	vst v5  }
0x18f: {  	v20 =	vimm.f32 $0.0e+00;
	v25 =	vimm.f32 $0.0e+00;
	v3 =	vimm.f32 $0.0e+00;
	[tilespmem:s10+$0x10130] =	vst v16  }
.Ltmp8:
0x190: {  	v5 =	vimm.f32 $0.0e+00;
	v8 =	vimm.f32 $0.0e+00;
	v26 =	vadd.f32 v19, v4;
	[tilespmem:s10+$0x10160] =	vst v6;
	(pc) =	sbr.rel @p0 .LBB2_18-.Ltmp8, $4  }
0x191: {  	v19 =	vimm.f32 $0.0e+00;
	v4 =	vimm.f32 $0.0e+00;
	[tilespmem:s10+$0x101A0] =	vst v12;
	v9 =	vadd.f32 v17, v27  }
0x192: {  	v16 =	vimm.f32 $0.0e+00;
	v12 =	vimm.f32 $0.0e+00;
	[tilespmem:s10+$0x101F0] =	vst v26;
	v10 =	vadd.f32 v18, v28  }
0x193: {  	v6 =	vimm.f32 $0.0e+00;
	v17 =	vimm.f32 $0.0e+00;
	v18 =	vimm.f32 $0.0e+00;
	[tilespmem:s10+$0x101D0] =	vst v9  }
0x194: {  	v9 =	vimm.f32 $0.0e+00;
	v28 =	vimm.f32 $0.0e+00;
	[tilespmem:s10+$0x101E0] =	vst v10;
	v10 =	vimm.f32 $0.0e+00  }
0x195: {  	p1 =	sne.s32 s12, $0x1  }
.Ltmp9:
0x196: {  	_ = 	snop;
	(pc) =	sbr.rel @!p1 .LBB2_13-.Ltmp9, $2  }
0x197: {  	_ =	sdelay $0x2  }
0x198: {  	v3 =	vimm.f32 $0.0e+00;
	s13 =	sand.u32 $0x380, s11;
	s14 =	sadd.s32 $0xFFFFFFFF, s12;
	p0 =	por $0x0, $0x0  }
0x199: {  	s12 =	sadd.s32 s13, s9  }
0x19a: {  	s15 =	sor.u32 $0x1C70, s12  }
0x19b: {  	s16 =	sor.u32 $0x1C00, s12;
	v2 =	vld [tilespmem:s15+$0x0]  }
0x19c: {  	s25 =	sor.u32 $0x1C10, s12;
	v4 =	vld [tilespmem:s16+$0x0]  }
0x19d: {  	s26 =	sor.u32 $0x1C20, s12;
	v5 =	vld [tilespmem:s25+$0x0]  }
0x19e: {  	s28 =	sor.u32 $0x1C30, s12;
	v6 =	vld [tilespmem:s26+$0x0]  }
0x19f: {  	s29 =	sor.u32 $0x1C40, s12;
	v7 =	vld [tilespmem:s28+$0x0]  }
0x1a0: {  	s30 =	sor.u32 $0x1C50, s12;
	v8 =	vld [tilespmem:s29+$0x0]  }
0x1a1: {  	s31 =	sand.u32 $0x7FFFE000, s9;
	s17 =	sor.u32 $0x1C60, s12;
	v9 =	vld [tilespmem:s30+$0x0]  }
0x1a2: {  	s12 =	sor.u32 s13, s31;
	v10 =	vld [tilespmem:s17+$0x0]  }
0x1a3: {  	v11 =	vld [tilespmem:s12+$0x1000]  }
0x1a4: {  	v12 =	vld [tilespmem:s12+$0x1010]  }
0x1a5: {  	v13 =	vld [tilespmem:s12+$0x1020]  }
0x1a6: {  	v14 =	vld [tilespmem:s12+$0x1030]  }
0x1a7: {  	v15 =	vld [tilespmem:s12+$0x1040]  }
0x1a8: {  	v16 =	vld [tilespmem:s12+$0x1050]  }
0x1a9: {  	v17 =	vld [tilespmem:s12+$0x1060]  }
0x1aa: {  	v18 =	vld [tilespmem:s12+$0x1070]  }
0x1ab: {  	v19 =	vld [tilespmem:s12+$0x1400]  }
0x1ac: {  	v20 =	vld [tilespmem:s12+$0x1410];
	v2 =	vadd.f32 v2, v3  }
0x1ad: {  	v21 =	vld [tilespmem:s12+$0x1420];
	v4 =	vadd.f32 v4, v3;
	v5 =	vadd.f32 v5, v3  }
0x1ae: {  	v22 =	vld [tilespmem:s12+$0x1430];
	v6 =	vadd.f32 v6, v3;
	v7 =	vadd.f32 v7, v3  }
0x1af: {  	v23 =	vld [tilespmem:s12+$0x1440];
	v8 =	vadd.f32 v8, v3;
	v9 =	vadd.f32 v9, v3  }
0x1b0: {  	v24 =	vld [tilespmem:s12+$0x1450];
	v10 =	vadd.f32 v10, v3;
	v11 =	vadd.f32 v11, v3  }
0x1b1: {  	v25 =	vld [tilespmem:s12+$0x1460];
	v12 =	vadd.f32 v12, v3;
	v13 =	vadd.f32 v13, v3  }
0x1b2: {  	v28 =	vimm.f32 $0.0e+00;
	v26 =	vld [tilespmem:s12+$0x1470];
	v14 =	vadd.f32 v14, v3;
	v15 =	vadd.f32 v15, v3  }
0x1b3: {  	p1 =	sne.s32 s14, $0x1;
	v29 =	vimm.f32 $0.0e+00;
	v27 =	vld [tilespmem:s12+$0x1800];
	v16 =	vadd.f32 v16, v3;
	v17 =	vadd.f32 v17, v3  }
.Ltmp10:
0x1b4: {  	v30 =	vimm.f32 $0.0e+00;
	v38 =	vld [tilespmem:s12+$0x1810];
	v18 =	vadd.f32 v18, v3;
	v19 =	vadd.f32 v19, v3;
	(pc) =	sbr.rel @!p1 .LBB2_15-.Ltmp10, $4  }
0x1b5: {  	v31 =	vimm.f32 $0.0e+00;
	v36 =	vld [tilespmem:s12+$0x1820];
	v20 =	vadd.f32 v20, v3;
	v21 =	vadd.f32 v21, v3  }
0x1b6: {  	v32 =	vimm.f32 $0.0e+00;
	v35 =	vld [tilespmem:s12+$0x1830];
	v22 =	vadd.f32 v22, v3;
	v23 =	vadd.f32 v23, v3  }
0x1b7: {  	s11 =	sadd.s32 $0x80, s11;
	s14 =	sadd.s32 $0xFFFFFFFF, s14;
	v33 =	vimm.f32 $0.0e+00;
	v37 =	vld [tilespmem:s12+$0x1840];
	v24 =	vadd.f32 v24, v3;
	v25 =	vadd.f32 v25, v3  }
0x1b8: {  	s9 =	sadd.s32 $0x400, s9;
	p0 =	por $0x1, $0x1;
	v34 =	vimm.f32 $0.0e+00;
	s13 =	sand.u32 $0x380, s11;
	v39 =	vld [tilespmem:s12+$0x1850];
	v26 =	vadd.f32 v26, v3;
	v27 =	vadd.f32 v27, v3  }
.LBB2_16:
0x1b9: {  	p1 =	sne.s32 s14, $0x1;
	s15 =	sadd.s32 s13, s9;
	s16 =	sand.u32 $0x7FFFE000, s9;
	v28 =	vadd.f32 v38, v28;
	v38 =	vld [tilespmem:s12+$0x1860]  }
0x1ba: {  	v29 =	vadd.f32 v36, v29;
	s17 =	sor.u32 $0x1C00, s15;
	s18 =	sor.u32 $0x1C10, s15;
	s19 =	sor.u32 $0x1C70, s15;
	v36 =	vld [tilespmem:s12+$0x1870]  }
0x1bb: {  	v30 =	vadd.f32 v35, v30;
	s20 =	sor.u32 $0x1C20, s15;
	s21 =	sor.u32 $0x1C30, s15;
	s22 =	sor.u32 $0x1C40, s15;
	v40 =	vld [tilespmem:s19+$0x0]  }
0x1bc: {  	v31 =	vadd.f32 v37, v31;
	s12 =	sor.u32 s13, s16;
	s13 =	sor.u32 $0x1C50, s15;
	s15 =	sor.u32 $0x1C60, s15;
	v35 =	vld [tilespmem:s17+$0x0]  }
0x1bd: {  	v32 =	vadd.f32 v39, v32;
	v37 =	vld [tilespmem:s18+$0x0]  }
0x1be: {  	v39 =	vld [tilespmem:s20+$0x0];
	v33 =	vadd.f32 v38, v33  }
0x1bf: {  	v38 =	vld [tilespmem:s21+$0x0];
	v34 =	vadd.f32 v36, v34  }
0x1c0: {  	v36 =	vld [tilespmem:s22+$0x0];
	v2 =	vadd.f32 v40, v2  }
0x1c1: {  	v4 =	vadd.f32 v35, v4;
	v35 =	vld [tilespmem:s13+$0x0]  }
0x1c2: {  	v5 =	vadd.f32 v37, v5;
	v37 =	vld [tilespmem:s15+$0x0]  }
0x1c3: {  	v40 =	vld [tilespmem:s12+$0x1000];
	v6 =	vadd.f32 v39, v6  }
0x1c4: {  	v39 =	vld [tilespmem:s12+$0x1010];
	v7 =	vadd.f32 v38, v7  }
0x1c5: {  	v38 =	vld [tilespmem:s12+$0x1020];
	v8 =	vadd.f32 v36, v8  }
0x1c6: {  	v36 =	vld [tilespmem:s12+$0x1030];
	v9 =	vadd.f32 v35, v9  }
0x1c7: {  	v35 =	vld [tilespmem:s12+$0x1040];
	v10 =	vadd.f32 v37, v10  }
0x1c8: {  	v11 =	vadd.f32 v40, v11;
	v37 =	vld [tilespmem:s12+$0x1050]  }
0x1c9: {  	v12 =	vadd.f32 v39, v12;
	v39 =	vld [tilespmem:s12+$0x1060]  }
0x1ca: {  	v13 =	vadd.f32 v38, v13;
	v38 =	vld [tilespmem:s12+$0x1070]  }
0x1cb: {  	v14 =	vadd.f32 v36, v14;
	v36 =	vld [tilespmem:s12+$0x1400]  }
0x1cc: {  	v15 =	vadd.f32 v35, v15;
	v35 =	vld [tilespmem:s12+$0x1410]  }
0x1cd: {  	v16 =	vadd.f32 v37, v16;
	v37 =	vld [tilespmem:s12+$0x1420]  }
0x1ce: {  	v17 =	vadd.f32 v39, v17;
	v39 =	vld [tilespmem:s12+$0x1430]  }
0x1cf: {  	v18 =	vadd.f32 v38, v18;
	v38 =	vld [tilespmem:s12+$0x1440]  }
0x1d0: {  	v19 =	vadd.f32 v36, v19;
	v36 =	vld [tilespmem:s12+$0x1450]  }
0x1d1: {  	v20 =	vadd.f32 v35, v20;
	v35 =	vld [tilespmem:s12+$0x1460]  }
0x1d2: {  	v21 =	vadd.f32 v37, v21;
	v37 =	vld [tilespmem:s12+$0x1470]  }
0x1d3: {  	v22 =	vadd.f32 v39, v22;
	v39 =	vld [tilespmem:s12+$0x1800]  }
.Ltmp11:
0x1d4: {  	v23 =	vadd.f32 v38, v23;
	v38 =	vld [tilespmem:s12+$0x1810];
	(pc) =	sbr.rel @p1 .LBB2_16-.Ltmp11, $4  }
0x1d5: {  	v24 =	vadd.f32 v36, v24;
	v36 =	vld [tilespmem:s12+$0x1820]  }
0x1d6: {  	v25 =	vadd.f32 v35, v25;
	v35 =	vld [tilespmem:s12+$0x1830]  }
0x1d7: {  	s11 =	sadd.s32 $0x80, s11;
	v26 =	vadd.f32 v37, v26;
	v37 =	vld [tilespmem:s12+$0x1840]  }
0x1d8: {  	s14 =	sadd.s32 $0xFFFFFFFF, s14;
	s9 =	sadd.s32 $0x400, s9;
	s13 =	sand.u32 $0x380, s11;
	v27 =	vadd.f32 v39, v27;
	v39 =	vld [tilespmem:s12+$0x1850]  }
.Ltmp12:
0x1d9: {  	_ = 	snop;
	(pc) =	sbr.rel .LBB2_17-.Ltmp12, $1  }
0x1da: {  	_ =	sdelay $0x3  }
.LBB2_6:
0x1db: {  	v30 =	vimm.f32 $0.0e+00;
	v31 =	vimm.f32 $0.0e+00  }
0x1dc: {  	v32 =	vimm.f32 $0.0e+00;
	v33 =	vimm.f32 $0.0e+00;
	v34 =	vimm.f32 $0.0e+00  }
0x1dd: {  	v35 =	vimm.f32 $0.0e+00;
	v4 =	vimm.f32 $0.0e+00;
	v5 =	vimm.f32 $0.0e+00  }
0x1de: {  	v6 =	vimm.f32 $0.0e+00;
	v7 =	vimm.f32 $0.0e+00;
	v8 =	vimm.f32 $0.0e+00  }
0x1df: {  	v9 =	vimm.f32 $0.0e+00;
	v10 =	vimm.f32 $0.0e+00;
	v11 =	vimm.f32 $0.0e+00  }
0x1e0: {  	v12 =	vimm.f32 $0.0e+00;
	v13 =	vimm.f32 $0.0e+00;
	v14 =	vimm.f32 $0.0e+00  }
.Ltmp13:
0x1e1: {  	v15 =	vimm.f32 $0.0e+00;
	v16 =	vimm.f32 $0.0e+00;
	v17 =	vimm.f32 $0.0e+00;
	(pc) =	sbr.rel .LBB2_10-.Ltmp13, $4  }
0x1e2: {  	v18 =	vimm.f32 $0.0e+00;
	v19 =	vimm.f32 $0.0e+00;
	v20 =	vimm.f32 $0.0e+00  }
0x1e3: {  	v21 =	vimm.f32 $0.0e+00;
	v22 =	vimm.f32 $0.0e+00;
	v23 =	vimm.f32 $0.0e+00  }
0x1e4: {  	v24 =	vimm.f32 $0.0e+00;
	v25 =	vimm.f32 $0.0e+00;
	v26 =	vimm.f32 $0.0e+00  }
0x1e5: {  	v27 =	vimm.f32 $0.0e+00;
	v28 =	vimm.f32 $0.0e+00;
	v29 =	vimm.f32 $0.0e+00  }
.LBB2_8:
.Ltmp14:
0x1e6: {  	(pc) =	sbr.rel .LBB2_10-.Ltmp14, $3  }
0x1e7: {  	_ =	sdelay $0x1  }
0x1e8: {  	v30 =	vimm.f32 $0.0e+00;
	v31 =	vimm.f32 $0.0e+00;
	v32 =	vimm.f32 $0.0e+00  }
0x1e9: {  	v33 =	vimm.f32 $0.0e+00;
	v34 =	vimm.f32 $0.0e+00;
	v35 =	vimm.f32 $0.0e+00  }
.LBB2_15:
.Ltmp15:
0x1ea: {  	(pc) =	sbr.rel .LBB2_17-.Ltmp15, $4  }
0x1eb: {  	_ = 	snop  }
0x1ec: {  	v28 =	vimm.f32 $0.0e+00  }
0x1ed: {  	v29 =	vimm.f32 $0.0e+00;
	v30 =	vimm.f32 $0.0e+00;
	v31 =	vimm.f32 $0.0e+00  }
0x1ee: {  	v32 =	vimm.f32 $0.0e+00;
	v33 =	vimm.f32 $0.0e+00;
	v34 =	vimm.f32 $0.0e+00  }
.Lfunc_end2:
_tile_overlayer_lowered:
.L_overlay_start_2:
0x1ef: {  	(tag) =	ssettag $0x2  }
0x1f0: {  	s0 =	rddreg [dreg:$0x0];
	s2 =	stileid.u32  }
0x1f1: {  	s1 =	rddreg [dreg:$0x1];
	p0 =	sne.s32 s2, $0x0  }
0x1f2: {  	s3 =	rddreg [dreg:$0x2];
	[bflag:$0x3] =	sbarrier.arrive $0xFFFF;
	s2 =	simm.s32 @!p0 $0x1C03  }
0x1f3: {  	[timem:s3], [sflag:s2] =	dma.local @!p0 [hbm:s0], s1  }
0x1f4: {  	s0 =	simm.s32 @!p0 $0x3  }
0x1f5: {  	_ =	swait.ge @!p0 [sflag:s0], s1  }
0x1f6: {  	s1 =	ssub.s32 @!p0 $0x0, s1;
	[sflag:s0] =	ssyncset.done @!p0 $0x0  }
0x1f7: {  	[sflag:s0] =	ssyncadd.s32 @!p0 s1  }
0x1f8: {  	[bflag:$0x3] =	sbarrier.arrive $0xFFFF  }
0x1f9: {  	_ =	shalt  }

</sc_bundles>
